<compile_context>
chip_gen: v7x
topology: tpu7x:2x2x1
jax: 0.10.2.dev20260603
libtpu: 0.0.44.dev20260713+nightly
codegen_flags: <defaults>
</compile_context>

<pallas_src>
import functools

import jax
import jax.numpy as jnp
from jax import lax
from jax.experimental import pallas as pl
from jax.experimental.pallas import tpu as pltpu
from jax.experimental.pallas import tpu_sc as plsc

NC = 2
NS = 16
L = 16
NW = NC * NS

CAP = 480
CH = 64
AW = 144


def _tc_project(h, W_lin, W_att):
    N, D_in = h.shape
    D_out = W_lin.shape[0]
    BM = 2000

    def body(h_ref, wl_ref, wa_ref, z_ref, s1_ref, s2_ref):
        z = lax.dot_general(h_ref[...], wl_ref[...],
                            (((1,), (1,)), ((), ())),
                            preferred_element_type=jnp.float32)
        z_ref[...] = z
        a1 = wa_ref[0, :D_out]
        a2 = wa_ref[0, D_out:]
        s1_ref[...] = jnp.dot(z, a1[:, None], preferred_element_type=jnp.float32)
        s2_ref[...] = jnp.dot(z, a2[:, None], preferred_element_type=jnp.float32)

    return pl.pallas_call(
        body,
        grid=(N // BM,),
        in_specs=[
            pl.BlockSpec((BM, D_in), lambda i: (i, 0)),
            pl.BlockSpec((D_out, D_in), lambda i: (0, 0)),
            pl.BlockSpec((1, 2 * D_out), lambda i: (0, 0)),
        ],
        out_specs=[
            pl.BlockSpec((BM, D_out), lambda i: (i, 0)),
            pl.BlockSpec((BM, 1), lambda i: (i, 0)),
            pl.BlockSpec((BM, 1), lambda i: (i, 0)),
        ],
        out_shape=[
            jax.ShapeDtypeStruct((N, D_out), jnp.float32),
            jax.ShapeDtypeStruct((N, 1), jnp.float32),
            jax.ShapeDtypeStruct((N, 1), jnp.float32),
        ],
    )(h, W_lin, W_att)


_SC_PARAMS = pltpu.CompilerParams(use_tc_tiling_on_sc=False,
                                  needs_layout_passes=False)
_MESH = plsc.VectorSubcoreMesh(core_axis_name="c", subcore_axis_name="s",
                               num_cores=NC, num_subcores=NS)


def _sc_bin(src2, dst2, own):
    ept = src2.shape[1]

    @functools.partial(
        pl.kernel,
        out_type=[
            jax.ShapeDtypeStruct((NW, NW * CAP), jnp.int32),
            jax.ShapeDtypeStruct((NW, NW * CAP), jnp.int32),
            jax.ShapeDtypeStruct((NW * NW,), jnp.int32),
        ],
        mesh=_MESH,
        compiler_params=_SC_PARAMS,
        scratch_types=[
            pltpu.VMEM((ept,), jnp.int32),
            pltpu.VMEM((ept,), jnp.int32),
            pltpu.VMEM((NW * CAP,), jnp.int32),
            pltpu.VMEM((NW * CAP,), jnp.int32),
            pltpu.VMEM((NW,), jnp.int32),
        ],
    )
    def k(src_hbm, dst_hbm, bsrc_hbm, bdst_hbm, cnt_hbm,
          src_v, dst_v, bsrc_v, bdst_v, cnt_v):
        cid = lax.axis_index("c")
        sid = lax.axis_index("s")
        wid = cid * NS + sid
        zeros16i = jnp.zeros((L,), jnp.int32)

        @pl.loop(0, NW // L)
        def _(kk):
            cnt_v[pl.ds(kk * L, L)] = zeros16i

        @pl.loop(0, NW * CAP // L)
        def _(kk):
            bsrc_v[pl.ds(kk * L, L)] = zeros16i
            bdst_v[pl.ds(kk * L, L)] = zeros16i

        pltpu.sync_copy(src_hbm.at[wid], src_v)
        pltpu.sync_copy(dst_hbm.at[wid], dst_v)

        @pl.loop(0, ept // L)
        def _(g):
            s16 = src_v[pl.ds(g * L, L)]
            d16 = dst_v[pl.ds(g * L, L)]
            o16 = d16 // own
            occ16, lastm = plsc.scan_count(o16)
            cb16 = plsc.load_gather(cnt_v, [o16])
            slot16 = jnp.minimum(cb16 + occ16 - 1, CAP - 1)
            addr16 = o16 * CAP + slot16
            plsc.store_scatter(bsrc_v, [addr16], s16)
            plsc.store_scatter(bdst_v, [addr16], d16)
            plsc.store_scatter(cnt_v, [o16], slot16 + 1, mask=lastm)

        pltpu.sync_copy(bsrc_v, bsrc_hbm.at[wid])
        pltpu.sync_copy(bdst_v, bdst_hbm.at[wid])
        pltpu.sync_copy(cnt_v, cnt_hbm.at[pl.ds(wid * NW, NW)])

    return k(src2, dst2)


def _sc_accum(z, s1, s2pad, bsrc, bdst, cnts, npad):
    nz, D = z.shape
    own = npad // NW

    wlcap = NW * (CAP + L)

    @functools.partial(
        pl.kernel,
        out_type=jax.ShapeDtypeStruct((npad, D), jnp.float32),
        mesh=_MESH,
        compiler_params=_SC_PARAMS,
        scratch_types=[
            pltpu.VMEM((own, AW), jnp.float32),
            pltpu.VMEM((own,), jnp.float32),
            pltpu.VMEM((NW * NW,), jnp.int32),
            pltpu.VMEM((NW, CAP), jnp.int32),
            pltpu.VMEM((NW, CAP), jnp.int32),
            pltpu.VMEM((wlcap,), jnp.int32),
            pltpu.VMEM((wlcap,), jnp.int32),
            pltpu.VMEM((2, CH, D), jnp.float32),
            pltpu.VMEM((2, CH), jnp.float32),
            pltpu.VMEM((CH,), jnp.float32),
            pltpu.SemaphoreType.DMA,
            pltpu.SemaphoreType.DMA,
        ],
    )
    def k(z_hbm, s1_hbm, s2_hbm, bsrc_hbm, bdst_hbm, cnt_hbm, out_hbm,
          acc_v, s2l_v, cnt_v, bs_v, bd_v, wls_v, wld_v,
          zr_v, s1c_v, wb_v, sem_a, sem_b):
        cid = lax.axis_index("c")
        sid = lax.axis_index("s")
        wid = cid * NS + sid
        base = wid * own
        lane = lax.broadcasted_iota(jnp.int32, (L,), 0)
        zeros16 = jnp.zeros((L,), jnp.float32)
        zeros16i = jnp.zeros((L,), jnp.int32)

        pltpu.sync_copy(cnt_hbm, cnt_v)
        pltpu.sync_copy(s2_hbm.at[pl.ds(base, own)], s2l_v)
        pltpu.sync_copy(bsrc_hbm.at[:, pl.ds(wid * CAP, CAP)], bs_v)
        pltpu.sync_copy(bdst_hbm.at[:, pl.ds(wid * CAP, CAP)], bd_v)

        @pl.loop(0, own)
        def _(r):
            @pl.loop(0, AW // L)
            def _(kk):
                acc_v[r, pl.ds(kk * L, L)] = zeros16

        sent16 = jnp.full((L,), nz - 1, jnp.int32)

        @pl.loop(0, wlcap // L)
        def _(g):
            wls_v[pl.ds(g * L, L)] = sent16
            wld_v[pl.ds(g * L, L)] = zeros16i

        def copy_bucket(w, pos):
            n = plsc.load_gather(
                cnt_v, [jnp.full((L,), w * NW + wid, jnp.int32)])[0]
            ng = (n + L - 1) // L

            @pl.loop(0, ng)
            def _(g):
                valid = (g * L + lane) < n
                wls_v[pl.ds(pos + g * L, L)] = jnp.where(
                    valid, bs_v[w, pl.ds(g * L, L)], sent16)
                wld_v[pl.ds(pos + g * L, L)] = jnp.where(
                    valid, bd_v[w, pl.ds(g * L, L)], 0)

            return pos + ng * L

        total = lax.fori_loop(0, NW, copy_bucket, jnp.int32(0))
        nch = (total + CH - 1) // CH

        def prefetch(j, zbuf, sbuf, sem):
            pltpu.async_copy(z_hbm.at[wls_v.at[pl.ds(j * CH, CH)]], zbuf, sem)
            pltpu.async_copy(s1_hbm.at[wls_v.at[pl.ds(j * CH, CH)]], sbuf, sem)

        def process(j, zbuf, sbuf, sem):
            pltpu.make_async_copy(z_hbm.at[wls_v.at[pl.ds(j * CH, CH)]],
                                  zbuf, sem).wait()
            pltpu.make_async_copy(s1_hbm.at[wls_v.at[pl.ds(j * CH, CH)]],
                                  sbuf, sem).wait()

            @pl.loop(0, CH // L)
            def _(c):
                dst16 = wld_v[pl.ds(j * CH + c * L, L)]
                dl16 = jnp.clip(dst16 - base, 0, own - 1)
                e = sbuf[pl.ds(c * L, L)] + plsc.load_gather(s2l_v, [dl16])
                e = jnp.where(e < 0, e * jnp.float32(0.01), e)
                wb_v[pl.ds(c * L, L)] = jnp.exp(e)

            @pl.loop(0, CH, step=2)
            def _(r):
                r0 = jnp.full((L,), r, jnp.int32)
                r1 = r0 + 1
                wv0 = plsc.load_gather(wb_v, [r0])
                wv1 = plsc.load_gather(wb_v, [r1])
                jr0 = jnp.full((L,), j * CH + r, jnp.int32)
                dl0 = jnp.clip(plsc.load_gather(wld_v, [jr0])[0] - base,
                               0, own - 1)
                dl1 = jnp.clip(plsc.load_gather(wld_v, [jr0 + 1])[0] - base,
                               0, own - 1)

                @pl.when(dl0 != dl1)
                def _():
                    for kk in range(D // L):
                        acc_v[dl0, pl.ds(kk * L, L)] = (
                            acc_v[dl0, pl.ds(kk * L, L)]
                            + wv0 * zbuf[r, pl.ds(kk * L, L)])
                        acc_v[dl1, pl.ds(kk * L, L)] = (
                            acc_v[dl1, pl.ds(kk * L, L)]
                            + wv1 * zbuf[r + 1, pl.ds(kk * L, L)])
                    acc_v[dl0, pl.ds(D, L)] = (
                        acc_v[dl0, pl.ds(D, L)] + jnp.where(lane == 0, wv0, 0.0))
                    acc_v[dl1, pl.ds(D, L)] = (
                        acc_v[dl1, pl.ds(D, L)] + jnp.where(lane == 0, wv1, 0.0))

                @pl.when(dl0 == dl1)
                def _():
                    for kk in range(D // L):
                        acc_v[dl0, pl.ds(kk * L, L)] = (
                            acc_v[dl0, pl.ds(kk * L, L)]
                            + (wv0 * zbuf[r, pl.ds(kk * L, L)]
                               + wv1 * zbuf[r + 1, pl.ds(kk * L, L)]))
                    acc_v[dl0, pl.ds(D, L)] = (
                        acc_v[dl0, pl.ds(D, L)]
                        + jnp.where(lane == 0, wv0 + wv1, 0.0))

        @pl.when(nch > 0)
        def _():
            prefetch(0, zr_v.at[0], s1c_v.at[0], sem_a)

        @pl.loop(0, (nch + 1) // 2)
        def _(q):
            ja = 2 * q
            jb = 2 * q + 1

            @pl.when(jb < nch)
            def _():
                prefetch(jb, zr_v.at[1], s1c_v.at[1], sem_b)

            @pl.when(ja < nch)
            def _():
                process(ja, zr_v.at[0], s1c_v.at[0], sem_a)

            @pl.when(jb + 1 < nch)
            def _():
                prefetch(jb + 1, zr_v.at[0], s1c_v.at[0], sem_a)

            @pl.when(jb < nch)
            def _():
                process(jb, zr_v.at[1], s1c_v.at[1], sem_b)

        @pl.loop(0, own)
        def _(r):
            dv = plsc.load_gather(
                acc_v, [jnp.full((L,), r, jnp.int32),
                        jnp.full((L,), D, jnp.int32)])
            f = jnp.where(dv != 0, 1.0 / dv, 0.0)

            @pl.loop(0, D // L)
            def _(kk):
                acc_v[r, pl.ds(kk * L, L)] = acc_v[r, pl.ds(kk * L, L)] * f

        pltpu.sync_copy(acc_v.at[:, :D], out_hbm.at[pl.ds(base, own)])

    return k(z, s1, s2pad, bsrc, bdst, cnts)


def kernel(h, edge_index, W_lin, W_att):
    N, _ = h.shape
    D = W_lin.shape[0]
    E = edge_index.shape[1]
    npad = (N + NW * 8 - 1) // (NW * 8) * (NW * 8)
    own = npad // NW
    z, s1, s2 = _tc_project(h, W_lin, W_att)
    zpad = jnp.concatenate([z, jnp.zeros((L, D), jnp.float32)], axis=0)
    s1pad = jnp.concatenate(
        [s1.reshape(N), jnp.full((L,), -1e30, jnp.float32)])
    s2pad = jnp.zeros(npad, jnp.float32).at[:N].set(s2.reshape(N))
    src2 = edge_index[0].reshape(NW, E // NW)
    dst2 = edge_index[1].reshape(NW, E // NW)
    bsrc, bdst, cnts = _sc_bin(src2, dst2, own)
    out = _sc_accum(zpad, s1pad, s2pad, bsrc, bdst, cnts, npad)
    return out[:N]

# --- scband reference (transcript-rebuilt; emitter-appended) ---
"""Pipeline reference for scband-gatlayer-36558761623739 (READ-ONLY COPY).

The authoritative reference and input builder live on the scoring server;
editing this copy changes nothing except your own understanding.
"""

import jax, jax.numpy as jnp
import numpy as np

N = 10000
E = 320000
D_IN = 128
D_OUT = 128

def setup_inputs(seed: int = 0) -> dict:
    key = jax.random.key(seed)
    k1, k2, k3, k4 = jax.random.split(key, 4)
    h = jax.random.normal(k1, (N, D_IN), dtype=jnp.float32)
    edge_index = jax.random.randint(k2, (2, E), 0, N, dtype=jnp.int32)
    # xavier_normal with gain=calculate_gain('relu')=sqrt(2)
    gain = float(np.sqrt(2.0))
    std_lin = gain * float(np.sqrt(2.0 / (D_IN + D_OUT)))
    W_lin = jax.random.normal(k3, (D_OUT, D_IN), dtype=jnp.float32) * std_lin
    std_att = gain * float(np.sqrt(2.0 / (2 * D_OUT + 1)))
    W_att = jax.random.normal(k4, (1, 2 * D_OUT), dtype=jnp.float32) * std_att
    return {"h": h, "edge_index": edge_index, "W_lin": W_lin, "W_att": W_att}


def reference(h, edge_index, W_lin, W_att):
    # z = self.linear(h)
    z = h @ W_lin.T
    src = edge_index[0]
    dst = edge_index[1]
    # getAttention: e = leaky_relu(attention(cat([z_src, z_dst])))
    z_cat = jnp.concatenate([z[src], z[dst]], axis=1)
    e = jax.nn.leaky_relu(z_cat @ W_att.T, negative_slope=0.01)[:, 0]
    # doReduce: per-destination softmax over incoming edges, then weighted sum
    e_max = jax.ops.segment_max(e, dst, num_segments=N)
    e_max = jax.lax.stop_gradient(e_max)
    e_exp = jnp.exp(e - e_max[dst])
    denom = jax.ops.segment_sum(e_exp, dst, num_segments=N)
    alpha = e_exp / denom[dst]
    h_out = jax.ops.segment_sum(alpha[:, None] * z[src], dst, num_segments=N)
    return h_out

if __name__ == "__main__":
    import jax
    _d = setup_inputs()
    print(jax.jit(kernel)(*tuple(_d.values())))

</pallas_src>

<mosaic_0001>
#map = affine_map<(d0, d1) -> (0, 0)>
#map1 = affine_map<(d0, d1) -> (0)>
module attributes {stable_mosaic.version = 14 : i64} {
  func.func @k(%arg0: i32, %arg1: i32, %arg2: memref<32x10000xi32, #tpu.memory_space<hbm>>, %arg3: memref<32x10000xi32, #tpu.memory_space<hbm>>, %arg4: memref<32x15360xi32, #tpu.memory_space<hbm>>, %arg5: memref<32x15360xi32, #tpu.memory_space<hbm>>, %arg6: memref<1024xi32, #tpu.memory_space<hbm>>, %arg7: memref<10000xi32, #tpu.memory_space<vmem>>, %arg8: memref<10000xi32, #tpu.memory_space<vmem>>, %arg9: memref<15360xi32, #tpu.memory_space<vmem>>, %arg10: memref<15360xi32, #tpu.memory_space<vmem>>, %arg11: memref<32xi32, #tpu.memory_space<vmem>>) attributes {dimension_semantics = [#tpu.dimension_semantics<core_parallel>, #tpu.dimension_semantics<subcore_parallel>], iteration_bounds = array<i64: 2, 16>, scalar_prefetch = 0 : i64, scratch_operands = 5 : i64, tpu.core_type = #tpu.core_type<sc_vector_subcore>, window_params = [{transform_indices = #map}, {transform_indices = #map}, {transform_indices = #map}, {transform_indices = #map}, {transform_indices = #map1}]} {
    %mul3A = arith.constant 16 : i32
    %mul3A_0 = arith.muli %arg0, %mul3A : i32
    %add3A = arith.addi %mul3A_0, %arg1 : i32
    %broadcast_in_dim3A = arith.constant 0 : i32
    %broadcast_in_dim3A_1 = vector.broadcast %broadcast_in_dim3A : i32 to vector<16xi32>
    %scan3A = arith.constant 0 : i32
    %scan3A_2 = arith.constant 2 : i32
    %scan3A_3 = arith.addi %scan3A, %scan3A_2 : i32
    %scan3A_4 = arith.constant 1 : i32
    scf.for %scan3A_18 = %scan3A to %scan3A_3 step %scan3A_4  : i32 {
      %mul3A_19 = arith.constant 1 : i32
      %mul3A_20 = arith.muli %scan3A_18, %mul3A_19 : i32
      %add3A_21 = arith.constant 0 : i32
      %add3A_22 = arith.addi %add3A_21, %mul3A_20 : i32
      %mul3A_23 = arith.constant 16 : i32
      %mul3A_24 = arith.muli %add3A_22, %mul3A_23 : i32
      %swap3A = arith.index_cast %mul3A_24 : i32 to index
      %swap3A_25 = tpu.vector_load %arg11[%swap3A] {strides = array<i32>} : memref<32xi32, #tpu.memory_space<vmem>>, vector<16xi32>,
      tpu.vector_store %arg11[%swap3A], %broadcast_in_dim3A_1 {strides = array<i32>} : memref<32xi32, #tpu.memory_space<vmem>>, vector<16xi32>,
    }
    %scan3A_5 = arith.constant 2 : i32
    %scan3A_6 = arith.constant 0 : i32
    %scan3A_7 = arith.constant 960 : i32
    %scan3A_8 = arith.addi %scan3A_6, %scan3A_7 : i32
    %scan3A_9 = arith.constant 1 : i32
    scf.for %scan3A_18 = %scan3A_6 to %scan3A_8 step %scan3A_9  : i32 {
      %mul3A_19 = arith.constant 1 : i32
      %mul3A_20 = arith.muli %scan3A_18, %mul3A_19 : i32
      %add3A_21 = arith.constant 0 : i32
      %add3A_22 = arith.addi %add3A_21, %mul3A_20 : i32
      %mul3A_23 = arith.constant 16 : i32
      %mul3A_24 = arith.muli %add3A_22, %mul3A_23 : i32
      %swap3A = arith.index_cast %mul3A_24 : i32 to index
      %swap3A_25 = tpu.vector_load %arg9[%swap3A] {strides = array<i32>} : memref<15360xi32, #tpu.memory_space<vmem>>, vector<16xi32>,
      tpu.vector_store %arg9[%swap3A], %broadcast_in_dim3A_1 {strides = array<i32>} : memref<15360xi32, #tpu.memory_space<vmem>>, vector<16xi32>,
      %mul3A_26 = arith.constant 16 : i32
      %mul3A_27 = arith.muli %add3A_22, %mul3A_26 : i32
      %swap3A_28 = arith.index_cast %mul3A_27 : i32 to index
      %swap3A_29 = tpu.vector_load %arg10[%swap3A_28] {strides = array<i32>} : memref<15360xi32, #tpu.memory_space<vmem>>, vector<16xi32>,
      tpu.vector_store %arg10[%swap3A_28], %broadcast_in_dim3A_1 {strides = array<i32>} : memref<15360xi32, #tpu.memory_space<vmem>>, vector<16xi32>,
    }
    %scan3A_10 = arith.constant 960 : i32
    "tpu.region"() ({
      %run_scoped3A = tpu.sem_alloc : memref<!tpu.dma_semaphore, #tpu.memory_space<semaphore_mem>>
      %dma_start3A = arith.constant 0 : i32
      %dma_start3A_18 = tpu.memref_slice %arg2[%add3A, %dma_start3A] : memref<32x10000xi32, #tpu.memory_space<hbm>> -> memref<1x10000xi32, #tpu.memory_space<hbm>>
      %dma_start3A_19 = tpu.memref_squeeze %dma_start3A_18 : memref<1x10000xi32, #tpu.memory_space<hbm>> -> memref<10000xi32, #tpu.memory_space<hbm>>
      %dma_start3A_20 = arith.constant 0 : i32
      %dma_start3A_21 = tpu.memref_slice %arg2[%add3A, %dma_start3A_20] : memref<32x10000xi32, #tpu.memory_space<hbm>> -> memref<1x10000xi32, #tpu.memory_space<hbm>>
      %dma_start3A_22 = tpu.memref_squeeze %dma_start3A_21 : memref<1x10000xi32, #tpu.memory_space<hbm>> -> memref<10000xi32, #tpu.memory_space<hbm>>
      tpu.enqueue_dma source(%dma_start3A_22 : memref<10000xi32, #tpu.memory_space<hbm>>) target(%arg7 : memref<10000xi32, #tpu.memory_space<vmem>>) target_semaphore(%run_scoped3A : memref<!tpu.dma_semaphore, #tpu.memory_space<semaphore_mem>>)
      %dma_wait3A = arith.constant 0 : i32
      %dma_wait3A_23 = tpu.memref_slice %arg2[%add3A, %dma_wait3A] : memref<32x10000xi32, #tpu.memory_space<hbm>> -> memref<1x10000xi32, #tpu.memory_space<hbm>>
      %dma_wait3A_24 = tpu.memref_squeeze %dma_wait3A_23 : memref<1x10000xi32, #tpu.memory_space<hbm>> -> memref<10000xi32, #tpu.memory_space<hbm>>
      %dma_wait3A_25 = arith.constant 0 : i32
      %dma_wait3A_26 = tpu.memref_slice %arg2[%add3A, %dma_wait3A_25] : memref<32x10000xi32, #tpu.memory_space<hbm>> -> memref<1x10000xi32, #tpu.memory_space<hbm>>
      %dma_wait3A_27 = tpu.memref_squeeze %dma_wait3A_26 : memref<1x10000xi32, #tpu.memory_space<hbm>> -> memref<10000xi32, #tpu.memory_space<hbm>>
      tpu.wait_dma2 semaphore(%run_scoped3A : memref<!tpu.dma_semaphore, #tpu.memory_space<semaphore_mem>>) src(%dma_wait3A_27 : memref<10000xi32, #tpu.memory_space<hbm>>) dst(%arg7 : memref<10000xi32, #tpu.memory_space<vmem>>)
      tpu.yield
    }) : () -> ()
    "tpu.region"() ({
      %run_scoped3A = tpu.sem_alloc : memref<!tpu.dma_semaphore, #tpu.memory_space<semaphore_mem>>
      %dma_start3A = arith.constant 0 : i32
      %dma_start3A_18 = tpu.memref_slice %arg3[%add3A, %dma_start3A] : memref<32x10000xi32, #tpu.memory_space<hbm>> -> memref<1x10000xi32, #tpu.memory_space<hbm>>
      %dma_start3A_19 = tpu.memref_squeeze %dma_start3A_18 : memref<1x10000xi32, #tpu.memory_space<hbm>> -> memref<10000xi32, #tpu.memory_space<hbm>>
      %dma_start3A_20 = arith.constant 0 : i32
      %dma_start3A_21 = tpu.memref_slice %arg3[%add3A, %dma_start3A_20] : memref<32x10000xi32, #tpu.memory_space<hbm>> -> memref<1x10000xi32, #tpu.memory_space<hbm>>
      %dma_start3A_22 = tpu.memref_squeeze %dma_start3A_21 : memref<1x10000xi32, #tpu.memory_space<hbm>> -> memref<10000xi32, #tpu.memory_space<hbm>>
      tpu.enqueue_dma source(%dma_start3A_22 : memref<10000xi32, #tpu.memory_space<hbm>>) target(%arg8 : memref<10000xi32, #tpu.memory_space<vmem>>) target_semaphore(%run_scoped3A : memref<!tpu.dma_semaphore, #tpu.memory_space<semaphore_mem>>)
      %dma_wait3A = arith.constant 0 : i32
      %dma_wait3A_23 = tpu.memref_slice %arg3[%add3A, %dma_wait3A] : memref<32x10000xi32, #tpu.memory_space<hbm>> -> memref<1x10000xi32, #tpu.memory_space<hbm>>
      %dma_wait3A_24 = tpu.memref_squeeze %dma_wait3A_23 : memref<1x10000xi32, #tpu.memory_space<hbm>> -> memref<10000xi32, #tpu.memory_space<hbm>>
      %dma_wait3A_25 = arith.constant 0 : i32
      %dma_wait3A_26 = tpu.memref_slice %arg3[%add3A, %dma_wait3A_25] : memref<32x10000xi32, #tpu.memory_space<hbm>> -> memref<1x10000xi32, #tpu.memory_space<hbm>>
      %dma_wait3A_27 = tpu.memref_squeeze %dma_wait3A_26 : memref<1x10000xi32, #tpu.memory_space<hbm>> -> memref<10000xi32, #tpu.memory_space<hbm>>
      tpu.wait_dma2 semaphore(%run_scoped3A : memref<!tpu.dma_semaphore, #tpu.memory_space<semaphore_mem>>) src(%dma_wait3A_27 : memref<10000xi32, #tpu.memory_space<hbm>>) dst(%arg8 : memref<10000xi32, #tpu.memory_space<vmem>>)
      tpu.yield
    }) : () -> ()
    %scan3A_11 = arith.constant 0 : i32
    %scan3A_12 = arith.constant 625 : i32
    %scan3A_13 = arith.addi %scan3A_11, %scan3A_12 : i32
    %scan3A_14 = arith.constant 1 : i32
    scf.for %scan3A_18 = %scan3A_11 to %scan3A_13 step %scan3A_14  : i32 {
      %mul3A_19 = arith.constant 1 : i32
      %mul3A_20 = arith.muli %scan3A_18, %mul3A_19 : i32
      %add3A_21 = arith.constant 0 : i32
      %add3A_22 = arith.addi %add3A_21, %mul3A_20 : i32
      %mul3A_23 = arith.constant 16 : i32
      %mul3A_24 = arith.muli %add3A_22, %mul3A_23 : i32
      %get3A = arith.index_cast %mul3A_24 : i32 to index
      %get3A_25 = tpu.vector_load %arg7[%get3A] {strides = array<i32>} : memref<10000xi32, #tpu.memory_space<vmem>>, vector<16xi32>,
      %mul3A_26 = arith.constant 16 : i32
      %mul3A_27 = arith.muli %add3A_22, %mul3A_26 : i32
      %get3A_28 = arith.index_cast %mul3A_27 : i32 to index
      %get3A_29 = tpu.vector_load %arg8[%get3A_28] {strides = array<i32>} : memref<10000xi32, #tpu.memory_space<vmem>>, vector<16xi32>,
      %jit3A = arith.constant 320 : i32
      %div3A = vector.broadcast %jit3A : i32 to vector<16xi32>
      %div3A_30 = arith.divsi %get3A_29, %div3A : vector<16xi32>
      %sign3A = arith.constant 0 : i32
      %sign3A_31 = vector.broadcast %sign3A : i32 to vector<16xi32>
      %sign3A_32 = arith.cmpi sgt, %get3A_29, %sign3A_31 : vector<16xi32>
      %sign3A_33 = arith.extui %sign3A_32 : vector<16xi1> to vector<16xi32>
      %sign3A_34 = arith.constant 0 : i32
      %sign3A_35 = vector.broadcast %sign3A_34 : i32 to vector<16xi32>
      %sign3A_36 = arith.cmpi slt, %get3A_29, %sign3A_35 : vector<16xi32>
      %sign3A_37 = arith.extui %sign3A_36 : vector<16xi1> to vector<16xi32>
      %sign3A_38 = arith.subi %sign3A_33, %sign3A_37 : vector<16xi32>
      %sign3A_39 = arith.constant 0 : i32
      %sign3A_40 = arith.cmpi sgt, %jit3A, %sign3A_39 : i32
      %sign3A_41 = arith.extui %sign3A_40 : i1 to i32
      %sign3A_42 = arith.constant 0 : i32
      %sign3A_43 = arith.cmpi slt, %jit3A, %sign3A_42 : i32
      %sign3A_44 = arith.extui %sign3A_43 : i1 to i32
      %sign3A_45 = arith.subi %sign3A_41, %sign3A_44 : i32
      %ne3A = vector.broadcast %sign3A_45 : i32 to vector<16xi32>
      %ne3A_46 = arith.cmpi ne, %sign3A_38, %ne3A : vector<16xi32>
      %rem3A = vector.broadcast %jit3A : i32 to vector<16xi32>
      %rem3A_47 = arith.remsi %get3A_29, %rem3A : vector<16xi32>
      %ne3A_48 = arith.constant 0 : i32
      %ne3A_49 = vector.broadcast %ne3A_48 : i32 to vector<16xi32>
      %ne3A_50 = arith.cmpi ne, %rem3A_47, %ne3A_49 : vector<16xi32>
      %and3A = arith.andi %ne3A_46, %ne3A_50 : vector<16xi1>
      %sub3A = arith.constant 1 : i32
      %sub3A_51 = vector.broadcast %sub3A : i32 to vector<16xi32>
      %sub3A_52 = arith.subi %div3A_30, %sub3A_51 : vector<16xi32>
      %select_n3A = arith.select %and3A, %sub3A_52, %div3A_30 : vector<16xi1>, vector<16xi32>
      %broadcast_in_dim3A_53 = arith.constant true
      %broadcast_in_dim3A_54 = vector.broadcast %broadcast_in_dim3A_53 : i1 to vector<16xi1>
      %unique3A, %unique3A_55 = tpu.scan_count mask(%broadcast_in_dim3A_54 : vector<16xi1>) value(%select_n3A : vector<16xi32>) : vector<16xi1>, vector<16xi32>
      %gather3A = tpu.vector_load_idx %arg11[%select_n3A] : memref<32xi32, #tpu.memory_space<vmem>>[vector<16xi32>], vector<16xi32>,
      %add3A_56 = arith.addi %gather3A, %unique3A_55 : vector<16xi32>
      %sub3A_57 = arith.constant 1 : i32
      %sub3A_58 = vector.broadcast %sub3A_57 : i32 to vector<16xi32>
      %sub3A_59 = arith.subi %add3A_56, %sub3A_58 : vector<16xi32>
      %min3A = arith.constant 479 : i32
      %min3A_60 = vector.broadcast %min3A : i32 to vector<16xi32>
      %min3A_61 = arith.minsi %sub3A_59, %min3A_60 : vector<16xi32>
      %mul3A_62 = arith.constant 480 : i32
      %mul3A_63 = vector.broadcast %mul3A_62 : i32 to vector<16xi32>
      %mul3A_64 = arith.muli %select_n3A, %mul3A_63 : vector<16xi32>
      %add3A_65 = arith.addi %mul3A_64, %min3A_61 : vector<16xi32>
      tpu.vector_store_idx %arg9[%add3A_65], %get3A_25 : memref<15360xi32, #tpu.memory_space<vmem>>[vector<16xi32>], vector<16xi32>,
      tpu.vector_store_idx %arg10[%add3A_65], %get3A_29 : memref<15360xi32, #tpu.memory_space<vmem>>[vector<16xi32>], vector<16xi32>,
      %add3A_66 = arith.constant 1 : i32
      %add3A_67 = vector.broadcast %add3A_66 : i32 to vector<16xi32>
      %add3A_68 = arith.addi %min3A_61, %add3A_67 : vector<16xi32>
      tpu.vector_store_idx %arg11[%select_n3A], %add3A_68 masked %unique3A : memref<32xi32, #tpu.memory_space<vmem>>[vector<16xi32>], vector<16xi32>, vector<16xi1>
    }
    %scan3A_15 = arith.constant 625 : i32
    "tpu.region"() ({
      %run_scoped3A = tpu.sem_alloc : memref<!tpu.dma_semaphore, #tpu.memory_space<semaphore_mem>>
      %dma_start3A = arith.constant 0 : i32
      %dma_start3A_18 = tpu.memref_slice %arg4[%add3A, %dma_start3A] : memref<32x15360xi32, #tpu.memory_space<hbm>> -> memref<1x15360xi32, #tpu.memory_space<hbm>>
      %dma_start3A_19 = tpu.memref_squeeze %dma_start3A_18 : memref<1x15360xi32, #tpu.memory_space<hbm>> -> memref<15360xi32, #tpu.memory_space<hbm>>
      %dma_start3A_20 = arith.constant 0 : i32
      %dma_start3A_21 = tpu.memref_slice %arg4[%add3A, %dma_start3A_20] : memref<32x15360xi32, #tpu.memory_space<hbm>> -> memref<1x15360xi32, #tpu.memory_space<hbm>>
      %dma_start3A_22 = tpu.memref_squeeze %dma_start3A_21 : memref<1x15360xi32, #tpu.memory_space<hbm>> -> memref<15360xi32, #tpu.memory_space<hbm>>
      tpu.enqueue_dma source(%arg9 : memref<15360xi32, #tpu.memory_space<vmem>>) target(%dma_start3A_22 : memref<15360xi32, #tpu.memory_space<hbm>>) target_semaphore(%run_scoped3A : memref<!tpu.dma_semaphore, #tpu.memory_space<semaphore_mem>>)
      %dma_wait3A = arith.constant 0 : i32
      %dma_wait3A_23 = tpu.memref_slice %arg4[%add3A, %dma_wait3A] : memref<32x15360xi32, #tpu.memory_space<hbm>> -> memref<1x15360xi32, #tpu.memory_space<hbm>>
      %dma_wait3A_24 = tpu.memref_squeeze %dma_wait3A_23 : memref<1x15360xi32, #tpu.memory_space<hbm>> -> memref<15360xi32, #tpu.memory_space<hbm>>
      %dma_wait3A_25 = arith.constant 0 : i32
      %dma_wait3A_26 = tpu.memref_slice %arg4[%add3A, %dma_wait3A_25] : memref<32x15360xi32, #tpu.memory_space<hbm>> -> memref<1x15360xi32, #tpu.memory_space<hbm>>
      %dma_wait3A_27 = tpu.memref_squeeze %dma_wait3A_26 : memref<1x15360xi32, #tpu.memory_space<hbm>> -> memref<15360xi32, #tpu.memory_space<hbm>>
      tpu.wait_dma2 semaphore(%run_scoped3A : memref<!tpu.dma_semaphore, #tpu.memory_space<semaphore_mem>>) src(%arg9 : memref<15360xi32, #tpu.memory_space<vmem>>) dst(%dma_wait3A_27 : memref<15360xi32, #tpu.memory_space<hbm>>)
      tpu.yield
    }) : () -> ()
    "tpu.region"() ({
      %run_scoped3A = tpu.sem_alloc : memref<!tpu.dma_semaphore, #tpu.memory_space<semaphore_mem>>
      %dma_start3A = arith.constant 0 : i32
      %dma_start3A_18 = tpu.memref_slice %arg5[%add3A, %dma_start3A] : memref<32x15360xi32, #tpu.memory_space<hbm>> -> memref<1x15360xi32, #tpu.memory_space<hbm>>
      %dma_start3A_19 = tpu.memref_squeeze %dma_start3A_18 : memref<1x15360xi32, #tpu.memory_space<hbm>> -> memref<15360xi32, #tpu.memory_space<hbm>>
      %dma_start3A_20 = arith.constant 0 : i32
      %dma_start3A_21 = tpu.memref_slice %arg5[%add3A, %dma_start3A_20] : memref<32x15360xi32, #tpu.memory_space<hbm>> -> memref<1x15360xi32, #tpu.memory_space<hbm>>
      %dma_start3A_22 = tpu.memref_squeeze %dma_start3A_21 : memref<1x15360xi32, #tpu.memory_space<hbm>> -> memref<15360xi32, #tpu.memory_space<hbm>>
      tpu.enqueue_dma source(%arg10 : memref<15360xi32, #tpu.memory_space<vmem>>) target(%dma_start3A_22 : memref<15360xi32, #tpu.memory_space<hbm>>) target_semaphore(%run_scoped3A : memref<!tpu.dma_semaphore, #tpu.memory_space<semaphore_mem>>)
      %dma_wait3A = arith.constant 0 : i32
      %dma_wait3A_23 = tpu.memref_slice %arg5[%add3A, %dma_wait3A] : memref<32x15360xi32, #tpu.memory_space<hbm>> -> memref<1x15360xi32, #tpu.memory_space<hbm>>
      %dma_wait3A_24 = tpu.memref_squeeze %dma_wait3A_23 : memref<1x15360xi32, #tpu.memory_space<hbm>> -> memref<15360xi32, #tpu.memory_space<hbm>>
      %dma_wait3A_25 = arith.constant 0 : i32
      %dma_wait3A_26 = tpu.memref_slice %arg5[%add3A, %dma_wait3A_25] : memref<32x15360xi32, #tpu.memory_space<hbm>> -> memref<1x15360xi32, #tpu.memory_space<hbm>>
      %dma_wait3A_27 = tpu.memref_squeeze %dma_wait3A_26 : memref<1x15360xi32, #tpu.memory_space<hbm>> -> memref<15360xi32, #tpu.memory_space<hbm>>
      tpu.wait_dma2 semaphore(%run_scoped3A : memref<!tpu.dma_semaphore, #tpu.memory_space<semaphore_mem>>) src(%arg10 : memref<15360xi32, #tpu.memory_space<vmem>>) dst(%dma_wait3A_27 : memref<15360xi32, #tpu.memory_space<hbm>>)
      tpu.yield
    }) : () -> ()
    %mul3A_16 = arith.constant 32 : i32
    %mul3A_17 = arith.muli %add3A, %mul3A_16 : i32
    "tpu.region"() ({
      %run_scoped3A = tpu.sem_alloc : memref<!tpu.dma_semaphore, #tpu.memory_space<semaphore_mem>>
      %dma_start3A = tpu.memref_slice %arg6[%mul3A_17] : memref<1024xi32, #tpu.memory_space<hbm>> -> memref<32xi32, #tpu.memory_space<hbm>>
      %dma_start3A_18 = tpu.memref_slice %arg6[%mul3A_17] : memref<1024xi32, #tpu.memory_space<hbm>> -> memref<32xi32, #tpu.memory_space<hbm>>
      tpu.enqueue_dma source(%arg11 : memref<32xi32, #tpu.memory_space<vmem>>) target(%dma_start3A_18 : memref<32xi32, #tpu.memory_space<hbm>>) target_semaphore(%run_scoped3A : memref<!tpu.dma_semaphore, #tpu.memory_space<semaphore_mem>>)
      %dma_wait3A = tpu.memref_slice %arg6[%mul3A_17] : memref<1024xi32, #tpu.memory_space<hbm>> -> memref<32xi32, #tpu.memory_space<hbm>>
      %dma_wait3A_19 = tpu.memref_slice %arg6[%mul3A_17] : memref<1024xi32, #tpu.memory_space<hbm>> -> memref<32xi32, #tpu.memory_space<hbm>>
      tpu.wait_dma2 semaphore(%run_scoped3A : memref<!tpu.dma_semaphore, #tpu.memory_space<semaphore_mem>>) src(%arg11 : memref<32xi32, #tpu.memory_space<vmem>>) dst(%dma_wait3A_19 : memref<32xi32, #tpu.memory_space<hbm>>)
      tpu.yield
    }) : () -> ()
    return
  }
}

#map = affine_map<(d0, d1) -> (0, 0)>
#map1 = affine_map<(d0, d1) -> (0)>
module attributes {stable_mosaic.version = 14 : i64} {
  func.func @k(%arg0: i32, %arg1: i32, %arg2: memref<10016x128xf32, #tpu.memory_space<hbm>>, %arg3: memref<10016xf32, #tpu.memory_space<hbm>>, %arg4: memref<10240xf32, #tpu.memory_space<hbm>>, %arg5: memref<32x15360xi32, #tpu.memory_space<hbm>>, %arg6: memref<32x15360xi32, #tpu.memory_space<hbm>>, %arg7: memref<1024xi32, #tpu.memory_space<hbm>>, %arg8: memref<10240x128xf32, #tpu.memory_space<hbm>>, %arg9: memref<320x144xf32, #tpu.memory_space<vmem>>, %arg10: memref<320xf32, #tpu.memory_space<vmem>>, %arg11: memref<1024xi32, #tpu.memory_space<vmem>>, %arg12: memref<32x480xi32, #tpu.memory_space<vmem>>, %arg13: memref<32x480xi32, #tpu.memory_space<vmem>>, %arg14: memref<15872xi32, #tpu.memory_space<vmem>>, %arg15: memref<15872xi32, #tpu.memory_space<vmem>>, %arg16: memref<2x64x128xf32, #tpu.memory_space<vmem>>, %arg17: memref<2x64xf32, #tpu.memory_space<vmem>>, %arg18: memref<64xf32, #tpu.memory_space<vmem>>, %arg19: memref<!tpu.dma_semaphore, #tpu.memory_space<semaphore_mem>>, %arg20: memref<!tpu.dma_semaphore, #tpu.memory_space<semaphore_mem>>) attributes {dimension_semantics = [#tpu.dimension_semantics<core_parallel>, #tpu.dimension_semantics<subcore_parallel>], iteration_bounds = array<i64: 2, 16>, scalar_prefetch = 0 : i64, scratch_operands = 12 : i64, tpu.core_type = #tpu.core_type<sc_vector_subcore>, window_params = [{transform_indices = #map}, {transform_indices = #map1}, {transform_indices = #map1}, {transform_indices = #map}, {transform_indices = #map}, {transform_indices = #map1}, {transform_indices = #map}]} {
    %mul3A = arith.constant 16 : i32
    %mul3A_0 = arith.muli %arg0, %mul3A : i32
    %add3A = arith.addi %mul3A_0, %arg1 : i32
    %mul3A_1 = arith.constant 320 : i32
    %mul3A_2 = arith.muli %add3A, %mul3A_1 : i32
    %iota3A = tpu.iota {dimensions = array<i32: 0>} : vector<16xi32>
    %broadcast_in_dim3A = arith.constant 0.000000e+00 : f32
    %broadcast_in_dim3A_3 = vector.broadcast %broadcast_in_dim3A : f32 to vector<16xf32>
    %broadcast_in_dim3A_4 = arith.constant 0 : i32
    %broadcast_in_dim3A_5 = vector.broadcast %broadcast_in_dim3A_4 : i32 to vector<16xi32>
    "tpu.region"() ({
      %run_scoped3A = tpu.sem_alloc : memref<!tpu.dma_semaphore, #tpu.memory_space<semaphore_mem>>
      tpu.enqueue_dma source(%arg7 : memref<1024xi32, #tpu.memory_space<hbm>>) target(%arg11 : memref<1024xi32, #tpu.memory_space<vmem>>) target_semaphore(%run_scoped3A : memref<!tpu.dma_semaphore, #tpu.memory_space<semaphore_mem>>)
      tpu.wait_dma2 semaphore(%run_scoped3A : memref<!tpu.dma_semaphore, #tpu.memory_space<semaphore_mem>>) src(%arg7 : memref<1024xi32, #tpu.memory_space<hbm>>) dst(%arg11 : memref<1024xi32, #tpu.memory_space<vmem>>)
      tpu.yield
    }) : () -> ()
    "tpu.region"() ({
      %run_scoped3A = tpu.sem_alloc : memref<!tpu.dma_semaphore, #tpu.memory_space<semaphore_mem>>
      %dma_start3A = tpu.memref_slice %arg4[%mul3A_2] : memref<10240xf32, #tpu.memory_space<hbm>> -> memref<320xf32, #tpu.memory_space<hbm>>
      %dma_start3A_99 = tpu.memref_slice %arg4[%mul3A_2] : memref<10240xf32, #tpu.memory_space<hbm>> -> memref<320xf32, #tpu.memory_space<hbm>>
      tpu.enqueue_dma source(%dma_start3A_99 : memref<320xf32, #tpu.memory_space<hbm>>) target(%arg10 : memref<320xf32, #tpu.memory_space<vmem>>) target_semaphore(%run_scoped3A : memref<!tpu.dma_semaphore, #tpu.memory_space<semaphore_mem>>)
      %dma_wait3A = tpu.memref_slice %arg4[%mul3A_2] : memref<10240xf32, #tpu.memory_space<hbm>> -> memref<320xf32, #tpu.memory_space<hbm>>
      %dma_wait3A_100 = tpu.memref_slice %arg4[%mul3A_2] : memref<10240xf32, #tpu.memory_space<hbm>> -> memref<320xf32, #tpu.memory_space<hbm>>
      tpu.wait_dma2 semaphore(%run_scoped3A : memref<!tpu.dma_semaphore, #tpu.memory_space<semaphore_mem>>) src(%dma_wait3A_100 : memref<320xf32, #tpu.memory_space<hbm>>) dst(%arg10 : memref<320xf32, #tpu.memory_space<vmem>>)
      tpu.yield
    }) : () -> ()
    %mul3A_6 = arith.constant 480 : i32
    %mul3A_7 = arith.muli %add3A, %mul3A_6 : i32
    "tpu.region"() ({
      %run_scoped3A = tpu.sem_alloc : memref<!tpu.dma_semaphore, #tpu.memory_space<semaphore_mem>>
      %dma_start3A = arith.constant 0 : i32
      %dma_start3A_99 = tpu.memref_slice %arg5[%dma_start3A, %mul3A_7] : memref<32x15360xi32, #tpu.memory_space<hbm>> -> memref<32x480xi32, #tpu.memory_space<hbm>>
      %dma_start3A_100 = arith.constant 0 : i32
      %dma_start3A_101 = tpu.memref_slice %arg5[%dma_start3A_100, %mul3A_7] : memref<32x15360xi32, #tpu.memory_space<hbm>> -> memref<32x480xi32, #tpu.memory_space<hbm>>
      tpu.enqueue_dma source(%dma_start3A_101 : memref<32x480xi32, #tpu.memory_space<hbm>>) target(%arg12 : memref<32x480xi32, #tpu.memory_space<vmem>>) target_semaphore(%run_scoped3A : memref<!tpu.dma_semaphore, #tpu.memory_space<semaphore_mem>>)
      %dma_wait3A = arith.constant 0 : i32
      %dma_wait3A_102 = tpu.memref_slice %arg5[%dma_wait3A, %mul3A_7] : memref<32x15360xi32, #tpu.memory_space<hbm>> -> memref<32x480xi32, #tpu.memory_space<hbm>>
      %dma_wait3A_103 = arith.constant 0 : i32
      %dma_wait3A_104 = tpu.memref_slice %arg5[%dma_wait3A_103, %mul3A_7] : memref<32x15360xi32, #tpu.memory_space<hbm>> -> memref<32x480xi32, #tpu.memory_space<hbm>>
      tpu.wait_dma2 semaphore(%run_scoped3A : memref<!tpu.dma_semaphore, #tpu.memory_space<semaphore_mem>>) src(%dma_wait3A_104 : memref<32x480xi32, #tpu.memory_space<hbm>>) dst(%arg12 : memref<32x480xi32, #tpu.memory_space<vmem>>)
      tpu.yield
    }) : () -> ()
    %mul3A_8 = arith.constant 480 : i32
    %mul3A_9 = arith.muli %add3A, %mul3A_8 : i32
    "tpu.region"() ({
      %run_scoped3A = tpu.sem_alloc : memref<!tpu.dma_semaphore, #tpu.memory_space<semaphore_mem>>
      %dma_start3A = arith.constant 0 : i32
      %dma_start3A_99 = tpu.memref_slice %arg6[%dma_start3A, %mul3A_9] : memref<32x15360xi32, #tpu.memory_space<hbm>> -> memref<32x480xi32, #tpu.memory_space<hbm>>
      %dma_start3A_100 = arith.constant 0 : i32
      %dma_start3A_101 = tpu.memref_slice %arg6[%dma_start3A_100, %mul3A_9] : memref<32x15360xi32, #tpu.memory_space<hbm>> -> memref<32x480xi32, #tpu.memory_space<hbm>>
      tpu.enqueue_dma source(%dma_start3A_101 : memref<32x480xi32, #tpu.memory_space<hbm>>) target(%arg13 : memref<32x480xi32, #tpu.memory_space<vmem>>) target_semaphore(%run_scoped3A : memref<!tpu.dma_semaphore, #tpu.memory_space<semaphore_mem>>)
      %dma_wait3A = arith.constant 0 : i32
      %dma_wait3A_102 = tpu.memref_slice %arg6[%dma_wait3A, %mul3A_9] : memref<32x15360xi32, #tpu.memory_space<hbm>> -> memref<32x480xi32, #tpu.memory_space<hbm>>
      %dma_wait3A_103 = arith.constant 0 : i32
      %dma_wait3A_104 = tpu.memref_slice %arg6[%dma_wait3A_103, %mul3A_9] : memref<32x15360xi32, #tpu.memory_space<hbm>> -> memref<32x480xi32, #tpu.memory_space<hbm>>
      tpu.wait_dma2 semaphore(%run_scoped3A : memref<!tpu.dma_semaphore, #tpu.memory_space<semaphore_mem>>) src(%dma_wait3A_104 : memref<32x480xi32, #tpu.memory_space<hbm>>) dst(%arg13 : memref<32x480xi32, #tpu.memory_space<vmem>>)
      tpu.yield
    }) : () -> ()
    %scan3A = arith.constant 0 : i32
    %scan3A_10 = arith.constant 320 : i32
    %scan3A_11 = arith.addi %scan3A, %scan3A_10 : i32
    %scan3A_12 = arith.constant 1 : i32
    scf.for %scan3A_99 = %scan3A to %scan3A_11 step %scan3A_12  : i32 {
      %mul3A_100 = arith.constant 1 : i32
      %mul3A_101 = arith.muli %scan3A_99, %mul3A_100 : i32
      %add3A_102 = arith.constant 0 : i32
      %add3A_103 = arith.addi %add3A_102, %mul3A_101 : i32
      %scan3A_104 = arith.constant 0 : i32
      %scan3A_105 = arith.constant 9 : i32
      %scan3A_106 = arith.addi %scan3A_104, %scan3A_105 : i32
      %scan3A_107 = arith.constant 1 : i32
      scf.for %scan3A_109 = %scan3A_104 to %scan3A_106 step %scan3A_107  : i32 {
        %mul3A_110 = arith.constant 1 : i32
        %mul3A_111 = arith.muli %scan3A_109, %mul3A_110 : i32
        %add3A_112 = arith.constant 0 : i32
        %add3A_113 = arith.addi %add3A_112, %mul3A_111 : i32
        %mul3A_114 = arith.constant 16 : i32
        %mul3A_115 = arith.muli %add3A_113, %mul3A_114 : i32
        %swap3A = arith.index_cast %add3A_103 : i32 to index
        %swap3A_116 = arith.index_cast %mul3A_115 : i32 to index
        %swap3A_117 = tpu.vector_load %arg9[%swap3A, %swap3A_116] {strides = array<i32>} : memref<320x144xf32, #tpu.memory_space<vmem>>, vector<16xf32>,
        tpu.vector_store %arg9[%swap3A, %swap3A_116], %broadcast_in_dim3A_3 {strides = array<i32>} : memref<320x144xf32, #tpu.memory_space<vmem>>, vector<16xf32>,
      }
      %scan3A_108 = arith.constant 9 : i32
    }
    %scan3A_13 = arith.constant 320 : i32
    %broadcast_in_dim3A_14 = arith.constant 10015 : i32
    %broadcast_in_dim3A_15 = vector.broadcast %broadcast_in_dim3A_14 : i32 to vector<16xi32>
    %scan3A_16 = arith.constant 0 : i32
    %scan3A_17 = arith.constant 992 : i32
    %scan3A_18 = arith.addi %scan3A_16, %scan3A_17 : i32
    %scan3A_19 = arith.constant 1 : i32
    scf.for %scan3A_99 = %scan3A_16 to %scan3A_18 step %scan3A_19  : i32 {
      %mul3A_100 = arith.constant 1 : i32
      %mul3A_101 = arith.muli %scan3A_99, %mul3A_100 : i32
      %add3A_102 = arith.constant 0 : i32
      %add3A_103 = arith.addi %add3A_102, %mul3A_101 : i32
      %mul3A_104 = arith.constant 16 : i32
      %mul3A_105 = arith.muli %add3A_103, %mul3A_104 : i32
      %swap3A = arith.index_cast %mul3A_105 : i32 to index
      %swap3A_106 = tpu.vector_load %arg14[%swap3A] {strides = array<i32>} : memref<15872xi32, #tpu.memory_space<vmem>>, vector<16xi32>,
      tpu.vector_store %arg14[%swap3A], %broadcast_in_dim3A_15 {strides = array<i32>} : memref<15872xi32, #tpu.memory_space<vmem>>, vector<16xi32>,
      %mul3A_107 = arith.constant 16 : i32
      %mul3A_108 = arith.muli %add3A_103, %mul3A_107 : i32
      %swap3A_109 = arith.index_cast %mul3A_108 : i32 to index
      %swap3A_110 = tpu.vector_load %arg15[%swap3A_109] {strides = array<i32>} : memref<15872xi32, #tpu.memory_space<vmem>>, vector<16xi32>,
      tpu.vector_store %arg15[%swap3A_109], %broadcast_in_dim3A_5 {strides = array<i32>} : memref<15872xi32, #tpu.memory_space<vmem>>, vector<16xi32>,
    }
    %scan3A_20 = arith.constant 992 : i32
    %scan3A_21 = arith.constant 0 : i32
    %scan3A_22 = arith.constant 0 : i32
    %scan3A_23 = arith.constant 32 : i32
    %scan3A_24 = arith.addi %scan3A_22, %scan3A_23 : i32
    %scan3A_25 = arith.constant 1 : i32
    %scan3A_26 = scf.for %scan3A_99 = %scan3A_22 to %scan3A_24 step %scan3A_25 iter_args(%scan3A_100 = %scan3A_21) -> (i32)  : i32 {
      %mul3A_101 = arith.constant 32 : i32
      %mul3A_102 = arith.muli %scan3A_99, %mul3A_101 : i32
      %add3A_103 = arith.addi %mul3A_102, %add3A : i32
      %broadcast_in_dim3A_104 = vector.broadcast %add3A_103 : i32 to vector<16xi32>
      %gather3A = tpu.vector_load_idx %arg11[%broadcast_in_dim3A_104] : memref<1024xi32, #tpu.memory_space<vmem>>[vector<16xi32>], vector<16xi32>,
      %slice3A = vector.extract_strided_slice %gather3A {offsets = [0], sizes = [1], strides = [1]} : vector<16xi32> to vector<1xi32>
      %squeeze3A = vector.extract %slice3A[0] : i32 from vector<1xi32>
      %add3A_105 = arith.constant 16 : i32
      %add3A_106 = arith.addi %squeeze3A, %add3A_105 : i32
      %sub3A_107 = arith.constant 1 : i32
      %sub3A_108 = arith.subi %add3A_106, %sub3A_107 : i32
      %jit3A_109 = arith.constant 16 : i32
      %div3A_110 = arith.divsi %sub3A_108, %jit3A_109 : i32
      %sign3A_111 = arith.constant 0 : i32
      %sign3A_112 = arith.cmpi sgt, %sub3A_108, %sign3A_111 : i32
      %sign3A_113 = arith.extui %sign3A_112 : i1 to i32
      %sign3A_114 = arith.constant 0 : i32
      %sign3A_115 = arith.cmpi slt, %sub3A_108, %sign3A_114 : i32
      %sign3A_116 = arith.extui %sign3A_115 : i1 to i32
      %sign3A_117 = arith.subi %sign3A_113, %sign3A_116 : i32
      %sign3A_118 = arith.constant 0 : i32
      %sign3A_119 = arith.cmpi sgt, %jit3A_109, %sign3A_118 : i32
      %sign3A_120 = arith.extui %sign3A_119 : i1 to i32
      %sign3A_121 = arith.constant 0 : i32
      %sign3A_122 = arith.cmpi slt, %jit3A_109, %sign3A_121 : i32
      %sign3A_123 = arith.extui %sign3A_122 : i1 to i32
      %sign3A_124 = arith.subi %sign3A_120, %sign3A_123 : i32
      %ne3A_125 = arith.cmpi ne, %sign3A_117, %sign3A_124 : i32
      %rem3A_126 = arith.remsi %sub3A_108, %jit3A_109 : i32
      %ne3A_127 = arith.constant 0 : i32
      %ne3A_128 = arith.cmpi ne, %rem3A_126, %ne3A_127 : i32
      %and3A_129 = arith.andi %ne3A_125, %ne3A_128 : i1
      %sub3A_130 = arith.constant 1 : i32
      %sub3A_131 = arith.subi %div3A_110, %sub3A_130 : i32
      %select_n3A_132 = arith.select %and3A_129, %sub3A_131, %div3A_110 : i32
      %sub3A_133 = arith.constant 0 : i32
      %sub3A_134 = arith.subi %select_n3A_132, %sub3A_133 : i32
      %sub3A_135 = arith.constant 1 : i32
      %sub3A_136 = arith.constant 1 : i32
      %sub3A_137 = arith.subi %sub3A_135, %sub3A_136 : i32
      %add3A_138 = arith.addi %sub3A_134, %sub3A_137 : i32
      %div3A_139 = arith.constant 1 : i32
      %div3A_140 = arith.divsi %add3A_138, %div3A_139 : i32
      %while3A_141 = arith.constant 1 : i32
      %while3A_142 = arith.constant 0 : i32
      %while3A_143 = arith.constant 0 : i32
      %while3A_144 = arith.subi %div3A_140, %while3A_143 : i32
      %while3A_145 = arith.addi %while3A_143, %while3A_144 : i32
      %while3A_146 = arith.constant 1 : i32
      %while3A_147 = arith.divsi %while3A_144, %while3A_146 : i32
      %while3A_148 = arith.muli %while3A_147, %while3A_146 : i32
      %while3A_149 = arith.addi %while3A_143, %while3A_148 : i32
      %while3A_150 = arith.constant 1 : i32
      scf.for %while3A_155 = %while3A_143 to %while3A_149 step %while3A_150  : i32 {
        %mul3A_156 = arith.muli %while3A_155, %while3A_141 : i32
        %add3A_157 = arith.addi %while3A_142, %mul3A_156 : i32
        %mul3A_158 = arith.constant 16 : i32
        %mul3A_159 = arith.muli %add3A_157, %mul3A_158 : i32
        %add3A_160 = vector.broadcast %mul3A_159 : i32 to vector<16xi32>
        %add3A_161 = arith.addi %add3A_160, %iota3A : vector<16xi32>
        %lt3A = vector.broadcast %squeeze3A : i32 to vector<16xi32>
        %lt3A_162 = arith.cmpi slt, %add3A_161, %lt3A : vector<16xi32>
        %mul3A_163 = arith.constant 16 : i32
        %mul3A_164 = arith.muli %add3A_157, %mul3A_163 : i32
        %get3A = arith.index_cast %scan3A_99 : i32 to index
        %get3A_165 = arith.index_cast %mul3A_164 : i32 to index
        %get3A_166 = tpu.vector_load %arg12[%get3A, %get3A_165] {strides = array<i32>} : memref<32x480xi32, #tpu.memory_space<vmem>>, vector<16xi32>,
        %select_n3A_167 = arith.select %lt3A_162, %get3A_166, %broadcast_in_dim3A_15 : vector<16xi1>, vector<16xi32>
        %mul3A_168 = arith.constant 16 : i32
        %mul3A_169 = arith.muli %add3A_157, %mul3A_168 : i32
        %add3A_170 = arith.addi %scan3A_100, %mul3A_169 : i32
        %swap3A = arith.index_cast %add3A_170 : i32 to index
        %swap3A_171 = tpu.vector_load %arg14[%swap3A] {strides = array<i32>} : memref<15872xi32, #tpu.memory_space<vmem>>, vector<16xi32>,
        tpu.vector_store %arg14[%swap3A], %select_n3A_167 {strides = array<i32>} : memref<15872xi32, #tpu.memory_space<vmem>>, vector<16xi32>,
        %mul3A_172 = arith.constant 16 : i32
        %mul3A_173 = arith.muli %add3A_157, %mul3A_172 : i32
        %get3A_174 = arith.index_cast %scan3A_99 : i32 to index
        %get3A_175 = arith.index_cast %mul3A_173 : i32 to index
        %get3A_176 = tpu.vector_load %arg13[%get3A_174, %get3A_175] {strides = array<i32>} : memref<32x480xi32, #tpu.memory_space<vmem>>, vector<16xi32>,
        %jit3A_177 = arith.constant 0 : i32
        %broadcast_in_dim3A_178 = vector.broadcast %jit3A_177 : i32 to vector<16xi32>
        %select_n3A_179 = arith.select %lt3A_162, %get3A_176, %broadcast_in_dim3A_178 : vector<16xi1>, vector<16xi32>
        %mul3A_180 = arith.constant 16 : i32
        %mul3A_181 = arith.muli %add3A_157, %mul3A_180 : i32
        %add3A_182 = arith.addi %scan3A_100, %mul3A_181 : i32
        %swap3A_183 = arith.index_cast %add3A_182 : i32 to index
        %swap3A_184 = tpu.vector_load %arg15[%swap3A_183] {strides = array<i32>} : memref<15872xi32, #tpu.memory_space<vmem>>, vector<16xi32>,
        tpu.vector_store %arg15[%swap3A_183], %select_n3A_179 {strides = array<i32>} : memref<15872xi32, #tpu.memory_space<vmem>>, vector<16xi32>,
      }
      %while3A_151 = arith.constant 1 : i32
      scf.for %while3A_155 = %while3A_149 to %while3A_145 step %while3A_151  : i32 {
        %mul3A_156 = arith.muli %while3A_155, %while3A_141 : i32
        %add3A_157 = arith.addi %while3A_142, %mul3A_156 : i32
        %mul3A_158 = arith.constant 16 : i32
        %mul3A_159 = arith.muli %add3A_157, %mul3A_158 : i32
        %add3A_160 = vector.broadcast %mul3A_159 : i32 to vector<16xi32>
        %add3A_161 = arith.addi %add3A_160, %iota3A : vector<16xi32>
        %lt3A = vector.broadcast %squeeze3A : i32 to vector<16xi32>
        %lt3A_162 = arith.cmpi slt, %add3A_161, %lt3A : vector<16xi32>
        %mul3A_163 = arith.constant 16 : i32
        %mul3A_164 = arith.muli %add3A_157, %mul3A_163 : i32
        %get3A = arith.index_cast %scan3A_99 : i32 to index
        %get3A_165 = arith.index_cast %mul3A_164 : i32 to index
        %get3A_166 = tpu.vector_load %arg12[%get3A, %get3A_165] {strides = array<i32>} : memref<32x480xi32, #tpu.memory_space<vmem>>, vector<16xi32>,
        %select_n3A_167 = arith.select %lt3A_162, %get3A_166, %broadcast_in_dim3A_15 : vector<16xi1>, vector<16xi32>
        %mul3A_168 = arith.constant 16 : i32
        %mul3A_169 = arith.muli %add3A_157, %mul3A_168 : i32
        %add3A_170 = arith.addi %scan3A_100, %mul3A_169 : i32
        %swap3A = arith.index_cast %add3A_170 : i32 to index
        %swap3A_171 = tpu.vector_load %arg14[%swap3A] {strides = array<i32>} : memref<15872xi32, #tpu.memory_space<vmem>>, vector<16xi32>,
        tpu.vector_store %arg14[%swap3A], %select_n3A_167 {strides = array<i32>} : memref<15872xi32, #tpu.memory_space<vmem>>, vector<16xi32>,
        %mul3A_172 = arith.constant 16 : i32
        %mul3A_173 = arith.muli %add3A_157, %mul3A_172 : i32
        %get3A_174 = arith.index_cast %scan3A_99 : i32 to index
        %get3A_175 = arith.index_cast %mul3A_173 : i32 to index
        %get3A_176 = tpu.vector_load %arg13[%get3A_174, %get3A_175] {strides = array<i32>} : memref<32x480xi32, #tpu.memory_space<vmem>>, vector<16xi32>,
        %jit3A_177 = arith.constant 0 : i32
        %broadcast_in_dim3A_178 = vector.broadcast %jit3A_177 : i32 to vector<16xi32>
        %select_n3A_179 = arith.select %lt3A_162, %get3A_176, %broadcast_in_dim3A_178 : vector<16xi1>, vector<16xi32>
        %mul3A_180 = arith.constant 16 : i32
        %mul3A_181 = arith.muli %add3A_157, %mul3A_180 : i32
        %add3A_182 = arith.addi %scan3A_100, %mul3A_181 : i32
        %swap3A_183 = arith.index_cast %add3A_182 : i32 to index
        %swap3A_184 = tpu.vector_load %arg15[%swap3A_183] {strides = array<i32>} : memref<15872xi32, #tpu.memory_space<vmem>>, vector<16xi32>,
        tpu.vector_store %arg15[%swap3A_183], %select_n3A_179 {strides = array<i32>} : memref<15872xi32, #tpu.memory_space<vmem>>, vector<16xi32>,
      }
      %mul3A_152 = arith.constant 16 : i32
      %mul3A_153 = arith.muli %select_n3A_132, %mul3A_152 : i32
      %add3A_154 = arith.addi %scan3A_100, %mul3A_153 : i32
      scf.yield %add3A_154 : i32
    }
    %scan3A_27 = arith.constant 32 : i32
    %add3A_28 = arith.constant 64 : i32
    %add3A_29 = arith.addi %scan3A_26, %add3A_28 : i32
    %sub3A = arith.constant 1 : i32
    %sub3A_30 = arith.subi %add3A_29, %sub3A : i32
    %jit3A = arith.constant 64 : i32
    %div3A = arith.divsi %sub3A_30, %jit3A : i32
    %sign3A = arith.constant 0 : i32
    %sign3A_31 = arith.cmpi sgt, %sub3A_30, %sign3A : i32
    %sign3A_32 = arith.extui %sign3A_31 : i1 to i32
    %sign3A_33 = arith.constant 0 : i32
    %sign3A_34 = arith.cmpi slt, %sub3A_30, %sign3A_33 : i32
    %sign3A_35 = arith.extui %sign3A_34 : i1 to i32
    %sign3A_36 = arith.subi %sign3A_32, %sign3A_35 : i32
    %sign3A_37 = arith.constant 0 : i32
    %sign3A_38 = arith.cmpi sgt, %jit3A, %sign3A_37 : i32
    %sign3A_39 = arith.extui %sign3A_38 : i1 to i32
    %sign3A_40 = arith.constant 0 : i32
    %sign3A_41 = arith.cmpi slt, %jit3A, %sign3A_40 : i32
    %sign3A_42 = arith.extui %sign3A_41 : i1 to i32
    %sign3A_43 = arith.subi %sign3A_39, %sign3A_42 : i32
    %ne3A = arith.cmpi ne, %sign3A_36, %sign3A_43 : i32
    %rem3A = arith.remsi %sub3A_30, %jit3A : i32
    %ne3A_44 = arith.constant 0 : i32
    %ne3A_45 = arith.cmpi ne, %rem3A, %ne3A_44 : i32
    %and3A = arith.andi %ne3A, %ne3A_45 : i1
    %sub3A_46 = arith.constant 1 : i32
    %sub3A_47 = arith.subi %div3A, %sub3A_46 : i32
    %select_n3A = arith.select %and3A, %sub3A_47, %div3A : i32
    %gt3A = arith.constant 0 : i32
    %gt3A_48 = arith.cmpi sgt, %select_n3A, %gt3A : i32
    %convert_element_type3A = arith.extui %gt3A_48 : i1 to i32
    %cond3A = arith.constant 0 : i32
    %cond3A_49 = arith.cmpi ne, %convert_element_type3A, %cond3A : i32
    scf.if %cond3A_49 {
      %dma_start3A = arith.constant 0 : i32
      %dma_start3A_99 = arith.constant 0 : i32
      %dma_start3A_100 = arith.constant 0 : i32
      %dma_start3A_101 = tpu.memref_slice %arg16[%dma_start3A, %dma_start3A_99, %dma_start3A_100] : memref<2x64x128xf32, #tpu.memory_space<vmem>> -> memref<1x64x128xf32, #tpu.memory_space<vmem>>
      %dma_start3A_102 = tpu.memref_squeeze %dma_start3A_101 : memref<1x64x128xf32, #tpu.memory_space<vmem>> -> memref<64x128xf32, #tpu.memory_space<vmem>>
      %dma_start3A_103 = arith.constant 0 : i32
      %dma_start3A_104 = tpu.memref_slice %arg14[%dma_start3A_103] : memref<15872xi32, #tpu.memory_space<vmem>> -> memref<64xi32, #tpu.memory_space<vmem>>
      %dma_start3A_105 = arith.constant 0 : i32
      %dma_start3A_106 = arith.constant 0 : i32
      %dma_start3A_107 = tpu.memref_slice %arg2[%dma_start3A_105, %dma_start3A_106] : memref<10016x128xf32, #tpu.memory_space<hbm>> -> memref<10016x128xf32, #tpu.memory_space<hbm>>
      tpu.enqueue_indirect_dma source(%dma_start3A_107 : memref<10016x128xf32, #tpu.memory_space<hbm>>) target(%dma_start3A_102 : memref<64x128xf32, #tpu.memory_space<vmem>>) offsets(%dma_start3A_104 : memref<64xi32, #tpu.memory_space<vmem>>) semaphore(%arg19 : memref<!tpu.dma_semaphore, #tpu.memory_space<semaphore_mem>>)
      %dma_start3A_108 = arith.constant 0 : i32
      %dma_start3A_109 = arith.constant 0 : i32
      %dma_start3A_110 = tpu.memref_slice %arg17[%dma_start3A_108, %dma_start3A_109] : memref<2x64xf32, #tpu.memory_space<vmem>> -> memref<1x64xf32, #tpu.memory_space<vmem>>
      %dma_start3A_111 = tpu.memref_squeeze %dma_start3A_110 : memref<1x64xf32, #tpu.memory_space<vmem>> -> memref<64xf32, #tpu.memory_space<vmem>>
      %dma_start3A_112 = arith.constant 0 : i32
      %dma_start3A_113 = tpu.memref_slice %arg14[%dma_start3A_112] : memref<15872xi32, #tpu.memory_space<vmem>> -> memref<64xi32, #tpu.memory_space<vmem>>
      %dma_start3A_114 = arith.constant 0 : i32
      %dma_start3A_115 = tpu.memref_slice %arg3[%dma_start3A_114] : memref<10016xf32, #tpu.memory_space<hbm>> -> memref<10016xf32, #tpu.memory_space<hbm>>
      tpu.enqueue_indirect_dma source(%dma_start3A_115 : memref<10016xf32, #tpu.memory_space<hbm>>) target(%dma_start3A_111 : memref<64xf32, #tpu.memory_space<vmem>>) offsets(%dma_start3A_113 : memref<64xi32, #tpu.memory_space<vmem>>) semaphore(%arg19 : memref<!tpu.dma_semaphore, #tpu.memory_space<semaphore_mem>>)
    } else {
    }
    %add3A_50 = arith.constant 1 : i32
    %add3A_51 = arith.addi %select_n3A, %add3A_50 : i32
    %jit3A_52 = arith.constant 2 : i32
    %div3A_53 = arith.divsi %add3A_51, %jit3A_52 : i32
    %sign3A_54 = arith.constant 0 : i32
    %sign3A_55 = arith.cmpi sgt, %add3A_51, %sign3A_54 : i32
    %sign3A_56 = arith.extui %sign3A_55 : i1 to i32
    %sign3A_57 = arith.constant 0 : i32
    %sign3A_58 = arith.cmpi slt, %add3A_51, %sign3A_57 : i32
    %sign3A_59 = arith.extui %sign3A_58 : i1 to i32
    %sign3A_60 = arith.subi %sign3A_56, %sign3A_59 : i32
    %sign3A_61 = arith.constant 0 : i32
    %sign3A_62 = arith.cmpi sgt, %jit3A_52, %sign3A_61 : i32
    %sign3A_63 = arith.extui %sign3A_62 : i1 to i32
    %sign3A_64 = arith.constant 0 : i32
    %sign3A_65 = arith.cmpi slt, %jit3A_52, %sign3A_64 : i32
    %sign3A_66 = arith.extui %sign3A_65 : i1 to i32
    %sign3A_67 = arith.subi %sign3A_63, %sign3A_66 : i32
    %ne3A_68 = arith.cmpi ne, %sign3A_60, %sign3A_67 : i32
    %rem3A_69 = arith.remsi %add3A_51, %jit3A_52 : i32
    %ne3A_70 = arith.constant 0 : i32
    %ne3A_71 = arith.cmpi ne, %rem3A_69, %ne3A_70 : i32
    %and3A_72 = arith.andi %ne3A_68, %ne3A_71 : i1
    %sub3A_73 = arith.constant 1 : i32
    %sub3A_74 = arith.subi %div3A_53, %sub3A_73 : i32
    %select_n3A_75 = arith.select %and3A_72, %sub3A_74, %div3A_53 : i32
    %sub3A_76 = arith.constant 0 : i32
    %sub3A_77 = arith.subi %select_n3A_75, %sub3A_76 : i32
    %sub3A_78 = arith.constant 1 : i32
    %sub3A_79 = arith.constant 1 : i32
    %sub3A_80 = arith.subi %sub3A_78, %sub3A_79 : i32
    %add3A_81 = arith.addi %sub3A_77, %sub3A_80 : i32
    %div3A_82 = arith.constant 1 : i32
    %div3A_83 = arith.divsi %add3A_81, %div3A_82 : i32
    %while3A = arith.constant 1 : i32
    %while3A_84 = arith.constant 0 : i32
    %while3A_85 = arith.constant 0 : i32
    %while3A_86 = arith.subi %div3A_83, %while3A_85 : i32
    %while3A_87 = arith.addi %while3A_85, %while3A_86 : i32
    %while3A_88 = arith.constant 1 : i32
    %while3A_89 = arith.divsi %while3A_86, %while3A_88 : i32
    %while3A_90 = arith.muli %while3A_89, %while3A_88 : i32
    %while3A_91 = arith.addi %while3A_85, %while3A_90 : i32
    %while3A_92 = arith.constant 1 : i32
    scf.for %while3A_99 = %while3A_85 to %while3A_91 step %while3A_92  : i32 {
      %mul3A_100 = arith.muli %while3A_99, %while3A : i32
      %add3A_101 = arith.addi %while3A_84, %mul3A_100 : i32
      %mul3A_102 = arith.constant 2 : i32
      %mul3A_103 = arith.muli %mul3A_102, %add3A_101 : i32
      %mul3A_104 = arith.constant 2 : i32
      %mul3A_105 = arith.muli %mul3A_104, %add3A_101 : i32
      %add3A_106 = arith.constant 1 : i32
      %add3A_107 = arith.addi %mul3A_105, %add3A_106 : i32
      %lt3A = arith.cmpi slt, %add3A_107, %select_n3A : i32
      %convert_element_type3A_108 = arith.extui %lt3A : i1 to i32
      %cond3A_109 = arith.constant 0 : i32
      %cond3A_110 = arith.cmpi ne, %convert_element_type3A_108, %cond3A_109 : i32
      scf.if %cond3A_110 {
        %mul3A_125 = arith.constant 64 : i32
        %mul3A_126 = arith.muli %add3A_107, %mul3A_125 : i32
        %dma_start3A = arith.constant 1 : i32
        %dma_start3A_127 = arith.constant 0 : i32
        %dma_start3A_128 = arith.constant 0 : i32
        %dma_start3A_129 = tpu.memref_slice %arg16[%dma_start3A, %dma_start3A_127, %dma_start3A_128] : memref<2x64x128xf32, #tpu.memory_space<vmem>> -> memref<1x64x128xf32, #tpu.memory_space<vmem>>
        %dma_start3A_130 = tpu.memref_squeeze %dma_start3A_129 : memref<1x64x128xf32, #tpu.memory_space<vmem>> -> memref<64x128xf32, #tpu.memory_space<vmem>>
        %dma_start3A_131 = tpu.memref_slice %arg14[%mul3A_126] : memref<15872xi32, #tpu.memory_space<vmem>> -> memref<64xi32, #tpu.memory_space<vmem>>
        %dma_start3A_132 = arith.constant 0 : i32
        %dma_start3A_133 = arith.constant 0 : i32
        %dma_start3A_134 = tpu.memref_slice %arg2[%dma_start3A_132, %dma_start3A_133] : memref<10016x128xf32, #tpu.memory_space<hbm>> -> memref<10016x128xf32, #tpu.memory_space<hbm>>
        tpu.enqueue_indirect_dma source(%dma_start3A_134 : memref<10016x128xf32, #tpu.memory_space<hbm>>) target(%dma_start3A_130 : memref<64x128xf32, #tpu.memory_space<vmem>>) offsets(%dma_start3A_131 : memref<64xi32, #tpu.memory_space<vmem>>) semaphore(%arg20 : memref<!tpu.dma_semaphore, #tpu.memory_space<semaphore_mem>>)
        %mul3A_135 = arith.constant 64 : i32
        %mul3A_136 = arith.muli %add3A_107, %mul3A_135 : i32
        %dma_start3A_137 = arith.constant 1 : i32
        %dma_start3A_138 = arith.constant 0 : i32
        %dma_start3A_139 = tpu.memref_slice %arg17[%dma_start3A_137, %dma_start3A_138] : memref<2x64xf32, #tpu.memory_space<vmem>> -> memref<1x64xf32, #tpu.memory_space<vmem>>
        %dma_start3A_140 = tpu.memref_squeeze %dma_start3A_139 : memref<1x64xf32, #tpu.memory_space<vmem>> -> memref<64xf32, #tpu.memory_space<vmem>>
        %dma_start3A_141 = tpu.memref_slice %arg14[%mul3A_136] : memref<15872xi32, #tpu.memory_space<vmem>> -> memref<64xi32, #tpu.memory_space<vmem>>
        %dma_start3A_142 = arith.constant 0 : i32
        %dma_start3A_143 = tpu.memref_slice %arg3[%dma_start3A_142] : memref<10016xf32, #tpu.memory_space<hbm>> -> memref<10016xf32, #tpu.memory_space<hbm>>
        tpu.enqueue_indirect_dma source(%dma_start3A_143 : memref<10016xf32, #tpu.memory_space<hbm>>) target(%dma_start3A_140 : memref<64xf32, #tpu.memory_space<vmem>>) offsets(%dma_start3A_141 : memref<64xi32, #tpu.memory_space<vmem>>) semaphore(%arg20 : memref<!tpu.dma_semaphore, #tpu.memory_space<semaphore_mem>>)
      } else {
      }
      %lt3A_111 = arith.cmpi slt, %mul3A_103, %select_n3A : i32
      %convert_element_type3A_112 = arith.extui %lt3A_111 : i1 to i32
      %cond3A_113 = arith.constant 0 : i32
      %cond3A_114 = arith.cmpi ne, %convert_element_type3A_112, %cond3A_113 : i32
      scf.if %cond3A_114 {
        %mul3A_125 = arith.constant 64 : i32
        %mul3A_126 = arith.muli %mul3A_103, %mul3A_125 : i32
        %dma_wait3A = arith.constant 0 : i32
        %dma_wait3A_127 = arith.constant 0 : i32
        %dma_wait3A_128 = arith.constant 0 : i32
        %dma_wait3A_129 = tpu.memref_slice %arg16[%dma_wait3A, %dma_wait3A_127, %dma_wait3A_128] : memref<2x64x128xf32, #tpu.memory_space<vmem>> -> memref<1x64x128xf32, #tpu.memory_space<vmem>>
        %dma_wait3A_130 = tpu.memref_squeeze %dma_wait3A_129 : memref<1x64x128xf32, #tpu.memory_space<vmem>> -> memref<64x128xf32, #tpu.memory_space<vmem>>
        %dma_wait3A_131 = tpu.memref_slice %arg14[%mul3A_126] : memref<15872xi32, #tpu.memory_space<vmem>> -> memref<64xi32, #tpu.memory_space<vmem>>
        %dma_wait3A_132 = arith.constant 0 : i32
        %dma_wait3A_133 = arith.constant 0 : i32
        %dma_wait3A_134 = tpu.memref_slice %arg2[%dma_wait3A_132, %dma_wait3A_133] : memref<10016x128xf32, #tpu.memory_space<hbm>> -> memref<10016x128xf32, #tpu.memory_space<hbm>>
        tpu.wait_indirect_dma semaphore(%arg19 : memref<!tpu.dma_semaphore, #tpu.memory_space<semaphore_mem>>) src(%dma_wait3A_134 : memref<10016x128xf32, #tpu.memory_space<hbm>>) dst(%dma_wait3A_130 : memref<64x128xf32, #tpu.memory_space<vmem>>)
        %mul3A_135 = arith.constant 64 : i32
        %mul3A_136 = arith.muli %mul3A_103, %mul3A_135 : i32
        %dma_wait3A_137 = arith.constant 0 : i32
        %dma_wait3A_138 = arith.constant 0 : i32
        %dma_wait3A_139 = tpu.memref_slice %arg17[%dma_wait3A_137, %dma_wait3A_138] : memref<2x64xf32, #tpu.memory_space<vmem>> -> memref<1x64xf32, #tpu.memory_space<vmem>>
        %dma_wait3A_140 = tpu.memref_squeeze %dma_wait3A_139 : memref<1x64xf32, #tpu.memory_space<vmem>> -> memref<64xf32, #tpu.memory_space<vmem>>
        %dma_wait3A_141 = tpu.memref_slice %arg14[%mul3A_136] : memref<15872xi32, #tpu.memory_space<vmem>> -> memref<64xi32, #tpu.memory_space<vmem>>
        %dma_wait3A_142 = arith.constant 0 : i32
        %dma_wait3A_143 = tpu.memref_slice %arg3[%dma_wait3A_142] : memref<10016xf32, #tpu.memory_space<hbm>> -> memref<10016xf32, #tpu.memory_space<hbm>>
        tpu.wait_indirect_dma semaphore(%arg19 : memref<!tpu.dma_semaphore, #tpu.memory_space<semaphore_mem>>) src(%dma_wait3A_143 : memref<10016xf32, #tpu.memory_space<hbm>>) dst(%dma_wait3A_140 : memref<64xf32, #tpu.memory_space<vmem>>)
        %scan3A_144 = arith.constant 0 : i32
        %scan3A_145 = arith.constant 0 : i32
        %scan3A_146 = arith.constant 4 : i32
        %scan3A_147 = arith.addi %scan3A_145, %scan3A_146 : i32
        %scan3A_148 = arith.constant 1 : i32
        scf.for %scan3A_156 = %scan3A_145 to %scan3A_147 step %scan3A_148  : i32 {
          %mul3A_157 = arith.constant 1 : i32
          %mul3A_158 = arith.muli %scan3A_156, %mul3A_157 : i32
          %add3A_159 = arith.constant 0 : i32
          %add3A_160 = arith.addi %add3A_159, %mul3A_158 : i32
          %mul3A_161 = arith.constant 64 : i32
          %mul3A_162 = arith.muli %mul3A_103, %mul3A_161 : i32
          %mul3A_163 = arith.constant 16 : i32
          %mul3A_164 = arith.muli %add3A_160, %mul3A_163 : i32
          %add3A_165 = arith.addi %mul3A_162, %mul3A_164 : i32
          %get3A = arith.index_cast %add3A_165 : i32 to index
          %get3A_166 = tpu.vector_load %arg15[%get3A] {strides = array<i32>} : memref<15872xi32, #tpu.memory_space<vmem>>, vector<16xi32>,
          %sub3A_167 = vector.broadcast %mul3A_2 : i32 to vector<16xi32>
          %sub3A_168 = arith.subi %get3A_166, %sub3A_167 : vector<16xi32>
          %jit3A_169 = arith.constant 0 : i32
          %jit3A_170 = arith.constant 319 : i32
          %max3A = vector.broadcast %jit3A_169 : i32 to vector<16xi32>
          %max3A_171 = arith.maxsi %max3A, %sub3A_168 : vector<16xi32>
          %min3A = vector.broadcast %jit3A_170 : i32 to vector<16xi32>
          %min3A_172 = arith.minsi %min3A, %max3A_171 : vector<16xi32>
          %mul3A_173 = arith.constant 16 : i32
          %mul3A_174 = arith.muli %add3A_160, %mul3A_173 : i32
          %get3A_175 = arith.constant 0 : i32
          %get3A_176 = tpu.memref_slice %arg17[%scan3A_144, %get3A_175] : memref<2x64xf32, #tpu.memory_space<vmem>> -> memref<1x64xf32, #tpu.memory_space<vmem>>
          %get3A_177 = tpu.memref_squeeze %get3A_176 : memref<1x64xf32, #tpu.memory_space<vmem>> -> memref<64xf32, #tpu.memory_space<vmem>>
          %get3A_178 = arith.index_cast %mul3A_174 : i32 to index
          %get3A_179 = tpu.vector_load %get3A_177[%get3A_178] {strides = array<i32>} : memref<64xf32, #tpu.memory_space<vmem>>, vector<16xf32>,
          %gather3A = tpu.vector_load_idx %arg10[%min3A_172] : memref<320xf32, #tpu.memory_space<vmem>>[vector<16xi32>], vector<16xf32>,
          %add3A_180 = arith.addf %get3A_179, %gather3A : vector<16xf32>
          %lt3A_181 = arith.constant 0.000000e+00 : f32
          %lt3A_182 = vector.broadcast %lt3A_181 : f32 to vector<16xf32>
          %lt3A_183 = arith.cmpf olt, %add3A_180, %lt3A_182 : vector<16xf32>
          %mul3A_184 = arith.constant 0.00999999977 : f32
          %mul3A_185 = vector.broadcast %mul3A_184 : f32 to vector<16xf32>
          %mul3A_186 = arith.mulf %add3A_180, %mul3A_185 : vector<16xf32>
          %select_n3A_187 = arith.select %lt3A_183, %mul3A_186, %add3A_180 : vector<16xi1>, vector<16xf32>
          %exp3A = math.exp %select_n3A_187 : vector<16xf32>
          %mul3A_188 = arith.constant 16 : i32
          %mul3A_189 = arith.muli %add3A_160, %mul3A_188 : i32
          %swap3A = arith.index_cast %mul3A_189 : i32 to index
          %swap3A_190 = tpu.vector_load %arg18[%swap3A] {strides = array<i32>} : memref<64xf32, #tpu.memory_space<vmem>>, vector<16xf32>,
          tpu.vector_store %arg18[%swap3A], %exp3A {strides = array<i32>} : memref<64xf32, #tpu.memory_space<vmem>>, vector<16xf32>,
        }
        %scan3A_149 = arith.constant 4 : i32
        %scan3A_150 = arith.constant 0 : i32
        %scan3A_151 = arith.constant 0 : i32
        %scan3A_152 = arith.constant 32 : i32
        %scan3A_153 = arith.addi %scan3A_151, %scan3A_152 : i32
        %scan3A_154 = arith.constant 1 : i32
        scf.for %scan3A_156 = %scan3A_151 to %scan3A_153 step %scan3A_154  : i32 {
          %mul3A_157 = arith.constant 2 : i32
          %mul3A_158 = arith.muli %scan3A_156, %mul3A_157 : i32
          %add3A_159 = arith.constant 0 : i32
          %add3A_160 = arith.addi %add3A_159, %mul3A_158 : i32
          %broadcast_in_dim3A_161 = vector.broadcast %add3A_160 : i32 to vector<16xi32>
          %add3A_162 = arith.constant 1 : i32
          %add3A_163 = vector.broadcast %add3A_162 : i32 to vector<16xi32>
          %add3A_164 = arith.addi %broadcast_in_dim3A_161, %add3A_163 : vector<16xi32>
          %gather3A = tpu.vector_load_idx %arg18[%broadcast_in_dim3A_161] : memref<64xf32, #tpu.memory_space<vmem>>[vector<16xi32>], vector<16xf32>,
          %gather3A_165 = tpu.vector_load_idx %arg18[%add3A_164] : memref<64xf32, #tpu.memory_space<vmem>>[vector<16xi32>], vector<16xf32>,
          %mul3A_166 = arith.constant 64 : i32
          %mul3A_167 = arith.muli %mul3A_103, %mul3A_166 : i32
          %add3A_168 = arith.addi %mul3A_167, %add3A_160 : i32
          %broadcast_in_dim3A_169 = vector.broadcast %add3A_168 : i32 to vector<16xi32>
          %gather3A_170 = tpu.vector_load_idx %arg15[%broadcast_in_dim3A_169] : memref<15872xi32, #tpu.memory_space<vmem>>[vector<16xi32>], vector<16xi32>,
          %slice3A = vector.extract_strided_slice %gather3A_170 {offsets = [0], sizes = [1], strides = [1]} : vector<16xi32> to vector<1xi32>
          %squeeze3A = vector.extract %slice3A[0] : i32 from vector<1xi32>
          %sub3A_171 = arith.subi %squeeze3A, %mul3A_2 : i32
          %jit3A_172 = arith.constant 0 : i32
          %jit3A_173 = arith.constant 319 : i32
          %max3A = arith.maxsi %jit3A_172, %sub3A_171 : i32
          %min3A = arith.minsi %jit3A_173, %max3A : i32
          %add3A_174 = arith.constant 1 : i32
          %add3A_175 = vector.broadcast %add3A_174 : i32 to vector<16xi32>
          %add3A_176 = arith.addi %broadcast_in_dim3A_169, %add3A_175 : vector<16xi32>
          %gather3A_177 = tpu.vector_load_idx %arg15[%add3A_176] : memref<15872xi32, #tpu.memory_space<vmem>>[vector<16xi32>], vector<16xi32>,
          %slice3A_178 = vector.extract_strided_slice %gather3A_177 {offsets = [0], sizes = [1], strides = [1]} : vector<16xi32> to vector<1xi32>
          %squeeze3A_179 = vector.extract %slice3A_178[0] : i32 from vector<1xi32>
          %sub3A_180 = arith.subi %squeeze3A_179, %mul3A_2 : i32
          %jit3A_181 = arith.constant 0 : i32
          %jit3A_182 = arith.constant 319 : i32
          %max3A_183 = arith.maxsi %jit3A_181, %sub3A_180 : i32
          %min3A_184 = arith.minsi %jit3A_182, %max3A_183 : i32
          %ne3A_185 = arith.cmpi ne, %min3A, %min3A_184 : i32
          %convert_element_type3A_186 = arith.extui %ne3A_185 : i1 to i32
          %cond3A_187 = arith.constant 0 : i32
          %cond3A_188 = arith.cmpi ne, %convert_element_type3A_186, %cond3A_187 : i32
          scf.if %cond3A_188 {
            %get3A = arith.index_cast %min3A : i32 to index
            %get3A_192 = arith.constant 0 : index
            %get3A_193 = tpu.vector_load %arg9[%get3A, %get3A_192] {strides = array<i32>} : memref<320x144xf32, #tpu.memory_space<vmem>>, vector<16xf32>,
            %get3A_194 = arith.constant 0 : i32
            %get3A_195 = arith.constant 0 : i32
            %get3A_196 = tpu.memref_slice %arg16[%scan3A_150, %get3A_194, %get3A_195] : memref<2x64x128xf32, #tpu.memory_space<vmem>> -> memref<1x64x128xf32, #tpu.memory_space<vmem>>
            %get3A_197 = tpu.memref_squeeze %get3A_196 : memref<1x64x128xf32, #tpu.memory_space<vmem>> -> memref<64x128xf32, #tpu.memory_space<vmem>>
            %get3A_198 = arith.index_cast %add3A_160 : i32 to index
            %get3A_199 = arith.constant 0 : index
            %get3A_200 = tpu.vector_load %get3A_197[%get3A_198, %get3A_199] {strides = array<i32>} : memref<64x128xf32, #tpu.memory_space<vmem>>, vector<16xf32>,
            %mul3A_201 = arith.mulf %gather3A, %get3A_200 : vector<16xf32>
            %add3A_202 = arith.addf %get3A_193, %mul3A_201 : vector<16xf32>
            %swap3A = arith.index_cast %min3A : i32 to index
            %swap3A_203 = arith.constant 0 : index
            %swap3A_204 = tpu.vector_load %arg9[%swap3A, %swap3A_203] {strides = array<i32>} : memref<320x144xf32, #tpu.memory_space<vmem>>, vector<16xf32>,
            tpu.vector_store %arg9[%swap3A, %swap3A_203], %add3A_202 {strides = array<i32>} : memref<320x144xf32, #tpu.memory_space<vmem>>, vector<16xf32>,
            %get3A_205 = arith.index_cast %min3A_184 : i32 to index
            %get3A_206 = arith.constant 0 : index
            %get3A_207 = tpu.vector_load %arg9[%get3A_205, %get3A_206] {strides = array<i32>} : memref<320x144xf32, #tpu.memory_space<vmem>>, vector<16xf32>,
            %add3A_208 = arith.constant 1 : i32
            %add3A_209 = arith.addi %add3A_160, %add3A_208 : i32
            %get3A_210 = arith.constant 0 : i32
            %get3A_211 = arith.constant 0 : i32
            %get3A_212 = tpu.memref_slice %arg16[%scan3A_150, %get3A_210, %get3A_211] : memref<2x64x128xf32, #tpu.memory_space<vmem>> -> memref<1x64x128xf32, #tpu.memory_space<vmem>>
            %get3A_213 = tpu.memref_squeeze %get3A_212 : memref<1x64x128xf32, #tpu.memory_space<vmem>> -> memref<64x128xf32, #tpu.memory_space<vmem>>
            %get3A_214 = arith.index_cast %add3A_209 : i32 to index
            %get3A_215 = arith.constant 0 : index
            %get3A_216 = tpu.vector_load %get3A_213[%get3A_214, %get3A_215] {strides = array<i32>} : memref<64x128xf32, #tpu.memory_space<vmem>>, vector<16xf32>,
            %mul3A_217 = arith.mulf %gather3A_165, %get3A_216 : vector<16xf32>
            %add3A_218 = arith.addf %get3A_207, %mul3A_217 : vector<16xf32>
            %swap3A_219 = arith.index_cast %min3A_184 : i32 to index
            %swap3A_220 = arith.constant 0 : index
            %swap3A_221 = tpu.vector_load %arg9[%swap3A_219, %swap3A_220] {strides = array<i32>} : memref<320x144xf32, #tpu.memory_space<vmem>>, vector<16xf32>,
            tpu.vector_store %arg9[%swap3A_219, %swap3A_220], %add3A_218 {strides = array<i32>} : memref<320x144xf32, #tpu.memory_space<vmem>>, vector<16xf32>,
            %get3A_222 = arith.index_cast %min3A : i32 to index
            %get3A_223 = arith.constant 16 : index
            %get3A_224 = tpu.vector_load %arg9[%get3A_222, %get3A_223] {strides = array<i32>} : memref<320x144xf32, #tpu.memory_space<vmem>>, vector<16xf32>,
            %get3A_225 = arith.constant 0 : i32
            %get3A_226 = arith.constant 0 : i32
            %get3A_227 = tpu.memref_slice %arg16[%scan3A_150, %get3A_225, %get3A_226] : memref<2x64x128xf32, #tpu.memory_space<vmem>> -> memref<1x64x128xf32, #tpu.memory_space<vmem>>
            %get3A_228 = tpu.memref_squeeze %get3A_227 : memref<1x64x128xf32, #tpu.memory_space<vmem>> -> memref<64x128xf32, #tpu.memory_space<vmem>>
            %get3A_229 = arith.index_cast %add3A_160 : i32 to index
            %get3A_230 = arith.constant 16 : index
            %get3A_231 = tpu.vector_load %get3A_228[%get3A_229, %get3A_230] {strides = array<i32>} : memref<64x128xf32, #tpu.memory_space<vmem>>, vector<16xf32>,
            %mul3A_232 = arith.mulf %gather3A, %get3A_231 : vector<16xf32>
            %add3A_233 = arith.addf %get3A_224, %mul3A_232 : vector<16xf32>
            %swap3A_234 = arith.index_cast %min3A : i32 to index
            %swap3A_235 = arith.constant 16 : index
            %swap3A_236 = tpu.vector_load %arg9[%swap3A_234, %swap3A_235] {strides = array<i32>} : memref<320x144xf32, #tpu.memory_space<vmem>>, vector<16xf32>,
            tpu.vector_store %arg9[%swap3A_234, %swap3A_235], %add3A_233 {strides = array<i32>} : memref<320x144xf32, #tpu.memory_space<vmem>>, vector<16xf32>,
            %get3A_237 = arith.index_cast %min3A_184 : i32 to index
            %get3A_238 = arith.constant 16 : index
            %get3A_239 = tpu.vector_load %arg9[%get3A_237, %get3A_238] {strides = array<i32>} : memref<320x144xf32, #tpu.memory_space<vmem>>, vector<16xf32>,
            %add3A_240 = arith.constant 1 : i32
            %add3A_241 = arith.addi %add3A_160, %add3A_240 : i32
            %get3A_242 = arith.constant 0 : i32
            %get3A_243 = arith.constant 0 : i32
            %get3A_244 = tpu.memref_slice %arg16[%scan3A_150, %get3A_242, %get3A_243] : memref<2x64x128xf32, #tpu.memory_space<vmem>> -> memref<1x64x128xf32, #tpu.memory_space<vmem>>
            %get3A_245 = tpu.memref_squeeze %get3A_244 : memref<1x64x128xf32, #tpu.memory_space<vmem>> -> memref<64x128xf32, #tpu.memory_space<vmem>>
            %get3A_246 = arith.index_cast %add3A_241 : i32 to index
            %get3A_247 = arith.constant 16 : index
            %get3A_248 = tpu.vector_load %get3A_245[%get3A_246, %get3A_247] {strides = array<i32>} : memref<64x128xf32, #tpu.memory_space<vmem>>, vector<16xf32>,
            %mul3A_249 = arith.mulf %gather3A_165, %get3A_248 : vector<16xf32>
            %add3A_250 = arith.addf %get3A_239, %mul3A_249 : vector<16xf32>
            %swap3A_251 = arith.index_cast %min3A_184 : i32 to index
            %swap3A_252 = arith.constant 16 : index
            %swap3A_253 = tpu.vector_load %arg9[%swap3A_251, %swap3A_252] {strides = array<i32>} : memref<320x144xf32, #tpu.memory_space<vmem>>, vector<16xf32>,
            tpu.vector_store %arg9[%swap3A_251, %swap3A_252], %add3A_250 {strides = array<i32>} : memref<320x144xf32, #tpu.memory_space<vmem>>, vector<16xf32>,
            %get3A_254 = arith.index_cast %min3A : i32 to index
            %get3A_255 = arith.constant 32 : index
            %get3A_256 = tpu.vector_load %arg9[%get3A_254, %get3A_255] {strides = array<i32>} : memref<320x144xf32, #tpu.memory_space<vmem>>, vector<16xf32>,
            %get3A_257 = arith.constant 0 : i32
            %get3A_258 = arith.constant 0 : i32
            %get3A_259 = tpu.memref_slice %arg16[%scan3A_150, %get3A_257, %get3A_258] : memref<2x64x128xf32, #tpu.memory_space<vmem>> -> memref<1x64x128xf32, #tpu.memory_space<vmem>>
            %get3A_260 = tpu.memref_squeeze %get3A_259 : memref<1x64x128xf32, #tpu.memory_space<vmem>> -> memref<64x128xf32, #tpu.memory_space<vmem>>
            %get3A_261 = arith.index_cast %add3A_160 : i32 to index
            %get3A_262 = arith.constant 32 : index
            %get3A_263 = tpu.vector_load %get3A_260[%get3A_261, %get3A_262] {strides = array<i32>} : memref<64x128xf32, #tpu.memory_space<vmem>>, vector<16xf32>,
            %mul3A_264 = arith.mulf %gather3A, %get3A_263 : vector<16xf32>
            %add3A_265 = arith.addf %get3A_256, %mul3A_264 : vector<16xf32>
            %swap3A_266 = arith.index_cast %min3A : i32 to index
            %swap3A_267 = arith.constant 32 : index
            %swap3A_268 = tpu.vector_load %arg9[%swap3A_266, %swap3A_267] {strides = array<i32>} : memref<320x144xf32, #tpu.memory_space<vmem>>, vector<16xf32>,
            tpu.vector_store %arg9[%swap3A_266, %swap3A_267], %add3A_265 {strides = array<i32>} : memref<320x144xf32, #tpu.memory_space<vmem>>, vector<16xf32>,
            %get3A_269 = arith.index_cast %min3A_184 : i32 to index
            %get3A_270 = arith.constant 32 : index
            %get3A_271 = tpu.vector_load %arg9[%get3A_269, %get3A_270] {strides = array<i32>} : memref<320x144xf32, #tpu.memory_space<vmem>>, vector<16xf32>,
            %add3A_272 = arith.constant 1 : i32
            %add3A_273 = arith.addi %add3A_160, %add3A_272 : i32
            %get3A_274 = arith.constant 0 : i32
            %get3A_275 = arith.constant 0 : i32
            %get3A_276 = tpu.memref_slice %arg16[%scan3A_150, %get3A_274, %get3A_275] : memref<2x64x128xf32, #tpu.memory_space<vmem>> -> memref<1x64x128xf32, #tpu.memory_space<vmem>>
            %get3A_277 = tpu.memref_squeeze %get3A_276 : memref<1x64x128xf32, #tpu.memory_space<vmem>> -> memref<64x128xf32, #tpu.memory_space<vmem>>
            %get3A_278 = arith.index_cast %add3A_273 : i32 to index
            %get3A_279 = arith.constant 32 : index
            %get3A_280 = tpu.vector_load %get3A_277[%get3A_278, %get3A_279] {strides = array<i32>} : memref<64x128xf32, #tpu.memory_space<vmem>>, vector<16xf32>,
            %mul3A_281 = arith.mulf %gather3A_165, %get3A_280 : vector<16xf32>
            %add3A_282 = arith.addf %get3A_271, %mul3A_281 : vector<16xf32>
            %swap3A_283 = arith.index_cast %min3A_184 : i32 to index
            %swap3A_284 = arith.constant 32 : index
            %swap3A_285 = tpu.vector_load %arg9[%swap3A_283, %swap3A_284] {strides = array<i32>} : memref<320x144xf32, #tpu.memory_space<vmem>>, vector<16xf32>,
            tpu.vector_store %arg9[%swap3A_283, %swap3A_284], %add3A_282 {strides = array<i32>} : memref<320x144xf32, #tpu.memory_space<vmem>>, vector<16xf32>,
            %get3A_286 = arith.index_cast %min3A : i32 to index
            %get3A_287 = arith.constant 48 : index
            %get3A_288 = tpu.vector_load %arg9[%get3A_286, %get3A_287] {strides = array<i32>} : memref<320x144xf32, #tpu.memory_space<vmem>>, vector<16xf32>,
            %get3A_289 = arith.constant 0 : i32
            %get3A_290 = arith.constant 0 : i32
            %get3A_291 = tpu.memref_slice %arg16[%scan3A_150, %get3A_289, %get3A_290] : memref<2x64x128xf32, #tpu.memory_space<vmem>> -> memref<1x64x128xf32, #tpu.memory_space<vmem>>
            %get3A_292 = tpu.memref_squeeze %get3A_291 : memref<1x64x128xf32, #tpu.memory_space<vmem>> -> memref<64x128xf32, #tpu.memory_space<vmem>>
            %get3A_293 = arith.index_cast %add3A_160 : i32 to index
            %get3A_294 = arith.constant 48 : index
            %get3A_295 = tpu.vector_load %get3A_292[%get3A_293, %get3A_294] {strides = array<i32>} : memref<64x128xf32, #tpu.memory_space<vmem>>, vector<16xf32>,
            %mul3A_296 = arith.mulf %gather3A, %get3A_295 : vector<16xf32>
            %add3A_297 = arith.addf %get3A_288, %mul3A_296 : vector<16xf32>
            %swap3A_298 = arith.index_cast %min3A : i32 to index
            %swap3A_299 = arith.constant 48 : index
            %swap3A_300 = tpu.vector_load %arg9[%swap3A_298, %swap3A_299] {strides = array<i32>} : memref<320x144xf32, #tpu.memory_space<vmem>>, vector<16xf32>,
            tpu.vector_store %arg9[%swap3A_298, %swap3A_299], %add3A_297 {strides = array<i32>} : memref<320x144xf32, #tpu.memory_space<vmem>>, vector<16xf32>,
            %get3A_301 = arith.index_cast %min3A_184 : i32 to index
            %get3A_302 = arith.constant 48 : index
            %get3A_303 = tpu.vector_load %arg9[%get3A_301, %get3A_302] {strides = array<i32>} : memref<320x144xf32, #tpu.memory_space<vmem>>, vector<16xf32>,
            %add3A_304 = arith.constant 1 : i32
            %add3A_305 = arith.addi %add3A_160, %add3A_304 : i32
            %get3A_306 = arith.constant 0 : i32
            %get3A_307 = arith.constant 0 : i32
            %get3A_308 = tpu.memref_slice %arg16[%scan3A_150, %get3A_306, %get3A_307] : memref<2x64x128xf32, #tpu.memory_space<vmem>> -> memref<1x64x128xf32, #tpu.memory_space<vmem>>
            %get3A_309 = tpu.memref_squeeze %get3A_308 : memref<1x64x128xf32, #tpu.memory_space<vmem>> -> memref<64x128xf32, #tpu.memory_space<vmem>>
            %get3A_310 = arith.index_cast %add3A_305 : i32 to index
            %get3A_311 = arith.constant 48 : index
            %get3A_312 = tpu.vector_load %get3A_309[%get3A_310, %get3A_311] {strides = array<i32>} : memref<64x128xf32, #tpu.memory_space<vmem>>, vector<16xf32>,
            %mul3A_313 = arith.mulf %gather3A_165, %get3A_312 : vector<16xf32>
            %add3A_314 = arith.addf %get3A_303, %mul3A_313 : vector<16xf32>
            %swap3A_315 = arith.index_cast %min3A_184 : i32 to index
            %swap3A_316 = arith.constant 48 : index
            %swap3A_317 = tpu.vector_load %arg9[%swap3A_315, %swap3A_316] {strides = array<i32>} : memref<320x144xf32, #tpu.memory_space<vmem>>, vector<16xf32>,
            tpu.vector_store %arg9[%swap3A_315, %swap3A_316], %add3A_314 {strides = array<i32>} : memref<320x144xf32, #tpu.memory_space<vmem>>, vector<16xf32>,
            %get3A_318 = arith.index_cast %min3A : i32 to index
            %get3A_319 = arith.constant 64 : index
            %get3A_320 = tpu.vector_load %arg9[%get3A_318, %get3A_319] {strides = array<i32>} : memref<320x144xf32, #tpu.memory_space<vmem>>, vector<16xf32>,
            %get3A_321 = arith.constant 0 : i32
            %get3A_322 = arith.constant 0 : i32
            %get3A_323 = tpu.memref_slice %arg16[%scan3A_150, %get3A_321, %get3A_322] : memref<2x64x128xf32, #tpu.memory_space<vmem>> -> memref<1x64x128xf32, #tpu.memory_space<vmem>>
            %get3A_324 = tpu.memref_squeeze %get3A_323 : memref<1x64x128xf32, #tpu.memory_space<vmem>> -> memref<64x128xf32, #tpu.memory_space<vmem>>
            %get3A_325 = arith.index_cast %add3A_160 : i32 to index
            %get3A_326 = arith.constant 64 : index
            %get3A_327 = tpu.vector_load %get3A_324[%get3A_325, %get3A_326] {strides = array<i32>} : memref<64x128xf32, #tpu.memory_space<vmem>>, vector<16xf32>,
            %mul3A_328 = arith.mulf %gather3A, %get3A_327 : vector<16xf32>
            %add3A_329 = arith.addf %get3A_320, %mul3A_328 : vector<16xf32>
            %swap3A_330 = arith.index_cast %min3A : i32 to index
            %swap3A_331 = arith.constant 64 : index
            %swap3A_332 = tpu.vector_load %arg9[%swap3A_330, %swap3A_331] {strides = array<i32>} : memref<320x144xf32, #tpu.memory_space<vmem>>, vector<16xf32>,
            tpu.vector_store %arg9[%swap3A_330, %swap3A_331], %add3A_329 {strides = array<i32>} : memref<320x144xf32, #tpu.memory_space<vmem>>, vector<16xf32>,
            %get3A_333 = arith.index_cast %min3A_184 : i32 to index
            %get3A_334 = arith.constant 64 : index
            %get3A_335 = tpu.vector_load %arg9[%get3A_333, %get3A_334] {strides = array<i32>} : memref<320x144xf32, #tpu.memory_space<vmem>>, vector<16xf32>,
            %add3A_336 = arith.constant 1 : i32
            %add3A_337 = arith.addi %add3A_160, %add3A_336 : i32
            %get3A_338 = arith.constant 0 : i32
            %get3A_339 = arith.constant 0 : i32
            %get3A_340 = tpu.memref_slice %arg16[%scan3A_150, %get3A_338, %get3A_339] : memref<2x64x128xf32, #tpu.memory_space<vmem>> -> memref<1x64x128xf32, #tpu.memory_space<vmem>>
            %get3A_341 = tpu.memref_squeeze %get3A_340 : memref<1x64x128xf32, #tpu.memory_space<vmem>> -> memref<64x128xf32, #tpu.memory_space<vmem>>
            %get3A_342 = arith.index_cast %add3A_337 : i32 to index
            %get3A_343 = arith.constant 64 : index
            %get3A_344 = tpu.vector_load %get3A_341[%get3A_342, %get3A_343] {strides = array<i32>} : memref<64x128xf32, #tpu.memory_space<vmem>>, vector<16xf32>,
            %mul3A_345 = arith.mulf %gather3A_165, %get3A_344 : vector<16xf32>
            %add3A_346 = arith.addf %get3A_335, %mul3A_345 : vector<16xf32>
            %swap3A_347 = arith.index_cast %min3A_184 : i32 to index
            %swap3A_348 = arith.constant 64 : index
            %swap3A_349 = tpu.vector_load %arg9[%swap3A_347, %swap3A_348] {strides = array<i32>} : memref<320x144xf32, #tpu.memory_space<vmem>>, vector<16xf32>,
            tpu.vector_store %arg9[%swap3A_347, %swap3A_348], %add3A_346 {strides = array<i32>} : memref<320x144xf32, #tpu.memory_space<vmem>>, vector<16xf32>,
            %get3A_350 = arith.index_cast %min3A : i32 to index
            %get3A_351 = arith.constant 80 : index
            %get3A_352 = tpu.vector_load %arg9[%get3A_350, %get3A_351] {strides = array<i32>} : memref<320x144xf32, #tpu.memory_space<vmem>>, vector<16xf32>,
            %get3A_353 = arith.constant 0 : i32
            %get3A_354 = arith.constant 0 : i32
            %get3A_355 = tpu.memref_slice %arg16[%scan3A_150, %get3A_353, %get3A_354] : memref<2x64x128xf32, #tpu.memory_space<vmem>> -> memref<1x64x128xf32, #tpu.memory_space<vmem>>
            %get3A_356 = tpu.memref_squeeze %get3A_355 : memref<1x64x128xf32, #tpu.memory_space<vmem>> -> memref<64x128xf32, #tpu.memory_space<vmem>>
            %get3A_357 = arith.index_cast %add3A_160 : i32 to index
            %get3A_358 = arith.constant 80 : index
            %get3A_359 = tpu.vector_load %get3A_356[%get3A_357, %get3A_358] {strides = array<i32>} : memref<64x128xf32, #tpu.memory_space<vmem>>, vector<16xf32>,
            %mul3A_360 = arith.mulf %gather3A, %get3A_359 : vector<16xf32>
            %add3A_361 = arith.addf %get3A_352, %mul3A_360 : vector<16xf32>
            %swap3A_362 = arith.index_cast %min3A : i32 to index
            %swap3A_363 = arith.constant 80 : index
            %swap3A_364 = tpu.vector_load %arg9[%swap3A_362, %swap3A_363] {strides = array<i32>} : memref<320x144xf32, #tpu.memory_space<vmem>>, vector<16xf32>,
            tpu.vector_store %arg9[%swap3A_362, %swap3A_363], %add3A_361 {strides = array<i32>} : memref<320x144xf32, #tpu.memory_space<vmem>>, vector<16xf32>,
            %get3A_365 = arith.index_cast %min3A_184 : i32 to index
            %get3A_366 = arith.constant 80 : index
            %get3A_367 = tpu.vector_load %arg9[%get3A_365, %get3A_366] {strides = array<i32>} : memref<320x144xf32, #tpu.memory_space<vmem>>, vector<16xf32>,
            %add3A_368 = arith.constant 1 : i32
            %add3A_369 = arith.addi %add3A_160, %add3A_368 : i32
            %get3A_370 = arith.constant 0 : i32
            %get3A_371 = arith.constant 0 : i32
            %get3A_372 = tpu.memref_slice %arg16[%scan3A_150, %get3A_370, %get3A_371] : memref<2x64x128xf32, #tpu.memory_space<vmem>> -> memref<1x64x128xf32, #tpu.memory_space<vmem>>
            %get3A_373 = tpu.memref_squeeze %get3A_372 : memref<1x64x128xf32, #tpu.memory_space<vmem>> -> memref<64x128xf32, #tpu.memory_space<vmem>>
            %get3A_374 = arith.index_cast %add3A_369 : i32 to index
            %get3A_375 = arith.constant 80 : index
            %get3A_376 = tpu.vector_load %get3A_373[%get3A_374, %get3A_375] {strides = array<i32>} : memref<64x128xf32, #tpu.memory_space<vmem>>, vector<16xf32>,
            %mul3A_377 = arith.mulf %gather3A_165, %get3A_376 : vector<16xf32>
            %add3A_378 = arith.addf %get3A_367, %mul3A_377 : vector<16xf32>
            %swap3A_379 = arith.index_cast %min3A_184 : i32 to index
            %swap3A_380 = arith.constant 80 : index
            %swap3A_381 = tpu.vector_load %arg9[%swap3A_379, %swap3A_380] {strides = array<i32>} : memref<320x144xf32, #tpu.memory_space<vmem>>, vector<16xf32>,
            tpu.vector_store %arg9[%swap3A_379, %swap3A_380], %add3A_378 {strides = array<i32>} : memref<320x144xf32, #tpu.memory_space<vmem>>, vector<16xf32>,
            %get3A_382 = arith.index_cast %min3A : i32 to index
            %get3A_383 = arith.constant 96 : index
            %get3A_384 = tpu.vector_load %arg9[%get3A_382, %get3A_383] {strides = array<i32>} : memref<320x144xf32, #tpu.memory_space<vmem>>, vector<16xf32>,
            %get3A_385 = arith.constant 0 : i32
            %get3A_386 = arith.constant 0 : i32
            %get3A_387 = tpu.memref_slice %arg16[%scan3A_150, %get3A_385, %get3A_386] : memref<2x64x128xf32, #tpu.memory_space<vmem>> -> memref<1x64x128xf32, #tpu.memory_space<vmem>>
            %get3A_388 = tpu.memref_squeeze %get3A_387 : memref<1x64x128xf32, #tpu.memory_space<vmem>> -> memref<64x128xf32, #tpu.memory_space<vmem>>
            %get3A_389 = arith.index_cast %add3A_160 : i32 to index
            %get3A_390 = arith.constant 96 : index
            %get3A_391 = tpu.vector_load %get3A_388[%get3A_389, %get3A_390] {strides = array<i32>} : memref<64x128xf32, #tpu.memory_space<vmem>>, vector<16xf32>,
            %mul3A_392 = arith.mulf %gather3A, %get3A_391 : vector<16xf32>
            %add3A_393 = arith.addf %get3A_384, %mul3A_392 : vector<16xf32>
            %swap3A_394 = arith.index_cast %min3A : i32 to index
            %swap3A_395 = arith.constant 96 : index
            %swap3A_396 = tpu.vector_load %arg9[%swap3A_394, %swap3A_395] {strides = array<i32>} : memref<320x144xf32, #tpu.memory_space<vmem>>, vector<16xf32>,
            tpu.vector_store %arg9[%swap3A_394, %swap3A_395], %add3A_393 {strides = array<i32>} : memref<320x144xf32, #tpu.memory_space<vmem>>, vector<16xf32>,
            %get3A_397 = arith.index_cast %min3A_184 : i32 to index
            %get3A_398 = arith.constant 96 : index
            %get3A_399 = tpu.vector_load %arg9[%get3A_397, %get3A_398] {strides = array<i32>} : memref<320x144xf32, #tpu.memory_space<vmem>>, vector<16xf32>,
            %add3A_400 = arith.constant 1 : i32
            %add3A_401 = arith.addi %add3A_160, %add3A_400 : i32
            %get3A_402 = arith.constant 0 : i32
            %get3A_403 = arith.constant 0 : i32
            %get3A_404 = tpu.memref_slice %arg16[%scan3A_150, %get3A_402, %get3A_403] : memref<2x64x128xf32, #tpu.memory_space<vmem>> -> memref<1x64x128xf32, #tpu.memory_space<vmem>>
            %get3A_405 = tpu.memref_squeeze %get3A_404 : memref<1x64x128xf32, #tpu.memory_space<vmem>> -> memref<64x128xf32, #tpu.memory_space<vmem>>
            %get3A_406 = arith.index_cast %add3A_401 : i32 to index
            %get3A_407 = arith.constant 96 : index
            %get3A_408 = tpu.vector_load %get3A_405[%get3A_406, %get3A_407] {strides = array<i32>} : memref<64x128xf32, #tpu.memory_space<vmem>>, vector<16xf32>,
            %mul3A_409 = arith.mulf %gather3A_165, %get3A_408 : vector<16xf32>
            %add3A_410 = arith.addf %get3A_399, %mul3A_409 : vector<16xf32>
            %swap3A_411 = arith.index_cast %min3A_184 : i32 to index
            %swap3A_412 = arith.constant 96 : index
            %swap3A_413 = tpu.vector_load %arg9[%swap3A_411, %swap3A_412] {strides = array<i32>} : memref<320x144xf32, #tpu.memory_space<vmem>>, vector<16xf32>,
            tpu.vector_store %arg9[%swap3A_411, %swap3A_412], %add3A_410 {strides = array<i32>} : memref<320x144xf32, #tpu.memory_space<vmem>>, vector<16xf32>,
            %get3A_414 = arith.index_cast %min3A : i32 to index
            %get3A_415 = arith.constant 112 : index
            %get3A_416 = tpu.vector_load %arg9[%get3A_414, %get3A_415] {strides = array<i32>} : memref<320x144xf32, #tpu.memory_space<vmem>>, vector<16xf32>,
            %get3A_417 = arith.constant 0 : i32
            %get3A_418 = arith.constant 0 : i32
            %get3A_419 = tpu.memref_slice %arg16[%scan3A_150, %get3A_417, %get3A_418] : memref<2x64x128xf32, #tpu.memory_space<vmem>> -> memref<1x64x128xf32, #tpu.memory_space<vmem>>
            %get3A_420 = tpu.memref_squeeze %get3A_419 : memref<1x64x128xf32, #tpu.memory_space<vmem>> -> memref<64x128xf32, #tpu.memory_space<vmem>>
            %get3A_421 = arith.index_cast %add3A_160 : i32 to index
            %get3A_422 = arith.constant 112 : index
            %get3A_423 = tpu.vector_load %get3A_420[%get3A_421, %get3A_422] {strides = array<i32>} : memref<64x128xf32, #tpu.memory_space<vmem>>, vector<16xf32>,
            %mul3A_424 = arith.mulf %gather3A, %get3A_423 : vector<16xf32>
            %add3A_425 = arith.addf %get3A_416, %mul3A_424 : vector<16xf32>
            %swap3A_426 = arith.index_cast %min3A : i32 to index
            %swap3A_427 = arith.constant 112 : index
            %swap3A_428 = tpu.vector_load %arg9[%swap3A_426, %swap3A_427] {strides = array<i32>} : memref<320x144xf32, #tpu.memory_space<vmem>>, vector<16xf32>,
            tpu.vector_store %arg9[%swap3A_426, %swap3A_427], %add3A_425 {strides = array<i32>} : memref<320x144xf32, #tpu.memory_space<vmem>>, vector<16xf32>,
            %get3A_429 = arith.index_cast %min3A_184 : i32 to index
            %get3A_430 = arith.constant 112 : index
            %get3A_431 = tpu.vector_load %arg9[%get3A_429, %get3A_430] {strides = array<i32>} : memref<320x144xf32, #tpu.memory_space<vmem>>, vector<16xf32>,
            %add3A_432 = arith.constant 1 : i32
            %add3A_433 = arith.addi %add3A_160, %add3A_432 : i32
            %get3A_434 = arith.constant 0 : i32
            %get3A_435 = arith.constant 0 : i32
            %get3A_436 = tpu.memref_slice %arg16[%scan3A_150, %get3A_434, %get3A_435] : memref<2x64x128xf32, #tpu.memory_space<vmem>> -> memref<1x64x128xf32, #tpu.memory_space<vmem>>
            %get3A_437 = tpu.memref_squeeze %get3A_436 : memref<1x64x128xf32, #tpu.memory_space<vmem>> -> memref<64x128xf32, #tpu.memory_space<vmem>>
            %get3A_438 = arith.index_cast %add3A_433 : i32 to index
            %get3A_439 = arith.constant 112 : index
            %get3A_440 = tpu.vector_load %get3A_437[%get3A_438, %get3A_439] {strides = array<i32>} : memref<64x128xf32, #tpu.memory_space<vmem>>, vector<16xf32>,
            %mul3A_441 = arith.mulf %gather3A_165, %get3A_440 : vector<16xf32>
            %add3A_442 = arith.addf %get3A_431, %mul3A_441 : vector<16xf32>
            %swap3A_443 = arith.index_cast %min3A_184 : i32 to index
            %swap3A_444 = arith.constant 112 : index
            %swap3A_445 = tpu.vector_load %arg9[%swap3A_443, %swap3A_444] {strides = array<i32>} : memref<320x144xf32, #tpu.memory_space<vmem>>, vector<16xf32>,
            tpu.vector_store %arg9[%swap3A_443, %swap3A_444], %add3A_442 {strides = array<i32>} : memref<320x144xf32, #tpu.memory_space<vmem>>, vector<16xf32>,
            %get3A_446 = arith.index_cast %min3A : i32 to index
            %get3A_447 = arith.constant 128 : index
            %get3A_448 = tpu.vector_load %arg9[%get3A_446, %get3A_447] {strides = array<i32>} : memref<320x144xf32, #tpu.memory_space<vmem>>, vector<16xf32>,
            %eq3A_449 = arith.constant 0 : i32
            %eq3A_450 = vector.broadcast %eq3A_449 : i32 to vector<16xi32>
            %eq3A_451 = arith.cmpi eq, %iota3A, %eq3A_450 : vector<16xi32>
            %jit3A_452 = arith.constant 0.000000e+00 : f32
            %broadcast_in_dim3A_453 = vector.broadcast %jit3A_452 : f32 to vector<16xf32>
            %select_n3A_454 = arith.select %eq3A_451, %gather3A, %broadcast_in_dim3A_453 : vector<16xi1>, vector<16xf32>
            %add3A_455 = arith.addf %get3A_448, %select_n3A_454 : vector<16xf32>
            %swap3A_456 = arith.index_cast %min3A : i32 to index
            %swap3A_457 = arith.constant 128 : index
            %swap3A_458 = tpu.vector_load %arg9[%swap3A_456, %swap3A_457] {strides = array<i32>} : memref<320x144xf32, #tpu.memory_space<vmem>>, vector<16xf32>,
            tpu.vector_store %arg9[%swap3A_456, %swap3A_457], %add3A_455 {strides = array<i32>} : memref<320x144xf32, #tpu.memory_space<vmem>>, vector<16xf32>,
            %get3A_459 = arith.index_cast %min3A_184 : i32 to index
            %get3A_460 = arith.constant 128 : index
            %get3A_461 = tpu.vector_load %arg9[%get3A_459, %get3A_460] {strides = array<i32>} : memref<320x144xf32, #tpu.memory_space<vmem>>, vector<16xf32>,
            %eq3A_462 = arith.constant 0 : i32
            %eq3A_463 = vector.broadcast %eq3A_462 : i32 to vector<16xi32>
            %eq3A_464 = arith.cmpi eq, %iota3A, %eq3A_463 : vector<16xi32>
            %jit3A_465 = arith.constant 0.000000e+00 : f32
            %broadcast_in_dim3A_466 = vector.broadcast %jit3A_465 : f32 to vector<16xf32>
            %select_n3A_467 = arith.select %eq3A_464, %gather3A_165, %broadcast_in_dim3A_466 : vector<16xi1>, vector<16xf32>
            %add3A_468 = arith.addf %get3A_461, %select_n3A_467 : vector<16xf32>
            %swap3A_469 = arith.index_cast %min3A_184 : i32 to index
            %swap3A_470 = arith.constant 128 : index
            %swap3A_471 = tpu.vector_load %arg9[%swap3A_469, %swap3A_470] {strides = array<i32>} : memref<320x144xf32, #tpu.memory_space<vmem>>, vector<16xf32>,
            tpu.vector_store %arg9[%swap3A_469, %swap3A_470], %add3A_468 {strides = array<i32>} : memref<320x144xf32, #tpu.memory_space<vmem>>, vector<16xf32>,
          } else {
          }
          %eq3A = arith.cmpi eq, %min3A, %min3A_184 : i32
          %convert_element_type3A_189 = arith.extui %eq3A : i1 to i32
          %cond3A_190 = arith.constant 0 : i32
          %cond3A_191 = arith.cmpi ne, %convert_element_type3A_189, %cond3A_190 : i32
          scf.if %cond3A_191 {
            %get3A = arith.index_cast %min3A : i32 to index
            %get3A_192 = arith.constant 0 : index
            %get3A_193 = tpu.vector_load %arg9[%get3A, %get3A_192] {strides = array<i32>} : memref<320x144xf32, #tpu.memory_space<vmem>>, vector<16xf32>,
            %get3A_194 = arith.constant 0 : i32
            %get3A_195 = arith.constant 0 : i32
            %get3A_196 = tpu.memref_slice %arg16[%scan3A_150, %get3A_194, %get3A_195] : memref<2x64x128xf32, #tpu.memory_space<vmem>> -> memref<1x64x128xf32, #tpu.memory_space<vmem>>
            %get3A_197 = tpu.memref_squeeze %get3A_196 : memref<1x64x128xf32, #tpu.memory_space<vmem>> -> memref<64x128xf32, #tpu.memory_space<vmem>>
            %get3A_198 = arith.index_cast %add3A_160 : i32 to index
            %get3A_199 = arith.constant 0 : index
            %get3A_200 = tpu.vector_load %get3A_197[%get3A_198, %get3A_199] {strides = array<i32>} : memref<64x128xf32, #tpu.memory_space<vmem>>, vector<16xf32>,
            %mul3A_201 = arith.mulf %gather3A, %get3A_200 : vector<16xf32>
            %add3A_202 = arith.constant 1 : i32
            %add3A_203 = arith.addi %add3A_160, %add3A_202 : i32
            %get3A_204 = arith.constant 0 : i32
            %get3A_205 = arith.constant 0 : i32
            %get3A_206 = tpu.memref_slice %arg16[%scan3A_150, %get3A_204, %get3A_205] : memref<2x64x128xf32, #tpu.memory_space<vmem>> -> memref<1x64x128xf32, #tpu.memory_space<vmem>>
            %get3A_207 = tpu.memref_squeeze %get3A_206 : memref<1x64x128xf32, #tpu.memory_space<vmem>> -> memref<64x128xf32, #tpu.memory_space<vmem>>
            %get3A_208 = arith.index_cast %add3A_203 : i32 to index
            %get3A_209 = arith.constant 0 : index
            %get3A_210 = tpu.vector_load %get3A_207[%get3A_208, %get3A_209] {strides = array<i32>} : memref<64x128xf32, #tpu.memory_space<vmem>>, vector<16xf32>,
            %mul3A_211 = arith.mulf %gather3A_165, %get3A_210 : vector<16xf32>
            %add3A_212 = arith.addf %mul3A_201, %mul3A_211 : vector<16xf32>
            %add3A_213 = arith.addf %get3A_193, %add3A_212 : vector<16xf32>
            %swap3A = arith.index_cast %min3A : i32 to index
            %swap3A_214 = arith.constant 0 : index
            %swap3A_215 = tpu.vector_load %arg9[%swap3A, %swap3A_214] {strides = array<i32>} : memref<320x144xf32, #tpu.memory_space<vmem>>, vector<16xf32>,
            tpu.vector_store %arg9[%swap3A, %swap3A_214], %add3A_213 {strides = array<i32>} : memref<320x144xf32, #tpu.memory_space<vmem>>, vector<16xf32>,
            %get3A_216 = arith.index_cast %min3A : i32 to index
            %get3A_217 = arith.constant 16 : index
            %get3A_218 = tpu.vector_load %arg9[%get3A_216, %get3A_217] {strides = array<i32>} : memref<320x144xf32, #tpu.memory_space<vmem>>, vector<16xf32>,
            %get3A_219 = arith.constant 0 : i32
            %get3A_220 = arith.constant 0 : i32
            %get3A_221 = tpu.memref_slice %arg16[%scan3A_150, %get3A_219, %get3A_220] : memref<2x64x128xf32, #tpu.memory_space<vmem>> -> memref<1x64x128xf32, #tpu.memory_space<vmem>>
            %get3A_222 = tpu.memref_squeeze %get3A_221 : memref<1x64x128xf32, #tpu.memory_space<vmem>> -> memref<64x128xf32, #tpu.memory_space<vmem>>
            %get3A_223 = arith.index_cast %add3A_160 : i32 to index
            %get3A_224 = arith.constant 16 : index
            %get3A_225 = tpu.vector_load %get3A_222[%get3A_223, %get3A_224] {strides = array<i32>} : memref<64x128xf32, #tpu.memory_space<vmem>>, vector<16xf32>,
            %mul3A_226 = arith.mulf %gather3A, %get3A_225 : vector<16xf32>
            %add3A_227 = arith.constant 1 : i32
            %add3A_228 = arith.addi %add3A_160, %add3A_227 : i32
            %get3A_229 = arith.constant 0 : i32
            %get3A_230 = arith.constant 0 : i32
            %get3A_231 = tpu.memref_slice %arg16[%scan3A_150, %get3A_229, %get3A_230] : memref<2x64x128xf32, #tpu.memory_space<vmem>> -> memref<1x64x128xf32, #tpu.memory_space<vmem>>
            %get3A_232 = tpu.memref_squeeze %get3A_231 : memref<1x64x128xf32, #tpu.memory_space<vmem>> -> memref<64x128xf32, #tpu.memory_space<vmem>>
            %get3A_233 = arith.index_cast %add3A_228 : i32 to index
            %get3A_234 = arith.constant 16 : index
            %get3A_235 = tpu.vector_load %get3A_232[%get3A_233, %get3A_234] {strides = array<i32>} : memref<64x128xf32, #tpu.memory_space<vmem>>, vector<16xf32>,
            %mul3A_236 = arith.mulf %gather3A_165, %get3A_235 : vector<16xf32>
            %add3A_237 = arith.addf %mul3A_226, %mul3A_236 : vector<16xf32>
            %add3A_238 = arith.addf %get3A_218, %add3A_237 : vector<16xf32>
            %swap3A_239 = arith.index_cast %min3A : i32 to index
            %swap3A_240 = arith.constant 16 : index
            %swap3A_241 = tpu.vector_load %arg9[%swap3A_239, %swap3A_240] {strides = array<i32>} : memref<320x144xf32, #tpu.memory_space<vmem>>, vector<16xf32>,
            tpu.vector_store %arg9[%swap3A_239, %swap3A_240], %add3A_238 {strides = array<i32>} : memref<320x144xf32, #tpu.memory_space<vmem>>, vector<16xf32>,
            %get3A_242 = arith.index_cast %min3A : i32 to index
            %get3A_243 = arith.constant 32 : index
            %get3A_244 = tpu.vector_load %arg9[%get3A_242, %get3A_243] {strides = array<i32>} : memref<320x144xf32, #tpu.memory_space<vmem>>, vector<16xf32>,
            %get3A_245 = arith.constant 0 : i32
            %get3A_246 = arith.constant 0 : i32
            %get3A_247 = tpu.memref_slice %arg16[%scan3A_150, %get3A_245, %get3A_246] : memref<2x64x128xf32, #tpu.memory_space<vmem>> -> memref<1x64x128xf32, #tpu.memory_space<vmem>>
            %get3A_248 = tpu.memref_squeeze %get3A_247 : memref<1x64x128xf32, #tpu.memory_space<vmem>> -> memref<64x128xf32, #tpu.memory_space<vmem>>
            %get3A_249 = arith.index_cast %add3A_160 : i32 to index
            %get3A_250 = arith.constant 32 : index
            %get3A_251 = tpu.vector_load %get3A_248[%get3A_249, %get3A_250] {strides = array<i32>} : memref<64x128xf32, #tpu.memory_space<vmem>>, vector<16xf32>,
            %mul3A_252 = arith.mulf %gather3A, %get3A_251 : vector<16xf32>
            %add3A_253 = arith.constant 1 : i32
            %add3A_254 = arith.addi %add3A_160, %add3A_253 : i32
            %get3A_255 = arith.constant 0 : i32
            %get3A_256 = arith.constant 0 : i32
            %get3A_257 = tpu.memref_slice %arg16[%scan3A_150, %get3A_255, %get3A_256] : memref<2x64x128xf32, #tpu.memory_space<vmem>> -> memref<1x64x128xf32, #tpu.memory_space<vmem>>
            %get3A_258 = tpu.memref_squeeze %get3A_257 : memref<1x64x128xf32, #tpu.memory_space<vmem>> -> memref<64x128xf32, #tpu.memory_space<vmem>>
            %get3A_259 = arith.index_cast %add3A_254 : i32 to index
            %get3A_260 = arith.constant 32 : index
            %get3A_261 = tpu.vector_load %get3A_258[%get3A_259, %get3A_260] {strides = array<i32>} : memref<64x128xf32, #tpu.memory_space<vmem>>, vector<16xf32>,
            %mul3A_262 = arith.mulf %gather3A_165, %get3A_261 : vector<16xf32>
            %add3A_263 = arith.addf %mul3A_252, %mul3A_262 : vector<16xf32>
            %add3A_264 = arith.addf %get3A_244, %add3A_263 : vector<16xf32>
            %swap3A_265 = arith.index_cast %min3A : i32 to index
            %swap3A_266 = arith.constant 32 : index
            %swap3A_267 = tpu.vector_load %arg9[%swap3A_265, %swap3A_266] {strides = array<i32>} : memref<320x144xf32, #tpu.memory_space<vmem>>, vector<16xf32>,
            tpu.vector_store %arg9[%swap3A_265, %swap3A_266], %add3A_264 {strides = array<i32>} : memref<320x144xf32, #tpu.memory_space<vmem>>, vector<16xf32>,
            %get3A_268 = arith.index_cast %min3A : i32 to index
            %get3A_269 = arith.constant 48 : index
            %get3A_270 = tpu.vector_load %arg9[%get3A_268, %get3A_269] {strides = array<i32>} : memref<320x144xf32, #tpu.memory_space<vmem>>, vector<16xf32>,
            %get3A_271 = arith.constant 0 : i32
            %get3A_272 = arith.constant 0 : i32
            %get3A_273 = tpu.memref_slice %arg16[%scan3A_150, %get3A_271, %get3A_272] : memref<2x64x128xf32, #tpu.memory_space<vmem>> -> memref<1x64x128xf32, #tpu.memory_space<vmem>>
            %get3A_274 = tpu.memref_squeeze %get3A_273 : memref<1x64x128xf32, #tpu.memory_space<vmem>> -> memref<64x128xf32, #tpu.memory_space<vmem>>
            %get3A_275 = arith.index_cast %add3A_160 : i32 to index
            %get3A_276 = arith.constant 48 : index
            %get3A_277 = tpu.vector_load %get3A_274[%get3A_275, %get3A_276] {strides = array<i32>} : memref<64x128xf32, #tpu.memory_space<vmem>>, vector<16xf32>,
            %mul3A_278 = arith.mulf %gather3A, %get3A_277 : vector<16xf32>
            %add3A_279 = arith.constant 1 : i32
            %add3A_280 = arith.addi %add3A_160, %add3A_279 : i32
            %get3A_281 = arith.constant 0 : i32
            %get3A_282 = arith.constant 0 : i32
            %get3A_283 = tpu.memref_slice %arg16[%scan3A_150, %get3A_281, %get3A_282] : memref<2x64x128xf32, #tpu.memory_space<vmem>> -> memref<1x64x128xf32, #tpu.memory_space<vmem>>
            %get3A_284 = tpu.memref_squeeze %get3A_283 : memref<1x64x128xf32, #tpu.memory_space<vmem>> -> memref<64x128xf32, #tpu.memory_space<vmem>>
            %get3A_285 = arith.index_cast %add3A_280 : i32 to index
            %get3A_286 = arith.constant 48 : index
            %get3A_287 = tpu.vector_load %get3A_284[%get3A_285, %get3A_286] {strides = array<i32>} : memref<64x128xf32, #tpu.memory_space<vmem>>, vector<16xf32>,
            %mul3A_288 = arith.mulf %gather3A_165, %get3A_287 : vector<16xf32>
            %add3A_289 = arith.addf %mul3A_278, %mul3A_288 : vector<16xf32>
            %add3A_290 = arith.addf %get3A_270, %add3A_289 : vector<16xf32>
            %swap3A_291 = arith.index_cast %min3A : i32 to index
            %swap3A_292 = arith.constant 48 : index
            %swap3A_293 = tpu.vector_load %arg9[%swap3A_291, %swap3A_292] {strides = array<i32>} : memref<320x144xf32, #tpu.memory_space<vmem>>, vector<16xf32>,
            tpu.vector_store %arg9[%swap3A_291, %swap3A_292], %add3A_290 {strides = array<i32>} : memref<320x144xf32, #tpu.memory_space<vmem>>, vector<16xf32>,
            %get3A_294 = arith.index_cast %min3A : i32 to index
            %get3A_295 = arith.constant 64 : index
            %get3A_296 = tpu.vector_load %arg9[%get3A_294, %get3A_295] {strides = array<i32>} : memref<320x144xf32, #tpu.memory_space<vmem>>, vector<16xf32>,
            %get3A_297 = arith.constant 0 : i32
            %get3A_298 = arith.constant 0 : i32
            %get3A_299 = tpu.memref_slice %arg16[%scan3A_150, %get3A_297, %get3A_298] : memref<2x64x128xf32, #tpu.memory_space<vmem>> -> memref<1x64x128xf32, #tpu.memory_space<vmem>>
            %get3A_300 = tpu.memref_squeeze %get3A_299 : memref<1x64x128xf32, #tpu.memory_space<vmem>> -> memref<64x128xf32, #tpu.memory_space<vmem>>
            %get3A_301 = arith.index_cast %add3A_160 : i32 to index
            %get3A_302 = arith.constant 64 : index
            %get3A_303 = tpu.vector_load %get3A_300[%get3A_301, %get3A_302] {strides = array<i32>} : memref<64x128xf32, #tpu.memory_space<vmem>>, vector<16xf32>,
            %mul3A_304 = arith.mulf %gather3A, %get3A_303 : vector<16xf32>
            %add3A_305 = arith.constant 1 : i32
            %add3A_306 = arith.addi %add3A_160, %add3A_305 : i32
            %get3A_307 = arith.constant 0 : i32
            %get3A_308 = arith.constant 0 : i32
            %get3A_309 = tpu.memref_slice %arg16[%scan3A_150, %get3A_307, %get3A_308] : memref<2x64x128xf32, #tpu.memory_space<vmem>> -> memref<1x64x128xf32, #tpu.memory_space<vmem>>
            %get3A_310 = tpu.memref_squeeze %get3A_309 : memref<1x64x128xf32, #tpu.memory_space<vmem>> -> memref<64x128xf32, #tpu.memory_space<vmem>>
            %get3A_311 = arith.index_cast %add3A_306 : i32 to index
            %get3A_312 = arith.constant 64 : index
            %get3A_313 = tpu.vector_load %get3A_310[%get3A_311, %get3A_312] {strides = array<i32>} : memref<64x128xf32, #tpu.memory_space<vmem>>, vector<16xf32>,
            %mul3A_314 = arith.mulf %gather3A_165, %get3A_313 : vector<16xf32>
            %add3A_315 = arith.addf %mul3A_304, %mul3A_314 : vector<16xf32>
            %add3A_316 = arith.addf %get3A_296, %add3A_315 : vector<16xf32>
            %swap3A_317 = arith.index_cast %min3A : i32 to index
            %swap3A_318 = arith.constant 64 : index
            %swap3A_319 = tpu.vector_load %arg9[%swap3A_317, %swap3A_318] {strides = array<i32>} : memref<320x144xf32, #tpu.memory_space<vmem>>, vector<16xf32>,
            tpu.vector_store %arg9[%swap3A_317, %swap3A_318], %add3A_316 {strides = array<i32>} : memref<320x144xf32, #tpu.memory_space<vmem>>, vector<16xf32>,
            %get3A_320 = arith.index_cast %min3A : i32 to index
            %get3A_321 = arith.constant 80 : index
            %get3A_322 = tpu.vector_load %arg9[%get3A_320, %get3A_321] {strides = array<i32>} : memref<320x144xf32, #tpu.memory_space<vmem>>, vector<16xf32>,
            %get3A_323 = arith.constant 0 : i32
            %get3A_324 = arith.constant 0 : i32
            %get3A_325 = tpu.memref_slice %arg16[%scan3A_150, %get3A_323, %get3A_324] : memref<2x64x128xf32, #tpu.memory_space<vmem>> -> memref<1x64x128xf32, #tpu.memory_space<vmem>>
            %get3A_326 = tpu.memref_squeeze %get3A_325 : memref<1x64x128xf32, #tpu.memory_space<vmem>> -> memref<64x128xf32, #tpu.memory_space<vmem>>
            %get3A_327 = arith.index_cast %add3A_160 : i32 to index
            %get3A_328 = arith.constant 80 : index
            %get3A_329 = tpu.vector_load %get3A_326[%get3A_327, %get3A_328] {strides = array<i32>} : memref<64x128xf32, #tpu.memory_space<vmem>>, vector<16xf32>,
            %mul3A_330 = arith.mulf %gather3A, %get3A_329 : vector<16xf32>
            %add3A_331 = arith.constant 1 : i32
            %add3A_332 = arith.addi %add3A_160, %add3A_331 : i32
            %get3A_333 = arith.constant 0 : i32
            %get3A_334 = arith.constant 0 : i32
            %get3A_335 = tpu.memref_slice %arg16[%scan3A_150, %get3A_333, %get3A_334] : memref<2x64x128xf32, #tpu.memory_space<vmem>> -> memref<1x64x128xf32, #tpu.memory_space<vmem>>
            %get3A_336 = tpu.memref_squeeze %get3A_335 : memref<1x64x128xf32, #tpu.memory_space<vmem>> -> memref<64x128xf32, #tpu.memory_space<vmem>>
            %get3A_337 = arith.index_cast %add3A_332 : i32 to index
            %get3A_338 = arith.constant 80 : index
            %get3A_339 = tpu.vector_load %get3A_336[%get3A_337, %get3A_338] {strides = array<i32>} : memref<64x128xf32, #tpu.memory_space<vmem>>, vector<16xf32>,
            %mul3A_340 = arith.mulf %gather3A_165, %get3A_339 : vector<16xf32>
            %add3A_341 = arith.addf %mul3A_330, %mul3A_340 : vector<16xf32>
            %add3A_342 = arith.addf %get3A_322, %add3A_341 : vector<16xf32>
            %swap3A_343 = arith.index_cast %min3A : i32 to index
            %swap3A_344 = arith.constant 80 : index
            %swap3A_345 = tpu.vector_load %arg9[%swap3A_343, %swap3A_344] {strides = array<i32>} : memref<320x144xf32, #tpu.memory_space<vmem>>, vector<16xf32>,
            tpu.vector_store %arg9[%swap3A_343, %swap3A_344], %add3A_342 {strides = array<i32>} : memref<320x144xf32, #tpu.memory_space<vmem>>, vector<16xf32>,
            %get3A_346 = arith.index_cast %min3A : i32 to index
            %get3A_347 = arith.constant 96 : index
            %get3A_348 = tpu.vector_load %arg9[%get3A_346, %get3A_347] {strides = array<i32>} : memref<320x144xf32, #tpu.memory_space<vmem>>, vector<16xf32>,
            %get3A_349 = arith.constant 0 : i32
            %get3A_350 = arith.constant 0 : i32
            %get3A_351 = tpu.memref_slice %arg16[%scan3A_150, %get3A_349, %get3A_350] : memref<2x64x128xf32, #tpu.memory_space<vmem>> -> memref<1x64x128xf32, #tpu.memory_space<vmem>>
            %get3A_352 = tpu.memref_squeeze %get3A_351 : memref<1x64x128xf32, #tpu.memory_space<vmem>> -> memref<64x128xf32, #tpu.memory_space<vmem>>
            %get3A_353 = arith.index_cast %add3A_160 : i32 to index
            %get3A_354 = arith.constant 96 : index
            %get3A_355 = tpu.vector_load %get3A_352[%get3A_353, %get3A_354] {strides = array<i32>} : memref<64x128xf32, #tpu.memory_space<vmem>>, vector<16xf32>,
            %mul3A_356 = arith.mulf %gather3A, %get3A_355 : vector<16xf32>
            %add3A_357 = arith.constant 1 : i32
            %add3A_358 = arith.addi %add3A_160, %add3A_357 : i32
            %get3A_359 = arith.constant 0 : i32
            %get3A_360 = arith.constant 0 : i32
            %get3A_361 = tpu.memref_slice %arg16[%scan3A_150, %get3A_359, %get3A_360] : memref<2x64x128xf32, #tpu.memory_space<vmem>> -> memref<1x64x128xf32, #tpu.memory_space<vmem>>
            %get3A_362 = tpu.memref_squeeze %get3A_361 : memref<1x64x128xf32, #tpu.memory_space<vmem>> -> memref<64x128xf32, #tpu.memory_space<vmem>>
            %get3A_363 = arith.index_cast %add3A_358 : i32 to index
            %get3A_364 = arith.constant 96 : index
            %get3A_365 = tpu.vector_load %get3A_362[%get3A_363, %get3A_364] {strides = array<i32>} : memref<64x128xf32, #tpu.memory_space<vmem>>, vector<16xf32>,
            %mul3A_366 = arith.mulf %gather3A_165, %get3A_365 : vector<16xf32>
            %add3A_367 = arith.addf %mul3A_356, %mul3A_366 : vector<16xf32>
            %add3A_368 = arith.addf %get3A_348, %add3A_367 : vector<16xf32>
            %swap3A_369 = arith.index_cast %min3A : i32 to index
            %swap3A_370 = arith.constant 96 : index
            %swap3A_371 = tpu.vector_load %arg9[%swap3A_369, %swap3A_370] {strides = array<i32>} : memref<320x144xf32, #tpu.memory_space<vmem>>, vector<16xf32>,
            tpu.vector_store %arg9[%swap3A_369, %swap3A_370], %add3A_368 {strides = array<i32>} : memref<320x144xf32, #tpu.memory_space<vmem>>, vector<16xf32>,
            %get3A_372 = arith.index_cast %min3A : i32 to index
            %get3A_373 = arith.constant 112 : index
            %get3A_374 = tpu.vector_load %arg9[%get3A_372, %get3A_373] {strides = array<i32>} : memref<320x144xf32, #tpu.memory_space<vmem>>, vector<16xf32>,
            %get3A_375 = arith.constant 0 : i32
            %get3A_376 = arith.constant 0 : i32
            %get3A_377 = tpu.memref_slice %arg16[%scan3A_150, %get3A_375, %get3A_376] : memref<2x64x128xf32, #tpu.memory_space<vmem>> -> memref<1x64x128xf32, #tpu.memory_space<vmem>>
            %get3A_378 = tpu.memref_squeeze %get3A_377 : memref<1x64x128xf32, #tpu.memory_space<vmem>> -> memref<64x128xf32, #tpu.memory_space<vmem>>
            %get3A_379 = arith.index_cast %add3A_160 : i32 to index
            %get3A_380 = arith.constant 112 : index
            %get3A_381 = tpu.vector_load %get3A_378[%get3A_379, %get3A_380] {strides = array<i32>} : memref<64x128xf32, #tpu.memory_space<vmem>>, vector<16xf32>,
            %mul3A_382 = arith.mulf %gather3A, %get3A_381 : vector<16xf32>
            %add3A_383 = arith.constant 1 : i32
            %add3A_384 = arith.addi %add3A_160, %add3A_383 : i32
            %get3A_385 = arith.constant 0 : i32
            %get3A_386 = arith.constant 0 : i32
            %get3A_387 = tpu.memref_slice %arg16[%scan3A_150, %get3A_385, %get3A_386] : memref<2x64x128xf32, #tpu.memory_space<vmem>> -> memref<1x64x128xf32, #tpu.memory_space<vmem>>
            %get3A_388 = tpu.memref_squeeze %get3A_387 : memref<1x64x128xf32, #tpu.memory_space<vmem>> -> memref<64x128xf32, #tpu.memory_space<vmem>>
            %get3A_389 = arith.index_cast %add3A_384 : i32 to index
            %get3A_390 = arith.constant 112 : index
            %get3A_391 = tpu.vector_load %get3A_388[%get3A_389, %get3A_390] {strides = array<i32>} : memref<64x128xf32, #tpu.memory_space<vmem>>, vector<16xf32>,
            %mul3A_392 = arith.mulf %gather3A_165, %get3A_391 : vector<16xf32>
            %add3A_393 = arith.addf %mul3A_382, %mul3A_392 : vector<16xf32>
            %add3A_394 = arith.addf %get3A_374, %add3A_393 : vector<16xf32>
            %swap3A_395 = arith.index_cast %min3A : i32 to index
            %swap3A_396 = arith.constant 112 : index
            %swap3A_397 = tpu.vector_load %arg9[%swap3A_395, %swap3A_396] {strides = array<i32>} : memref<320x144xf32, #tpu.memory_space<vmem>>, vector<16xf32>,
            tpu.vector_store %arg9[%swap3A_395, %swap3A_396], %add3A_394 {strides = array<i32>} : memref<320x144xf32, #tpu.memory_space<vmem>>, vector<16xf32>,
            %get3A_398 = arith.index_cast %min3A : i32 to index
            %get3A_399 = arith.constant 128 : index
            %get3A_400 = tpu.vector_load %arg9[%get3A_398, %get3A_399] {strides = array<i32>} : memref<320x144xf32, #tpu.memory_space<vmem>>, vector<16xf32>,
            %eq3A_401 = arith.constant 0 : i32
            %eq3A_402 = vector.broadcast %eq3A_401 : i32 to vector<16xi32>
            %eq3A_403 = arith.cmpi eq, %iota3A, %eq3A_402 : vector<16xi32>
            %add3A_404 = arith.addf %gather3A, %gather3A_165 : vector<16xf32>
            %jit3A_405 = arith.constant 0.000000e+00 : f32
            %broadcast_in_dim3A_406 = vector.broadcast %jit3A_405 : f32 to vector<16xf32>
            %select_n3A_407 = arith.select %eq3A_403, %add3A_404, %broadcast_in_dim3A_406 : vector<16xi1>, vector<16xf32>
            %add3A_408 = arith.addf %get3A_400, %select_n3A_407 : vector<16xf32>
            %swap3A_409 = arith.index_cast %min3A : i32 to index
            %swap3A_410 = arith.constant 128 : index
            %swap3A_411 = tpu.vector_load %arg9[%swap3A_409, %swap3A_410] {strides = array<i32>} : memref<320x144xf32, #tpu.memory_space<vmem>>, vector<16xf32>,
            tpu.vector_store %arg9[%swap3A_409, %swap3A_410], %add3A_408 {strides = array<i32>} : memref<320x144xf32, #tpu.memory_space<vmem>>, vector<16xf32>,
          } else {
          }
        }
        %scan3A_155 = arith.constant 32 : i32
      } else {
      }
      %add3A_115 = arith.constant 1 : i32
      %add3A_116 = arith.addi %add3A_107, %add3A_115 : i32
      %lt3A_117 = arith.cmpi slt, %add3A_116, %select_n3A : i32
      %convert_element_type3A_118 = arith.extui %lt3A_117 : i1 to i32
      %cond3A_119 = arith.constant 0 : i32
      %cond3A_120 = arith.cmpi ne, %convert_element_type3A_118, %cond3A_119 : i32
      scf.if %cond3A_120 {
        %add3A_125 = arith.constant 1 : i32
        %add3A_126 = arith.addi %add3A_107, %add3A_125 : i32
        %mul3A_127 = arith.constant 64 : i32
        %mul3A_128 = arith.muli %add3A_126, %mul3A_127 : i32
        %dma_start3A = arith.constant 0 : i32
        %dma_start3A_129 = arith.constant 0 : i32
        %dma_start3A_130 = arith.constant 0 : i32
        %dma_start3A_131 = tpu.memref_slice %arg16[%dma_start3A, %dma_start3A_129, %dma_start3A_130] : memref<2x64x128xf32, #tpu.memory_space<vmem>> -> memref<1x64x128xf32, #tpu.memory_space<vmem>>
        %dma_start3A_132 = tpu.memref_squeeze %dma_start3A_131 : memref<1x64x128xf32, #tpu.memory_space<vmem>> -> memref<64x128xf32, #tpu.memory_space<vmem>>
        %dma_start3A_133 = tpu.memref_slice %arg14[%mul3A_128] : memref<15872xi32, #tpu.memory_space<vmem>> -> memref<64xi32, #tpu.memory_space<vmem>>
        %dma_start3A_134 = arith.constant 0 : i32
        %dma_start3A_135 = arith.constant 0 : i32
        %dma_start3A_136 = tpu.memref_slice %arg2[%dma_start3A_134, %dma_start3A_135] : memref<10016x128xf32, #tpu.memory_space<hbm>> -> memref<10016x128xf32, #tpu.memory_space<hbm>>
        tpu.enqueue_indirect_dma source(%dma_start3A_136 : memref<10016x128xf32, #tpu.memory_space<hbm>>) target(%dma_start3A_132 : memref<64x128xf32, #tpu.memory_space<vmem>>) offsets(%dma_start3A_133 : memref<64xi32, #tpu.memory_space<vmem>>) semaphore(%arg19 : memref<!tpu.dma_semaphore, #tpu.memory_space<semaphore_mem>>)
        %mul3A_137 = arith.constant 64 : i32
        %mul3A_138 = arith.muli %add3A_126, %mul3A_137 : i32
        %dma_start3A_139 = arith.constant 0 : i32
        %dma_start3A_140 = arith.constant 0 : i32
        %dma_start3A_141 = tpu.memref_slice %arg17[%dma_start3A_139, %dma_start3A_140] : memref<2x64xf32, #tpu.memory_space<vmem>> -> memref<1x64xf32, #tpu.memory_space<vmem>>
        %dma_start3A_142 = tpu.memref_squeeze %dma_start3A_141 : memref<1x64xf32, #tpu.memory_space<vmem>> -> memref<64xf32, #tpu.memory_space<vmem>>
        %dma_start3A_143 = tpu.memref_slice %arg14[%mul3A_138] : memref<15872xi32, #tpu.memory_space<vmem>> -> memref<64xi32, #tpu.memory_space<vmem>>
        %dma_start3A_144 = arith.constant 0 : i32
        %dma_start3A_145 = tpu.memref_slice %arg3[%dma_start3A_144] : memref<10016xf32, #tpu.memory_space<hbm>> -> memref<10016xf32, #tpu.memory_space<hbm>>
        tpu.enqueue_indirect_dma source(%dma_start3A_145 : memref<10016xf32, #tpu.memory_space<hbm>>) target(%dma_start3A_142 : memref<64xf32, #tpu.memory_space<vmem>>) offsets(%dma_start3A_143 : memref<64xi32, #tpu.memory_space<vmem>>) semaphore(%arg19 : memref<!tpu.dma_semaphore, #tpu.memory_space<semaphore_mem>>)
      } else {
      }
      %lt3A_121 = arith.cmpi slt, %add3A_107, %select_n3A : i32
      %convert_element_type3A_122 = arith.extui %lt3A_121 : i1 to i32
      %cond3A_123 = arith.constant 0 : i32
      %cond3A_124 = arith.cmpi ne, %convert_element_type3A_122, %cond3A_123 : i32
      scf.if %cond3A_124 {
        %mul3A_125 = arith.constant 64 : i32
        %mul3A_126 = arith.muli %add3A_107, %mul3A_125 : i32
        %dma_wait3A = arith.constant 1 : i32
        %dma_wait3A_127 = arith.constant 0 : i32
        %dma_wait3A_128 = arith.constant 0 : i32
        %dma_wait3A_129 = tpu.memref_slice %arg16[%dma_wait3A, %dma_wait3A_127, %dma_wait3A_128] : memref<2x64x128xf32, #tpu.memory_space<vmem>> -> memref<1x64x128xf32, #tpu.memory_space<vmem>>
        %dma_wait3A_130 = tpu.memref_squeeze %dma_wait3A_129 : memref<1x64x128xf32, #tpu.memory_space<vmem>> -> memref<64x128xf32, #tpu.memory_space<vmem>>
        %dma_wait3A_131 = tpu.memref_slice %arg14[%mul3A_126] : memref<15872xi32, #tpu.memory_space<vmem>> -> memref<64xi32, #tpu.memory_space<vmem>>
        %dma_wait3A_132 = arith.constant 0 : i32
        %dma_wait3A_133 = arith.constant 0 : i32
        %dma_wait3A_134 = tpu.memref_slice %arg2[%dma_wait3A_132, %dma_wait3A_133] : memref<10016x128xf32, #tpu.memory_space<hbm>> -> memref<10016x128xf32, #tpu.memory_space<hbm>>
        tpu.wait_indirect_dma semaphore(%arg20 : memref<!tpu.dma_semaphore, #tpu.memory_space<semaphore_mem>>) src(%dma_wait3A_134 : memref<10016x128xf32, #tpu.memory_space<hbm>>) dst(%dma_wait3A_130 : memref<64x128xf32, #tpu.memory_space<vmem>>)
        %mul3A_135 = arith.constant 64 : i32
        %mul3A_136 = arith.muli %add3A_107, %mul3A_135 : i32
        %dma_wait3A_137 = arith.constant 1 : i32
        %dma_wait3A_138 = arith.constant 0 : i32
        %dma_wait3A_139 = tpu.memref_slice %arg17[%dma_wait3A_137, %dma_wait3A_138] : memref<2x64xf32, #tpu.memory_space<vmem>> -> memref<1x64xf32, #tpu.memory_space<vmem>>
        %dma_wait3A_140 = tpu.memref_squeeze %dma_wait3A_139 : memref<1x64xf32, #tpu.memory_space<vmem>> -> memref<64xf32, #tpu.memory_space<vmem>>
        %dma_wait3A_141 = tpu.memref_slice %arg14[%mul3A_136] : memref<15872xi32, #tpu.memory_space<vmem>> -> memref<64xi32, #tpu.memory_space<vmem>>
        %dma_wait3A_142 = arith.constant 0 : i32
        %dma_wait3A_143 = tpu.memref_slice %arg3[%dma_wait3A_142] : memref<10016xf32, #tpu.memory_space<hbm>> -> memref<10016xf32, #tpu.memory_space<hbm>>
        tpu.wait_indirect_dma semaphore(%arg20 : memref<!tpu.dma_semaphore, #tpu.memory_space<semaphore_mem>>) src(%dma_wait3A_143 : memref<10016xf32, #tpu.memory_space<hbm>>) dst(%dma_wait3A_140 : memref<64xf32, #tpu.memory_space<vmem>>)
        %scan3A_144 = arith.constant 1 : i32
        %scan3A_145 = arith.constant 0 : i32
        %scan3A_146 = arith.constant 4 : i32
        %scan3A_147 = arith.addi %scan3A_145, %scan3A_146 : i32
        %scan3A_148 = arith.constant 1 : i32
        scf.for %scan3A_156 = %scan3A_145 to %scan3A_147 step %scan3A_148  : i32 {
          %mul3A_157 = arith.constant 1 : i32
          %mul3A_158 = arith.muli %scan3A_156, %mul3A_157 : i32
          %add3A_159 = arith.constant 0 : i32
          %add3A_160 = arith.addi %add3A_159, %mul3A_158 : i32
          %mul3A_161 = arith.constant 64 : i32
          %mul3A_162 = arith.muli %add3A_107, %mul3A_161 : i32
          %mul3A_163 = arith.constant 16 : i32
          %mul3A_164 = arith.muli %add3A_160, %mul3A_163 : i32
          %add3A_165 = arith.addi %mul3A_162, %mul3A_164 : i32
          %get3A = arith.index_cast %add3A_165 : i32 to index
          %get3A_166 = tpu.vector_load %arg15[%get3A] {strides = array<i32>} : memref<15872xi32, #tpu.memory_space<vmem>>, vector<16xi32>,
          %sub3A_167 = vector.broadcast %mul3A_2 : i32 to vector<16xi32>
          %sub3A_168 = arith.subi %get3A_166, %sub3A_167 : vector<16xi32>
          %jit3A_169 = arith.constant 0 : i32
          %jit3A_170 = arith.constant 319 : i32
          %max3A = vector.broadcast %jit3A_169 : i32 to vector<16xi32>
          %max3A_171 = arith.maxsi %max3A, %sub3A_168 : vector<16xi32>
          %min3A = vector.broadcast %jit3A_170 : i32 to vector<16xi32>
          %min3A_172 = arith.minsi %min3A, %max3A_171 : vector<16xi32>
          %mul3A_173 = arith.constant 16 : i32
          %mul3A_174 = arith.muli %add3A_160, %mul3A_173 : i32
          %get3A_175 = arith.constant 0 : i32
          %get3A_176 = tpu.memref_slice %arg17[%scan3A_144, %get3A_175] : memref<2x64xf32, #tpu.memory_space<vmem>> -> memref<1x64xf32, #tpu.memory_space<vmem>>
          %get3A_177 = tpu.memref_squeeze %get3A_176 : memref<1x64xf32, #tpu.memory_space<vmem>> -> memref<64xf32, #tpu.memory_space<vmem>>
          %get3A_178 = arith.index_cast %mul3A_174 : i32 to index
          %get3A_179 = tpu.vector_load %get3A_177[%get3A_178] {strides = array<i32>} : memref<64xf32, #tpu.memory_space<vmem>>, vector<16xf32>,
          %gather3A = tpu.vector_load_idx %arg10[%min3A_172] : memref<320xf32, #tpu.memory_space<vmem>>[vector<16xi32>], vector<16xf32>,
          %add3A_180 = arith.addf %get3A_179, %gather3A : vector<16xf32>
          %lt3A_181 = arith.constant 0.000000e+00 : f32
          %lt3A_182 = vector.broadcast %lt3A_181 : f32 to vector<16xf32>
          %lt3A_183 = arith.cmpf olt, %add3A_180, %lt3A_182 : vector<16xf32>
          %mul3A_184 = arith.constant 0.00999999977 : f32
          %mul3A_185 = vector.broadcast %mul3A_184 : f32 to vector<16xf32>
          %mul3A_186 = arith.mulf %add3A_180, %mul3A_185 : vector<16xf32>
          %select_n3A_187 = arith.select %lt3A_183, %mul3A_186, %add3A_180 : vector<16xi1>, vector<16xf32>
          %exp3A = math.exp %select_n3A_187 : vector<16xf32>
          %mul3A_188 = arith.constant 16 : i32
          %mul3A_189 = arith.muli %add3A_160, %mul3A_188 : i32
          %swap3A = arith.index_cast %mul3A_189 : i32 to index
          %swap3A_190 = tpu.vector_load %arg18[%swap3A] {strides = array<i32>} : memref<64xf32, #tpu.memory_space<vmem>>, vector<16xf32>,
          tpu.vector_store %arg18[%swap3A], %exp3A {strides = array<i32>} : memref<64xf32, #tpu.memory_space<vmem>>, vector<16xf32>,
        }
        %scan3A_149 = arith.constant 4 : i32
        %scan3A_150 = arith.constant 1 : i32
        %scan3A_151 = arith.constant 0 : i32
        %scan3A_152 = arith.constant 32 : i32
        %scan3A_153 = arith.addi %scan3A_151, %scan3A_152 : i32
        %scan3A_154 = arith.constant 1 : i32
        scf.for %scan3A_156 = %scan3A_151 to %scan3A_153 step %scan3A_154  : i32 {
          %mul3A_157 = arith.constant 2 : i32
          %mul3A_158 = arith.muli %scan3A_156, %mul3A_157 : i32
          %add3A_159 = arith.constant 0 : i32
          %add3A_160 = arith.addi %add3A_159, %mul3A_158 : i32
          %broadcast_in_dim3A_161 = vector.broadcast %add3A_160 : i32 to vector<16xi32>
          %add3A_162 = arith.constant 1 : i32
          %add3A_163 = vector.broadcast %add3A_162 : i32 to vector<16xi32>
          %add3A_164 = arith.addi %broadcast_in_dim3A_161, %add3A_163 : vector<16xi32>
          %gather3A = tpu.vector_load_idx %arg18[%broadcast_in_dim3A_161] : memref<64xf32, #tpu.memory_space<vmem>>[vector<16xi32>], vector<16xf32>,
          %gather3A_165 = tpu.vector_load_idx %arg18[%add3A_164] : memref<64xf32, #tpu.memory_space<vmem>>[vector<16xi32>], vector<16xf32>,
          %mul3A_166 = arith.constant 64 : i32
          %mul3A_167 = arith.muli %add3A_107, %mul3A_166 : i32
          %add3A_168 = arith.addi %mul3A_167, %add3A_160 : i32
          %broadcast_in_dim3A_169 = vector.broadcast %add3A_168 : i32 to vector<16xi32>
          %gather3A_170 = tpu.vector_load_idx %arg15[%broadcast_in_dim3A_169] : memref<15872xi32, #tpu.memory_space<vmem>>[vector<16xi32>], vector<16xi32>,
          %slice3A = vector.extract_strided_slice %gather3A_170 {offsets = [0], sizes = [1], strides = [1]} : vector<16xi32> to vector<1xi32>
          %squeeze3A = vector.extract %slice3A[0] : i32 from vector<1xi32>
          %sub3A_171 = arith.subi %squeeze3A, %mul3A_2 : i32
          %jit3A_172 = arith.constant 0 : i32
          %jit3A_173 = arith.constant 319 : i32
          %max3A = arith.maxsi %jit3A_172, %sub3A_171 : i32
          %min3A = arith.minsi %jit3A_173, %max3A : i32
          %add3A_174 = arith.constant 1 : i32
          %add3A_175 = vector.broadcast %add3A_174 : i32 to vector<16xi32>
          %add3A_176 = arith.addi %broadcast_in_dim3A_169, %add3A_175 : vector<16xi32>
          %gather3A_177 = tpu.vector_load_idx %arg15[%add3A_176] : memref<15872xi32, #tpu.memory_space<vmem>>[vector<16xi32>], vector<16xi32>,
          %slice3A_178 = vector.extract_strided_slice %gather3A_177 {offsets = [0], sizes = [1], strides = [1]} : vector<16xi32> to vector<1xi32>
          %squeeze3A_179 = vector.extract %slice3A_178[0] : i32 from vector<1xi32>
          %sub3A_180 = arith.subi %squeeze3A_179, %mul3A_2 : i32
          %jit3A_181 = arith.constant 0 : i32
          %jit3A_182 = arith.constant 319 : i32
          %max3A_183 = arith.maxsi %jit3A_181, %sub3A_180 : i32
          %min3A_184 = arith.minsi %jit3A_182, %max3A_183 : i32
          %ne3A_185 = arith.cmpi ne, %min3A, %min3A_184 : i32
          %convert_element_type3A_186 = arith.extui %ne3A_185 : i1 to i32
          %cond3A_187 = arith.constant 0 : i32
          %cond3A_188 = arith.cmpi ne, %convert_element_type3A_186, %cond3A_187 : i32
          scf.if %cond3A_188 {
            %get3A = arith.index_cast %min3A : i32 to index
            %get3A_192 = arith.constant 0 : index
            %get3A_193 = tpu.vector_load %arg9[%get3A, %get3A_192] {strides = array<i32>} : memref<320x144xf32, #tpu.memory_space<vmem>>, vector<16xf32>,
            %get3A_194 = arith.constant 0 : i32
            %get3A_195 = arith.constant 0 : i32
            %get3A_196 = tpu.memref_slice %arg16[%scan3A_150, %get3A_194, %get3A_195] : memref<2x64x128xf32, #tpu.memory_space<vmem>> -> memref<1x64x128xf32, #tpu.memory_space<vmem>>
            %get3A_197 = tpu.memref_squeeze %get3A_196 : memref<1x64x128xf32, #tpu.memory_space<vmem>> -> memref<64x128xf32, #tpu.memory_space<vmem>>
            %get3A_198 = arith.index_cast %add3A_160 : i32 to index
            %get3A_199 = arith.constant 0 : index
            %get3A_200 = tpu.vector_load %get3A_197[%get3A_198, %get3A_199] {strides = array<i32>} : memref<64x128xf32, #tpu.memory_space<vmem>>, vector<16xf32>,
            %mul3A_201 = arith.mulf %gather3A, %get3A_200 : vector<16xf32>
            %add3A_202 = arith.addf %get3A_193, %mul3A_201 : vector<16xf32>
            %swap3A = arith.index_cast %min3A : i32 to index
            %swap3A_203 = arith.constant 0 : index
            %swap3A_204 = tpu.vector_load %arg9[%swap3A, %swap3A_203] {strides = array<i32>} : memref<320x144xf32, #tpu.memory_space<vmem>>, vector<16xf32>,
            tpu.vector_store %arg9[%swap3A, %swap3A_203], %add3A_202 {strides = array<i32>} : memref<320x144xf32, #tpu.memory_space<vmem>>, vector<16xf32>,
            %get3A_205 = arith.index_cast %min3A_184 : i32 to index
            %get3A_206 = arith.constant 0 : index
            %get3A_207 = tpu.vector_load %arg9[%get3A_205, %get3A_206] {strides = array<i32>} : memref<320x144xf32, #tpu.memory_space<vmem>>, vector<16xf32>,
            %add3A_208 = arith.constant 1 : i32
            %add3A_209 = arith.addi %add3A_160, %add3A_208 : i32
            %get3A_210 = arith.constant 0 : i32
            %get3A_211 = arith.constant 0 : i32
            %get3A_212 = tpu.memref_slice %arg16[%scan3A_150, %get3A_210, %get3A_211] : memref<2x64x128xf32, #tpu.memory_space<vmem>> -> memref<1x64x128xf32, #tpu.memory_space<vmem>>
            %get3A_213 = tpu.memref_squeeze %get3A_212 : memref<1x64x128xf32, #tpu.memory_space<vmem>> -> memref<64x128xf32, #tpu.memory_space<vmem>>
            %get3A_214 = arith.index_cast %add3A_209 : i32 to index
            %get3A_215 = arith.constant 0 : index
            %get3A_216 = tpu.vector_load %get3A_213[%get3A_214, %get3A_215] {strides = array<i32>} : memref<64x128xf32, #tpu.memory_space<vmem>>, vector<16xf32>,
            %mul3A_217 = arith.mulf %gather3A_165, %get3A_216 : vector<16xf32>
            %add3A_218 = arith.addf %get3A_207, %mul3A_217 : vector<16xf32>
            %swap3A_219 = arith.index_cast %min3A_184 : i32 to index
            %swap3A_220 = arith.constant 0 : index
            %swap3A_221 = tpu.vector_load %arg9[%swap3A_219, %swap3A_220] {strides = array<i32>} : memref<320x144xf32, #tpu.memory_space<vmem>>, vector<16xf32>,
            tpu.vector_store %arg9[%swap3A_219, %swap3A_220], %add3A_218 {strides = array<i32>} : memref<320x144xf32, #tpu.memory_space<vmem>>, vector<16xf32>,
            %get3A_222 = arith.index_cast %min3A : i32 to index
            %get3A_223 = arith.constant 16 : index
            %get3A_224 = tpu.vector_load %arg9[%get3A_222, %get3A_223] {strides = array<i32>} : memref<320x144xf32, #tpu.memory_space<vmem>>, vector<16xf32>,
            %get3A_225 = arith.constant 0 : i32
            %get3A_226 = arith.constant 0 : i32
            %get3A_227 = tpu.memref_slice %arg16[%scan3A_150, %get3A_225, %get3A_226] : memref<2x64x128xf32, #tpu.memory_space<vmem>> -> memref<1x64x128xf32, #tpu.memory_space<vmem>>
            %get3A_228 = tpu.memref_squeeze %get3A_227 : memref<1x64x128xf32, #tpu.memory_space<vmem>> -> memref<64x128xf32, #tpu.memory_space<vmem>>
            %get3A_229 = arith.index_cast %add3A_160 : i32 to index
            %get3A_230 = arith.constant 16 : index
            %get3A_231 = tpu.vector_load %get3A_228[%get3A_229, %get3A_230] {strides = array<i32>} : memref<64x128xf32, #tpu.memory_space<vmem>>, vector<16xf32>,
            %mul3A_232 = arith.mulf %gather3A, %get3A_231 : vector<16xf32>
            %add3A_233 = arith.addf %get3A_224, %mul3A_232 : vector<16xf32>
            %swap3A_234 = arith.index_cast %min3A : i32 to index
            %swap3A_235 = arith.constant 16 : index
            %swap3A_236 = tpu.vector_load %arg9[%swap3A_234, %swap3A_235] {strides = array<i32>} : memref<320x144xf32, #tpu.memory_space<vmem>>, vector<16xf32>,
            tpu.vector_store %arg9[%swap3A_234, %swap3A_235], %add3A_233 {strides = array<i32>} : memref<320x144xf32, #tpu.memory_space<vmem>>, vector<16xf32>,
            %get3A_237 = arith.index_cast %min3A_184 : i32 to index
            %get3A_238 = arith.constant 16 : index
            %get3A_239 = tpu.vector_load %arg9[%get3A_237, %get3A_238] {strides = array<i32>} : memref<320x144xf32, #tpu.memory_space<vmem>>, vector<16xf32>,
            %add3A_240 = arith.constant 1 : i32
            %add3A_241 = arith.addi %add3A_160, %add3A_240 : i32
            %get3A_242 = arith.constant 0 : i32
            %get3A_243 = arith.constant 0 : i32
            %get3A_244 = tpu.memref_slice %arg16[%scan3A_150, %get3A_242, %get3A_243] : memref<2x64x128xf32, #tpu.memory_space<vmem>> -> memref<1x64x128xf32, #tpu.memory_space<vmem>>
            %get3A_245 = tpu.memref_squeeze %get3A_244 : memref<1x64x128xf32, #tpu.memory_space<vmem>> -> memref<64x128xf32, #tpu.memory_space<vmem>>
            %get3A_246 = arith.index_cast %add3A_241 : i32 to index
            %get3A_247 = arith.constant 16 : index
            %get3A_248 = tpu.vector_load %get3A_245[%get3A_246, %get3A_247] {strides = array<i32>} : memref<64x128xf32, #tpu.memory_space<vmem>>, vector<16xf32>,
            %mul3A_249 = arith.mulf %gather3A_165, %get3A_248 : vector<16xf32>
            %add3A_250 = arith.addf %get3A_239, %mul3A_249 : vector<16xf32>
            %swap3A_251 = arith.index_cast %min3A_184 : i32 to index
            %swap3A_252 = arith.constant 16 : index
            %swap3A_253 = tpu.vector_load %arg9[%swap3A_251, %swap3A_252] {strides = array<i32>} : memref<320x144xf32, #tpu.memory_space<vmem>>, vector<16xf32>,
            tpu.vector_store %arg9[%swap3A_251, %swap3A_252], %add3A_250 {strides = array<i32>} : memref<320x144xf32, #tpu.memory_space<vmem>>, vector<16xf32>,
            %get3A_254 = arith.index_cast %min3A : i32 to index
            %get3A_255 = arith.constant 32 : index
            %get3A_256 = tpu.vector_load %arg9[%get3A_254, %get3A_255] {strides = array<i32>} : memref<320x144xf32, #tpu.memory_space<vmem>>, vector<16xf32>,
            %get3A_257 = arith.constant 0 : i32
            %get3A_258 = arith.constant 0 : i32
            %get3A_259 = tpu.memref_slice %arg16[%scan3A_150, %get3A_257, %get3A_258] : memref<2x64x128xf32, #tpu.memory_space<vmem>> -> memref<1x64x128xf32, #tpu.memory_space<vmem>>
            %get3A_260 = tpu.memref_squeeze %get3A_259 : memref<1x64x128xf32, #tpu.memory_space<vmem>> -> memref<64x128xf32, #tpu.memory_space<vmem>>
            %get3A_261 = arith.index_cast %add3A_160 : i32 to index
            %get3A_262 = arith.constant 32 : index
            %get3A_263 = tpu.vector_load %get3A_260[%get3A_261, %get3A_262] {strides = array<i32>} : memref<64x128xf32, #tpu.memory_space<vmem>>, vector<16xf32>,
            %mul3A_264 = arith.mulf %gather3A, %get3A_263 : vector<16xf32>
            %add3A_265 = arith.addf %get3A_256, %mul3A_264 : vector<16xf32>
            %swap3A_266 = arith.index_cast %min3A : i32 to index
            %swap3A_267 = arith.constant 32 : index
            %swap3A_268 = tpu.vector_load %arg9[%swap3A_266, %swap3A_267] {strides = array<i32>} : memref<320x144xf32, #tpu.memory_space<vmem>>, vector<16xf32>,
            tpu.vector_store %arg9[%swap3A_266, %swap3A_267], %add3A_265 {strides = array<i32>} : memref<320x144xf32, #tpu.memory_space<vmem>>, vector<16xf32>,
            %get3A_269 = arith.index_cast %min3A_184 : i32 to index
            %get3A_270 = arith.constant 32 : index
            %get3A_271 = tpu.vector_load %arg9[%get3A_269, %get3A_270] {strides = array<i32>} : memref<320x144xf32, #tpu.memory_space<vmem>>, vector<16xf32>,
            %add3A_272 = arith.constant 1 : i32
            %add3A_273 = arith.addi %add3A_160, %add3A_272 : i32
            %get3A_274 = arith.constant 0 : i32
            %get3A_275 = arith.constant 0 : i32
            %get3A_276 = tpu.memref_slice %arg16[%scan3A_150, %get3A_274, %get3A_275] : memref<2x64x128xf32, #tpu.memory_space<vmem>> -> memref<1x64x128xf32, #tpu.memory_space<vmem>>
            %get3A_277 = tpu.memref_squeeze %get3A_276 : memref<1x64x128xf32, #tpu.memory_space<vmem>> -> memref<64x128xf32, #tpu.memory_space<vmem>>
            %get3A_278 = arith.index_cast %add3A_273 : i32 to index
            %get3A_279 = arith.constant 32 : index
            %get3A_280 = tpu.vector_load %get3A_277[%get3A_278, %get3A_279] {strides = array<i32>} : memref<64x128xf32, #tpu.memory_space<vmem>>, vector<16xf32>,
            %mul3A_281 = arith.mulf %gather3A_165, %get3A_280 : vector<16xf32>
            %add3A_282 = arith.addf %get3A_271, %mul3A_281 : vector<16xf32>
            %swap3A_283 = arith.index_cast %min3A_184 : i32 to index
            %swap3A_284 = arith.constant 32 : index
            %swap3A_285 = tpu.vector_load %arg9[%swap3A_283, %swap3A_284] {strides = array<i32>} : memref<320x144xf32, #tpu.memory_space<vmem>>, vector<16xf32>,
            tpu.vector_store %arg9[%swap3A_283, %swap3A_284], %add3A_282 {strides = array<i32>} : memref<320x144xf32, #tpu.memory_space<vmem>>, vector<16xf32>,
            %get3A_286 = arith.index_cast %min3A : i32 to index
            %get3A_287 = arith.constant 48 : index
            %get3A_288 = tpu.vector_load %arg9[%get3A_286, %get3A_287] {strides = array<i32>} : memref<320x144xf32, #tpu.memory_space<vmem>>, vector<16xf32>,
            %get3A_289 = arith.constant 0 : i32
            %get3A_290 = arith.constant 0 : i32
            %get3A_291 = tpu.memref_slice %arg16[%scan3A_150, %get3A_289, %get3A_290] : memref<2x64x128xf32, #tpu.memory_space<vmem>> -> memref<1x64x128xf32, #tpu.memory_space<vmem>>
            %get3A_292 = tpu.memref_squeeze %get3A_291 : memref<1x64x128xf32, #tpu.memory_space<vmem>> -> memref<64x128xf32, #tpu.memory_space<vmem>>
            %get3A_293 = arith.index_cast %add3A_160 : i32 to index
            %get3A_294 = arith.constant 48 : index
            %get3A_295 = tpu.vector_load %get3A_292[%get3A_293, %get3A_294] {strides = array<i32>} : memref<64x128xf32, #tpu.memory_space<vmem>>, vector<16xf32>,
            %mul3A_296 = arith.mulf %gather3A, %get3A_295 : vector<16xf32>
            %add3A_297 = arith.addf %get3A_288, %mul3A_296 : vector<16xf32>
            %swap3A_298 = arith.index_cast %min3A : i32 to index
            %swap3A_299 = arith.constant 48 : index
            %swap3A_300 = tpu.vector_load %arg9[%swap3A_298, %swap3A_299] {strides = array<i32>} : memref<320x144xf32, #tpu.memory_space<vmem>>, vector<16xf32>,
            tpu.vector_store %arg9[%swap3A_298, %swap3A_299], %add3A_297 {strides = array<i32>} : memref<320x144xf32, #tpu.memory_space<vmem>>, vector<16xf32>,
            %get3A_301 = arith.index_cast %min3A_184 : i32 to index
            %get3A_302 = arith.constant 48 : index
            %get3A_303 = tpu.vector_load %arg9[%get3A_301, %get3A_302] {strides = array<i32>} : memref<320x144xf32, #tpu.memory_space<vmem>>, vector<16xf32>,
            %add3A_304 = arith.constant 1 : i32
            %add3A_305 = arith.addi %add3A_160, %add3A_304 : i32
            %get3A_306 = arith.constant 0 : i32
            %get3A_307 = arith.constant 0 : i32
            %get3A_308 = tpu.memref_slice %arg16[%scan3A_150, %get3A_306, %get3A_307] : memref<2x64x128xf32, #tpu.memory_space<vmem>> -> memref<1x64x128xf32, #tpu.memory_space<vmem>>
            %get3A_309 = tpu.memref_squeeze %get3A_308 : memref<1x64x128xf32, #tpu.memory_space<vmem>> -> memref<64x128xf32, #tpu.memory_space<vmem>>
            %get3A_310 = arith.index_cast %add3A_305 : i32 to index
            %get3A_311 = arith.constant 48 : index
            %get3A_312 = tpu.vector_load %get3A_309[%get3A_310, %get3A_311] {strides = array<i32>} : memref<64x128xf32, #tpu.memory_space<vmem>>, vector<16xf32>,
            %mul3A_313 = arith.mulf %gather3A_165, %get3A_312 : vector<16xf32>
            %add3A_314 = arith.addf %get3A_303, %mul3A_313 : vector<16xf32>
            %swap3A_315 = arith.index_cast %min3A_184 : i32 to index
            %swap3A_316 = arith.constant 48 : index
            %swap3A_317 = tpu.vector_load %arg9[%swap3A_315, %swap3A_316] {strides = array<i32>} : memref<320x144xf32, #tpu.memory_space<vmem>>, vector<16xf32>,
            tpu.vector_store %arg9[%swap3A_315, %swap3A_316], %add3A_314 {strides = array<i32>} : memref<320x144xf32, #tpu.memory_space<vmem>>, vector<16xf32>,
            %get3A_318 = arith.index_cast %min3A : i32 to index
            %get3A_319 = arith.constant 64 : index
            %get3A_320 = tpu.vector_load %arg9[%get3A_318, %get3A_319] {strides = array<i32>} : memref<320x144xf32, #tpu.memory_space<vmem>>, vector<16xf32>,
            %get3A_321 = arith.constant 0 : i32
            %get3A_322 = arith.constant 0 : i32
            %get3A_323 = tpu.memref_slice %arg16[%scan3A_150, %get3A_321, %get3A_322] : memref<2x64x128xf32, #tpu.memory_space<vmem>> -> memref<1x64x128xf32, #tpu.memory_space<vmem>>
            %get3A_324 = tpu.memref_squeeze %get3A_323 : memref<1x64x128xf32, #tpu.memory_space<vmem>> -> memref<64x128xf32, #tpu.memory_space<vmem>>
            %get3A_325 = arith.index_cast %add3A_160 : i32 to index
            %get3A_326 = arith.constant 64 : index
            %get3A_327 = tpu.vector_load %get3A_324[%get3A_325, %get3A_326] {strides = array<i32>} : memref<64x128xf32, #tpu.memory_space<vmem>>, vector<16xf32>,
            %mul3A_328 = arith.mulf %gather3A, %get3A_327 : vector<16xf32>
            %add3A_329 = arith.addf %get3A_320, %mul3A_328 : vector<16xf32>
            %swap3A_330 = arith.index_cast %min3A : i32 to index
            %swap3A_331 = arith.constant 64 : index
            %swap3A_332 = tpu.vector_load %arg9[%swap3A_330, %swap3A_331] {strides = array<i32>} : memref<320x144xf32, #tpu.memory_space<vmem>>, vector<16xf32>,
            tpu.vector_store %arg9[%swap3A_330, %swap3A_331], %add3A_329 {strides = array<i32>} : memref<320x144xf32, #tpu.memory_space<vmem>>, vector<16xf32>,
            %get3A_333 = arith.index_cast %min3A_184 : i32 to index
            %get3A_334 = arith.constant 64 : index
            %get3A_335 = tpu.vector_load %arg9[%get3A_333, %get3A_334] {strides = array<i32>} : memref<320x144xf32, #tpu.memory_space<vmem>>, vector<16xf32>,
            %add3A_336 = arith.constant 1 : i32
            %add3A_337 = arith.addi %add3A_160, %add3A_336 : i32
            %get3A_338 = arith.constant 0 : i32
            %get3A_339 = arith.constant 0 : i32
            %get3A_340 = tpu.memref_slice %arg16[%scan3A_150, %get3A_338, %get3A_339] : memref<2x64x128xf32, #tpu.memory_space<vmem>> -> memref<1x64x128xf32, #tpu.memory_space<vmem>>
            %get3A_341 = tpu.memref_squeeze %get3A_340 : memref<1x64x128xf32, #tpu.memory_space<vmem>> -> memref<64x128xf32, #tpu.memory_space<vmem>>
            %get3A_342 = arith.index_cast %add3A_337 : i32 to index
            %get3A_343 = arith.constant 64 : index
            %get3A_344 = tpu.vector_load %get3A_341[%get3A_342, %get3A_343] {strides = array<i32>} : memref<64x128xf32, #tpu.memory_space<vmem>>, vector<16xf32>,
            %mul3A_345 = arith.mulf %gather3A_165, %get3A_344 : vector<16xf32>
            %add3A_346 = arith.addf %get3A_335, %mul3A_345 : vector<16xf32>
            %swap3A_347 = arith.index_cast %min3A_184 : i32 to index
            %swap3A_348 = arith.constant 64 : index
            %swap3A_349 = tpu.vector_load %arg9[%swap3A_347, %swap3A_348] {strides = array<i32>} : memref<320x144xf32, #tpu.memory_space<vmem>>, vector<16xf32>,
            tpu.vector_store %arg9[%swap3A_347, %swap3A_348], %add3A_346 {strides = array<i32>} : memref<320x144xf32, #tpu.memory_space<vmem>>, vector<16xf32>,
            %get3A_350 = arith.index_cast %min3A : i32 to index
            %get3A_351 = arith.constant 80 : index
            %get3A_352 = tpu.vector_load %arg9[%get3A_350, %get3A_351] {strides = array<i32>} : memref<320x144xf32, #tpu.memory_space<vmem>>, vector<16xf32>,
            %get3A_353 = arith.constant 0 : i32
            %get3A_354 = arith.constant 0 : i32
            %get3A_355 = tpu.memref_slice %arg16[%scan3A_150, %get3A_353, %get3A_354] : memref<2x64x128xf32, #tpu.memory_space<vmem>> -> memref<1x64x128xf32, #tpu.memory_space<vmem>>
            %get3A_356 = tpu.memref_squeeze %get3A_355 : memref<1x64x128xf32, #tpu.memory_space<vmem>> -> memref<64x128xf32, #tpu.memory_space<vmem>>
            %get3A_357 = arith.index_cast %add3A_160 : i32 to index
            %get3A_358 = arith.constant 80 : index
            %get3A_359 = tpu.vector_load %get3A_356[%get3A_357, %get3A_358] {strides = array<i32>} : memref<64x128xf32, #tpu.memory_space<vmem>>, vector<16xf32>,
            %mul3A_360 = arith.mulf %gather3A, %get3A_359 : vector<16xf32>
            %add3A_361 = arith.addf %get3A_352, %mul3A_360 : vector<16xf32>
            %swap3A_362 = arith.index_cast %min3A : i32 to index
            %swap3A_363 = arith.constant 80 : index
            %swap3A_364 = tpu.vector_load %arg9[%swap3A_362, %swap3A_363] {strides = array<i32>} : memref<320x144xf32, #tpu.memory_space<vmem>>, vector<16xf32>,
            tpu.vector_store %arg9[%swap3A_362, %swap3A_363], %add3A_361 {strides = array<i32>} : memref<320x144xf32, #tpu.memory_space<vmem>>, vector<16xf32>,
            %get3A_365 = arith.index_cast %min3A_184 : i32 to index
            %get3A_366 = arith.constant 80 : index
            %get3A_367 = tpu.vector_load %arg9[%get3A_365, %get3A_366] {strides = array<i32>} : memref<320x144xf32, #tpu.memory_space<vmem>>, vector<16xf32>,
            %add3A_368 = arith.constant 1 : i32
            %add3A_369 = arith.addi %add3A_160, %add3A_368 : i32
            %get3A_370 = arith.constant 0 : i32
            %get3A_371 = arith.constant 0 : i32
            %get3A_372 = tpu.memref_slice %arg16[%scan3A_150, %get3A_370, %get3A_371] : memref<2x64x128xf32, #tpu.memory_space<vmem>> -> memref<1x64x128xf32, #tpu.memory_space<vmem>>
            %get3A_373 = tpu.memref_squeeze %get3A_372 : memref<1x64x128xf32, #tpu.memory_space<vmem>> -> memref<64x128xf32, #tpu.memory_space<vmem>>
            %get3A_374 = arith.index_cast %add3A_369 : i32 to index
            %get3A_375 = arith.constant 80 : index
            %get3A_376 = tpu.vector_load %get3A_373[%get3A_374, %get3A_375] {strides = array<i32>} : memref<64x128xf32, #tpu.memory_space<vmem>>, vector<16xf32>,
            %mul3A_377 = arith.mulf %gather3A_165, %get3A_376 : vector<16xf32>
            %add3A_378 = arith.addf %get3A_367, %mul3A_377 : vector<16xf32>
            %swap3A_379 = arith.index_cast %min3A_184 : i32 to index
            %swap3A_380 = arith.constant 80 : index
            %swap3A_381 = tpu.vector_load %arg9[%swap3A_379, %swap3A_380] {strides = array<i32>} : memref<320x144xf32, #tpu.memory_space<vmem>>, vector<16xf32>,
            tpu.vector_store %arg9[%swap3A_379, %swap3A_380], %add3A_378 {strides = array<i32>} : memref<320x144xf32, #tpu.memory_space<vmem>>, vector<16xf32>,
            %get3A_382 = arith.index_cast %min3A : i32 to index
            %get3A_383 = arith.constant 96 : index
            %get3A_384 = tpu.vector_load %arg9[%get3A_382, %get3A_383] {strides = array<i32>} : memref<320x144xf32, #tpu.memory_space<vmem>>, vector<16xf32>,
            %get3A_385 = arith.constant 0 : i32
            %get3A_386 = arith.constant 0 : i32
            %get3A_387 = tpu.memref_slice %arg16[%scan3A_150, %get3A_385, %get3A_386] : memref<2x64x128xf32, #tpu.memory_space<vmem>> -> memref<1x64x128xf32, #tpu.memory_space<vmem>>
            %get3A_388 = tpu.memref_squeeze %get3A_387 : memref<1x64x128xf32, #tpu.memory_space<vmem>> -> memref<64x128xf32, #tpu.memory_space<vmem>>
            %get3A_389 = arith.index_cast %add3A_160 : i32 to index
            %get3A_390 = arith.constant 96 : index
            %get3A_391 = tpu.vector_load %get3A_388[%get3A_389, %get3A_390] {strides = array<i32>} : memref<64x128xf32, #tpu.memory_space<vmem>>, vector<16xf32>,
            %mul3A_392 = arith.mulf %gather3A, %get3A_391 : vector<16xf32>
            %add3A_393 = arith.addf %get3A_384, %mul3A_392 : vector<16xf32>
            %swap3A_394 = arith.index_cast %min3A : i32 to index
            %swap3A_395 = arith.constant 96 : index
            %swap3A_396 = tpu.vector_load %arg9[%swap3A_394, %swap3A_395] {strides = array<i32>} : memref<320x144xf32, #tpu.memory_space<vmem>>, vector<16xf32>,
            tpu.vector_store %arg9[%swap3A_394, %swap3A_395], %add3A_393 {strides = array<i32>} : memref<320x144xf32, #tpu.memory_space<vmem>>, vector<16xf32>,
            %get3A_397 = arith.index_cast %min3A_184 : i32 to index
            %get3A_398 = arith.constant 96 : index
            %get3A_399 = tpu.vector_load %arg9[%get3A_397, %get3A_398] {strides = array<i32>} : memref<320x144xf32, #tpu.memory_space<vmem>>, vector<16xf32>,
            %add3A_400 = arith.constant 1 : i32
            %add3A_401 = arith.addi %add3A_160, %add3A_400 : i32
            %get3A_402 = arith.constant 0 : i32
            %get3A_403 = arith.constant 0 : i32
            %get3A_404 = tpu.memref_slice %arg16[%scan3A_150, %get3A_402, %get3A_403] : memref<2x64x128xf32, #tpu.memory_space<vmem>> -> memref<1x64x128xf32, #tpu.memory_space<vmem>>
            %get3A_405 = tpu.memref_squeeze %get3A_404 : memref<1x64x128xf32, #tpu.memory_space<vmem>> -> memref<64x128xf32, #tpu.memory_space<vmem>>
            %get3A_406 = arith.index_cast %add3A_401 : i32 to index
            %get3A_407 = arith.constant 96 : index
            %get3A_408 = tpu.vector_load %get3A_405[%get3A_406, %get3A_407] {strides = array<i32>} : memref<64x128xf32, #tpu.memory_space<vmem>>, vector<16xf32>,
            %mul3A_409 = arith.mulf %gather3A_165, %get3A_408 : vector<16xf32>
            %add3A_410 = arith.addf %get3A_399, %mul3A_409 : vector<16xf32>
            %swap3A_411 = arith.index_cast %min3A_184 : i32 to index
            %swap3A_412 = arith.constant 96 : index
            %swap3A_413 = tpu.vector_load %arg9[%swap3A_411, %swap3A_412] {strides = array<i32>} : memref<320x144xf32, #tpu.memory_space<vmem>>, vector<16xf32>,
            tpu.vector_store %arg9[%swap3A_411, %swap3A_412], %add3A_410 {strides = array<i32>} : memref<320x144xf32, #tpu.memory_space<vmem>>, vector<16xf32>,
            %get3A_414 = arith.index_cast %min3A : i32 to index
            %get3A_415 = arith.constant 112 : index
            %get3A_416 = tpu.vector_load %arg9[%get3A_414, %get3A_415] {strides = array<i32>} : memref<320x144xf32, #tpu.memory_space<vmem>>, vector<16xf32>,
            %get3A_417 = arith.constant 0 : i32
            %get3A_418 = arith.constant 0 : i32
            %get3A_419 = tpu.memref_slice %arg16[%scan3A_150, %get3A_417, %get3A_418] : memref<2x64x128xf32, #tpu.memory_space<vmem>> -> memref<1x64x128xf32, #tpu.memory_space<vmem>>
            %get3A_420 = tpu.memref_squeeze %get3A_419 : memref<1x64x128xf32, #tpu.memory_space<vmem>> -> memref<64x128xf32, #tpu.memory_space<vmem>>
            %get3A_421 = arith.index_cast %add3A_160 : i32 to index
            %get3A_422 = arith.constant 112 : index
            %get3A_423 = tpu.vector_load %get3A_420[%get3A_421, %get3A_422] {strides = array<i32>} : memref<64x128xf32, #tpu.memory_space<vmem>>, vector<16xf32>,
            %mul3A_424 = arith.mulf %gather3A, %get3A_423 : vector<16xf32>
            %add3A_425 = arith.addf %get3A_416, %mul3A_424 : vector<16xf32>
            %swap3A_426 = arith.index_cast %min3A : i32 to index
            %swap3A_427 = arith.constant 112 : index
            %swap3A_428 = tpu.vector_load %arg9[%swap3A_426, %swap3A_427] {strides = array<i32>} : memref<320x144xf32, #tpu.memory_space<vmem>>, vector<16xf32>,
            tpu.vector_store %arg9[%swap3A_426, %swap3A_427], %add3A_425 {strides = array<i32>} : memref<320x144xf32, #tpu.memory_space<vmem>>, vector<16xf32>,
            %get3A_429 = arith.index_cast %min3A_184 : i32 to index
            %get3A_430 = arith.constant 112 : index
            %get3A_431 = tpu.vector_load %arg9[%get3A_429, %get3A_430] {strides = array<i32>} : memref<320x144xf32, #tpu.memory_space<vmem>>, vector<16xf32>,
            %add3A_432 = arith.constant 1 : i32
            %add3A_433 = arith.addi %add3A_160, %add3A_432 : i32
            %get3A_434 = arith.constant 0 : i32
            %get3A_435 = arith.constant 0 : i32
            %get3A_436 = tpu.memref_slice %arg16[%scan3A_150, %get3A_434, %get3A_435] : memref<2x64x128xf32, #tpu.memory_space<vmem>> -> memref<1x64x128xf32, #tpu.memory_space<vmem>>
            %get3A_437 = tpu.memref_squeeze %get3A_436 : memref<1x64x128xf32, #tpu.memory_space<vmem>> -> memref<64x128xf32, #tpu.memory_space<vmem>>
            %get3A_438 = arith.index_cast %add3A_433 : i32 to index
            %get3A_439 = arith.constant 112 : index
            %get3A_440 = tpu.vector_load %get3A_437[%get3A_438, %get3A_439] {strides = array<i32>} : memref<64x128xf32, #tpu.memory_space<vmem>>, vector<16xf32>,
            %mul3A_441 = arith.mulf %gather3A_165, %get3A_440 : vector<16xf32>
            %add3A_442 = arith.addf %get3A_431, %mul3A_441 : vector<16xf32>
            %swap3A_443 = arith.index_cast %min3A_184 : i32 to index
            %swap3A_444 = arith.constant 112 : index
            %swap3A_445 = tpu.vector_load %arg9[%swap3A_443, %swap3A_444] {strides = array<i32>} : memref<320x144xf32, #tpu.memory_space<vmem>>, vector<16xf32>,
            tpu.vector_store %arg9[%swap3A_443, %swap3A_444], %add3A_442 {strides = array<i32>} : memref<320x144xf32, #tpu.memory_space<vmem>>, vector<16xf32>,
            %get3A_446 = arith.index_cast %min3A : i32 to index
            %get3A_447 = arith.constant 128 : index
            %get3A_448 = tpu.vector_load %arg9[%get3A_446, %get3A_447] {strides = array<i32>} : memref<320x144xf32, #tpu.memory_space<vmem>>, vector<16xf32>,
            %eq3A_449 = arith.constant 0 : i32
            %eq3A_450 = vector.broadcast %eq3A_449 : i32 to vector<16xi32>
            %eq3A_451 = arith.cmpi eq, %iota3A, %eq3A_450 : vector<16xi32>
            %jit3A_452 = arith.constant 0.000000e+00 : f32
            %broadcast_in_dim3A_453 = vector.broadcast %jit3A_452 : f32 to vector<16xf32>
            %select_n3A_454 = arith.select %eq3A_451, %gather3A, %broadcast_in_dim3A_453 : vector<16xi1>, vector<16xf32>
            %add3A_455 = arith.addf %get3A_448, %select_n3A_454 : vector<16xf32>
            %swap3A_456 = arith.index_cast %min3A : i32 to index
            %swap3A_457 = arith.constant 128 : index
            %swap3A_458 = tpu.vector_load %arg9[%swap3A_456, %swap3A_457] {strides = array<i32>} : memref<320x144xf32, #tpu.memory_space<vmem>>, vector<16xf32>,
            tpu.vector_store %arg9[%swap3A_456, %swap3A_457], %add3A_455 {strides = array<i32>} : memref<320x144xf32, #tpu.memory_space<vmem>>, vector<16xf32>,
            %get3A_459 = arith.index_cast %min3A_184 : i32 to index
            %get3A_460 = arith.constant 128 : index
            %get3A_461 = tpu.vector_load %arg9[%get3A_459, %get3A_460] {strides = array<i32>} : memref<320x144xf32, #tpu.memory_space<vmem>>, vector<16xf32>,
            %eq3A_462 = arith.constant 0 : i32
            %eq3A_463 = vector.broadcast %eq3A_462 : i32 to vector<16xi32>
            %eq3A_464 = arith.cmpi eq, %iota3A, %eq3A_463 : vector<16xi32>
            %jit3A_465 = arith.constant 0.000000e+00 : f32
            %broadcast_in_dim3A_466 = vector.broadcast %jit3A_465 : f32 to vector<16xf32>
            %select_n3A_467 = arith.select %eq3A_464, %gather3A_165, %broadcast_in_dim3A_466 : vector<16xi1>, vector<16xf32>
            %add3A_468 = arith.addf %get3A_461, %select_n3A_467 : vector<16xf32>
            %swap3A_469 = arith.index_cast %min3A_184 : i32 to index
            %swap3A_470 = arith.constant 128 : index
            %swap3A_471 = tpu.vector_load %arg9[%swap3A_469, %swap3A_470] {strides = array<i32>} : memref<320x144xf32, #tpu.memory_space<vmem>>, vector<16xf32>,
            tpu.vector_store %arg9[%swap3A_469, %swap3A_470], %add3A_468 {strides = array<i32>} : memref<320x144xf32, #tpu.memory_space<vmem>>, vector<16xf32>,
          } else {
          }
          %eq3A = arith.cmpi eq, %min3A, %min3A_184 : i32
          %convert_element_type3A_189 = arith.extui %eq3A : i1 to i32
          %cond3A_190 = arith.constant 0 : i32
          %cond3A_191 = arith.cmpi ne, %convert_element_type3A_189, %cond3A_190 : i32
          scf.if %cond3A_191 {
            %get3A = arith.index_cast %min3A : i32 to index
            %get3A_192 = arith.constant 0 : index
            %get3A_193 = tpu.vector_load %arg9[%get3A, %get3A_192] {strides = array<i32>} : memref<320x144xf32, #tpu.memory_space<vmem>>, vector<16xf32>,
            %get3A_194 = arith.constant 0 : i32
            %get3A_195 = arith.constant 0 : i32
            %get3A_196 = tpu.memref_slice %arg16[%scan3A_150, %get3A_194, %get3A_195] : memref<2x64x128xf32, #tpu.memory_space<vmem>> -> memref<1x64x128xf32, #tpu.memory_space<vmem>>
            %get3A_197 = tpu.memref_squeeze %get3A_196 : memref<1x64x128xf32, #tpu.memory_space<vmem>> -> memref<64x128xf32, #tpu.memory_space<vmem>>
            %get3A_198 = arith.index_cast %add3A_160 : i32 to index
            %get3A_199 = arith.constant 0 : index
            %get3A_200 = tpu.vector_load %get3A_197[%get3A_198, %get3A_199] {strides = array<i32>} : memref<64x128xf32, #tpu.memory_space<vmem>>, vector<16xf32>,
            %mul3A_201 = arith.mulf %gather3A, %get3A_200 : vector<16xf32>
            %add3A_202 = arith.constant 1 : i32
            %add3A_203 = arith.addi %add3A_160, %add3A_202 : i32
            %get3A_204 = arith.constant 0 : i32
            %get3A_205 = arith.constant 0 : i32
            %get3A_206 = tpu.memref_slice %arg16[%scan3A_150, %get3A_204, %get3A_205] : memref<2x64x128xf32, #tpu.memory_space<vmem>> -> memref<1x64x128xf32, #tpu.memory_space<vmem>>
            %get3A_207 = tpu.memref_squeeze %get3A_206 : memref<1x64x128xf32, #tpu.memory_space<vmem>> -> memref<64x128xf32, #tpu.memory_space<vmem>>
            %get3A_208 = arith.index_cast %add3A_203 : i32 to index
            %get3A_209 = arith.constant 0 : index
            %get3A_210 = tpu.vector_load %get3A_207[%get3A_208, %get3A_209] {strides = array<i32>} : memref<64x128xf32, #tpu.memory_space<vmem>>, vector<16xf32>,
            %mul3A_211 = arith.mulf %gather3A_165, %get3A_210 : vector<16xf32>
            %add3A_212 = arith.addf %mul3A_201, %mul3A_211 : vector<16xf32>
            %add3A_213 = arith.addf %get3A_193, %add3A_212 : vector<16xf32>
            %swap3A = arith.index_cast %min3A : i32 to index
            %swap3A_214 = arith.constant 0 : index
            %swap3A_215 = tpu.vector_load %arg9[%swap3A, %swap3A_214] {strides = array<i32>} : memref<320x144xf32, #tpu.memory_space<vmem>>, vector<16xf32>,
            tpu.vector_store %arg9[%swap3A, %swap3A_214], %add3A_213 {strides = array<i32>} : memref<320x144xf32, #tpu.memory_space<vmem>>, vector<16xf32>,
            %get3A_216 = arith.index_cast %min3A : i32 to index
            %get3A_217 = arith.constant 16 : index
            %get3A_218 = tpu.vector_load %arg9[%get3A_216, %get3A_217] {strides = array<i32>} : memref<320x144xf32, #tpu.memory_space<vmem>>, vector<16xf32>,
            %get3A_219 = arith.constant 0 : i32
            %get3A_220 = arith.constant 0 : i32
            %get3A_221 = tpu.memref_slice %arg16[%scan3A_150, %get3A_219, %get3A_220] : memref<2x64x128xf32, #tpu.memory_space<vmem>> -> memref<1x64x128xf32, #tpu.memory_space<vmem>>
            %get3A_222 = tpu.memref_squeeze %get3A_221 : memref<1x64x128xf32, #tpu.memory_space<vmem>> -> memref<64x128xf32, #tpu.memory_space<vmem>>
            %get3A_223 = arith.index_cast %add3A_160 : i32 to index
            %get3A_224 = arith.constant 16 : index
            %get3A_225 = tpu.vector_load %get3A_222[%get3A_223, %get3A_224] {strides = array<i32>} : memref<64x128xf32, #tpu.memory_space<vmem>>, vector<16xf32>,
            %mul3A_226 = arith.mulf %gather3A, %get3A_225 : vector<16xf32>
            %add3A_227 = arith.constant 1 : i32
            %add3A_228 = arith.addi %add3A_160, %add3A_227 : i32
            %get3A_229 = arith.constant 0 : i32
            %get3A_230 = arith.constant 0 : i32
            %get3A_231 = tpu.memref_slice %arg16[%scan3A_150, %get3A_229, %get3A_230] : memref<2x64x128xf32, #tpu.memory_space<vmem>> -> memref<1x64x128xf32, #tpu.memory_space<vmem>>
            %get3A_232 = tpu.memref_squeeze %get3A_231 : memref<1x64x128xf32, #tpu.memory_space<vmem>> -> memref<64x128xf32, #tpu.memory_space<vmem>>
            %get3A_233 = arith.index_cast %add3A_228 : i32 to index
            %get3A_234 = arith.constant 16 : index
            %get3A_235 = tpu.vector_load %get3A_232[%get3A_233, %get3A_234] {strides = array<i32>} : memref<64x128xf32, #tpu.memory_space<vmem>>, vector<16xf32>,
            %mul3A_236 = arith.mulf %gather3A_165, %get3A_235 : vector<16xf32>
            %add3A_237 = arith.addf %mul3A_226, %mul3A_236 : vector<16xf32>
            %add3A_238 = arith.addf %get3A_218, %add3A_237 : vector<16xf32>
            %swap3A_239 = arith.index_cast %min3A : i32 to index
            %swap3A_240 = arith.constant 16 : index
            %swap3A_241 = tpu.vector_load %arg9[%swap3A_239, %swap3A_240] {strides = array<i32>} : memref<320x144xf32, #tpu.memory_space<vmem>>, vector<16xf32>,
            tpu.vector_store %arg9[%swap3A_239, %swap3A_240], %add3A_238 {strides = array<i32>} : memref<320x144xf32, #tpu.memory_space<vmem>>, vector<16xf32>,
            %get3A_242 = arith.index_cast %min3A : i32 to index
            %get3A_243 = arith.constant 32 : index
            %get3A_244 = tpu.vector_load %arg9[%get3A_242, %get3A_243] {strides = array<i32>} : memref<320x144xf32, #tpu.memory_space<vmem>>, vector<16xf32>,
            %get3A_245 = arith.constant 0 : i32
            %get3A_246 = arith.constant 0 : i32
            %get3A_247 = tpu.memref_slice %arg16[%scan3A_150, %get3A_245, %get3A_246] : memref<2x64x128xf32, #tpu.memory_space<vmem>> -> memref<1x64x128xf32, #tpu.memory_space<vmem>>
            %get3A_248 = tpu.memref_squeeze %get3A_247 : memref<1x64x128xf32, #tpu.memory_space<vmem>> -> memref<64x128xf32, #tpu.memory_space<vmem>>
            %get3A_249 = arith.index_cast %add3A_160 : i32 to index
            %get3A_250 = arith.constant 32 : index
            %get3A_251 = tpu.vector_load %get3A_248[%get3A_249, %get3A_250] {strides = array<i32>} : memref<64x128xf32, #tpu.memory_space<vmem>>, vector<16xf32>,
            %mul3A_252 = arith.mulf %gather3A, %get3A_251 : vector<16xf32>
            %add3A_253 = arith.constant 1 : i32
            %add3A_254 = arith.addi %add3A_160, %add3A_253 : i32
            %get3A_255 = arith.constant 0 : i32
            %get3A_256 = arith.constant 0 : i32
            %get3A_257 = tpu.memref_slice %arg16[%scan3A_150, %get3A_255, %get3A_256] : memref<2x64x128xf32, #tpu.memory_space<vmem>> -> memref<1x64x128xf32, #tpu.memory_space<vmem>>
            %get3A_258 = tpu.memref_squeeze %get3A_257 : memref<1x64x128xf32, #tpu.memory_space<vmem>> -> memref<64x128xf32, #tpu.memory_space<vmem>>
            %get3A_259 = arith.index_cast %add3A_254 : i32 to index
            %get3A_260 = arith.constant 32 : index
            %get3A_261 = tpu.vector_load %get3A_258[%get3A_259, %get3A_260] {strides = array<i32>} : memref<64x128xf32, #tpu.memory_space<vmem>>, vector<16xf32>,
            %mul3A_262 = arith.mulf %gather3A_165, %get3A_261 : vector<16xf32>
            %add3A_263 = arith.addf %mul3A_252, %mul3A_262 : vector<16xf32>
            %add3A_264 = arith.addf %get3A_244, %add3A_263 : vector<16xf32>
            %swap3A_265 = arith.index_cast %min3A : i32 to index
            %swap3A_266 = arith.constant 32 : index
            %swap3A_267 = tpu.vector_load %arg9[%swap3A_265, %swap3A_266] {strides = array<i32>} : memref<320x144xf32, #tpu.memory_space<vmem>>, vector<16xf32>,
            tpu.vector_store %arg9[%swap3A_265, %swap3A_266], %add3A_264 {strides = array<i32>} : memref<320x144xf32, #tpu.memory_space<vmem>>, vector<16xf32>,
            %get3A_268 = arith.index_cast %min3A : i32 to index
            %get3A_269 = arith.constant 48 : index
            %get3A_270 = tpu.vector_load %arg9[%get3A_268, %get3A_269] {strides = array<i32>} : memref<320x144xf32, #tpu.memory_space<vmem>>, vector<16xf32>,
            %get3A_271 = arith.constant 0 : i32
            %get3A_272 = arith.constant 0 : i32
            %get3A_273 = tpu.memref_slice %arg16[%scan3A_150, %get3A_271, %get3A_272] : memref<2x64x128xf32, #tpu.memory_space<vmem>> -> memref<1x64x128xf32, #tpu.memory_space<vmem>>
            %get3A_274 = tpu.memref_squeeze %get3A_273 : memref<1x64x128xf32, #tpu.memory_space<vmem>> -> memref<64x128xf32, #tpu.memory_space<vmem>>
            %get3A_275 = arith.index_cast %add3A_160 : i32 to index
            %get3A_276 = arith.constant 48 : index
            %get3A_277 = tpu.vector_load %get3A_274[%get3A_275, %get3A_276] {strides = array<i32>} : memref<64x128xf32, #tpu.memory_space<vmem>>, vector<16xf32>,
            %mul3A_278 = arith.mulf %gather3A, %get3A_277 : vector<16xf32>
            %add3A_279 = arith.constant 1 : i32
            %add3A_280 = arith.addi %add3A_160, %add3A_279 : i32
            %get3A_281 = arith.constant 0 : i32
            %get3A_282 = arith.constant 0 : i32
            %get3A_283 = tpu.memref_slice %arg16[%scan3A_150, %get3A_281, %get3A_282] : memref<2x64x128xf32, #tpu.memory_space<vmem>> -> memref<1x64x128xf32, #tpu.memory_space<vmem>>
            %get3A_284 = tpu.memref_squeeze %get3A_283 : memref<1x64x128xf32, #tpu.memory_space<vmem>> -> memref<64x128xf32, #tpu.memory_space<vmem>>
            %get3A_285 = arith.index_cast %add3A_280 : i32 to index
            %get3A_286 = arith.constant 48 : index
            %get3A_287 = tpu.vector_load %get3A_284[%get3A_285, %get3A_286] {strides = array<i32>} : memref<64x128xf32, #tpu.memory_space<vmem>>, vector<16xf32>,
            %mul3A_288 = arith.mulf %gather3A_165, %get3A_287 : vector<16xf32>
            %add3A_289 = arith.addf %mul3A_278, %mul3A_288 : vector<16xf32>
            %add3A_290 = arith.addf %get3A_270, %add3A_289 : vector<16xf32>
            %swap3A_291 = arith.index_cast %min3A : i32 to index
            %swap3A_292 = arith.constant 48 : index
            %swap3A_293 = tpu.vector_load %arg9[%swap3A_291, %swap3A_292] {strides = array<i32>} : memref<320x144xf32, #tpu.memory_space<vmem>>, vector<16xf32>,
            tpu.vector_store %arg9[%swap3A_291, %swap3A_292], %add3A_290 {strides = array<i32>} : memref<320x144xf32, #tpu.memory_space<vmem>>, vector<16xf32>,
            %get3A_294 = arith.index_cast %min3A : i32 to index
            %get3A_295 = arith.constant 64 : index
            %get3A_296 = tpu.vector_load %arg9[%get3A_294, %get3A_295] {strides = array<i32>} : memref<320x144xf32, #tpu.memory_space<vmem>>, vector<16xf32>,
            %get3A_297 = arith.constant 0 : i32
            %get3A_298 = arith.constant 0 : i32
            %get3A_299 = tpu.memref_slice %arg16[%scan3A_150, %get3A_297, %get3A_298] : memref<2x64x128xf32, #tpu.memory_space<vmem>> -> memref<1x64x128xf32, #tpu.memory_space<vmem>>
            %get3A_300 = tpu.memref_squeeze %get3A_299 : memref<1x64x128xf32, #tpu.memory_space<vmem>> -> memref<64x128xf32, #tpu.memory_space<vmem>>
            %get3A_301 = arith.index_cast %add3A_160 : i32 to index
            %get3A_302 = arith.constant 64 : index
            %get3A_303 = tpu.vector_load %get3A_300[%get3A_301, %get3A_302] {strides = array<i32>} : memref<64x128xf32, #tpu.memory_space<vmem>>, vector<16xf32>,
            %mul3A_304 = arith.mulf %gather3A, %get3A_303 : vector<16xf32>
            %add3A_305 = arith.constant 1 : i32
            %add3A_306 = arith.addi %add3A_160, %add3A_305 : i32
            %get3A_307 = arith.constant 0 : i32
            %get3A_308 = arith.constant 0 : i32
            %get3A_309 = tpu.memref_slice %arg16[%scan3A_150, %get3A_307, %get3A_308] : memref<2x64x128xf32, #tpu.memory_space<vmem>> -> memref<1x64x128xf32, #tpu.memory_space<vmem>>
            %get3A_310 = tpu.memref_squeeze %get3A_309 : memref<1x64x128xf32, #tpu.memory_space<vmem>> -> memref<64x128xf32, #tpu.memory_space<vmem>>
            %get3A_311 = arith.index_cast %add3A_306 : i32 to index
            %get3A_312 = arith.constant 64 : index
            %get3A_313 = tpu.vector_load %get3A_310[%get3A_311, %get3A_312] {strides = array<i32>} : memref<64x128xf32, #tpu.memory_space<vmem>>, vector<16xf32>,
            %mul3A_314 = arith.mulf %gather3A_165, %get3A_313 : vector<16xf32>
            %add3A_315 = arith.addf %mul3A_304, %mul3A_314 : vector<16xf32>
            %add3A_316 = arith.addf %get3A_296, %add3A_315 : vector<16xf32>
            %swap3A_317 = arith.index_cast %min3A : i32 to index
            %swap3A_318 = arith.constant 64 : index
            %swap3A_319 = tpu.vector_load %arg9[%swap3A_317, %swap3A_318] {strides = array<i32>} : memref<320x144xf32, #tpu.memory_space<vmem>>, vector<16xf32>,
            tpu.vector_store %arg9[%swap3A_317, %swap3A_318], %add3A_316 {strides = array<i32>} : memref<320x144xf32, #tpu.memory_space<vmem>>, vector<16xf32>,
            %get3A_320 = arith.index_cast %min3A : i32 to index
            %get3A_321 = arith.constant 80 : index
            %get3A_322 = tpu.vector_load %arg9[%get3A_320, %get3A_321] {strides = array<i32>} : memref<320x144xf32, #tpu.memory_space<vmem>>, vector<16xf32>,
            %get3A_323 = arith.constant 0 : i32
            %get3A_324 = arith.constant 0 : i32
            %get3A_325 = tpu.memref_slice %arg16[%scan3A_150, %get3A_323, %get3A_324] : memref<2x64x128xf32, #tpu.memory_space<vmem>> -> memref<1x64x128xf32, #tpu.memory_space<vmem>>
            %get3A_326 = tpu.memref_squeeze %get3A_325 : memref<1x64x128xf32, #tpu.memory_space<vmem>> -> memref<64x128xf32, #tpu.memory_space<vmem>>
            %get3A_327 = arith.index_cast %add3A_160 : i32 to index
            %get3A_328 = arith.constant 80 : index
            %get3A_329 = tpu.vector_load %get3A_326[%get3A_327, %get3A_328] {strides = array<i32>} : memref<64x128xf32, #tpu.memory_space<vmem>>, vector<16xf32>,
            %mul3A_330 = arith.mulf %gather3A, %get3A_329 : vector<16xf32>
            %add3A_331 = arith.constant 1 : i32
            %add3A_332 = arith.addi %add3A_160, %add3A_331 : i32
            %get3A_333 = arith.constant 0 : i32
            %get3A_334 = arith.constant 0 : i32
            %get3A_335 = tpu.memref_slice %arg16[%scan3A_150, %get3A_333, %get3A_334] : memref<2x64x128xf32, #tpu.memory_space<vmem>> -> memref<1x64x128xf32, #tpu.memory_space<vmem>>
            %get3A_336 = tpu.memref_squeeze %get3A_335 : memref<1x64x128xf32, #tpu.memory_space<vmem>> -> memref<64x128xf32, #tpu.memory_space<vmem>>
            %get3A_337 = arith.index_cast %add3A_332 : i32 to index
            %get3A_338 = arith.constant 80 : index
            %get3A_339 = tpu.vector_load %get3A_336[%get3A_337, %get3A_338] {strides = array<i32>} : memref<64x128xf32, #tpu.memory_space<vmem>>, vector<16xf32>,
            %mul3A_340 = arith.mulf %gather3A_165, %get3A_339 : vector<16xf32>
            %add3A_341 = arith.addf %mul3A_330, %mul3A_340 : vector<16xf32>
            %add3A_342 = arith.addf %get3A_322, %add3A_341 : vector<16xf32>
            %swap3A_343 = arith.index_cast %min3A : i32 to index
            %swap3A_344 = arith.constant 80 : index
            %swap3A_345 = tpu.vector_load %arg9[%swap3A_343, %swap3A_344] {strides = array<i32>} : memref<320x144xf32, #tpu.memory_space<vmem>>, vector<16xf32>,
            tpu.vector_store %arg9[%swap3A_343, %swap3A_344], %add3A_342 {strides = array<i32>} : memref<320x144xf32, #tpu.memory_space<vmem>>, vector<16xf32>,
            %get3A_346 = arith.index_cast %min3A : i32 to index
            %get3A_347 = arith.constant 96 : index
            %get3A_348 = tpu.vector_load %arg9[%get3A_346, %get3A_347] {strides = array<i32>} : memref<320x144xf32, #tpu.memory_space<vmem>>, vector<16xf32>,
            %get3A_349 = arith.constant 0 : i32
            %get3A_350 = arith.constant 0 : i32
            %get3A_351 = tpu.memref_slice %arg16[%scan3A_150, %get3A_349, %get3A_350] : memref<2x64x128xf32, #tpu.memory_space<vmem>> -> memref<1x64x128xf32, #tpu.memory_space<vmem>>
            %get3A_352 = tpu.memref_squeeze %get3A_351 : memref<1x64x128xf32, #tpu.memory_space<vmem>> -> memref<64x128xf32, #tpu.memory_space<vmem>>
            %get3A_353 = arith.index_cast %add3A_160 : i32 to index
            %get3A_354 = arith.constant 96 : index
            %get3A_355 = tpu.vector_load %get3A_352[%get3A_353, %get3A_354] {strides = array<i32>} : memref<64x128xf32, #tpu.memory_space<vmem>>, vector<16xf32>,
            %mul3A_356 = arith.mulf %gather3A, %get3A_355 : vector<16xf32>
            %add3A_357 = arith.constant 1 : i32
            %add3A_358 = arith.addi %add3A_160, %add3A_357 : i32
            %get3A_359 = arith.constant 0 : i32
            %get3A_360 = arith.constant 0 : i32
            %get3A_361 = tpu.memref_slice %arg16[%scan3A_150, %get3A_359, %get3A_360] : memref<2x64x128xf32, #tpu.memory_space<vmem>> -> memref<1x64x128xf32, #tpu.memory_space<vmem>>
            %get3A_362 = tpu.memref_squeeze %get3A_361 : memref<1x64x128xf32, #tpu.memory_space<vmem>> -> memref<64x128xf32, #tpu.memory_space<vmem>>
            %get3A_363 = arith.index_cast %add3A_358 : i32 to index
            %get3A_364 = arith.constant 96 : index
            %get3A_365 = tpu.vector_load %get3A_362[%get3A_363, %get3A_364] {strides = array<i32>} : memref<64x128xf32, #tpu.memory_space<vmem>>, vector<16xf32>,
            %mul3A_366 = arith.mulf %gather3A_165, %get3A_365 : vector<16xf32>
            %add3A_367 = arith.addf %mul3A_356, %mul3A_366 : vector<16xf32>
            %add3A_368 = arith.addf %get3A_348, %add3A_367 : vector<16xf32>
            %swap3A_369 = arith.index_cast %min3A : i32 to index
            %swap3A_370 = arith.constant 96 : index
            %swap3A_371 = tpu.vector_load %arg9[%swap3A_369, %swap3A_370] {strides = array<i32>} : memref<320x144xf32, #tpu.memory_space<vmem>>, vector<16xf32>,
            tpu.vector_store %arg9[%swap3A_369, %swap3A_370], %add3A_368 {strides = array<i32>} : memref<320x144xf32, #tpu.memory_space<vmem>>, vector<16xf32>,
            %get3A_372 = arith.index_cast %min3A : i32 to index
            %get3A_373 = arith.constant 112 : index
            %get3A_374 = tpu.vector_load %arg9[%get3A_372, %get3A_373] {strides = array<i32>} : memref<320x144xf32, #tpu.memory_space<vmem>>, vector<16xf32>,
            %get3A_375 = arith.constant 0 : i32
            %get3A_376 = arith.constant 0 : i32
            %get3A_377 = tpu.memref_slice %arg16[%scan3A_150, %get3A_375, %get3A_376] : memref<2x64x128xf32, #tpu.memory_space<vmem>> -> memref<1x64x128xf32, #tpu.memory_space<vmem>>
            %get3A_378 = tpu.memref_squeeze %get3A_377 : memref<1x64x128xf32, #tpu.memory_space<vmem>> -> memref<64x128xf32, #tpu.memory_space<vmem>>
            %get3A_379 = arith.index_cast %add3A_160 : i32 to index
            %get3A_380 = arith.constant 112 : index
            %get3A_381 = tpu.vector_load %get3A_378[%get3A_379, %get3A_380] {strides = array<i32>} : memref<64x128xf32, #tpu.memory_space<vmem>>, vector<16xf32>,
            %mul3A_382 = arith.mulf %gather3A, %get3A_381 : vector<16xf32>
            %add3A_383 = arith.constant 1 : i32
            %add3A_384 = arith.addi %add3A_160, %add3A_383 : i32
            %get3A_385 = arith.constant 0 : i32
            %get3A_386 = arith.constant 0 : i32
            %get3A_387 = tpu.memref_slice %arg16[%scan3A_150, %get3A_385, %get3A_386] : memref<2x64x128xf32, #tpu.memory_space<vmem>> -> memref<1x64x128xf32, #tpu.memory_space<vmem>>
            %get3A_388 = tpu.memref_squeeze %get3A_387 : memref<1x64x128xf32, #tpu.memory_space<vmem>> -> memref<64x128xf32, #tpu.memory_space<vmem>>
            %get3A_389 = arith.index_cast %add3A_384 : i32 to index
            %get3A_390 = arith.constant 112 : index
            %get3A_391 = tpu.vector_load %get3A_388[%get3A_389, %get3A_390] {strides = array<i32>} : memref<64x128xf32, #tpu.memory_space<vmem>>, vector<16xf32>,
            %mul3A_392 = arith.mulf %gather3A_165, %get3A_391 : vector<16xf32>
            %add3A_393 = arith.addf %mul3A_382, %mul3A_392 : vector<16xf32>
            %add3A_394 = arith.addf %get3A_374, %add3A_393 : vector<16xf32>
            %swap3A_395 = arith.index_cast %min3A : i32 to index
            %swap3A_396 = arith.constant 112 : index
            %swap3A_397 = tpu.vector_load %arg9[%swap3A_395, %swap3A_396] {strides = array<i32>} : memref<320x144xf32, #tpu.memory_space<vmem>>, vector<16xf32>,
            tpu.vector_store %arg9[%swap3A_395, %swap3A_396], %add3A_394 {strides = array<i32>} : memref<320x144xf32, #tpu.memory_space<vmem>>, vector<16xf32>,
            %get3A_398 = arith.index_cast %min3A : i32 to index
            %get3A_399 = arith.constant 128 : index
            %get3A_400 = tpu.vector_load %arg9[%get3A_398, %get3A_399] {strides = array<i32>} : memref<320x144xf32, #tpu.memory_space<vmem>>, vector<16xf32>,
            %eq3A_401 = arith.constant 0 : i32
            %eq3A_402 = vector.broadcast %eq3A_401 : i32 to vector<16xi32>
            %eq3A_403 = arith.cmpi eq, %iota3A, %eq3A_402 : vector<16xi32>
            %add3A_404 = arith.addf %gather3A, %gather3A_165 : vector<16xf32>
            %jit3A_405 = arith.constant 0.000000e+00 : f32
            %broadcast_in_dim3A_406 = vector.broadcast %jit3A_405 : f32 to vector<16xf32>
            %select_n3A_407 = arith.select %eq3A_403, %add3A_404, %broadcast_in_dim3A_406 : vector<16xi1>, vector<16xf32>
            %add3A_408 = arith.addf %get3A_400, %select_n3A_407 : vector<16xf32>
            %swap3A_409 = arith.index_cast %min3A : i32 to index
            %swap3A_410 = arith.constant 128 : index
            %swap3A_411 = tpu.vector_load %arg9[%swap3A_409, %swap3A_410] {strides = array<i32>} : memref<320x144xf32, #tpu.memory_space<vmem>>, vector<16xf32>,
            tpu.vector_store %arg9[%swap3A_409, %swap3A_410], %add3A_408 {strides = array<i32>} : memref<320x144xf32, #tpu.memory_space<vmem>>, vector<16xf32>,
          } else {
          }
        }
        %scan3A_155 = arith.constant 32 : i32
      } else {
      }
    }
    %while3A_93 = arith.constant 1 : i32
    scf.for %while3A_99 = %while3A_91 to %while3A_87 step %while3A_93  : i32 {
      %mul3A_100 = arith.muli %while3A_99, %while3A : i32
      %add3A_101 = arith.addi %while3A_84, %mul3A_100 : i32
      %mul3A_102 = arith.constant 2 : i32
      %mul3A_103 = arith.muli %mul3A_102, %add3A_101 : i32
      %mul3A_104 = arith.constant 2 : i32
      %mul3A_105 = arith.muli %mul3A_104, %add3A_101 : i32
      %add3A_106 = arith.constant 1 : i32
      %add3A_107 = arith.addi %mul3A_105, %add3A_106 : i32
      %lt3A = arith.cmpi slt, %add3A_107, %select_n3A : i32
      %convert_element_type3A_108 = arith.extui %lt3A : i1 to i32
      %cond3A_109 = arith.constant 0 : i32
      %cond3A_110 = arith.cmpi ne, %convert_element_type3A_108, %cond3A_109 : i32
      scf.if %cond3A_110 {
        %mul3A_125 = arith.constant 64 : i32
        %mul3A_126 = arith.muli %add3A_107, %mul3A_125 : i32
        %dma_start3A = arith.constant 1 : i32
        %dma_start3A_127 = arith.constant 0 : i32
        %dma_start3A_128 = arith.constant 0 : i32
        %dma_start3A_129 = tpu.memref_slice %arg16[%dma_start3A, %dma_start3A_127, %dma_start3A_128] : memref<2x64x128xf32, #tpu.memory_space<vmem>> -> memref<1x64x128xf32, #tpu.memory_space<vmem>>
        %dma_start3A_130 = tpu.memref_squeeze %dma_start3A_129 : memref<1x64x128xf32, #tpu.memory_space<vmem>> -> memref<64x128xf32, #tpu.memory_space<vmem>>
        %dma_start3A_131 = tpu.memref_slice %arg14[%mul3A_126] : memref<15872xi32, #tpu.memory_space<vmem>> -> memref<64xi32, #tpu.memory_space<vmem>>
        %dma_start3A_132 = arith.constant 0 : i32
        %dma_start3A_133 = arith.constant 0 : i32
        %dma_start3A_134 = tpu.memref_slice %arg2[%dma_start3A_132, %dma_start3A_133] : memref<10016x128xf32, #tpu.memory_space<hbm>> -> memref<10016x128xf32, #tpu.memory_space<hbm>>
        tpu.enqueue_indirect_dma source(%dma_start3A_134 : memref<10016x128xf32, #tpu.memory_space<hbm>>) target(%dma_start3A_130 : memref<64x128xf32, #tpu.memory_space<vmem>>) offsets(%dma_start3A_131 : memref<64xi32, #tpu.memory_space<vmem>>) semaphore(%arg20 : memref<!tpu.dma_semaphore, #tpu.memory_space<semaphore_mem>>)
        %mul3A_135 = arith.constant 64 : i32
        %mul3A_136 = arith.muli %add3A_107, %mul3A_135 : i32
        %dma_start3A_137 = arith.constant 1 : i32
        %dma_start3A_138 = arith.constant 0 : i32
        %dma_start3A_139 = tpu.memref_slice %arg17[%dma_start3A_137, %dma_start3A_138] : memref<2x64xf32, #tpu.memory_space<vmem>> -> memref<1x64xf32, #tpu.memory_space<vmem>>
        %dma_start3A_140 = tpu.memref_squeeze %dma_start3A_139 : memref<1x64xf32, #tpu.memory_space<vmem>> -> memref<64xf32, #tpu.memory_space<vmem>>
        %dma_start3A_141 = tpu.memref_slice %arg14[%mul3A_136] : memref<15872xi32, #tpu.memory_space<vmem>> -> memref<64xi32, #tpu.memory_space<vmem>>
        %dma_start3A_142 = arith.constant 0 : i32
        %dma_start3A_143 = tpu.memref_slice %arg3[%dma_start3A_142] : memref<10016xf32, #tpu.memory_space<hbm>> -> memref<10016xf32, #tpu.memory_space<hbm>>
        tpu.enqueue_indirect_dma source(%dma_start3A_143 : memref<10016xf32, #tpu.memory_space<hbm>>) target(%dma_start3A_140 : memref<64xf32, #tpu.memory_space<vmem>>) offsets(%dma_start3A_141 : memref<64xi32, #tpu.memory_space<vmem>>) semaphore(%arg20 : memref<!tpu.dma_semaphore, #tpu.memory_space<semaphore_mem>>)
      } else {
      }
      %lt3A_111 = arith.cmpi slt, %mul3A_103, %select_n3A : i32
      %convert_element_type3A_112 = arith.extui %lt3A_111 : i1 to i32
      %cond3A_113 = arith.constant 0 : i32
      %cond3A_114 = arith.cmpi ne, %convert_element_type3A_112, %cond3A_113 : i32
      scf.if %cond3A_114 {
        %mul3A_125 = arith.constant 64 : i32
        %mul3A_126 = arith.muli %mul3A_103, %mul3A_125 : i32
        %dma_wait3A = arith.constant 0 : i32
        %dma_wait3A_127 = arith.constant 0 : i32
        %dma_wait3A_128 = arith.constant 0 : i32
        %dma_wait3A_129 = tpu.memref_slice %arg16[%dma_wait3A, %dma_wait3A_127, %dma_wait3A_128] : memref<2x64x128xf32, #tpu.memory_space<vmem>> -> memref<1x64x128xf32, #tpu.memory_space<vmem>>
        %dma_wait3A_130 = tpu.memref_squeeze %dma_wait3A_129 : memref<1x64x128xf32, #tpu.memory_space<vmem>> -> memref<64x128xf32, #tpu.memory_space<vmem>>
        %dma_wait3A_131 = tpu.memref_slice %arg14[%mul3A_126] : memref<15872xi32, #tpu.memory_space<vmem>> -> memref<64xi32, #tpu.memory_space<vmem>>
        %dma_wait3A_132 = arith.constant 0 : i32
        %dma_wait3A_133 = arith.constant 0 : i32
        %dma_wait3A_134 = tpu.memref_slice %arg2[%dma_wait3A_132, %dma_wait3A_133] : memref<10016x128xf32, #tpu.memory_space<hbm>> -> memref<10016x128xf32, #tpu.memory_space<hbm>>
        tpu.wait_indirect_dma semaphore(%arg19 : memref<!tpu.dma_semaphore, #tpu.memory_space<semaphore_mem>>) src(%dma_wait3A_134 : memref<10016x128xf32, #tpu.memory_space<hbm>>) dst(%dma_wait3A_130 : memref<64x128xf32, #tpu.memory_space<vmem>>)
        %mul3A_135 = arith.constant 64 : i32
        %mul3A_136 = arith.muli %mul3A_103, %mul3A_135 : i32
        %dma_wait3A_137 = arith.constant 0 : i32
        %dma_wait3A_138 = arith.constant 0 : i32
        %dma_wait3A_139 = tpu.memref_slice %arg17[%dma_wait3A_137, %dma_wait3A_138] : memref<2x64xf32, #tpu.memory_space<vmem>> -> memref<1x64xf32, #tpu.memory_space<vmem>>
        %dma_wait3A_140 = tpu.memref_squeeze %dma_wait3A_139 : memref<1x64xf32, #tpu.memory_space<vmem>> -> memref<64xf32, #tpu.memory_space<vmem>>
        %dma_wait3A_141 = tpu.memref_slice %arg14[%mul3A_136] : memref<15872xi32, #tpu.memory_space<vmem>> -> memref<64xi32, #tpu.memory_space<vmem>>
        %dma_wait3A_142 = arith.constant 0 : i32
        %dma_wait3A_143 = tpu.memref_slice %arg3[%dma_wait3A_142] : memref<10016xf32, #tpu.memory_space<hbm>> -> memref<10016xf32, #tpu.memory_space<hbm>>
        tpu.wait_indirect_dma semaphore(%arg19 : memref<!tpu.dma_semaphore, #tpu.memory_space<semaphore_mem>>) src(%dma_wait3A_143 : memref<10016xf32, #tpu.memory_space<hbm>>) dst(%dma_wait3A_140 : memref<64xf32, #tpu.memory_space<vmem>>)
        %scan3A_144 = arith.constant 0 : i32
        %scan3A_145 = arith.constant 0 : i32
        %scan3A_146 = arith.constant 4 : i32
        %scan3A_147 = arith.addi %scan3A_145, %scan3A_146 : i32
        %scan3A_148 = arith.constant 1 : i32
        scf.for %scan3A_156 = %scan3A_145 to %scan3A_147 step %scan3A_148  : i32 {
          %mul3A_157 = arith.constant 1 : i32
          %mul3A_158 = arith.muli %scan3A_156, %mul3A_157 : i32
          %add3A_159 = arith.constant 0 : i32
          %add3A_160 = arith.addi %add3A_159, %mul3A_158 : i32
          %mul3A_161 = arith.constant 64 : i32
          %mul3A_162 = arith.muli %mul3A_103, %mul3A_161 : i32
          %mul3A_163 = arith.constant 16 : i32
          %mul3A_164 = arith.muli %add3A_160, %mul3A_163 : i32
          %add3A_165 = arith.addi %mul3A_162, %mul3A_164 : i32
          %get3A = arith.index_cast %add3A_165 : i32 to index
          %get3A_166 = tpu.vector_load %arg15[%get3A] {strides = array<i32>} : memref<15872xi32, #tpu.memory_space<vmem>>, vector<16xi32>,
          %sub3A_167 = vector.broadcast %mul3A_2 : i32 to vector<16xi32>
          %sub3A_168 = arith.subi %get3A_166, %sub3A_167 : vector<16xi32>
          %jit3A_169 = arith.constant 0 : i32
          %jit3A_170 = arith.constant 319 : i32
          %max3A = vector.broadcast %jit3A_169 : i32 to vector<16xi32>
          %max3A_171 = arith.maxsi %max3A, %sub3A_168 : vector<16xi32>
          %min3A = vector.broadcast %jit3A_170 : i32 to vector<16xi32>
          %min3A_172 = arith.minsi %min3A, %max3A_171 : vector<16xi32>
          %mul3A_173 = arith.constant 16 : i32
          %mul3A_174 = arith.muli %add3A_160, %mul3A_173 : i32
          %get3A_175 = arith.constant 0 : i32
          %get3A_176 = tpu.memref_slice %arg17[%scan3A_144, %get3A_175] : memref<2x64xf32, #tpu.memory_space<vmem>> -> memref<1x64xf32, #tpu.memory_space<vmem>>
          %get3A_177 = tpu.memref_squeeze %get3A_176 : memref<1x64xf32, #tpu.memory_space<vmem>> -> memref<64xf32, #tpu.memory_space<vmem>>
          %get3A_178 = arith.index_cast %mul3A_174 : i32 to index
          %get3A_179 = tpu.vector_load %get3A_177[%get3A_178] {strides = array<i32>} : memref<64xf32, #tpu.memory_space<vmem>>, vector<16xf32>,
          %gather3A = tpu.vector_load_idx %arg10[%min3A_172] : memref<320xf32, #tpu.memory_space<vmem>>[vector<16xi32>], vector<16xf32>,
          %add3A_180 = arith.addf %get3A_179, %gather3A : vector<16xf32>
          %lt3A_181 = arith.constant 0.000000e+00 : f32
          %lt3A_182 = vector.broadcast %lt3A_181 : f32 to vector<16xf32>
          %lt3A_183 = arith.cmpf olt, %add3A_180, %lt3A_182 : vector<16xf32>
          %mul3A_184 = arith.constant 0.00999999977 : f32
          %mul3A_185 = vector.broadcast %mul3A_184 : f32 to vector<16xf32>
          %mul3A_186 = arith.mulf %add3A_180, %mul3A_185 : vector<16xf32>
          %select_n3A_187 = arith.select %lt3A_183, %mul3A_186, %add3A_180 : vector<16xi1>, vector<16xf32>
          %exp3A = math.exp %select_n3A_187 : vector<16xf32>
          %mul3A_188 = arith.constant 16 : i32
          %mul3A_189 = arith.muli %add3A_160, %mul3A_188 : i32
          %swap3A = arith.index_cast %mul3A_189 : i32 to index
          %swap3A_190 = tpu.vector_load %arg18[%swap3A] {strides = array<i32>} : memref<64xf32, #tpu.memory_space<vmem>>, vector<16xf32>,
          tpu.vector_store %arg18[%swap3A], %exp3A {strides = array<i32>} : memref<64xf32, #tpu.memory_space<vmem>>, vector<16xf32>,
        }
        %scan3A_149 = arith.constant 4 : i32
        %scan3A_150 = arith.constant 0 : i32
        %scan3A_151 = arith.constant 0 : i32
        %scan3A_152 = arith.constant 32 : i32
        %scan3A_153 = arith.addi %scan3A_151, %scan3A_152 : i32
        %scan3A_154 = arith.constant 1 : i32
        scf.for %scan3A_156 = %scan3A_151 to %scan3A_153 step %scan3A_154  : i32 {
          %mul3A_157 = arith.constant 2 : i32
          %mul3A_158 = arith.muli %scan3A_156, %mul3A_157 : i32
          %add3A_159 = arith.constant 0 : i32
          %add3A_160 = arith.addi %add3A_159, %mul3A_158 : i32
          %broadcast_in_dim3A_161 = vector.broadcast %add3A_160 : i32 to vector<16xi32>
          %add3A_162 = arith.constant 1 : i32
          %add3A_163 = vector.broadcast %add3A_162 : i32 to vector<16xi32>
          %add3A_164 = arith.addi %broadcast_in_dim3A_161, %add3A_163 : vector<16xi32>
          %gather3A = tpu.vector_load_idx %arg18[%broadcast_in_dim3A_161] : memref<64xf32, #tpu.memory_space<vmem>>[vector<16xi32>], vector<16xf32>,
          %gather3A_165 = tpu.vector_load_idx %arg18[%add3A_164] : memref<64xf32, #tpu.memory_space<vmem>>[vector<16xi32>], vector<16xf32>,
          %mul3A_166 = arith.constant 64 : i32
          %mul3A_167 = arith.muli %mul3A_103, %mul3A_166 : i32
          %add3A_168 = arith.addi %mul3A_167, %add3A_160 : i32
          %broadcast_in_dim3A_169 = vector.broadcast %add3A_168 : i32 to vector<16xi32>
          %gather3A_170 = tpu.vector_load_idx %arg15[%broadcast_in_dim3A_169] : memref<15872xi32, #tpu.memory_space<vmem>>[vector<16xi32>], vector<16xi32>,
          %slice3A = vector.extract_strided_slice %gather3A_170 {offsets = [0], sizes = [1], strides = [1]} : vector<16xi32> to vector<1xi32>
          %squeeze3A = vector.extract %slice3A[0] : i32 from vector<1xi32>
          %sub3A_171 = arith.subi %squeeze3A, %mul3A_2 : i32
          %jit3A_172 = arith.constant 0 : i32
          %jit3A_173 = arith.constant 319 : i32
          %max3A = arith.maxsi %jit3A_172, %sub3A_171 : i32
          %min3A = arith.minsi %jit3A_173, %max3A : i32
          %add3A_174 = arith.constant 1 : i32
          %add3A_175 = vector.broadcast %add3A_174 : i32 to vector<16xi32>
          %add3A_176 = arith.addi %broadcast_in_dim3A_169, %add3A_175 : vector<16xi32>
          %gather3A_177 = tpu.vector_load_idx %arg15[%add3A_176] : memref<15872xi32, #tpu.memory_space<vmem>>[vector<16xi32>], vector<16xi32>,
          %slice3A_178 = vector.extract_strided_slice %gather3A_177 {offsets = [0], sizes = [1], strides = [1]} : vector<16xi32> to vector<1xi32>
          %squeeze3A_179 = vector.extract %slice3A_178[0] : i32 from vector<1xi32>
          %sub3A_180 = arith.subi %squeeze3A_179, %mul3A_2 : i32
          %jit3A_181 = arith.constant 0 : i32
          %jit3A_182 = arith.constant 319 : i32
          %max3A_183 = arith.maxsi %jit3A_181, %sub3A_180 : i32
          %min3A_184 = arith.minsi %jit3A_182, %max3A_183 : i32
          %ne3A_185 = arith.cmpi ne, %min3A, %min3A_184 : i32
          %convert_element_type3A_186 = arith.extui %ne3A_185 : i1 to i32
          %cond3A_187 = arith.constant 0 : i32
          %cond3A_188 = arith.cmpi ne, %convert_element_type3A_186, %cond3A_187 : i32
          scf.if %cond3A_188 {
            %get3A = arith.index_cast %min3A : i32 to index
            %get3A_192 = arith.constant 0 : index
            %get3A_193 = tpu.vector_load %arg9[%get3A, %get3A_192] {strides = array<i32>} : memref<320x144xf32, #tpu.memory_space<vmem>>, vector<16xf32>,
            %get3A_194 = arith.constant 0 : i32
            %get3A_195 = arith.constant 0 : i32
            %get3A_196 = tpu.memref_slice %arg16[%scan3A_150, %get3A_194, %get3A_195] : memref<2x64x128xf32, #tpu.memory_space<vmem>> -> memref<1x64x128xf32, #tpu.memory_space<vmem>>
            %get3A_197 = tpu.memref_squeeze %get3A_196 : memref<1x64x128xf32, #tpu.memory_space<vmem>> -> memref<64x128xf32, #tpu.memory_space<vmem>>
            %get3A_198 = arith.index_cast %add3A_160 : i32 to index
            %get3A_199 = arith.constant 0 : index
            %get3A_200 = tpu.vector_load %get3A_197[%get3A_198, %get3A_199] {strides = array<i32>} : memref<64x128xf32, #tpu.memory_space<vmem>>, vector<16xf32>,
            %mul3A_201 = arith.mulf %gather3A, %get3A_200 : vector<16xf32>
            %add3A_202 = arith.addf %get3A_193, %mul3A_201 : vector<16xf32>
            %swap3A = arith.index_cast %min3A : i32 to index
            %swap3A_203 = arith.constant 0 : index
            %swap3A_204 = tpu.vector_load %arg9[%swap3A, %swap3A_203] {strides = array<i32>} : memref<320x144xf32, #tpu.memory_space<vmem>>, vector<16xf32>,
            tpu.vector_store %arg9[%swap3A, %swap3A_203], %add3A_202 {strides = array<i32>} : memref<320x144xf32, #tpu.memory_space<vmem>>, vector<16xf32>,
            %get3A_205 = arith.index_cast %min3A_184 : i32 to index
            %get3A_206 = arith.constant 0 : index
            %get3A_207 = tpu.vector_load %arg9[%get3A_205, %get3A_206] {strides = array<i32>} : memref<320x144xf32, #tpu.memory_space<vmem>>, vector<16xf32>,
            %add3A_208 = arith.constant 1 : i32
            %add3A_209 = arith.addi %add3A_160, %add3A_208 : i32
            %get3A_210 = arith.constant 0 : i32
            %get3A_211 = arith.constant 0 : i32
            %get3A_212 = tpu.memref_slice %arg16[%scan3A_150, %get3A_210, %get3A_211] : memref<2x64x128xf32, #tpu.memory_space<vmem>> -> memref<1x64x128xf32, #tpu.memory_space<vmem>>
            %get3A_213 = tpu.memref_squeeze %get3A_212 : memref<1x64x128xf32, #tpu.memory_space<vmem>> -> memref<64x128xf32, #tpu.memory_space<vmem>>
            %get3A_214 = arith.index_cast %add3A_209 : i32 to index
            %get3A_215 = arith.constant 0 : index
            %get3A_216 = tpu.vector_load %get3A_213[%get3A_214, %get3A_215] {strides = array<i32>} : memref<64x128xf32, #tpu.memory_space<vmem>>, vector<16xf32>,
            %mul3A_217 = arith.mulf %gather3A_165, %get3A_216 : vector<16xf32>
            %add3A_218 = arith.addf %get3A_207, %mul3A_217 : vector<16xf32>
            %swap3A_219 = arith.index_cast %min3A_184 : i32 to index
            %swap3A_220 = arith.constant 0 : index
            %swap3A_221 = tpu.vector_load %arg9[%swap3A_219, %swap3A_220] {strides = array<i32>} : memref<320x144xf32, #tpu.memory_space<vmem>>, vector<16xf32>,
            tpu.vector_store %arg9[%swap3A_219, %swap3A_220], %add3A_218 {strides = array<i32>} : memref<320x144xf32, #tpu.memory_space<vmem>>, vector<16xf32>,
            %get3A_222 = arith.index_cast %min3A : i32 to index
            %get3A_223 = arith.constant 16 : index
            %get3A_224 = tpu.vector_load %arg9[%get3A_222, %get3A_223] {strides = array<i32>} : memref<320x144xf32, #tpu.memory_space<vmem>>, vector<16xf32>,
            %get3A_225 = arith.constant 0 : i32
            %get3A_226 = arith.constant 0 : i32
            %get3A_227 = tpu.memref_slice %arg16[%scan3A_150, %get3A_225, %get3A_226] : memref<2x64x128xf32, #tpu.memory_space<vmem>> -> memref<1x64x128xf32, #tpu.memory_space<vmem>>
            %get3A_228 = tpu.memref_squeeze %get3A_227 : memref<1x64x128xf32, #tpu.memory_space<vmem>> -> memref<64x128xf32, #tpu.memory_space<vmem>>
            %get3A_229 = arith.index_cast %add3A_160 : i32 to index
            %get3A_230 = arith.constant 16 : index
            %get3A_231 = tpu.vector_load %get3A_228[%get3A_229, %get3A_230] {strides = array<i32>} : memref<64x128xf32, #tpu.memory_space<vmem>>, vector<16xf32>,
            %mul3A_232 = arith.mulf %gather3A, %get3A_231 : vector<16xf32>
            %add3A_233 = arith.addf %get3A_224, %mul3A_232 : vector<16xf32>
            %swap3A_234 = arith.index_cast %min3A : i32 to index
            %swap3A_235 = arith.constant 16 : index
            %swap3A_236 = tpu.vector_load %arg9[%swap3A_234, %swap3A_235] {strides = array<i32>} : memref<320x144xf32, #tpu.memory_space<vmem>>, vector<16xf32>,
            tpu.vector_store %arg9[%swap3A_234, %swap3A_235], %add3A_233 {strides = array<i32>} : memref<320x144xf32, #tpu.memory_space<vmem>>, vector<16xf32>,
            %get3A_237 = arith.index_cast %min3A_184 : i32 to index
            %get3A_238 = arith.constant 16 : index
            %get3A_239 = tpu.vector_load %arg9[%get3A_237, %get3A_238] {strides = array<i32>} : memref<320x144xf32, #tpu.memory_space<vmem>>, vector<16xf32>,
            %add3A_240 = arith.constant 1 : i32
            %add3A_241 = arith.addi %add3A_160, %add3A_240 : i32
            %get3A_242 = arith.constant 0 : i32
            %get3A_243 = arith.constant 0 : i32
            %get3A_244 = tpu.memref_slice %arg16[%scan3A_150, %get3A_242, %get3A_243] : memref<2x64x128xf32, #tpu.memory_space<vmem>> -> memref<1x64x128xf32, #tpu.memory_space<vmem>>
            %get3A_245 = tpu.memref_squeeze %get3A_244 : memref<1x64x128xf32, #tpu.memory_space<vmem>> -> memref<64x128xf32, #tpu.memory_space<vmem>>
            %get3A_246 = arith.index_cast %add3A_241 : i32 to index
            %get3A_247 = arith.constant 16 : index
            %get3A_248 = tpu.vector_load %get3A_245[%get3A_246, %get3A_247] {strides = array<i32>} : memref<64x128xf32, #tpu.memory_space<vmem>>, vector<16xf32>,
            %mul3A_249 = arith.mulf %gather3A_165, %get3A_248 : vector<16xf32>
            %add3A_250 = arith.addf %get3A_239, %mul3A_249 : vector<16xf32>
            %swap3A_251 = arith.index_cast %min3A_184 : i32 to index
            %swap3A_252 = arith.constant 16 : index
            %swap3A_253 = tpu.vector_load %arg9[%swap3A_251, %swap3A_252] {strides = array<i32>} : memref<320x144xf32, #tpu.memory_space<vmem>>, vector<16xf32>,
            tpu.vector_store %arg9[%swap3A_251, %swap3A_252], %add3A_250 {strides = array<i32>} : memref<320x144xf32, #tpu.memory_space<vmem>>, vector<16xf32>,
            %get3A_254 = arith.index_cast %min3A : i32 to index
            %get3A_255 = arith.constant 32 : index
            %get3A_256 = tpu.vector_load %arg9[%get3A_254, %get3A_255] {strides = array<i32>} : memref<320x144xf32, #tpu.memory_space<vmem>>, vector<16xf32>,
            %get3A_257 = arith.constant 0 : i32
            %get3A_258 = arith.constant 0 : i32
            %get3A_259 = tpu.memref_slice %arg16[%scan3A_150, %get3A_257, %get3A_258] : memref<2x64x128xf32, #tpu.memory_space<vmem>> -> memref<1x64x128xf32, #tpu.memory_space<vmem>>
            %get3A_260 = tpu.memref_squeeze %get3A_259 : memref<1x64x128xf32, #tpu.memory_space<vmem>> -> memref<64x128xf32, #tpu.memory_space<vmem>>
            %get3A_261 = arith.index_cast %add3A_160 : i32 to index
            %get3A_262 = arith.constant 32 : index
            %get3A_263 = tpu.vector_load %get3A_260[%get3A_261, %get3A_262] {strides = array<i32>} : memref<64x128xf32, #tpu.memory_space<vmem>>, vector<16xf32>,
            %mul3A_264 = arith.mulf %gather3A, %get3A_263 : vector<16xf32>
            %add3A_265 = arith.addf %get3A_256, %mul3A_264 : vector<16xf32>
            %swap3A_266 = arith.index_cast %min3A : i32 to index
            %swap3A_267 = arith.constant 32 : index
            %swap3A_268 = tpu.vector_load %arg9[%swap3A_266, %swap3A_267] {strides = array<i32>} : memref<320x144xf32, #tpu.memory_space<vmem>>, vector<16xf32>,
            tpu.vector_store %arg9[%swap3A_266, %swap3A_267], %add3A_265 {strides = array<i32>} : memref<320x144xf32, #tpu.memory_space<vmem>>, vector<16xf32>,
            %get3A_269 = arith.index_cast %min3A_184 : i32 to index
            %get3A_270 = arith.constant 32 : index
            %get3A_271 = tpu.vector_load %arg9[%get3A_269, %get3A_270] {strides = array<i32>} : memref<320x144xf32, #tpu.memory_space<vmem>>, vector<16xf32>,
            %add3A_272 = arith.constant 1 : i32
            %add3A_273 = arith.addi %add3A_160, %add3A_272 : i32
            %get3A_274 = arith.constant 0 : i32
            %get3A_275 = arith.constant 0 : i32
            %get3A_276 = tpu.memref_slice %arg16[%scan3A_150, %get3A_274, %get3A_275] : memref<2x64x128xf32, #tpu.memory_space<vmem>> -> memref<1x64x128xf32, #tpu.memory_space<vmem>>
            %get3A_277 = tpu.memref_squeeze %get3A_276 : memref<1x64x128xf32, #tpu.memory_space<vmem>> -> memref<64x128xf32, #tpu.memory_space<vmem>>
            %get3A_278 = arith.index_cast %add3A_273 : i32 to index
            %get3A_279 = arith.constant 32 : index
            %get3A_280 = tpu.vector_load %get3A_277[%get3A_278, %get3A_279] {strides = array<i32>} : memref<64x128xf32, #tpu.memory_space<vmem>>, vector<16xf32>,
            %mul3A_281 = arith.mulf %gather3A_165, %get3A_280 : vector<16xf32>
            %add3A_282 = arith.addf %get3A_271, %mul3A_281 : vector<16xf32>
            %swap3A_283 = arith.index_cast %min3A_184 : i32 to index
            %swap3A_284 = arith.constant 32 : index
            %swap3A_285 = tpu.vector_load %arg9[%swap3A_283, %swap3A_284] {strides = array<i32>} : memref<320x144xf32, #tpu.memory_space<vmem>>, vector<16xf32>,
            tpu.vector_store %arg9[%swap3A_283, %swap3A_284], %add3A_282 {strides = array<i32>} : memref<320x144xf32, #tpu.memory_space<vmem>>, vector<16xf32>,
            %get3A_286 = arith.index_cast %min3A : i32 to index
            %get3A_287 = arith.constant 48 : index
            %get3A_288 = tpu.vector_load %arg9[%get3A_286, %get3A_287] {strides = array<i32>} : memref<320x144xf32, #tpu.memory_space<vmem>>, vector<16xf32>,
            %get3A_289 = arith.constant 0 : i32
            %get3A_290 = arith.constant 0 : i32
            %get3A_291 = tpu.memref_slice %arg16[%scan3A_150, %get3A_289, %get3A_290] : memref<2x64x128xf32, #tpu.memory_space<vmem>> -> memref<1x64x128xf32, #tpu.memory_space<vmem>>
            %get3A_292 = tpu.memref_squeeze %get3A_291 : memref<1x64x128xf32, #tpu.memory_space<vmem>> -> memref<64x128xf32, #tpu.memory_space<vmem>>
            %get3A_293 = arith.index_cast %add3A_160 : i32 to index
            %get3A_294 = arith.constant 48 : index
            %get3A_295 = tpu.vector_load %get3A_292[%get3A_293, %get3A_294] {strides = array<i32>} : memref<64x128xf32, #tpu.memory_space<vmem>>, vector<16xf32>,
            %mul3A_296 = arith.mulf %gather3A, %get3A_295 : vector<16xf32>
            %add3A_297 = arith.addf %get3A_288, %mul3A_296 : vector<16xf32>
            %swap3A_298 = arith.index_cast %min3A : i32 to index
            %swap3A_299 = arith.constant 48 : index
            %swap3A_300 = tpu.vector_load %arg9[%swap3A_298, %swap3A_299] {strides = array<i32>} : memref<320x144xf32, #tpu.memory_space<vmem>>, vector<16xf32>,
            tpu.vector_store %arg9[%swap3A_298, %swap3A_299], %add3A_297 {strides = array<i32>} : memref<320x144xf32, #tpu.memory_space<vmem>>, vector<16xf32>,
            %get3A_301 = arith.index_cast %min3A_184 : i32 to index
            %get3A_302 = arith.constant 48 : index
            %get3A_303 = tpu.vector_load %arg9[%get3A_301, %get3A_302] {strides = array<i32>} : memref<320x144xf32, #tpu.memory_space<vmem>>, vector<16xf32>,
            %add3A_304 = arith.constant 1 : i32
            %add3A_305 = arith.addi %add3A_160, %add3A_304 : i32
            %get3A_306 = arith.constant 0 : i32
            %get3A_307 = arith.constant 0 : i32
            %get3A_308 = tpu.memref_slice %arg16[%scan3A_150, %get3A_306, %get3A_307] : memref<2x64x128xf32, #tpu.memory_space<vmem>> -> memref<1x64x128xf32, #tpu.memory_space<vmem>>
            %get3A_309 = tpu.memref_squeeze %get3A_308 : memref<1x64x128xf32, #tpu.memory_space<vmem>> -> memref<64x128xf32, #tpu.memory_space<vmem>>
            %get3A_310 = arith.index_cast %add3A_305 : i32 to index
            %get3A_311 = arith.constant 48 : index
            %get3A_312 = tpu.vector_load %get3A_309[%get3A_310, %get3A_311] {strides = array<i32>} : memref<64x128xf32, #tpu.memory_space<vmem>>, vector<16xf32>,
            %mul3A_313 = arith.mulf %gather3A_165, %get3A_312 : vector<16xf32>
            %add3A_314 = arith.addf %get3A_303, %mul3A_313 : vector<16xf32>
            %swap3A_315 = arith.index_cast %min3A_184 : i32 to index
            %swap3A_316 = arith.constant 48 : index
            %swap3A_317 = tpu.vector_load %arg9[%swap3A_315, %swap3A_316] {strides = array<i32>} : memref<320x144xf32, #tpu.memory_space<vmem>>, vector<16xf32>,
            tpu.vector_store %arg9[%swap3A_315, %swap3A_316], %add3A_314 {strides = array<i32>} : memref<320x144xf32, #tpu.memory_space<vmem>>, vector<16xf32>,
            %get3A_318 = arith.index_cast %min3A : i32 to index
            %get3A_319 = arith.constant 64 : index
            %get3A_320 = tpu.vector_load %arg9[%get3A_318, %get3A_319] {strides = array<i32>} : memref<320x144xf32, #tpu.memory_space<vmem>>, vector<16xf32>,
            %get3A_321 = arith.constant 0 : i32
            %get3A_322 = arith.constant 0 : i32
            %get3A_323 = tpu.memref_slice %arg16[%scan3A_150, %get3A_321, %get3A_322] : memref<2x64x128xf32, #tpu.memory_space<vmem>> -> memref<1x64x128xf32, #tpu.memory_space<vmem>>
            %get3A_324 = tpu.memref_squeeze %get3A_323 : memref<1x64x128xf32, #tpu.memory_space<vmem>> -> memref<64x128xf32, #tpu.memory_space<vmem>>
            %get3A_325 = arith.index_cast %add3A_160 : i32 to index
            %get3A_326 = arith.constant 64 : index
            %get3A_327 = tpu.vector_load %get3A_324[%get3A_325, %get3A_326] {strides = array<i32>} : memref<64x128xf32, #tpu.memory_space<vmem>>, vector<16xf32>,
            %mul3A_328 = arith.mulf %gather3A, %get3A_327 : vector<16xf32>
            %add3A_329 = arith.addf %get3A_320, %mul3A_328 : vector<16xf32>
            %swap3A_330 = arith.index_cast %min3A : i32 to index
            %swap3A_331 = arith.constant 64 : index
            %swap3A_332 = tpu.vector_load %arg9[%swap3A_330, %swap3A_331] {strides = array<i32>} : memref<320x144xf32, #tpu.memory_space<vmem>>, vector<16xf32>,
            tpu.vector_store %arg9[%swap3A_330, %swap3A_331], %add3A_329 {strides = array<i32>} : memref<320x144xf32, #tpu.memory_space<vmem>>, vector<16xf32>,
            %get3A_333 = arith.index_cast %min3A_184 : i32 to index
            %get3A_334 = arith.constant 64 : index
            %get3A_335 = tpu.vector_load %arg9[%get3A_333, %get3A_334] {strides = array<i32>} : memref<320x144xf32, #tpu.memory_space<vmem>>, vector<16xf32>,
            %add3A_336 = arith.constant 1 : i32
            %add3A_337 = arith.addi %add3A_160, %add3A_336 : i32
            %get3A_338 = arith.constant 0 : i32
            %get3A_339 = arith.constant 0 : i32
            %get3A_340 = tpu.memref_slice %arg16[%scan3A_150, %get3A_338, %get3A_339] : memref<2x64x128xf32, #tpu.memory_space<vmem>> -> memref<1x64x128xf32, #tpu.memory_space<vmem>>
            %get3A_341 = tpu.memref_squeeze %get3A_340 : memref<1x64x128xf32, #tpu.memory_space<vmem>> -> memref<64x128xf32, #tpu.memory_space<vmem>>
            %get3A_342 = arith.index_cast %add3A_337 : i32 to index
            %get3A_343 = arith.constant 64 : index
            %get3A_344 = tpu.vector_load %get3A_341[%get3A_342, %get3A_343] {strides = array<i32>} : memref<64x128xf32, #tpu.memory_space<vmem>>, vector<16xf32>,
            %mul3A_345 = arith.mulf %gather3A_165, %get3A_344 : vector<16xf32>
            %add3A_346 = arith.addf %get3A_335, %mul3A_345 : vector<16xf32>
            %swap3A_347 = arith.index_cast %min3A_184 : i32 to index
            %swap3A_348 = arith.constant 64 : index
            %swap3A_349 = tpu.vector_load %arg9[%swap3A_347, %swap3A_348] {strides = array<i32>} : memref<320x144xf32, #tpu.memory_space<vmem>>, vector<16xf32>,
            tpu.vector_store %arg9[%swap3A_347, %swap3A_348], %add3A_346 {strides = array<i32>} : memref<320x144xf32, #tpu.memory_space<vmem>>, vector<16xf32>,
            %get3A_350 = arith.index_cast %min3A : i32 to index
            %get3A_351 = arith.constant 80 : index
            %get3A_352 = tpu.vector_load %arg9[%get3A_350, %get3A_351] {strides = array<i32>} : memref<320x144xf32, #tpu.memory_space<vmem>>, vector<16xf32>,
            %get3A_353 = arith.constant 0 : i32
            %get3A_354 = arith.constant 0 : i32
            %get3A_355 = tpu.memref_slice %arg16[%scan3A_150, %get3A_353, %get3A_354] : memref<2x64x128xf32, #tpu.memory_space<vmem>> -> memref<1x64x128xf32, #tpu.memory_space<vmem>>
            %get3A_356 = tpu.memref_squeeze %get3A_355 : memref<1x64x128xf32, #tpu.memory_space<vmem>> -> memref<64x128xf32, #tpu.memory_space<vmem>>
            %get3A_357 = arith.index_cast %add3A_160 : i32 to index
            %get3A_358 = arith.constant 80 : index
            %get3A_359 = tpu.vector_load %get3A_356[%get3A_357, %get3A_358] {strides = array<i32>} : memref<64x128xf32, #tpu.memory_space<vmem>>, vector<16xf32>,
            %mul3A_360 = arith.mulf %gather3A, %get3A_359 : vector<16xf32>
            %add3A_361 = arith.addf %get3A_352, %mul3A_360 : vector<16xf32>
            %swap3A_362 = arith.index_cast %min3A : i32 to index
            %swap3A_363 = arith.constant 80 : index
            %swap3A_364 = tpu.vector_load %arg9[%swap3A_362, %swap3A_363] {strides = array<i32>} : memref<320x144xf32, #tpu.memory_space<vmem>>, vector<16xf32>,
            tpu.vector_store %arg9[%swap3A_362, %swap3A_363], %add3A_361 {strides = array<i32>} : memref<320x144xf32, #tpu.memory_space<vmem>>, vector<16xf32>,
            %get3A_365 = arith.index_cast %min3A_184 : i32 to index
            %get3A_366 = arith.constant 80 : index
            %get3A_367 = tpu.vector_load %arg9[%get3A_365, %get3A_366] {strides = array<i32>} : memref<320x144xf32, #tpu.memory_space<vmem>>, vector<16xf32>,
            %add3A_368 = arith.constant 1 : i32
            %add3A_369 = arith.addi %add3A_160, %add3A_368 : i32
            %get3A_370 = arith.constant 0 : i32
            %get3A_371 = arith.constant 0 : i32
            %get3A_372 = tpu.memref_slice %arg16[%scan3A_150, %get3A_370, %get3A_371] : memref<2x64x128xf32, #tpu.memory_space<vmem>> -> memref<1x64x128xf32, #tpu.memory_space<vmem>>
            %get3A_373 = tpu.memref_squeeze %get3A_372 : memref<1x64x128xf32, #tpu.memory_space<vmem>> -> memref<64x128xf32, #tpu.memory_space<vmem>>
            %get3A_374 = arith.index_cast %add3A_369 : i32 to index
            %get3A_375 = arith.constant 80 : index
            %get3A_376 = tpu.vector_load %get3A_373[%get3A_374, %get3A_375] {strides = array<i32>} : memref<64x128xf32, #tpu.memory_space<vmem>>, vector<16xf32>,
            %mul3A_377 = arith.mulf %gather3A_165, %get3A_376 : vector<16xf32>
            %add3A_378 = arith.addf %get3A_367, %mul3A_377 : vector<16xf32>
            %swap3A_379 = arith.index_cast %min3A_184 : i32 to index
            %swap3A_380 = arith.constant 80 : index
            %swap3A_381 = tpu.vector_load %arg9[%swap3A_379, %swap3A_380] {strides = array<i32>} : memref<320x144xf32, #tpu.memory_space<vmem>>, vector<16xf32>,
            tpu.vector_store %arg9[%swap3A_379, %swap3A_380], %add3A_378 {strides = array<i32>} : memref<320x144xf32, #tpu.memory_space<vmem>>, vector<16xf32>,
            %get3A_382 = arith.index_cast %min3A : i32 to index
            %get3A_383 = arith.constant 96 : index
            %get3A_384 = tpu.vector_load %arg9[%get3A_382, %get3A_383] {strides = array<i32>} : memref<320x144xf32, #tpu.memory_space<vmem>>, vector<16xf32>,
            %get3A_385 = arith.constant 0 : i32
            %get3A_386 = arith.constant 0 : i32
            %get3A_387 = tpu.memref_slice %arg16[%scan3A_150, %get3A_385, %get3A_386] : memref<2x64x128xf32, #tpu.memory_space<vmem>> -> memref<1x64x128xf32, #tpu.memory_space<vmem>>
            %get3A_388 = tpu.memref_squeeze %get3A_387 : memref<1x64x128xf32, #tpu.memory_space<vmem>> -> memref<64x128xf32, #tpu.memory_space<vmem>>
            %get3A_389 = arith.index_cast %add3A_160 : i32 to index
            %get3A_390 = arith.constant 96 : index
            %get3A_391 = tpu.vector_load %get3A_388[%get3A_389, %get3A_390] {strides = array<i32>} : memref<64x128xf32, #tpu.memory_space<vmem>>, vector<16xf32>,
            %mul3A_392 = arith.mulf %gather3A, %get3A_391 : vector<16xf32>
            %add3A_393 = arith.addf %get3A_384, %mul3A_392 : vector<16xf32>
            %swap3A_394 = arith.index_cast %min3A : i32 to index
            %swap3A_395 = arith.constant 96 : index
            %swap3A_396 = tpu.vector_load %arg9[%swap3A_394, %swap3A_395] {strides = array<i32>} : memref<320x144xf32, #tpu.memory_space<vmem>>, vector<16xf32>,
            tpu.vector_store %arg9[%swap3A_394, %swap3A_395], %add3A_393 {strides = array<i32>} : memref<320x144xf32, #tpu.memory_space<vmem>>, vector<16xf32>,
            %get3A_397 = arith.index_cast %min3A_184 : i32 to index
            %get3A_398 = arith.constant 96 : index
            %get3A_399 = tpu.vector_load %arg9[%get3A_397, %get3A_398] {strides = array<i32>} : memref<320x144xf32, #tpu.memory_space<vmem>>, vector<16xf32>,
            %add3A_400 = arith.constant 1 : i32
            %add3A_401 = arith.addi %add3A_160, %add3A_400 : i32
            %get3A_402 = arith.constant 0 : i32
            %get3A_403 = arith.constant 0 : i32
            %get3A_404 = tpu.memref_slice %arg16[%scan3A_150, %get3A_402, %get3A_403] : memref<2x64x128xf32, #tpu.memory_space<vmem>> -> memref<1x64x128xf32, #tpu.memory_space<vmem>>
            %get3A_405 = tpu.memref_squeeze %get3A_404 : memref<1x64x128xf32, #tpu.memory_space<vmem>> -> memref<64x128xf32, #tpu.memory_space<vmem>>
            %get3A_406 = arith.index_cast %add3A_401 : i32 to index
            %get3A_407 = arith.constant 96 : index
            %get3A_408 = tpu.vector_load %get3A_405[%get3A_406, %get3A_407] {strides = array<i32>} : memref<64x128xf32, #tpu.memory_space<vmem>>, vector<16xf32>,
            %mul3A_409 = arith.mulf %gather3A_165, %get3A_408 : vector<16xf32>
            %add3A_410 = arith.addf %get3A_399, %mul3A_409 : vector<16xf32>
            %swap3A_411 = arith.index_cast %min3A_184 : i32 to index
            %swap3A_412 = arith.constant 96 : index
            %swap3A_413 = tpu.vector_load %arg9[%swap3A_411, %swap3A_412] {strides = array<i32>} : memref<320x144xf32, #tpu.memory_space<vmem>>, vector<16xf32>,
            tpu.vector_store %arg9[%swap3A_411, %swap3A_412], %add3A_410 {strides = array<i32>} : memref<320x144xf32, #tpu.memory_space<vmem>>, vector<16xf32>,
            %get3A_414 = arith.index_cast %min3A : i32 to index
            %get3A_415 = arith.constant 112 : index
            %get3A_416 = tpu.vector_load %arg9[%get3A_414, %get3A_415] {strides = array<i32>} : memref<320x144xf32, #tpu.memory_space<vmem>>, vector<16xf32>,
            %get3A_417 = arith.constant 0 : i32
            %get3A_418 = arith.constant 0 : i32
            %get3A_419 = tpu.memref_slice %arg16[%scan3A_150, %get3A_417, %get3A_418] : memref<2x64x128xf32, #tpu.memory_space<vmem>> -> memref<1x64x128xf32, #tpu.memory_space<vmem>>
            %get3A_420 = tpu.memref_squeeze %get3A_419 : memref<1x64x128xf32, #tpu.memory_space<vmem>> -> memref<64x128xf32, #tpu.memory_space<vmem>>
            %get3A_421 = arith.index_cast %add3A_160 : i32 to index
            %get3A_422 = arith.constant 112 : index
            %get3A_423 = tpu.vector_load %get3A_420[%get3A_421, %get3A_422] {strides = array<i32>} : memref<64x128xf32, #tpu.memory_space<vmem>>, vector<16xf32>,
            %mul3A_424 = arith.mulf %gather3A, %get3A_423 : vector<16xf32>
            %add3A_425 = arith.addf %get3A_416, %mul3A_424 : vector<16xf32>
            %swap3A_426 = arith.index_cast %min3A : i32 to index
            %swap3A_427 = arith.constant 112 : index
            %swap3A_428 = tpu.vector_load %arg9[%swap3A_426, %swap3A_427] {strides = array<i32>} : memref<320x144xf32, #tpu.memory_space<vmem>>, vector<16xf32>,
            tpu.vector_store %arg9[%swap3A_426, %swap3A_427], %add3A_425 {strides = array<i32>} : memref<320x144xf32, #tpu.memory_space<vmem>>, vector<16xf32>,
            %get3A_429 = arith.index_cast %min3A_184 : i32 to index
            %get3A_430 = arith.constant 112 : index
            %get3A_431 = tpu.vector_load %arg9[%get3A_429, %get3A_430] {strides = array<i32>} : memref<320x144xf32, #tpu.memory_space<vmem>>, vector<16xf32>,
            %add3A_432 = arith.constant 1 : i32
            %add3A_433 = arith.addi %add3A_160, %add3A_432 : i32
            %get3A_434 = arith.constant 0 : i32
            %get3A_435 = arith.constant 0 : i32
            %get3A_436 = tpu.memref_slice %arg16[%scan3A_150, %get3A_434, %get3A_435] : memref<2x64x128xf32, #tpu.memory_space<vmem>> -> memref<1x64x128xf32, #tpu.memory_space<vmem>>
            %get3A_437 = tpu.memref_squeeze %get3A_436 : memref<1x64x128xf32, #tpu.memory_space<vmem>> -> memref<64x128xf32, #tpu.memory_space<vmem>>
            %get3A_438 = arith.index_cast %add3A_433 : i32 to index
            %get3A_439 = arith.constant 112 : index
            %get3A_440 = tpu.vector_load %get3A_437[%get3A_438, %get3A_439] {strides = array<i32>} : memref<64x128xf32, #tpu.memory_space<vmem>>, vector<16xf32>,
            %mul3A_441 = arith.mulf %gather3A_165, %get3A_440 : vector<16xf32>
            %add3A_442 = arith.addf %get3A_431, %mul3A_441 : vector<16xf32>
            %swap3A_443 = arith.index_cast %min3A_184 : i32 to index
            %swap3A_444 = arith.constant 112 : index
            %swap3A_445 = tpu.vector_load %arg9[%swap3A_443, %swap3A_444] {strides = array<i32>} : memref<320x144xf32, #tpu.memory_space<vmem>>, vector<16xf32>,
            tpu.vector_store %arg9[%swap3A_443, %swap3A_444], %add3A_442 {strides = array<i32>} : memref<320x144xf32, #tpu.memory_space<vmem>>, vector<16xf32>,
            %get3A_446 = arith.index_cast %min3A : i32 to index
            %get3A_447 = arith.constant 128 : index
            %get3A_448 = tpu.vector_load %arg9[%get3A_446, %get3A_447] {strides = array<i32>} : memref<320x144xf32, #tpu.memory_space<vmem>>, vector<16xf32>,
            %eq3A_449 = arith.constant 0 : i32
            %eq3A_450 = vector.broadcast %eq3A_449 : i32 to vector<16xi32>
            %eq3A_451 = arith.cmpi eq, %iota3A, %eq3A_450 : vector<16xi32>
            %jit3A_452 = arith.constant 0.000000e+00 : f32
            %broadcast_in_dim3A_453 = vector.broadcast %jit3A_452 : f32 to vector<16xf32>
            %select_n3A_454 = arith.select %eq3A_451, %gather3A, %broadcast_in_dim3A_453 : vector<16xi1>, vector<16xf32>
            %add3A_455 = arith.addf %get3A_448, %select_n3A_454 : vector<16xf32>
            %swap3A_456 = arith.index_cast %min3A : i32 to index
            %swap3A_457 = arith.constant 128 : index
            %swap3A_458 = tpu.vector_load %arg9[%swap3A_456, %swap3A_457] {strides = array<i32>} : memref<320x144xf32, #tpu.memory_space<vmem>>, vector<16xf32>,
            tpu.vector_store %arg9[%swap3A_456, %swap3A_457], %add3A_455 {strides = array<i32>} : memref<320x144xf32, #tpu.memory_space<vmem>>, vector<16xf32>,
            %get3A_459 = arith.index_cast %min3A_184 : i32 to index
            %get3A_460 = arith.constant 128 : index
            %get3A_461 = tpu.vector_load %arg9[%get3A_459, %get3A_460] {strides = array<i32>} : memref<320x144xf32, #tpu.memory_space<vmem>>, vector<16xf32>,
            %eq3A_462 = arith.constant 0 : i32
            %eq3A_463 = vector.broadcast %eq3A_462 : i32 to vector<16xi32>
            %eq3A_464 = arith.cmpi eq, %iota3A, %eq3A_463 : vector<16xi32>
            %jit3A_465 = arith.constant 0.000000e+00 : f32
            %broadcast_in_dim3A_466 = vector.broadcast %jit3A_465 : f32 to vector<16xf32>
            %select_n3A_467 = arith.select %eq3A_464, %gather3A_165, %broadcast_in_dim3A_466 : vector<16xi1>, vector<16xf32>
            %add3A_468 = arith.addf %get3A_461, %select_n3A_467 : vector<16xf32>
            %swap3A_469 = arith.index_cast %min3A_184 : i32 to index
            %swap3A_470 = arith.constant 128 : index
            %swap3A_471 = tpu.vector_load %arg9[%swap3A_469, %swap3A_470] {strides = array<i32>} : memref<320x144xf32, #tpu.memory_space<vmem>>, vector<16xf32>,
            tpu.vector_store %arg9[%swap3A_469, %swap3A_470], %add3A_468 {strides = array<i32>} : memref<320x144xf32, #tpu.memory_space<vmem>>, vector<16xf32>,
          } else {
          }
          %eq3A = arith.cmpi eq, %min3A, %min3A_184 : i32
          %convert_element_type3A_189 = arith.extui %eq3A : i1 to i32
          %cond3A_190 = arith.constant 0 : i32
          %cond3A_191 = arith.cmpi ne, %convert_element_type3A_189, %cond3A_190 : i32
          scf.if %cond3A_191 {
            %get3A = arith.index_cast %min3A : i32 to index
            %get3A_192 = arith.constant 0 : index
            %get3A_193 = tpu.vector_load %arg9[%get3A, %get3A_192] {strides = array<i32>} : memref<320x144xf32, #tpu.memory_space<vmem>>, vector<16xf32>,
            %get3A_194 = arith.constant 0 : i32
            %get3A_195 = arith.constant 0 : i32
            %get3A_196 = tpu.memref_slice %arg16[%scan3A_150, %get3A_194, %get3A_195] : memref<2x64x128xf32, #tpu.memory_space<vmem>> -> memref<1x64x128xf32, #tpu.memory_space<vmem>>
            %get3A_197 = tpu.memref_squeeze %get3A_196 : memref<1x64x128xf32, #tpu.memory_space<vmem>> -> memref<64x128xf32, #tpu.memory_space<vmem>>
            %get3A_198 = arith.index_cast %add3A_160 : i32 to index
            %get3A_199 = arith.constant 0 : index
            %get3A_200 = tpu.vector_load %get3A_197[%get3A_198, %get3A_199] {strides = array<i32>} : memref<64x128xf32, #tpu.memory_space<vmem>>, vector<16xf32>,
            %mul3A_201 = arith.mulf %gather3A, %get3A_200 : vector<16xf32>
            %add3A_202 = arith.constant 1 : i32
            %add3A_203 = arith.addi %add3A_160, %add3A_202 : i32
            %get3A_204 = arith.constant 0 : i32
            %get3A_205 = arith.constant 0 : i32
            %get3A_206 = tpu.memref_slice %arg16[%scan3A_150, %get3A_204, %get3A_205] : memref<2x64x128xf32, #tpu.memory_space<vmem>> -> memref<1x64x128xf32, #tpu.memory_space<vmem>>
            %get3A_207 = tpu.memref_squeeze %get3A_206 : memref<1x64x128xf32, #tpu.memory_space<vmem>> -> memref<64x128xf32, #tpu.memory_space<vmem>>
            %get3A_208 = arith.index_cast %add3A_203 : i32 to index
            %get3A_209 = arith.constant 0 : index
            %get3A_210 = tpu.vector_load %get3A_207[%get3A_208, %get3A_209] {strides = array<i32>} : memref<64x128xf32, #tpu.memory_space<vmem>>, vector<16xf32>,
            %mul3A_211 = arith.mulf %gather3A_165, %get3A_210 : vector<16xf32>
            %add3A_212 = arith.addf %mul3A_201, %mul3A_211 : vector<16xf32>
            %add3A_213 = arith.addf %get3A_193, %add3A_212 : vector<16xf32>
            %swap3A = arith.index_cast %min3A : i32 to index
            %swap3A_214 = arith.constant 0 : index
            %swap3A_215 = tpu.vector_load %arg9[%swap3A, %swap3A_214] {strides = array<i32>} : memref<320x144xf32, #tpu.memory_space<vmem>>, vector<16xf32>,
            tpu.vector_store %arg9[%swap3A, %swap3A_214], %add3A_213 {strides = array<i32>} : memref<320x144xf32, #tpu.memory_space<vmem>>, vector<16xf32>,
            %get3A_216 = arith.index_cast %min3A : i32 to index
            %get3A_217 = arith.constant 16 : index
            %get3A_218 = tpu.vector_load %arg9[%get3A_216, %get3A_217] {strides = array<i32>} : memref<320x144xf32, #tpu.memory_space<vmem>>, vector<16xf32>,
            %get3A_219 = arith.constant 0 : i32
            %get3A_220 = arith.constant 0 : i32
            %get3A_221 = tpu.memref_slice %arg16[%scan3A_150, %get3A_219, %get3A_220] : memref<2x64x128xf32, #tpu.memory_space<vmem>> -> memref<1x64x128xf32, #tpu.memory_space<vmem>>
            %get3A_222 = tpu.memref_squeeze %get3A_221 : memref<1x64x128xf32, #tpu.memory_space<vmem>> -> memref<64x128xf32, #tpu.memory_space<vmem>>
            %get3A_223 = arith.index_cast %add3A_160 : i32 to index
            %get3A_224 = arith.constant 16 : index
            %get3A_225 = tpu.vector_load %get3A_222[%get3A_223, %get3A_224] {strides = array<i32>} : memref<64x128xf32, #tpu.memory_space<vmem>>, vector<16xf32>,
            %mul3A_226 = arith.mulf %gather3A, %get3A_225 : vector<16xf32>
            %add3A_227 = arith.constant 1 : i32
            %add3A_228 = arith.addi %add3A_160, %add3A_227 : i32
            %get3A_229 = arith.constant 0 : i32
            %get3A_230 = arith.constant 0 : i32
            %get3A_231 = tpu.memref_slice %arg16[%scan3A_150, %get3A_229, %get3A_230] : memref<2x64x128xf32, #tpu.memory_space<vmem>> -> memref<1x64x128xf32, #tpu.memory_space<vmem>>
            %get3A_232 = tpu.memref_squeeze %get3A_231 : memref<1x64x128xf32, #tpu.memory_space<vmem>> -> memref<64x128xf32, #tpu.memory_space<vmem>>
            %get3A_233 = arith.index_cast %add3A_228 : i32 to index
            %get3A_234 = arith.constant 16 : index
            %get3A_235 = tpu.vector_load %get3A_232[%get3A_233, %get3A_234] {strides = array<i32>} : memref<64x128xf32, #tpu.memory_space<vmem>>, vector<16xf32>,
            %mul3A_236 = arith.mulf %gather3A_165, %get3A_235 : vector<16xf32>
            %add3A_237 = arith.addf %mul3A_226, %mul3A_236 : vector<16xf32>
            %add3A_238 = arith.addf %get3A_218, %add3A_237 : vector<16xf32>
            %swap3A_239 = arith.index_cast %min3A : i32 to index
            %swap3A_240 = arith.constant 16 : index
            %swap3A_241 = tpu.vector_load %arg9[%swap3A_239, %swap3A_240] {strides = array<i32>} : memref<320x144xf32, #tpu.memory_space<vmem>>, vector<16xf32>,
            tpu.vector_store %arg9[%swap3A_239, %swap3A_240], %add3A_238 {strides = array<i32>} : memref<320x144xf32, #tpu.memory_space<vmem>>, vector<16xf32>,
            %get3A_242 = arith.index_cast %min3A : i32 to index
            %get3A_243 = arith.constant 32 : index
            %get3A_244 = tpu.vector_load %arg9[%get3A_242, %get3A_243] {strides = array<i32>} : memref<320x144xf32, #tpu.memory_space<vmem>>, vector<16xf32>,
            %get3A_245 = arith.constant 0 : i32
            %get3A_246 = arith.constant 0 : i32
            %get3A_247 = tpu.memref_slice %arg16[%scan3A_150, %get3A_245, %get3A_246] : memref<2x64x128xf32, #tpu.memory_space<vmem>> -> memref<1x64x128xf32, #tpu.memory_space<vmem>>
            %get3A_248 = tpu.memref_squeeze %get3A_247 : memref<1x64x128xf32, #tpu.memory_space<vmem>> -> memref<64x128xf32, #tpu.memory_space<vmem>>
            %get3A_249 = arith.index_cast %add3A_160 : i32 to index
            %get3A_250 = arith.constant 32 : index
            %get3A_251 = tpu.vector_load %get3A_248[%get3A_249, %get3A_250] {strides = array<i32>} : memref<64x128xf32, #tpu.memory_space<vmem>>, vector<16xf32>,
            %mul3A_252 = arith.mulf %gather3A, %get3A_251 : vector<16xf32>
            %add3A_253 = arith.constant 1 : i32
            %add3A_254 = arith.addi %add3A_160, %add3A_253 : i32
            %get3A_255 = arith.constant 0 : i32
            %get3A_256 = arith.constant 0 : i32
            %get3A_257 = tpu.memref_slice %arg16[%scan3A_150, %get3A_255, %get3A_256] : memref<2x64x128xf32, #tpu.memory_space<vmem>> -> memref<1x64x128xf32, #tpu.memory_space<vmem>>
            %get3A_258 = tpu.memref_squeeze %get3A_257 : memref<1x64x128xf32, #tpu.memory_space<vmem>> -> memref<64x128xf32, #tpu.memory_space<vmem>>
            %get3A_259 = arith.index_cast %add3A_254 : i32 to index
            %get3A_260 = arith.constant 32 : index
            %get3A_261 = tpu.vector_load %get3A_258[%get3A_259, %get3A_260] {strides = array<i32>} : memref<64x128xf32, #tpu.memory_space<vmem>>, vector<16xf32>,
            %mul3A_262 = arith.mulf %gather3A_165, %get3A_261 : vector<16xf32>
            %add3A_263 = arith.addf %mul3A_252, %mul3A_262 : vector<16xf32>
            %add3A_264 = arith.addf %get3A_244, %add3A_263 : vector<16xf32>
            %swap3A_265 = arith.index_cast %min3A : i32 to index
            %swap3A_266 = arith.constant 32 : index
            %swap3A_267 = tpu.vector_load %arg9[%swap3A_265, %swap3A_266] {strides = array<i32>} : memref<320x144xf32, #tpu.memory_space<vmem>>, vector<16xf32>,
            tpu.vector_store %arg9[%swap3A_265, %swap3A_266], %add3A_264 {strides = array<i32>} : memref<320x144xf32, #tpu.memory_space<vmem>>, vector<16xf32>,
            %get3A_268 = arith.index_cast %min3A : i32 to index
            %get3A_269 = arith.constant 48 : index
            %get3A_270 = tpu.vector_load %arg9[%get3A_268, %get3A_269] {strides = array<i32>} : memref<320x144xf32, #tpu.memory_space<vmem>>, vector<16xf32>,
            %get3A_271 = arith.constant 0 : i32
            %get3A_272 = arith.constant 0 : i32
            %get3A_273 = tpu.memref_slice %arg16[%scan3A_150, %get3A_271, %get3A_272] : memref<2x64x128xf32, #tpu.memory_space<vmem>> -> memref<1x64x128xf32, #tpu.memory_space<vmem>>
            %get3A_274 = tpu.memref_squeeze %get3A_273 : memref<1x64x128xf32, #tpu.memory_space<vmem>> -> memref<64x128xf32, #tpu.memory_space<vmem>>
            %get3A_275 = arith.index_cast %add3A_160 : i32 to index
            %get3A_276 = arith.constant 48 : index
            %get3A_277 = tpu.vector_load %get3A_274[%get3A_275, %get3A_276] {strides = array<i32>} : memref<64x128xf32, #tpu.memory_space<vmem>>, vector<16xf32>,
            %mul3A_278 = arith.mulf %gather3A, %get3A_277 : vector<16xf32>
            %add3A_279 = arith.constant 1 : i32
            %add3A_280 = arith.addi %add3A_160, %add3A_279 : i32
            %get3A_281 = arith.constant 0 : i32
            %get3A_282 = arith.constant 0 : i32
            %get3A_283 = tpu.memref_slice %arg16[%scan3A_150, %get3A_281, %get3A_282] : memref<2x64x128xf32, #tpu.memory_space<vmem>> -> memref<1x64x128xf32, #tpu.memory_space<vmem>>
            %get3A_284 = tpu.memref_squeeze %get3A_283 : memref<1x64x128xf32, #tpu.memory_space<vmem>> -> memref<64x128xf32, #tpu.memory_space<vmem>>
            %get3A_285 = arith.index_cast %add3A_280 : i32 to index
            %get3A_286 = arith.constant 48 : index
            %get3A_287 = tpu.vector_load %get3A_284[%get3A_285, %get3A_286] {strides = array<i32>} : memref<64x128xf32, #tpu.memory_space<vmem>>, vector<16xf32>,
            %mul3A_288 = arith.mulf %gather3A_165, %get3A_287 : vector<16xf32>
            %add3A_289 = arith.addf %mul3A_278, %mul3A_288 : vector<16xf32>
            %add3A_290 = arith.addf %get3A_270, %add3A_289 : vector<16xf32>
            %swap3A_291 = arith.index_cast %min3A : i32 to index
            %swap3A_292 = arith.constant 48 : index
            %swap3A_293 = tpu.vector_load %arg9[%swap3A_291, %swap3A_292] {strides = array<i32>} : memref<320x144xf32, #tpu.memory_space<vmem>>, vector<16xf32>,
            tpu.vector_store %arg9[%swap3A_291, %swap3A_292], %add3A_290 {strides = array<i32>} : memref<320x144xf32, #tpu.memory_space<vmem>>, vector<16xf32>,
            %get3A_294 = arith.index_cast %min3A : i32 to index
            %get3A_295 = arith.constant 64 : index
            %get3A_296 = tpu.vector_load %arg9[%get3A_294, %get3A_295] {strides = array<i32>} : memref<320x144xf32, #tpu.memory_space<vmem>>, vector<16xf32>,
            %get3A_297 = arith.constant 0 : i32
            %get3A_298 = arith.constant 0 : i32
            %get3A_299 = tpu.memref_slice %arg16[%scan3A_150, %get3A_297, %get3A_298] : memref<2x64x128xf32, #tpu.memory_space<vmem>> -> memref<1x64x128xf32, #tpu.memory_space<vmem>>
            %get3A_300 = tpu.memref_squeeze %get3A_299 : memref<1x64x128xf32, #tpu.memory_space<vmem>> -> memref<64x128xf32, #tpu.memory_space<vmem>>
            %get3A_301 = arith.index_cast %add3A_160 : i32 to index
            %get3A_302 = arith.constant 64 : index
            %get3A_303 = tpu.vector_load %get3A_300[%get3A_301, %get3A_302] {strides = array<i32>} : memref<64x128xf32, #tpu.memory_space<vmem>>, vector<16xf32>,
            %mul3A_304 = arith.mulf %gather3A, %get3A_303 : vector<16xf32>
            %add3A_305 = arith.constant 1 : i32
            %add3A_306 = arith.addi %add3A_160, %add3A_305 : i32
            %get3A_307 = arith.constant 0 : i32
            %get3A_308 = arith.constant 0 : i32
            %get3A_309 = tpu.memref_slice %arg16[%scan3A_150, %get3A_307, %get3A_308] : memref<2x64x128xf32, #tpu.memory_space<vmem>> -> memref<1x64x128xf32, #tpu.memory_space<vmem>>
            %get3A_310 = tpu.memref_squeeze %get3A_309 : memref<1x64x128xf32, #tpu.memory_space<vmem>> -> memref<64x128xf32, #tpu.memory_space<vmem>>
            %get3A_311 = arith.index_cast %add3A_306 : i32 to index
            %get3A_312 = arith.constant 64 : index
            %get3A_313 = tpu.vector_load %get3A_310[%get3A_311, %get3A_312] {strides = array<i32>} : memref<64x128xf32, #tpu.memory_space<vmem>>, vector<16xf32>,
            %mul3A_314 = arith.mulf %gather3A_165, %get3A_313 : vector<16xf32>
            %add3A_315 = arith.addf %mul3A_304, %mul3A_314 : vector<16xf32>
            %add3A_316 = arith.addf %get3A_296, %add3A_315 : vector<16xf32>
            %swap3A_317 = arith.index_cast %min3A : i32 to index
            %swap3A_318 = arith.constant 64 : index
            %swap3A_319 = tpu.vector_load %arg9[%swap3A_317, %swap3A_318] {strides = array<i32>} : memref<320x144xf32, #tpu.memory_space<vmem>>, vector<16xf32>,
            tpu.vector_store %arg9[%swap3A_317, %swap3A_318], %add3A_316 {strides = array<i32>} : memref<320x144xf32, #tpu.memory_space<vmem>>, vector<16xf32>,
            %get3A_320 = arith.index_cast %min3A : i32 to index
            %get3A_321 = arith.constant 80 : index
            %get3A_322 = tpu.vector_load %arg9[%get3A_320, %get3A_321] {strides = array<i32>} : memref<320x144xf32, #tpu.memory_space<vmem>>, vector<16xf32>,
            %get3A_323 = arith.constant 0 : i32
            %get3A_324 = arith.constant 0 : i32
            %get3A_325 = tpu.memref_slice %arg16[%scan3A_150, %get3A_323, %get3A_324] : memref<2x64x128xf32, #tpu.memory_space<vmem>> -> memref<1x64x128xf32, #tpu.memory_space<vmem>>
            %get3A_326 = tpu.memref_squeeze %get3A_325 : memref<1x64x128xf32, #tpu.memory_space<vmem>> -> memref<64x128xf32, #tpu.memory_space<vmem>>
            %get3A_327 = arith.index_cast %add3A_160 : i32 to index
            %get3A_328 = arith.constant 80 : index
            %get3A_329 = tpu.vector_load %get3A_326[%get3A_327, %get3A_328] {strides = array<i32>} : memref<64x128xf32, #tpu.memory_space<vmem>>, vector<16xf32>,
            %mul3A_330 = arith.mulf %gather3A, %get3A_329 : vector<16xf32>
            %add3A_331 = arith.constant 1 : i32
            %add3A_332 = arith.addi %add3A_160, %add3A_331 : i32
            %get3A_333 = arith.constant 0 : i32
            %get3A_334 = arith.constant 0 : i32
            %get3A_335 = tpu.memref_slice %arg16[%scan3A_150, %get3A_333, %get3A_334] : memref<2x64x128xf32, #tpu.memory_space<vmem>> -> memref<1x64x128xf32, #tpu.memory_space<vmem>>
            %get3A_336 = tpu.memref_squeeze %get3A_335 : memref<1x64x128xf32, #tpu.memory_space<vmem>> -> memref<64x128xf32, #tpu.memory_space<vmem>>
            %get3A_337 = arith.index_cast %add3A_332 : i32 to index
            %get3A_338 = arith.constant 80 : index
            %get3A_339 = tpu.vector_load %get3A_336[%get3A_337, %get3A_338] {strides = array<i32>} : memref<64x128xf32, #tpu.memory_space<vmem>>, vector<16xf32>,
            %mul3A_340 = arith.mulf %gather3A_165, %get3A_339 : vector<16xf32>
            %add3A_341 = arith.addf %mul3A_330, %mul3A_340 : vector<16xf32>
            %add3A_342 = arith.addf %get3A_322, %add3A_341 : vector<16xf32>
            %swap3A_343 = arith.index_cast %min3A : i32 to index
            %swap3A_344 = arith.constant 80 : index
            %swap3A_345 = tpu.vector_load %arg9[%swap3A_343, %swap3A_344] {strides = array<i32>} : memref<320x144xf32, #tpu.memory_space<vmem>>, vector<16xf32>,
            tpu.vector_store %arg9[%swap3A_343, %swap3A_344], %add3A_342 {strides = array<i32>} : memref<320x144xf32, #tpu.memory_space<vmem>>, vector<16xf32>,
            %get3A_346 = arith.index_cast %min3A : i32 to index
            %get3A_347 = arith.constant 96 : index
            %get3A_348 = tpu.vector_load %arg9[%get3A_346, %get3A_347] {strides = array<i32>} : memref<320x144xf32, #tpu.memory_space<vmem>>, vector<16xf32>,
            %get3A_349 = arith.constant 0 : i32
            %get3A_350 = arith.constant 0 : i32
            %get3A_351 = tpu.memref_slice %arg16[%scan3A_150, %get3A_349, %get3A_350] : memref<2x64x128xf32, #tpu.memory_space<vmem>> -> memref<1x64x128xf32, #tpu.memory_space<vmem>>
            %get3A_352 = tpu.memref_squeeze %get3A_351 : memref<1x64x128xf32, #tpu.memory_space<vmem>> -> memref<64x128xf32, #tpu.memory_space<vmem>>
            %get3A_353 = arith.index_cast %add3A_160 : i32 to index
            %get3A_354 = arith.constant 96 : index
            %get3A_355 = tpu.vector_load %get3A_352[%get3A_353, %get3A_354] {strides = array<i32>} : memref<64x128xf32, #tpu.memory_space<vmem>>, vector<16xf32>,
            %mul3A_356 = arith.mulf %gather3A, %get3A_355 : vector<16xf32>
            %add3A_357 = arith.constant 1 : i32
            %add3A_358 = arith.addi %add3A_160, %add3A_357 : i32
            %get3A_359 = arith.constant 0 : i32
            %get3A_360 = arith.constant 0 : i32
            %get3A_361 = tpu.memref_slice %arg16[%scan3A_150, %get3A_359, %get3A_360] : memref<2x64x128xf32, #tpu.memory_space<vmem>> -> memref<1x64x128xf32, #tpu.memory_space<vmem>>
            %get3A_362 = tpu.memref_squeeze %get3A_361 : memref<1x64x128xf32, #tpu.memory_space<vmem>> -> memref<64x128xf32, #tpu.memory_space<vmem>>
            %get3A_363 = arith.index_cast %add3A_358 : i32 to index
            %get3A_364 = arith.constant 96 : index
            %get3A_365 = tpu.vector_load %get3A_362[%get3A_363, %get3A_364] {strides = array<i32>} : memref<64x128xf32, #tpu.memory_space<vmem>>, vector<16xf32>,
            %mul3A_366 = arith.mulf %gather3A_165, %get3A_365 : vector<16xf32>
            %add3A_367 = arith.addf %mul3A_356, %mul3A_366 : vector<16xf32>
            %add3A_368 = arith.addf %get3A_348, %add3A_367 : vector<16xf32>
            %swap3A_369 = arith.index_cast %min3A : i32 to index
            %swap3A_370 = arith.constant 96 : index
            %swap3A_371 = tpu.vector_load %arg9[%swap3A_369, %swap3A_370] {strides = array<i32>} : memref<320x144xf32, #tpu.memory_space<vmem>>, vector<16xf32>,
            tpu.vector_store %arg9[%swap3A_369, %swap3A_370], %add3A_368 {strides = array<i32>} : memref<320x144xf32, #tpu.memory_space<vmem>>, vector<16xf32>,
            %get3A_372 = arith.index_cast %min3A : i32 to index
            %get3A_373 = arith.constant 112 : index
            %get3A_374 = tpu.vector_load %arg9[%get3A_372, %get3A_373] {strides = array<i32>} : memref<320x144xf32, #tpu.memory_space<vmem>>, vector<16xf32>,
            %get3A_375 = arith.constant 0 : i32
            %get3A_376 = arith.constant 0 : i32
            %get3A_377 = tpu.memref_slice %arg16[%scan3A_150, %get3A_375, %get3A_376] : memref<2x64x128xf32, #tpu.memory_space<vmem>> -> memref<1x64x128xf32, #tpu.memory_space<vmem>>
            %get3A_378 = tpu.memref_squeeze %get3A_377 : memref<1x64x128xf32, #tpu.memory_space<vmem>> -> memref<64x128xf32, #tpu.memory_space<vmem>>
            %get3A_379 = arith.index_cast %add3A_160 : i32 to index
            %get3A_380 = arith.constant 112 : index
            %get3A_381 = tpu.vector_load %get3A_378[%get3A_379, %get3A_380] {strides = array<i32>} : memref<64x128xf32, #tpu.memory_space<vmem>>, vector<16xf32>,
            %mul3A_382 = arith.mulf %gather3A, %get3A_381 : vector<16xf32>
            %add3A_383 = arith.constant 1 : i32
            %add3A_384 = arith.addi %add3A_160, %add3A_383 : i32
            %get3A_385 = arith.constant 0 : i32
            %get3A_386 = arith.constant 0 : i32
            %get3A_387 = tpu.memref_slice %arg16[%scan3A_150, %get3A_385, %get3A_386] : memref<2x64x128xf32, #tpu.memory_space<vmem>> -> memref<1x64x128xf32, #tpu.memory_space<vmem>>
            %get3A_388 = tpu.memref_squeeze %get3A_387 : memref<1x64x128xf32, #tpu.memory_space<vmem>> -> memref<64x128xf32, #tpu.memory_space<vmem>>
            %get3A_389 = arith.index_cast %add3A_384 : i32 to index
            %get3A_390 = arith.constant 112 : index
            %get3A_391 = tpu.vector_load %get3A_388[%get3A_389, %get3A_390] {strides = array<i32>} : memref<64x128xf32, #tpu.memory_space<vmem>>, vector<16xf32>,
            %mul3A_392 = arith.mulf %gather3A_165, %get3A_391 : vector<16xf32>
            %add3A_393 = arith.addf %mul3A_382, %mul3A_392 : vector<16xf32>
            %add3A_394 = arith.addf %get3A_374, %add3A_393 : vector<16xf32>
            %swap3A_395 = arith.index_cast %min3A : i32 to index
            %swap3A_396 = arith.constant 112 : index
            %swap3A_397 = tpu.vector_load %arg9[%swap3A_395, %swap3A_396] {strides = array<i32>} : memref<320x144xf32, #tpu.memory_space<vmem>>, vector<16xf32>,
            tpu.vector_store %arg9[%swap3A_395, %swap3A_396], %add3A_394 {strides = array<i32>} : memref<320x144xf32, #tpu.memory_space<vmem>>, vector<16xf32>,
            %get3A_398 = arith.index_cast %min3A : i32 to index
            %get3A_399 = arith.constant 128 : index
            %get3A_400 = tpu.vector_load %arg9[%get3A_398, %get3A_399] {strides = array<i32>} : memref<320x144xf32, #tpu.memory_space<vmem>>, vector<16xf32>,
            %eq3A_401 = arith.constant 0 : i32
            %eq3A_402 = vector.broadcast %eq3A_401 : i32 to vector<16xi32>
            %eq3A_403 = arith.cmpi eq, %iota3A, %eq3A_402 : vector<16xi32>
            %add3A_404 = arith.addf %gather3A, %gather3A_165 : vector<16xf32>
            %jit3A_405 = arith.constant 0.000000e+00 : f32
            %broadcast_in_dim3A_406 = vector.broadcast %jit3A_405 : f32 to vector<16xf32>
            %select_n3A_407 = arith.select %eq3A_403, %add3A_404, %broadcast_in_dim3A_406 : vector<16xi1>, vector<16xf32>
            %add3A_408 = arith.addf %get3A_400, %select_n3A_407 : vector<16xf32>
            %swap3A_409 = arith.index_cast %min3A : i32 to index
            %swap3A_410 = arith.constant 128 : index
            %swap3A_411 = tpu.vector_load %arg9[%swap3A_409, %swap3A_410] {strides = array<i32>} : memref<320x144xf32, #tpu.memory_space<vmem>>, vector<16xf32>,
            tpu.vector_store %arg9[%swap3A_409, %swap3A_410], %add3A_408 {strides = array<i32>} : memref<320x144xf32, #tpu.memory_space<vmem>>, vector<16xf32>,
          } else {
          }
        }
        %scan3A_155 = arith.constant 32 : i32
      } else {
      }
      %add3A_115 = arith.constant 1 : i32
      %add3A_116 = arith.addi %add3A_107, %add3A_115 : i32
      %lt3A_117 = arith.cmpi slt, %add3A_116, %select_n3A : i32
      %convert_element_type3A_118 = arith.extui %lt3A_117 : i1 to i32
      %cond3A_119 = arith.constant 0 : i32
      %cond3A_120 = arith.cmpi ne, %convert_element_type3A_118, %cond3A_119 : i32
      scf.if %cond3A_120 {
        %add3A_125 = arith.constant 1 : i32
        %add3A_126 = arith.addi %add3A_107, %add3A_125 : i32
        %mul3A_127 = arith.constant 64 : i32
        %mul3A_128 = arith.muli %add3A_126, %mul3A_127 : i32
        %dma_start3A = arith.constant 0 : i32
        %dma_start3A_129 = arith.constant 0 : i32
        %dma_start3A_130 = arith.constant 0 : i32
        %dma_start3A_131 = tpu.memref_slice %arg16[%dma_start3A, %dma_start3A_129, %dma_start3A_130] : memref<2x64x128xf32, #tpu.memory_space<vmem>> -> memref<1x64x128xf32, #tpu.memory_space<vmem>>
        %dma_start3A_132 = tpu.memref_squeeze %dma_start3A_131 : memref<1x64x128xf32, #tpu.memory_space<vmem>> -> memref<64x128xf32, #tpu.memory_space<vmem>>
        %dma_start3A_133 = tpu.memref_slice %arg14[%mul3A_128] : memref<15872xi32, #tpu.memory_space<vmem>> -> memref<64xi32, #tpu.memory_space<vmem>>
        %dma_start3A_134 = arith.constant 0 : i32
        %dma_start3A_135 = arith.constant 0 : i32
        %dma_start3A_136 = tpu.memref_slice %arg2[%dma_start3A_134, %dma_start3A_135] : memref<10016x128xf32, #tpu.memory_space<hbm>> -> memref<10016x128xf32, #tpu.memory_space<hbm>>
        tpu.enqueue_indirect_dma source(%dma_start3A_136 : memref<10016x128xf32, #tpu.memory_space<hbm>>) target(%dma_start3A_132 : memref<64x128xf32, #tpu.memory_space<vmem>>) offsets(%dma_start3A_133 : memref<64xi32, #tpu.memory_space<vmem>>) semaphore(%arg19 : memref<!tpu.dma_semaphore, #tpu.memory_space<semaphore_mem>>)
        %mul3A_137 = arith.constant 64 : i32
        %mul3A_138 = arith.muli %add3A_126, %mul3A_137 : i32
        %dma_start3A_139 = arith.constant 0 : i32
        %dma_start3A_140 = arith.constant 0 : i32
        %dma_start3A_141 = tpu.memref_slice %arg17[%dma_start3A_139, %dma_start3A_140] : memref<2x64xf32, #tpu.memory_space<vmem>> -> memref<1x64xf32, #tpu.memory_space<vmem>>
        %dma_start3A_142 = tpu.memref_squeeze %dma_start3A_141 : memref<1x64xf32, #tpu.memory_space<vmem>> -> memref<64xf32, #tpu.memory_space<vmem>>
        %dma_start3A_143 = tpu.memref_slice %arg14[%mul3A_138] : memref<15872xi32, #tpu.memory_space<vmem>> -> memref<64xi32, #tpu.memory_space<vmem>>
        %dma_start3A_144 = arith.constant 0 : i32
        %dma_start3A_145 = tpu.memref_slice %arg3[%dma_start3A_144] : memref<10016xf32, #tpu.memory_space<hbm>> -> memref<10016xf32, #tpu.memory_space<hbm>>
        tpu.enqueue_indirect_dma source(%dma_start3A_145 : memref<10016xf32, #tpu.memory_space<hbm>>) target(%dma_start3A_142 : memref<64xf32, #tpu.memory_space<vmem>>) offsets(%dma_start3A_143 : memref<64xi32, #tpu.memory_space<vmem>>) semaphore(%arg19 : memref<!tpu.dma_semaphore, #tpu.memory_space<semaphore_mem>>)
      } else {
      }
      %lt3A_121 = arith.cmpi slt, %add3A_107, %select_n3A : i32
      %convert_element_type3A_122 = arith.extui %lt3A_121 : i1 to i32
      %cond3A_123 = arith.constant 0 : i32
      %cond3A_124 = arith.cmpi ne, %convert_element_type3A_122, %cond3A_123 : i32
      scf.if %cond3A_124 {
        %mul3A_125 = arith.constant 64 : i32
        %mul3A_126 = arith.muli %add3A_107, %mul3A_125 : i32
        %dma_wait3A = arith.constant 1 : i32
        %dma_wait3A_127 = arith.constant 0 : i32
        %dma_wait3A_128 = arith.constant 0 : i32
        %dma_wait3A_129 = tpu.memref_slice %arg16[%dma_wait3A, %dma_wait3A_127, %dma_wait3A_128] : memref<2x64x128xf32, #tpu.memory_space<vmem>> -> memref<1x64x128xf32, #tpu.memory_space<vmem>>
        %dma_wait3A_130 = tpu.memref_squeeze %dma_wait3A_129 : memref<1x64x128xf32, #tpu.memory_space<vmem>> -> memref<64x128xf32, #tpu.memory_space<vmem>>
        %dma_wait3A_131 = tpu.memref_slice %arg14[%mul3A_126] : memref<15872xi32, #tpu.memory_space<vmem>> -> memref<64xi32, #tpu.memory_space<vmem>>
        %dma_wait3A_132 = arith.constant 0 : i32
        %dma_wait3A_133 = arith.constant 0 : i32
        %dma_wait3A_134 = tpu.memref_slice %arg2[%dma_wait3A_132, %dma_wait3A_133] : memref<10016x128xf32, #tpu.memory_space<hbm>> -> memref<10016x128xf32, #tpu.memory_space<hbm>>
        tpu.wait_indirect_dma semaphore(%arg20 : memref<!tpu.dma_semaphore, #tpu.memory_space<semaphore_mem>>) src(%dma_wait3A_134 : memref<10016x128xf32, #tpu.memory_space<hbm>>) dst(%dma_wait3A_130 : memref<64x128xf32, #tpu.memory_space<vmem>>)
        %mul3A_135 = arith.constant 64 : i32
        %mul3A_136 = arith.muli %add3A_107, %mul3A_135 : i32
        %dma_wait3A_137 = arith.constant 1 : i32
        %dma_wait3A_138 = arith.constant 0 : i32
        %dma_wait3A_139 = tpu.memref_slice %arg17[%dma_wait3A_137, %dma_wait3A_138] : memref<2x64xf32, #tpu.memory_space<vmem>> -> memref<1x64xf32, #tpu.memory_space<vmem>>
        %dma_wait3A_140 = tpu.memref_squeeze %dma_wait3A_139 : memref<1x64xf32, #tpu.memory_space<vmem>> -> memref<64xf32, #tpu.memory_space<vmem>>
        %dma_wait3A_141 = tpu.memref_slice %arg14[%mul3A_136] : memref<15872xi32, #tpu.memory_space<vmem>> -> memref<64xi32, #tpu.memory_space<vmem>>
        %dma_wait3A_142 = arith.constant 0 : i32
        %dma_wait3A_143 = tpu.memref_slice %arg3[%dma_wait3A_142] : memref<10016xf32, #tpu.memory_space<hbm>> -> memref<10016xf32, #tpu.memory_space<hbm>>
        tpu.wait_indirect_dma semaphore(%arg20 : memref<!tpu.dma_semaphore, #tpu.memory_space<semaphore_mem>>) src(%dma_wait3A_143 : memref<10016xf32, #tpu.memory_space<hbm>>) dst(%dma_wait3A_140 : memref<64xf32, #tpu.memory_space<vmem>>)
        %scan3A_144 = arith.constant 1 : i32
        %scan3A_145 = arith.constant 0 : i32
        %scan3A_146 = arith.constant 4 : i32
        %scan3A_147 = arith.addi %scan3A_145, %scan3A_146 : i32
        %scan3A_148 = arith.constant 1 : i32
        scf.for %scan3A_156 = %scan3A_145 to %scan3A_147 step %scan3A_148  : i32 {
          %mul3A_157 = arith.constant 1 : i32
          %mul3A_158 = arith.muli %scan3A_156, %mul3A_157 : i32
          %add3A_159 = arith.constant 0 : i32
          %add3A_160 = arith.addi %add3A_159, %mul3A_158 : i32
          %mul3A_161 = arith.constant 64 : i32
          %mul3A_162 = arith.muli %add3A_107, %mul3A_161 : i32
          %mul3A_163 = arith.constant 16 : i32
          %mul3A_164 = arith.muli %add3A_160, %mul3A_163 : i32
          %add3A_165 = arith.addi %mul3A_162, %mul3A_164 : i32
          %get3A = arith.index_cast %add3A_165 : i32 to index
          %get3A_166 = tpu.vector_load %arg15[%get3A] {strides = array<i32>} : memref<15872xi32, #tpu.memory_space<vmem>>, vector<16xi32>,
          %sub3A_167 = vector.broadcast %mul3A_2 : i32 to vector<16xi32>
          %sub3A_168 = arith.subi %get3A_166, %sub3A_167 : vector<16xi32>
          %jit3A_169 = arith.constant 0 : i32
          %jit3A_170 = arith.constant 319 : i32
          %max3A = vector.broadcast %jit3A_169 : i32 to vector<16xi32>
          %max3A_171 = arith.maxsi %max3A, %sub3A_168 : vector<16xi32>
          %min3A = vector.broadcast %jit3A_170 : i32 to vector<16xi32>
          %min3A_172 = arith.minsi %min3A, %max3A_171 : vector<16xi32>
          %mul3A_173 = arith.constant 16 : i32
          %mul3A_174 = arith.muli %add3A_160, %mul3A_173 : i32
          %get3A_175 = arith.constant 0 : i32
          %get3A_176 = tpu.memref_slice %arg17[%scan3A_144, %get3A_175] : memref<2x64xf32, #tpu.memory_space<vmem>> -> memref<1x64xf32, #tpu.memory_space<vmem>>
          %get3A_177 = tpu.memref_squeeze %get3A_176 : memref<1x64xf32, #tpu.memory_space<vmem>> -> memref<64xf32, #tpu.memory_space<vmem>>
          %get3A_178 = arith.index_cast %mul3A_174 : i32 to index
          %get3A_179 = tpu.vector_load %get3A_177[%get3A_178] {strides = array<i32>} : memref<64xf32, #tpu.memory_space<vmem>>, vector<16xf32>,
          %gather3A = tpu.vector_load_idx %arg10[%min3A_172] : memref<320xf32, #tpu.memory_space<vmem>>[vector<16xi32>], vector<16xf32>,
          %add3A_180 = arith.addf %get3A_179, %gather3A : vector<16xf32>
          %lt3A_181 = arith.constant 0.000000e+00 : f32
          %lt3A_182 = vector.broadcast %lt3A_181 : f32 to vector<16xf32>
          %lt3A_183 = arith.cmpf olt, %add3A_180, %lt3A_182 : vector<16xf32>
          %mul3A_184 = arith.constant 0.00999999977 : f32
          %mul3A_185 = vector.broadcast %mul3A_184 : f32 to vector<16xf32>
          %mul3A_186 = arith.mulf %add3A_180, %mul3A_185 : vector<16xf32>
          %select_n3A_187 = arith.select %lt3A_183, %mul3A_186, %add3A_180 : vector<16xi1>, vector<16xf32>
          %exp3A = math.exp %select_n3A_187 : vector<16xf32>
          %mul3A_188 = arith.constant 16 : i32
          %mul3A_189 = arith.muli %add3A_160, %mul3A_188 : i32
          %swap3A = arith.index_cast %mul3A_189 : i32 to index
          %swap3A_190 = tpu.vector_load %arg18[%swap3A] {strides = array<i32>} : memref<64xf32, #tpu.memory_space<vmem>>, vector<16xf32>,
          tpu.vector_store %arg18[%swap3A], %exp3A {strides = array<i32>} : memref<64xf32, #tpu.memory_space<vmem>>, vector<16xf32>,
        }
        %scan3A_149 = arith.constant 4 : i32
        %scan3A_150 = arith.constant 1 : i32
        %scan3A_151 = arith.constant 0 : i32
        %scan3A_152 = arith.constant 32 : i32
        %scan3A_153 = arith.addi %scan3A_151, %scan3A_152 : i32
        %scan3A_154 = arith.constant 1 : i32
        scf.for %scan3A_156 = %scan3A_151 to %scan3A_153 step %scan3A_154  : i32 {
          %mul3A_157 = arith.constant 2 : i32
          %mul3A_158 = arith.muli %scan3A_156, %mul3A_157 : i32
          %add3A_159 = arith.constant 0 : i32
          %add3A_160 = arith.addi %add3A_159, %mul3A_158 : i32
          %broadcast_in_dim3A_161 = vector.broadcast %add3A_160 : i32 to vector<16xi32>
          %add3A_162 = arith.constant 1 : i32
          %add3A_163 = vector.broadcast %add3A_162 : i32 to vector<16xi32>
          %add3A_164 = arith.addi %broadcast_in_dim3A_161, %add3A_163 : vector<16xi32>
          %gather3A = tpu.vector_load_idx %arg18[%broadcast_in_dim3A_161] : memref<64xf32, #tpu.memory_space<vmem>>[vector<16xi32>], vector<16xf32>,
          %gather3A_165 = tpu.vector_load_idx %arg18[%add3A_164] : memref<64xf32, #tpu.memory_space<vmem>>[vector<16xi32>], vector<16xf32>,
          %mul3A_166 = arith.constant 64 : i32
          %mul3A_167 = arith.muli %add3A_107, %mul3A_166 : i32
          %add3A_168 = arith.addi %mul3A_167, %add3A_160 : i32
          %broadcast_in_dim3A_169 = vector.broadcast %add3A_168 : i32 to vector<16xi32>
          %gather3A_170 = tpu.vector_load_idx %arg15[%broadcast_in_dim3A_169] : memref<15872xi32, #tpu.memory_space<vmem>>[vector<16xi32>], vector<16xi32>,
          %slice3A = vector.extract_strided_slice %gather3A_170 {offsets = [0], sizes = [1], strides = [1]} : vector<16xi32> to vector<1xi32>
          %squeeze3A = vector.extract %slice3A[0] : i32 from vector<1xi32>
          %sub3A_171 = arith.subi %squeeze3A, %mul3A_2 : i32
          %jit3A_172 = arith.constant 0 : i32
          %jit3A_173 = arith.constant 319 : i32
          %max3A = arith.maxsi %jit3A_172, %sub3A_171 : i32
          %min3A = arith.minsi %jit3A_173, %max3A : i32
          %add3A_174 = arith.constant 1 : i32
          %add3A_175 = vector.broadcast %add3A_174 : i32 to vector<16xi32>
          %add3A_176 = arith.addi %broadcast_in_dim3A_169, %add3A_175 : vector<16xi32>
          %gather3A_177 = tpu.vector_load_idx %arg15[%add3A_176] : memref<15872xi32, #tpu.memory_space<vmem>>[vector<16xi32>], vector<16xi32>,
          %slice3A_178 = vector.extract_strided_slice %gather3A_177 {offsets = [0], sizes = [1], strides = [1]} : vector<16xi32> to vector<1xi32>
          %squeeze3A_179 = vector.extract %slice3A_178[0] : i32 from vector<1xi32>
          %sub3A_180 = arith.subi %squeeze3A_179, %mul3A_2 : i32
          %jit3A_181 = arith.constant 0 : i32
          %jit3A_182 = arith.constant 319 : i32
          %max3A_183 = arith.maxsi %jit3A_181, %sub3A_180 : i32
          %min3A_184 = arith.minsi %jit3A_182, %max3A_183 : i32
          %ne3A_185 = arith.cmpi ne, %min3A, %min3A_184 : i32
          %convert_element_type3A_186 = arith.extui %ne3A_185 : i1 to i32
          %cond3A_187 = arith.constant 0 : i32
          %cond3A_188 = arith.cmpi ne, %convert_element_type3A_186, %cond3A_187 : i32
          scf.if %cond3A_188 {
            %get3A = arith.index_cast %min3A : i32 to index
            %get3A_192 = arith.constant 0 : index
            %get3A_193 = tpu.vector_load %arg9[%get3A, %get3A_192] {strides = array<i32>} : memref<320x144xf32, #tpu.memory_space<vmem>>, vector<16xf32>,
            %get3A_194 = arith.constant 0 : i32
            %get3A_195 = arith.constant 0 : i32
            %get3A_196 = tpu.memref_slice %arg16[%scan3A_150, %get3A_194, %get3A_195] : memref<2x64x128xf32, #tpu.memory_space<vmem>> -> memref<1x64x128xf32, #tpu.memory_space<vmem>>
            %get3A_197 = tpu.memref_squeeze %get3A_196 : memref<1x64x128xf32, #tpu.memory_space<vmem>> -> memref<64x128xf32, #tpu.memory_space<vmem>>
            %get3A_198 = arith.index_cast %add3A_160 : i32 to index
            %get3A_199 = arith.constant 0 : index
            %get3A_200 = tpu.vector_load %get3A_197[%get3A_198, %get3A_199] {strides = array<i32>} : memref<64x128xf32, #tpu.memory_space<vmem>>, vector<16xf32>,
            %mul3A_201 = arith.mulf %gather3A, %get3A_200 : vector<16xf32>
            %add3A_202 = arith.addf %get3A_193, %mul3A_201 : vector<16xf32>
            %swap3A = arith.index_cast %min3A : i32 to index
            %swap3A_203 = arith.constant 0 : index
            %swap3A_204 = tpu.vector_load %arg9[%swap3A, %swap3A_203] {strides = array<i32>} : memref<320x144xf32, #tpu.memory_space<vmem>>, vector<16xf32>,
            tpu.vector_store %arg9[%swap3A, %swap3A_203], %add3A_202 {strides = array<i32>} : memref<320x144xf32, #tpu.memory_space<vmem>>, vector<16xf32>,
            %get3A_205 = arith.index_cast %min3A_184 : i32 to index
            %get3A_206 = arith.constant 0 : index
            %get3A_207 = tpu.vector_load %arg9[%get3A_205, %get3A_206] {strides = array<i32>} : memref<320x144xf32, #tpu.memory_space<vmem>>, vector<16xf32>,
            %add3A_208 = arith.constant 1 : i32
            %add3A_209 = arith.addi %add3A_160, %add3A_208 : i32
            %get3A_210 = arith.constant 0 : i32
            %get3A_211 = arith.constant 0 : i32
            %get3A_212 = tpu.memref_slice %arg16[%scan3A_150, %get3A_210, %get3A_211] : memref<2x64x128xf32, #tpu.memory_space<vmem>> -> memref<1x64x128xf32, #tpu.memory_space<vmem>>
            %get3A_213 = tpu.memref_squeeze %get3A_212 : memref<1x64x128xf32, #tpu.memory_space<vmem>> -> memref<64x128xf32, #tpu.memory_space<vmem>>
            %get3A_214 = arith.index_cast %add3A_209 : i32 to index
            %get3A_215 = arith.constant 0 : index
            %get3A_216 = tpu.vector_load %get3A_213[%get3A_214, %get3A_215] {strides = array<i32>} : memref<64x128xf32, #tpu.memory_space<vmem>>, vector<16xf32>,
            %mul3A_217 = arith.mulf %gather3A_165, %get3A_216 : vector<16xf32>
            %add3A_218 = arith.addf %get3A_207, %mul3A_217 : vector<16xf32>
            %swap3A_219 = arith.index_cast %min3A_184 : i32 to index
            %swap3A_220 = arith.constant 0 : index
            %swap3A_221 = tpu.vector_load %arg9[%swap3A_219, %swap3A_220] {strides = array<i32>} : memref<320x144xf32, #tpu.memory_space<vmem>>, vector<16xf32>,
            tpu.vector_store %arg9[%swap3A_219, %swap3A_220], %add3A_218 {strides = array<i32>} : memref<320x144xf32, #tpu.memory_space<vmem>>, vector<16xf32>,
            %get3A_222 = arith.index_cast %min3A : i32 to index
            %get3A_223 = arith.constant 16 : index
            %get3A_224 = tpu.vector_load %arg9[%get3A_222, %get3A_223] {strides = array<i32>} : memref<320x144xf32, #tpu.memory_space<vmem>>, vector<16xf32>,
            %get3A_225 = arith.constant 0 : i32
            %get3A_226 = arith.constant 0 : i32
            %get3A_227 = tpu.memref_slice %arg16[%scan3A_150, %get3A_225, %get3A_226] : memref<2x64x128xf32, #tpu.memory_space<vmem>> -> memref<1x64x128xf32, #tpu.memory_space<vmem>>
            %get3A_228 = tpu.memref_squeeze %get3A_227 : memref<1x64x128xf32, #tpu.memory_space<vmem>> -> memref<64x128xf32, #tpu.memory_space<vmem>>
            %get3A_229 = arith.index_cast %add3A_160 : i32 to index
            %get3A_230 = arith.constant 16 : index
            %get3A_231 = tpu.vector_load %get3A_228[%get3A_229, %get3A_230] {strides = array<i32>} : memref<64x128xf32, #tpu.memory_space<vmem>>, vector<16xf32>,
            %mul3A_232 = arith.mulf %gather3A, %get3A_231 : vector<16xf32>
            %add3A_233 = arith.addf %get3A_224, %mul3A_232 : vector<16xf32>
            %swap3A_234 = arith.index_cast %min3A : i32 to index
            %swap3A_235 = arith.constant 16 : index
            %swap3A_236 = tpu.vector_load %arg9[%swap3A_234, %swap3A_235] {strides = array<i32>} : memref<320x144xf32, #tpu.memory_space<vmem>>, vector<16xf32>,
            tpu.vector_store %arg9[%swap3A_234, %swap3A_235], %add3A_233 {strides = array<i32>} : memref<320x144xf32, #tpu.memory_space<vmem>>, vector<16xf32>,
            %get3A_237 = arith.index_cast %min3A_184 : i32 to index
            %get3A_238 = arith.constant 16 : index
            %get3A_239 = tpu.vector_load %arg9[%get3A_237, %get3A_238] {strides = array<i32>} : memref<320x144xf32, #tpu.memory_space<vmem>>, vector<16xf32>,
            %add3A_240 = arith.constant 1 : i32
            %add3A_241 = arith.addi %add3A_160, %add3A_240 : i32
            %get3A_242 = arith.constant 0 : i32
            %get3A_243 = arith.constant 0 : i32
            %get3A_244 = tpu.memref_slice %arg16[%scan3A_150, %get3A_242, %get3A_243] : memref<2x64x128xf32, #tpu.memory_space<vmem>> -> memref<1x64x128xf32, #tpu.memory_space<vmem>>
            %get3A_245 = tpu.memref_squeeze %get3A_244 : memref<1x64x128xf32, #tpu.memory_space<vmem>> -> memref<64x128xf32, #tpu.memory_space<vmem>>
            %get3A_246 = arith.index_cast %add3A_241 : i32 to index
            %get3A_247 = arith.constant 16 : index
            %get3A_248 = tpu.vector_load %get3A_245[%get3A_246, %get3A_247] {strides = array<i32>} : memref<64x128xf32, #tpu.memory_space<vmem>>, vector<16xf32>,
            %mul3A_249 = arith.mulf %gather3A_165, %get3A_248 : vector<16xf32>
            %add3A_250 = arith.addf %get3A_239, %mul3A_249 : vector<16xf32>
            %swap3A_251 = arith.index_cast %min3A_184 : i32 to index
            %swap3A_252 = arith.constant 16 : index
            %swap3A_253 = tpu.vector_load %arg9[%swap3A_251, %swap3A_252] {strides = array<i32>} : memref<320x144xf32, #tpu.memory_space<vmem>>, vector<16xf32>,
            tpu.vector_store %arg9[%swap3A_251, %swap3A_252], %add3A_250 {strides = array<i32>} : memref<320x144xf32, #tpu.memory_space<vmem>>, vector<16xf32>,
            %get3A_254 = arith.index_cast %min3A : i32 to index
            %get3A_255 = arith.constant 32 : index
            %get3A_256 = tpu.vector_load %arg9[%get3A_254, %get3A_255] {strides = array<i32>} : memref<320x144xf32, #tpu.memory_space<vmem>>, vector<16xf32>,
            %get3A_257 = arith.constant 0 : i32
            %get3A_258 = arith.constant 0 : i32
            %get3A_259 = tpu.memref_slice %arg16[%scan3A_150, %get3A_257, %get3A_258] : memref<2x64x128xf32, #tpu.memory_space<vmem>> -> memref<1x64x128xf32, #tpu.memory_space<vmem>>
            %get3A_260 = tpu.memref_squeeze %get3A_259 : memref<1x64x128xf32, #tpu.memory_space<vmem>> -> memref<64x128xf32, #tpu.memory_space<vmem>>
            %get3A_261 = arith.index_cast %add3A_160 : i32 to index
            %get3A_262 = arith.constant 32 : index
            %get3A_263 = tpu.vector_load %get3A_260[%get3A_261, %get3A_262] {strides = array<i32>} : memref<64x128xf32, #tpu.memory_space<vmem>>, vector<16xf32>,
            %mul3A_264 = arith.mulf %gather3A, %get3A_263 : vector<16xf32>
            %add3A_265 = arith.addf %get3A_256, %mul3A_264 : vector<16xf32>
            %swap3A_266 = arith.index_cast %min3A : i32 to index
            %swap3A_267 = arith.constant 32 : index
            %swap3A_268 = tpu.vector_load %arg9[%swap3A_266, %swap3A_267] {strides = array<i32>} : memref<320x144xf32, #tpu.memory_space<vmem>>, vector<16xf32>,
            tpu.vector_store %arg9[%swap3A_266, %swap3A_267], %add3A_265 {strides = array<i32>} : memref<320x144xf32, #tpu.memory_space<vmem>>, vector<16xf32>,
            %get3A_269 = arith.index_cast %min3A_184 : i32 to index
            %get3A_270 = arith.constant 32 : index
            %get3A_271 = tpu.vector_load %arg9[%get3A_269, %get3A_270] {strides = array<i32>} : memref<320x144xf32, #tpu.memory_space<vmem>>, vector<16xf32>,
            %add3A_272 = arith.constant 1 : i32
            %add3A_273 = arith.addi %add3A_160, %add3A_272 : i32
            %get3A_274 = arith.constant 0 : i32
            %get3A_275 = arith.constant 0 : i32
            %get3A_276 = tpu.memref_slice %arg16[%scan3A_150, %get3A_274, %get3A_275] : memref<2x64x128xf32, #tpu.memory_space<vmem>> -> memref<1x64x128xf32, #tpu.memory_space<vmem>>
            %get3A_277 = tpu.memref_squeeze %get3A_276 : memref<1x64x128xf32, #tpu.memory_space<vmem>> -> memref<64x128xf32, #tpu.memory_space<vmem>>
            %get3A_278 = arith.index_cast %add3A_273 : i32 to index
            %get3A_279 = arith.constant 32 : index
            %get3A_280 = tpu.vector_load %get3A_277[%get3A_278, %get3A_279] {strides = array<i32>} : memref<64x128xf32, #tpu.memory_space<vmem>>, vector<16xf32>,
            %mul3A_281 = arith.mulf %gather3A_165, %get3A_280 : vector<16xf32>
            %add3A_282 = arith.addf %get3A_271, %mul3A_281 : vector<16xf32>
            %swap3A_283 = arith.index_cast %min3A_184 : i32 to index
            %swap3A_284 = arith.constant 32 : index
            %swap3A_285 = tpu.vector_load %arg9[%swap3A_283, %swap3A_284] {strides = array<i32>} : memref<320x144xf32, #tpu.memory_space<vmem>>, vector<16xf32>,
            tpu.vector_store %arg9[%swap3A_283, %swap3A_284], %add3A_282 {strides = array<i32>} : memref<320x144xf32, #tpu.memory_space<vmem>>, vector<16xf32>,
            %get3A_286 = arith.index_cast %min3A : i32 to index
            %get3A_287 = arith.constant 48 : index
            %get3A_288 = tpu.vector_load %arg9[%get3A_286, %get3A_287] {strides = array<i32>} : memref<320x144xf32, #tpu.memory_space<vmem>>, vector<16xf32>,
            %get3A_289 = arith.constant 0 : i32
            %get3A_290 = arith.constant 0 : i32
            %get3A_291 = tpu.memref_slice %arg16[%scan3A_150, %get3A_289, %get3A_290] : memref<2x64x128xf32, #tpu.memory_space<vmem>> -> memref<1x64x128xf32, #tpu.memory_space<vmem>>
            %get3A_292 = tpu.memref_squeeze %get3A_291 : memref<1x64x128xf32, #tpu.memory_space<vmem>> -> memref<64x128xf32, #tpu.memory_space<vmem>>
            %get3A_293 = arith.index_cast %add3A_160 : i32 to index
            %get3A_294 = arith.constant 48 : index
            %get3A_295 = tpu.vector_load %get3A_292[%get3A_293, %get3A_294] {strides = array<i32>} : memref<64x128xf32, #tpu.memory_space<vmem>>, vector<16xf32>,
            %mul3A_296 = arith.mulf %gather3A, %get3A_295 : vector<16xf32>
            %add3A_297 = arith.addf %get3A_288, %mul3A_296 : vector<16xf32>
            %swap3A_298 = arith.index_cast %min3A : i32 to index
            %swap3A_299 = arith.constant 48 : index
            %swap3A_300 = tpu.vector_load %arg9[%swap3A_298, %swap3A_299] {strides = array<i32>} : memref<320x144xf32, #tpu.memory_space<vmem>>, vector<16xf32>,
            tpu.vector_store %arg9[%swap3A_298, %swap3A_299], %add3A_297 {strides = array<i32>} : memref<320x144xf32, #tpu.memory_space<vmem>>, vector<16xf32>,
            %get3A_301 = arith.index_cast %min3A_184 : i32 to index
            %get3A_302 = arith.constant 48 : index
            %get3A_303 = tpu.vector_load %arg9[%get3A_301, %get3A_302] {strides = array<i32>} : memref<320x144xf32, #tpu.memory_space<vmem>>, vector<16xf32>,
            %add3A_304 = arith.constant 1 : i32
            %add3A_305 = arith.addi %add3A_160, %add3A_304 : i32
            %get3A_306 = arith.constant 0 : i32
            %get3A_307 = arith.constant 0 : i32
            %get3A_308 = tpu.memref_slice %arg16[%scan3A_150, %get3A_306, %get3A_307] : memref<2x64x128xf32, #tpu.memory_space<vmem>> -> memref<1x64x128xf32, #tpu.memory_space<vmem>>
            %get3A_309 = tpu.memref_squeeze %get3A_308 : memref<1x64x128xf32, #tpu.memory_space<vmem>> -> memref<64x128xf32, #tpu.memory_space<vmem>>
            %get3A_310 = arith.index_cast %add3A_305 : i32 to index
            %get3A_311 = arith.constant 48 : index
            %get3A_312 = tpu.vector_load %get3A_309[%get3A_310, %get3A_311] {strides = array<i32>} : memref<64x128xf32, #tpu.memory_space<vmem>>, vector<16xf32>,
            %mul3A_313 = arith.mulf %gather3A_165, %get3A_312 : vector<16xf32>
            %add3A_314 = arith.addf %get3A_303, %mul3A_313 : vector<16xf32>
            %swap3A_315 = arith.index_cast %min3A_184 : i32 to index
            %swap3A_316 = arith.constant 48 : index
            %swap3A_317 = tpu.vector_load %arg9[%swap3A_315, %swap3A_316] {strides = array<i32>} : memref<320x144xf32, #tpu.memory_space<vmem>>, vector<16xf32>,
            tpu.vector_store %arg9[%swap3A_315, %swap3A_316], %add3A_314 {strides = array<i32>} : memref<320x144xf32, #tpu.memory_space<vmem>>, vector<16xf32>,
            %get3A_318 = arith.index_cast %min3A : i32 to index
            %get3A_319 = arith.constant 64 : index
            %get3A_320 = tpu.vector_load %arg9[%get3A_318, %get3A_319] {strides = array<i32>} : memref<320x144xf32, #tpu.memory_space<vmem>>, vector<16xf32>,
            %get3A_321 = arith.constant 0 : i32
            %get3A_322 = arith.constant 0 : i32
            %get3A_323 = tpu.memref_slice %arg16[%scan3A_150, %get3A_321, %get3A_322] : memref<2x64x128xf32, #tpu.memory_space<vmem>> -> memref<1x64x128xf32, #tpu.memory_space<vmem>>
            %get3A_324 = tpu.memref_squeeze %get3A_323 : memref<1x64x128xf32, #tpu.memory_space<vmem>> -> memref<64x128xf32, #tpu.memory_space<vmem>>
            %get3A_325 = arith.index_cast %add3A_160 : i32 to index
            %get3A_326 = arith.constant 64 : index
            %get3A_327 = tpu.vector_load %get3A_324[%get3A_325, %get3A_326] {strides = array<i32>} : memref<64x128xf32, #tpu.memory_space<vmem>>, vector<16xf32>,
            %mul3A_328 = arith.mulf %gather3A, %get3A_327 : vector<16xf32>
            %add3A_329 = arith.addf %get3A_320, %mul3A_328 : vector<16xf32>
            %swap3A_330 = arith.index_cast %min3A : i32 to index
            %swap3A_331 = arith.constant 64 : index
            %swap3A_332 = tpu.vector_load %arg9[%swap3A_330, %swap3A_331] {strides = array<i32>} : memref<320x144xf32, #tpu.memory_space<vmem>>, vector<16xf32>,
            tpu.vector_store %arg9[%swap3A_330, %swap3A_331], %add3A_329 {strides = array<i32>} : memref<320x144xf32, #tpu.memory_space<vmem>>, vector<16xf32>,
            %get3A_333 = arith.index_cast %min3A_184 : i32 to index
            %get3A_334 = arith.constant 64 : index
            %get3A_335 = tpu.vector_load %arg9[%get3A_333, %get3A_334] {strides = array<i32>} : memref<320x144xf32, #tpu.memory_space<vmem>>, vector<16xf32>,
            %add3A_336 = arith.constant 1 : i32
            %add3A_337 = arith.addi %add3A_160, %add3A_336 : i32
            %get3A_338 = arith.constant 0 : i32
            %get3A_339 = arith.constant 0 : i32
            %get3A_340 = tpu.memref_slice %arg16[%scan3A_150, %get3A_338, %get3A_339] : memref<2x64x128xf32, #tpu.memory_space<vmem>> -> memref<1x64x128xf32, #tpu.memory_space<vmem>>
            %get3A_341 = tpu.memref_squeeze %get3A_340 : memref<1x64x128xf32, #tpu.memory_space<vmem>> -> memref<64x128xf32, #tpu.memory_space<vmem>>
            %get3A_342 = arith.index_cast %add3A_337 : i32 to index
            %get3A_343 = arith.constant 64 : index
            %get3A_344 = tpu.vector_load %get3A_341[%get3A_342, %get3A_343] {strides = array<i32>} : memref<64x128xf32, #tpu.memory_space<vmem>>, vector<16xf32>,
            %mul3A_345 = arith.mulf %gather3A_165, %get3A_344 : vector<16xf32>
            %add3A_346 = arith.addf %get3A_335, %mul3A_345 : vector<16xf32>
            %swap3A_347 = arith.index_cast %min3A_184 : i32 to index
            %swap3A_348 = arith.constant 64 : index
            %swap3A_349 = tpu.vector_load %arg9[%swap3A_347, %swap3A_348] {strides = array<i32>} : memref<320x144xf32, #tpu.memory_space<vmem>>, vector<16xf32>,
            tpu.vector_store %arg9[%swap3A_347, %swap3A_348], %add3A_346 {strides = array<i32>} : memref<320x144xf32, #tpu.memory_space<vmem>>, vector<16xf32>,
            %get3A_350 = arith.index_cast %min3A : i32 to index
            %get3A_351 = arith.constant 80 : index
            %get3A_352 = tpu.vector_load %arg9[%get3A_350, %get3A_351] {strides = array<i32>} : memref<320x144xf32, #tpu.memory_space<vmem>>, vector<16xf32>,
            %get3A_353 = arith.constant 0 : i32
            %get3A_354 = arith.constant 0 : i32
            %get3A_355 = tpu.memref_slice %arg16[%scan3A_150, %get3A_353, %get3A_354] : memref<2x64x128xf32, #tpu.memory_space<vmem>> -> memref<1x64x128xf32, #tpu.memory_space<vmem>>
            %get3A_356 = tpu.memref_squeeze %get3A_355 : memref<1x64x128xf32, #tpu.memory_space<vmem>> -> memref<64x128xf32, #tpu.memory_space<vmem>>
            %get3A_357 = arith.index_cast %add3A_160 : i32 to index
            %get3A_358 = arith.constant 80 : index
            %get3A_359 = tpu.vector_load %get3A_356[%get3A_357, %get3A_358] {strides = array<i32>} : memref<64x128xf32, #tpu.memory_space<vmem>>, vector<16xf32>,
            %mul3A_360 = arith.mulf %gather3A, %get3A_359 : vector<16xf32>
            %add3A_361 = arith.addf %get3A_352, %mul3A_360 : vector<16xf32>
            %swap3A_362 = arith.index_cast %min3A : i32 to index
            %swap3A_363 = arith.constant 80 : index
            %swap3A_364 = tpu.vector_load %arg9[%swap3A_362, %swap3A_363] {strides = array<i32>} : memref<320x144xf32, #tpu.memory_space<vmem>>, vector<16xf32>,
            tpu.vector_store %arg9[%swap3A_362, %swap3A_363], %add3A_361 {strides = array<i32>} : memref<320x144xf32, #tpu.memory_space<vmem>>, vector<16xf32>,
            %get3A_365 = arith.index_cast %min3A_184 : i32 to index
            %get3A_366 = arith.constant 80 : index
            %get3A_367 = tpu.vector_load %arg9[%get3A_365, %get3A_366] {strides = array<i32>} : memref<320x144xf32, #tpu.memory_space<vmem>>, vector<16xf32>,
            %add3A_368 = arith.constant 1 : i32
            %add3A_369 = arith.addi %add3A_160, %add3A_368 : i32
            %get3A_370 = arith.constant 0 : i32
            %get3A_371 = arith.constant 0 : i32
            %get3A_372 = tpu.memref_slice %arg16[%scan3A_150, %get3A_370, %get3A_371] : memref<2x64x128xf32, #tpu.memory_space<vmem>> -> memref<1x64x128xf32, #tpu.memory_space<vmem>>
            %get3A_373 = tpu.memref_squeeze %get3A_372 : memref<1x64x128xf32, #tpu.memory_space<vmem>> -> memref<64x128xf32, #tpu.memory_space<vmem>>
            %get3A_374 = arith.index_cast %add3A_369 : i32 to index
            %get3A_375 = arith.constant 80 : index
            %get3A_376 = tpu.vector_load %get3A_373[%get3A_374, %get3A_375] {strides = array<i32>} : memref<64x128xf32, #tpu.memory_space<vmem>>, vector<16xf32>,
            %mul3A_377 = arith.mulf %gather3A_165, %get3A_376 : vector<16xf32>
            %add3A_378 = arith.addf %get3A_367, %mul3A_377 : vector<16xf32>
            %swap3A_379 = arith.index_cast %min3A_184 : i32 to index
            %swap3A_380 = arith.constant 80 : index
            %swap3A_381 = tpu.vector_load %arg9[%swap3A_379, %swap3A_380] {strides = array<i32>} : memref<320x144xf32, #tpu.memory_space<vmem>>, vector<16xf32>,
            tpu.vector_store %arg9[%swap3A_379, %swap3A_380], %add3A_378 {strides = array<i32>} : memref<320x144xf32, #tpu.memory_space<vmem>>, vector<16xf32>,
            %get3A_382 = arith.index_cast %min3A : i32 to index
            %get3A_383 = arith.constant 96 : index
            %get3A_384 = tpu.vector_load %arg9[%get3A_382, %get3A_383] {strides = array<i32>} : memref<320x144xf32, #tpu.memory_space<vmem>>, vector<16xf32>,
            %get3A_385 = arith.constant 0 : i32
            %get3A_386 = arith.constant 0 : i32
            %get3A_387 = tpu.memref_slice %arg16[%scan3A_150, %get3A_385, %get3A_386] : memref<2x64x128xf32, #tpu.memory_space<vmem>> -> memref<1x64x128xf32, #tpu.memory_space<vmem>>
            %get3A_388 = tpu.memref_squeeze %get3A_387 : memref<1x64x128xf32, #tpu.memory_space<vmem>> -> memref<64x128xf32, #tpu.memory_space<vmem>>
            %get3A_389 = arith.index_cast %add3A_160 : i32 to index
            %get3A_390 = arith.constant 96 : index
            %get3A_391 = tpu.vector_load %get3A_388[%get3A_389, %get3A_390] {strides = array<i32>} : memref<64x128xf32, #tpu.memory_space<vmem>>, vector<16xf32>,
            %mul3A_392 = arith.mulf %gather3A, %get3A_391 : vector<16xf32>
            %add3A_393 = arith.addf %get3A_384, %mul3A_392 : vector<16xf32>
            %swap3A_394 = arith.index_cast %min3A : i32 to index
            %swap3A_395 = arith.constant 96 : index
            %swap3A_396 = tpu.vector_load %arg9[%swap3A_394, %swap3A_395] {strides = array<i32>} : memref<320x144xf32, #tpu.memory_space<vmem>>, vector<16xf32>,
            tpu.vector_store %arg9[%swap3A_394, %swap3A_395], %add3A_393 {strides = array<i32>} : memref<320x144xf32, #tpu.memory_space<vmem>>, vector<16xf32>,
            %get3A_397 = arith.index_cast %min3A_184 : i32 to index
            %get3A_398 = arith.constant 96 : index
            %get3A_399 = tpu.vector_load %arg9[%get3A_397, %get3A_398] {strides = array<i32>} : memref<320x144xf32, #tpu.memory_space<vmem>>, vector<16xf32>,
            %add3A_400 = arith.constant 1 : i32
            %add3A_401 = arith.addi %add3A_160, %add3A_400 : i32
            %get3A_402 = arith.constant 0 : i32
            %get3A_403 = arith.constant 0 : i32
            %get3A_404 = tpu.memref_slice %arg16[%scan3A_150, %get3A_402, %get3A_403] : memref<2x64x128xf32, #tpu.memory_space<vmem>> -> memref<1x64x128xf32, #tpu.memory_space<vmem>>
            %get3A_405 = tpu.memref_squeeze %get3A_404 : memref<1x64x128xf32, #tpu.memory_space<vmem>> -> memref<64x128xf32, #tpu.memory_space<vmem>>
            %get3A_406 = arith.index_cast %add3A_401 : i32 to index
            %get3A_407 = arith.constant 96 : index
            %get3A_408 = tpu.vector_load %get3A_405[%get3A_406, %get3A_407] {strides = array<i32>} : memref<64x128xf32, #tpu.memory_space<vmem>>, vector<16xf32>,
            %mul3A_409 = arith.mulf %gather3A_165, %get3A_408 : vector<16xf32>
            %add3A_410 = arith.addf %get3A_399, %mul3A_409 : vector<16xf32>
            %swap3A_411 = arith.index_cast %min3A_184 : i32 to index
            %swap3A_412 = arith.constant 96 : index
            %swap3A_413 = tpu.vector_load %arg9[%swap3A_411, %swap3A_412] {strides = array<i32>} : memref<320x144xf32, #tpu.memory_space<vmem>>, vector<16xf32>,
            tpu.vector_store %arg9[%swap3A_411, %swap3A_412], %add3A_410 {strides = array<i32>} : memref<320x144xf32, #tpu.memory_space<vmem>>, vector<16xf32>,
            %get3A_414 = arith.index_cast %min3A : i32 to index
            %get3A_415 = arith.constant 112 : index
            %get3A_416 = tpu.vector_load %arg9[%get3A_414, %get3A_415] {strides = array<i32>} : memref<320x144xf32, #tpu.memory_space<vmem>>, vector<16xf32>,
            %get3A_417 = arith.constant 0 : i32
            %get3A_418 = arith.constant 0 : i32
            %get3A_419 = tpu.memref_slice %arg16[%scan3A_150, %get3A_417, %get3A_418] : memref<2x64x128xf32, #tpu.memory_space<vmem>> -> memref<1x64x128xf32, #tpu.memory_space<vmem>>
            %get3A_420 = tpu.memref_squeeze %get3A_419 : memref<1x64x128xf32, #tpu.memory_space<vmem>> -> memref<64x128xf32, #tpu.memory_space<vmem>>
            %get3A_421 = arith.index_cast %add3A_160 : i32 to index
            %get3A_422 = arith.constant 112 : index
            %get3A_423 = tpu.vector_load %get3A_420[%get3A_421, %get3A_422] {strides = array<i32>} : memref<64x128xf32, #tpu.memory_space<vmem>>, vector<16xf32>,
            %mul3A_424 = arith.mulf %gather3A, %get3A_423 : vector<16xf32>
            %add3A_425 = arith.addf %get3A_416, %mul3A_424 : vector<16xf32>
            %swap3A_426 = arith.index_cast %min3A : i32 to index
            %swap3A_427 = arith.constant 112 : index
            %swap3A_428 = tpu.vector_load %arg9[%swap3A_426, %swap3A_427] {strides = array<i32>} : memref<320x144xf32, #tpu.memory_space<vmem>>, vector<16xf32>,
            tpu.vector_store %arg9[%swap3A_426, %swap3A_427], %add3A_425 {strides = array<i32>} : memref<320x144xf32, #tpu.memory_space<vmem>>, vector<16xf32>,
            %get3A_429 = arith.index_cast %min3A_184 : i32 to index
            %get3A_430 = arith.constant 112 : index
            %get3A_431 = tpu.vector_load %arg9[%get3A_429, %get3A_430] {strides = array<i32>} : memref<320x144xf32, #tpu.memory_space<vmem>>, vector<16xf32>,
            %add3A_432 = arith.constant 1 : i32
            %add3A_433 = arith.addi %add3A_160, %add3A_432 : i32
            %get3A_434 = arith.constant 0 : i32
            %get3A_435 = arith.constant 0 : i32
            %get3A_436 = tpu.memref_slice %arg16[%scan3A_150, %get3A_434, %get3A_435] : memref<2x64x128xf32, #tpu.memory_space<vmem>> -> memref<1x64x128xf32, #tpu.memory_space<vmem>>
            %get3A_437 = tpu.memref_squeeze %get3A_436 : memref<1x64x128xf32, #tpu.memory_space<vmem>> -> memref<64x128xf32, #tpu.memory_space<vmem>>
            %get3A_438 = arith.index_cast %add3A_433 : i32 to index
            %get3A_439 = arith.constant 112 : index
            %get3A_440 = tpu.vector_load %get3A_437[%get3A_438, %get3A_439] {strides = array<i32>} : memref<64x128xf32, #tpu.memory_space<vmem>>, vector<16xf32>,
            %mul3A_441 = arith.mulf %gather3A_165, %get3A_440 : vector<16xf32>
            %add3A_442 = arith.addf %get3A_431, %mul3A_441 : vector<16xf32>
            %swap3A_443 = arith.index_cast %min3A_184 : i32 to index
            %swap3A_444 = arith.constant 112 : index
            %swap3A_445 = tpu.vector_load %arg9[%swap3A_443, %swap3A_444] {strides = array<i32>} : memref<320x144xf32, #tpu.memory_space<vmem>>, vector<16xf32>,
            tpu.vector_store %arg9[%swap3A_443, %swap3A_444], %add3A_442 {strides = array<i32>} : memref<320x144xf32, #tpu.memory_space<vmem>>, vector<16xf32>,
            %get3A_446 = arith.index_cast %min3A : i32 to index
            %get3A_447 = arith.constant 128 : index
            %get3A_448 = tpu.vector_load %arg9[%get3A_446, %get3A_447] {strides = array<i32>} : memref<320x144xf32, #tpu.memory_space<vmem>>, vector<16xf32>,
            %eq3A_449 = arith.constant 0 : i32
            %eq3A_450 = vector.broadcast %eq3A_449 : i32 to vector<16xi32>
            %eq3A_451 = arith.cmpi eq, %iota3A, %eq3A_450 : vector<16xi32>
            %jit3A_452 = arith.constant 0.000000e+00 : f32
            %broadcast_in_dim3A_453 = vector.broadcast %jit3A_452 : f32 to vector<16xf32>
            %select_n3A_454 = arith.select %eq3A_451, %gather3A, %broadcast_in_dim3A_453 : vector<16xi1>, vector<16xf32>
            %add3A_455 = arith.addf %get3A_448, %select_n3A_454 : vector<16xf32>
            %swap3A_456 = arith.index_cast %min3A : i32 to index
            %swap3A_457 = arith.constant 128 : index
            %swap3A_458 = tpu.vector_load %arg9[%swap3A_456, %swap3A_457] {strides = array<i32>} : memref<320x144xf32, #tpu.memory_space<vmem>>, vector<16xf32>,
            tpu.vector_store %arg9[%swap3A_456, %swap3A_457], %add3A_455 {strides = array<i32>} : memref<320x144xf32, #tpu.memory_space<vmem>>, vector<16xf32>,
            %get3A_459 = arith.index_cast %min3A_184 : i32 to index
            %get3A_460 = arith.constant 128 : index
            %get3A_461 = tpu.vector_load %arg9[%get3A_459, %get3A_460] {strides = array<i32>} : memref<320x144xf32, #tpu.memory_space<vmem>>, vector<16xf32>,
            %eq3A_462 = arith.constant 0 : i32
            %eq3A_463 = vector.broadcast %eq3A_462 : i32 to vector<16xi32>
            %eq3A_464 = arith.cmpi eq, %iota3A, %eq3A_463 : vector<16xi32>
            %jit3A_465 = arith.constant 0.000000e+00 : f32
            %broadcast_in_dim3A_466 = vector.broadcast %jit3A_465 : f32 to vector<16xf32>
            %select_n3A_467 = arith.select %eq3A_464, %gather3A_165, %broadcast_in_dim3A_466 : vector<16xi1>, vector<16xf32>
            %add3A_468 = arith.addf %get3A_461, %select_n3A_467 : vector<16xf32>
            %swap3A_469 = arith.index_cast %min3A_184 : i32 to index
            %swap3A_470 = arith.constant 128 : index
            %swap3A_471 = tpu.vector_load %arg9[%swap3A_469, %swap3A_470] {strides = array<i32>} : memref<320x144xf32, #tpu.memory_space<vmem>>, vector<16xf32>,
            tpu.vector_store %arg9[%swap3A_469, %swap3A_470], %add3A_468 {strides = array<i32>} : memref<320x144xf32, #tpu.memory_space<vmem>>, vector<16xf32>,
          } else {
          }
          %eq3A = arith.cmpi eq, %min3A, %min3A_184 : i32
          %convert_element_type3A_189 = arith.extui %eq3A : i1 to i32
          %cond3A_190 = arith.constant 0 : i32
          %cond3A_191 = arith.cmpi ne, %convert_element_type3A_189, %cond3A_190 : i32
          scf.if %cond3A_191 {
            %get3A = arith.index_cast %min3A : i32 to index
            %get3A_192 = arith.constant 0 : index
            %get3A_193 = tpu.vector_load %arg9[%get3A, %get3A_192] {strides = array<i32>} : memref<320x144xf32, #tpu.memory_space<vmem>>, vector<16xf32>,
            %get3A_194 = arith.constant 0 : i32
            %get3A_195 = arith.constant 0 : i32
            %get3A_196 = tpu.memref_slice %arg16[%scan3A_150, %get3A_194, %get3A_195] : memref<2x64x128xf32, #tpu.memory_space<vmem>> -> memref<1x64x128xf32, #tpu.memory_space<vmem>>
            %get3A_197 = tpu.memref_squeeze %get3A_196 : memref<1x64x128xf32, #tpu.memory_space<vmem>> -> memref<64x128xf32, #tpu.memory_space<vmem>>
            %get3A_198 = arith.index_cast %add3A_160 : i32 to index
            %get3A_199 = arith.constant 0 : index
            %get3A_200 = tpu.vector_load %get3A_197[%get3A_198, %get3A_199] {strides = array<i32>} : memref<64x128xf32, #tpu.memory_space<vmem>>, vector<16xf32>,
            %mul3A_201 = arith.mulf %gather3A, %get3A_200 : vector<16xf32>
            %add3A_202 = arith.constant 1 : i32
            %add3A_203 = arith.addi %add3A_160, %add3A_202 : i32
            %get3A_204 = arith.constant 0 : i32
            %get3A_205 = arith.constant 0 : i32
            %get3A_206 = tpu.memref_slice %arg16[%scan3A_150, %get3A_204, %get3A_205] : memref<2x64x128xf32, #tpu.memory_space<vmem>> -> memref<1x64x128xf32, #tpu.memory_space<vmem>>
            %get3A_207 = tpu.memref_squeeze %get3A_206 : memref<1x64x128xf32, #tpu.memory_space<vmem>> -> memref<64x128xf32, #tpu.memory_space<vmem>>
            %get3A_208 = arith.index_cast %add3A_203 : i32 to index
            %get3A_209 = arith.constant 0 : index
            %get3A_210 = tpu.vector_load %get3A_207[%get3A_208, %get3A_209] {strides = array<i32>} : memref<64x128xf32, #tpu.memory_space<vmem>>, vector<16xf32>,
            %mul3A_211 = arith.mulf %gather3A_165, %get3A_210 : vector<16xf32>
            %add3A_212 = arith.addf %mul3A_201, %mul3A_211 : vector<16xf32>
            %add3A_213 = arith.addf %get3A_193, %add3A_212 : vector<16xf32>
            %swap3A = arith.index_cast %min3A : i32 to index
            %swap3A_214 = arith.constant 0 : index
            %swap3A_215 = tpu.vector_load %arg9[%swap3A, %swap3A_214] {strides = array<i32>} : memref<320x144xf32, #tpu.memory_space<vmem>>, vector<16xf32>,
            tpu.vector_store %arg9[%swap3A, %swap3A_214], %add3A_213 {strides = array<i32>} : memref<320x144xf32, #tpu.memory_space<vmem>>, vector<16xf32>,
            %get3A_216 = arith.index_cast %min3A : i32 to index
            %get3A_217 = arith.constant 16 : index
            %get3A_218 = tpu.vector_load %arg9[%get3A_216, %get3A_217] {strides = array<i32>} : memref<320x144xf32, #tpu.memory_space<vmem>>, vector<16xf32>,
            %get3A_219 = arith.constant 0 : i32
            %get3A_220 = arith.constant 0 : i32
            %get3A_221 = tpu.memref_slice %arg16[%scan3A_150, %get3A_219, %get3A_220] : memref<2x64x128xf32, #tpu.memory_space<vmem>> -> memref<1x64x128xf32, #tpu.memory_space<vmem>>
            %get3A_222 = tpu.memref_squeeze %get3A_221 : memref<1x64x128xf32, #tpu.memory_space<vmem>> -> memref<64x128xf32, #tpu.memory_space<vmem>>
            %get3A_223 = arith.index_cast %add3A_160 : i32 to index
            %get3A_224 = arith.constant 16 : index
            %get3A_225 = tpu.vector_load %get3A_222[%get3A_223, %get3A_224] {strides = array<i32>} : memref<64x128xf32, #tpu.memory_space<vmem>>, vector<16xf32>,
            %mul3A_226 = arith.mulf %gather3A, %get3A_225 : vector<16xf32>
            %add3A_227 = arith.constant 1 : i32
            %add3A_228 = arith.addi %add3A_160, %add3A_227 : i32
            %get3A_229 = arith.constant 0 : i32
            %get3A_230 = arith.constant 0 : i32
            %get3A_231 = tpu.memref_slice %arg16[%scan3A_150, %get3A_229, %get3A_230] : memref<2x64x128xf32, #tpu.memory_space<vmem>> -> memref<1x64x128xf32, #tpu.memory_space<vmem>>
            %get3A_232 = tpu.memref_squeeze %get3A_231 : memref<1x64x128xf32, #tpu.memory_space<vmem>> -> memref<64x128xf32, #tpu.memory_space<vmem>>
            %get3A_233 = arith.index_cast %add3A_228 : i32 to index
            %get3A_234 = arith.constant 16 : index
            %get3A_235 = tpu.vector_load %get3A_232[%get3A_233, %get3A_234] {strides = array<i32>} : memref<64x128xf32, #tpu.memory_space<vmem>>, vector<16xf32>,
            %mul3A_236 = arith.mulf %gather3A_165, %get3A_235 : vector<16xf32>
            %add3A_237 = arith.addf %mul3A_226, %mul3A_236 : vector<16xf32>
            %add3A_238 = arith.addf %get3A_218, %add3A_237 : vector<16xf32>
            %swap3A_239 = arith.index_cast %min3A : i32 to index
            %swap3A_240 = arith.constant 16 : index
            %swap3A_241 = tpu.vector_load %arg9[%swap3A_239, %swap3A_240] {strides = array<i32>} : memref<320x144xf32, #tpu.memory_space<vmem>>, vector<16xf32>,
            tpu.vector_store %arg9[%swap3A_239, %swap3A_240], %add3A_238 {strides = array<i32>} : memref<320x144xf32, #tpu.memory_space<vmem>>, vector<16xf32>,
            %get3A_242 = arith.index_cast %min3A : i32 to index
            %get3A_243 = arith.constant 32 : index
            %get3A_244 = tpu.vector_load %arg9[%get3A_242, %get3A_243] {strides = array<i32>} : memref<320x144xf32, #tpu.memory_space<vmem>>, vector<16xf32>,
            %get3A_245 = arith.constant 0 : i32
            %get3A_246 = arith.constant 0 : i32
            %get3A_247 = tpu.memref_slice %arg16[%scan3A_150, %get3A_245, %get3A_246] : memref<2x64x128xf32, #tpu.memory_space<vmem>> -> memref<1x64x128xf32, #tpu.memory_space<vmem>>
            %get3A_248 = tpu.memref_squeeze %get3A_247 : memref<1x64x128xf32, #tpu.memory_space<vmem>> -> memref<64x128xf32, #tpu.memory_space<vmem>>
            %get3A_249 = arith.index_cast %add3A_160 : i32 to index
            %get3A_250 = arith.constant 32 : index
            %get3A_251 = tpu.vector_load %get3A_248[%get3A_249, %get3A_250] {strides = array<i32>} : memref<64x128xf32, #tpu.memory_space<vmem>>, vector<16xf32>,
            %mul3A_252 = arith.mulf %gather3A, %get3A_251 : vector<16xf32>
            %add3A_253 = arith.constant 1 : i32
            %add3A_254 = arith.addi %add3A_160, %add3A_253 : i32
            %get3A_255 = arith.constant 0 : i32
            %get3A_256 = arith.constant 0 : i32
            %get3A_257 = tpu.memref_slice %arg16[%scan3A_150, %get3A_255, %get3A_256] : memref<2x64x128xf32, #tpu.memory_space<vmem>> -> memref<1x64x128xf32, #tpu.memory_space<vmem>>
            %get3A_258 = tpu.memref_squeeze %get3A_257 : memref<1x64x128xf32, #tpu.memory_space<vmem>> -> memref<64x128xf32, #tpu.memory_space<vmem>>
            %get3A_259 = arith.index_cast %add3A_254 : i32 to index
            %get3A_260 = arith.constant 32 : index
            %get3A_261 = tpu.vector_load %get3A_258[%get3A_259, %get3A_260] {strides = array<i32>} : memref<64x128xf32, #tpu.memory_space<vmem>>, vector<16xf32>,
            %mul3A_262 = arith.mulf %gather3A_165, %get3A_261 : vector<16xf32>
            %add3A_263 = arith.addf %mul3A_252, %mul3A_262 : vector<16xf32>
            %add3A_264 = arith.addf %get3A_244, %add3A_263 : vector<16xf32>
            %swap3A_265 = arith.index_cast %min3A : i32 to index
            %swap3A_266 = arith.constant 32 : index
            %swap3A_267 = tpu.vector_load %arg9[%swap3A_265, %swap3A_266] {strides = array<i32>} : memref<320x144xf32, #tpu.memory_space<vmem>>, vector<16xf32>,
            tpu.vector_store %arg9[%swap3A_265, %swap3A_266], %add3A_264 {strides = array<i32>} : memref<320x144xf32, #tpu.memory_space<vmem>>, vector<16xf32>,
            %get3A_268 = arith.index_cast %min3A : i32 to index
            %get3A_269 = arith.constant 48 : index
            %get3A_270 = tpu.vector_load %arg9[%get3A_268, %get3A_269] {strides = array<i32>} : memref<320x144xf32, #tpu.memory_space<vmem>>, vector<16xf32>,
            %get3A_271 = arith.constant 0 : i32
            %get3A_272 = arith.constant 0 : i32
            %get3A_273 = tpu.memref_slice %arg16[%scan3A_150, %get3A_271, %get3A_272] : memref<2x64x128xf32, #tpu.memory_space<vmem>> -> memref<1x64x128xf32, #tpu.memory_space<vmem>>
            %get3A_274 = tpu.memref_squeeze %get3A_273 : memref<1x64x128xf32, #tpu.memory_space<vmem>> -> memref<64x128xf32, #tpu.memory_space<vmem>>
            %get3A_275 = arith.index_cast %add3A_160 : i32 to index
            %get3A_276 = arith.constant 48 : index
            %get3A_277 = tpu.vector_load %get3A_274[%get3A_275, %get3A_276] {strides = array<i32>} : memref<64x128xf32, #tpu.memory_space<vmem>>, vector<16xf32>,
            %mul3A_278 = arith.mulf %gather3A, %get3A_277 : vector<16xf32>
            %add3A_279 = arith.constant 1 : i32
            %add3A_280 = arith.addi %add3A_160, %add3A_279 : i32
            %get3A_281 = arith.constant 0 : i32
            %get3A_282 = arith.constant 0 : i32
            %get3A_283 = tpu.memref_slice %arg16[%scan3A_150, %get3A_281, %get3A_282] : memref<2x64x128xf32, #tpu.memory_space<vmem>> -> memref<1x64x128xf32, #tpu.memory_space<vmem>>
            %get3A_284 = tpu.memref_squeeze %get3A_283 : memref<1x64x128xf32, #tpu.memory_space<vmem>> -> memref<64x128xf32, #tpu.memory_space<vmem>>
            %get3A_285 = arith.index_cast %add3A_280 : i32 to index
            %get3A_286 = arith.constant 48 : index
            %get3A_287 = tpu.vector_load %get3A_284[%get3A_285, %get3A_286] {strides = array<i32>} : memref<64x128xf32, #tpu.memory_space<vmem>>, vector<16xf32>,
            %mul3A_288 = arith.mulf %gather3A_165, %get3A_287 : vector<16xf32>
            %add3A_289 = arith.addf %mul3A_278, %mul3A_288 : vector<16xf32>
            %add3A_290 = arith.addf %get3A_270, %add3A_289 : vector<16xf32>
            %swap3A_291 = arith.index_cast %min3A : i32 to index
            %swap3A_292 = arith.constant 48 : index
            %swap3A_293 = tpu.vector_load %arg9[%swap3A_291, %swap3A_292] {strides = array<i32>} : memref<320x144xf32, #tpu.memory_space<vmem>>, vector<16xf32>,
            tpu.vector_store %arg9[%swap3A_291, %swap3A_292], %add3A_290 {strides = array<i32>} : memref<320x144xf32, #tpu.memory_space<vmem>>, vector<16xf32>,
            %get3A_294 = arith.index_cast %min3A : i32 to index
            %get3A_295 = arith.constant 64 : index
            %get3A_296 = tpu.vector_load %arg9[%get3A_294, %get3A_295] {strides = array<i32>} : memref<320x144xf32, #tpu.memory_space<vmem>>, vector<16xf32>,
            %get3A_297 = arith.constant 0 : i32
            %get3A_298 = arith.constant 0 : i32
            %get3A_299 = tpu.memref_slice %arg16[%scan3A_150, %get3A_297, %get3A_298] : memref<2x64x128xf32, #tpu.memory_space<vmem>> -> memref<1x64x128xf32, #tpu.memory_space<vmem>>
            %get3A_300 = tpu.memref_squeeze %get3A_299 : memref<1x64x128xf32, #tpu.memory_space<vmem>> -> memref<64x128xf32, #tpu.memory_space<vmem>>
            %get3A_301 = arith.index_cast %add3A_160 : i32 to index
            %get3A_302 = arith.constant 64 : index
            %get3A_303 = tpu.vector_load %get3A_300[%get3A_301, %get3A_302] {strides = array<i32>} : memref<64x128xf32, #tpu.memory_space<vmem>>, vector<16xf32>,
            %mul3A_304 = arith.mulf %gather3A, %get3A_303 : vector<16xf32>
            %add3A_305 = arith.constant 1 : i32
            %add3A_306 = arith.addi %add3A_160, %add3A_305 : i32
            %get3A_307 = arith.constant 0 : i32
            %get3A_308 = arith.constant 0 : i32
            %get3A_309 = tpu.memref_slice %arg16[%scan3A_150, %get3A_307, %get3A_308] : memref<2x64x128xf32, #tpu.memory_space<vmem>> -> memref<1x64x128xf32, #tpu.memory_space<vmem>>
            %get3A_310 = tpu.memref_squeeze %get3A_309 : memref<1x64x128xf32, #tpu.memory_space<vmem>> -> memref<64x128xf32, #tpu.memory_space<vmem>>
            %get3A_311 = arith.index_cast %add3A_306 : i32 to index
            %get3A_312 = arith.constant 64 : index
            %get3A_313 = tpu.vector_load %get3A_310[%get3A_311, %get3A_312] {strides = array<i32>} : memref<64x128xf32, #tpu.memory_space<vmem>>, vector<16xf32>,
            %mul3A_314 = arith.mulf %gather3A_165, %get3A_313 : vector<16xf32>
            %add3A_315 = arith.addf %mul3A_304, %mul3A_314 : vector<16xf32>
            %add3A_316 = arith.addf %get3A_296, %add3A_315 : vector<16xf32>
            %swap3A_317 = arith.index_cast %min3A : i32 to index
            %swap3A_318 = arith.constant 64 : index
            %swap3A_319 = tpu.vector_load %arg9[%swap3A_317, %swap3A_318] {strides = array<i32>} : memref<320x144xf32, #tpu.memory_space<vmem>>, vector<16xf32>,
            tpu.vector_store %arg9[%swap3A_317, %swap3A_318], %add3A_316 {strides = array<i32>} : memref<320x144xf32, #tpu.memory_space<vmem>>, vector<16xf32>,
            %get3A_320 = arith.index_cast %min3A : i32 to index
            %get3A_321 = arith.constant 80 : index
            %get3A_322 = tpu.vector_load %arg9[%get3A_320, %get3A_321] {strides = array<i32>} : memref<320x144xf32, #tpu.memory_space<vmem>>, vector<16xf32>,
            %get3A_323 = arith.constant 0 : i32
            %get3A_324 = arith.constant 0 : i32
            %get3A_325 = tpu.memref_slice %arg16[%scan3A_150, %get3A_323, %get3A_324] : memref<2x64x128xf32, #tpu.memory_space<vmem>> -> memref<1x64x128xf32, #tpu.memory_space<vmem>>
            %get3A_326 = tpu.memref_squeeze %get3A_325 : memref<1x64x128xf32, #tpu.memory_space<vmem>> -> memref<64x128xf32, #tpu.memory_space<vmem>>
            %get3A_327 = arith.index_cast %add3A_160 : i32 to index
            %get3A_328 = arith.constant 80 : index
            %get3A_329 = tpu.vector_load %get3A_326[%get3A_327, %get3A_328] {strides = array<i32>} : memref<64x128xf32, #tpu.memory_space<vmem>>, vector<16xf32>,
            %mul3A_330 = arith.mulf %gather3A, %get3A_329 : vector<16xf32>
            %add3A_331 = arith.constant 1 : i32
            %add3A_332 = arith.addi %add3A_160, %add3A_331 : i32
            %get3A_333 = arith.constant 0 : i32
            %get3A_334 = arith.constant 0 : i32
            %get3A_335 = tpu.memref_slice %arg16[%scan3A_150, %get3A_333, %get3A_334] : memref<2x64x128xf32, #tpu.memory_space<vmem>> -> memref<1x64x128xf32, #tpu.memory_space<vmem>>
            %get3A_336 = tpu.memref_squeeze %get3A_335 : memref<1x64x128xf32, #tpu.memory_space<vmem>> -> memref<64x128xf32, #tpu.memory_space<vmem>>
            %get3A_337 = arith.index_cast %add3A_332 : i32 to index
            %get3A_338 = arith.constant 80 : index
            %get3A_339 = tpu.vector_load %get3A_336[%get3A_337, %get3A_338] {strides = array<i32>} : memref<64x128xf32, #tpu.memory_space<vmem>>, vector<16xf32>,
            %mul3A_340 = arith.mulf %gather3A_165, %get3A_339 : vector<16xf32>
            %add3A_341 = arith.addf %mul3A_330, %mul3A_340 : vector<16xf32>
            %add3A_342 = arith.addf %get3A_322, %add3A_341 : vector<16xf32>
            %swap3A_343 = arith.index_cast %min3A : i32 to index
            %swap3A_344 = arith.constant 80 : index
            %swap3A_345 = tpu.vector_load %arg9[%swap3A_343, %swap3A_344] {strides = array<i32>} : memref<320x144xf32, #tpu.memory_space<vmem>>, vector<16xf32>,
            tpu.vector_store %arg9[%swap3A_343, %swap3A_344], %add3A_342 {strides = array<i32>} : memref<320x144xf32, #tpu.memory_space<vmem>>, vector<16xf32>,
            %get3A_346 = arith.index_cast %min3A : i32 to index
            %get3A_347 = arith.constant 96 : index
            %get3A_348 = tpu.vector_load %arg9[%get3A_346, %get3A_347] {strides = array<i32>} : memref<320x144xf32, #tpu.memory_space<vmem>>, vector<16xf32>,
            %get3A_349 = arith.constant 0 : i32
            %get3A_350 = arith.constant 0 : i32
            %get3A_351 = tpu.memref_slice %arg16[%scan3A_150, %get3A_349, %get3A_350] : memref<2x64x128xf32, #tpu.memory_space<vmem>> -> memref<1x64x128xf32, #tpu.memory_space<vmem>>
            %get3A_352 = tpu.memref_squeeze %get3A_351 : memref<1x64x128xf32, #tpu.memory_space<vmem>> -> memref<64x128xf32, #tpu.memory_space<vmem>>
            %get3A_353 = arith.index_cast %add3A_160 : i32 to index
            %get3A_354 = arith.constant 96 : index
            %get3A_355 = tpu.vector_load %get3A_352[%get3A_353, %get3A_354] {strides = array<i32>} : memref<64x128xf32, #tpu.memory_space<vmem>>, vector<16xf32>,
            %mul3A_356 = arith.mulf %gather3A, %get3A_355 : vector<16xf32>
            %add3A_357 = arith.constant 1 : i32
            %add3A_358 = arith.addi %add3A_160, %add3A_357 : i32
            %get3A_359 = arith.constant 0 : i32
            %get3A_360 = arith.constant 0 : i32
            %get3A_361 = tpu.memref_slice %arg16[%scan3A_150, %get3A_359, %get3A_360] : memref<2x64x128xf32, #tpu.memory_space<vmem>> -> memref<1x64x128xf32, #tpu.memory_space<vmem>>
            %get3A_362 = tpu.memref_squeeze %get3A_361 : memref<1x64x128xf32, #tpu.memory_space<vmem>> -> memref<64x128xf32, #tpu.memory_space<vmem>>
            %get3A_363 = arith.index_cast %add3A_358 : i32 to index
            %get3A_364 = arith.constant 96 : index
            %get3A_365 = tpu.vector_load %get3A_362[%get3A_363, %get3A_364] {strides = array<i32>} : memref<64x128xf32, #tpu.memory_space<vmem>>, vector<16xf32>,
            %mul3A_366 = arith.mulf %gather3A_165, %get3A_365 : vector<16xf32>
            %add3A_367 = arith.addf %mul3A_356, %mul3A_366 : vector<16xf32>
            %add3A_368 = arith.addf %get3A_348, %add3A_367 : vector<16xf32>
            %swap3A_369 = arith.index_cast %min3A : i32 to index
            %swap3A_370 = arith.constant 96 : index
            %swap3A_371 = tpu.vector_load %arg9[%swap3A_369, %swap3A_370] {strides = array<i32>} : memref<320x144xf32, #tpu.memory_space<vmem>>, vector<16xf32>,
            tpu.vector_store %arg9[%swap3A_369, %swap3A_370], %add3A_368 {strides = array<i32>} : memref<320x144xf32, #tpu.memory_space<vmem>>, vector<16xf32>,
            %get3A_372 = arith.index_cast %min3A : i32 to index
            %get3A_373 = arith.constant 112 : index
            %get3A_374 = tpu.vector_load %arg9[%get3A_372, %get3A_373] {strides = array<i32>} : memref<320x144xf32, #tpu.memory_space<vmem>>, vector<16xf32>,
            %get3A_375 = arith.constant 0 : i32
            %get3A_376 = arith.constant 0 : i32
            %get3A_377 = tpu.memref_slice %arg16[%scan3A_150, %get3A_375, %get3A_376] : memref<2x64x128xf32, #tpu.memory_space<vmem>> -> memref<1x64x128xf32, #tpu.memory_space<vmem>>
            %get3A_378 = tpu.memref_squeeze %get3A_377 : memref<1x64x128xf32, #tpu.memory_space<vmem>> -> memref<64x128xf32, #tpu.memory_space<vmem>>
            %get3A_379 = arith.index_cast %add3A_160 : i32 to index
            %get3A_380 = arith.constant 112 : index
            %get3A_381 = tpu.vector_load %get3A_378[%get3A_379, %get3A_380] {strides = array<i32>} : memref<64x128xf32, #tpu.memory_space<vmem>>, vector<16xf32>,
            %mul3A_382 = arith.mulf %gather3A, %get3A_381 : vector<16xf32>
            %add3A_383 = arith.constant 1 : i32
            %add3A_384 = arith.addi %add3A_160, %add3A_383 : i32
            %get3A_385 = arith.constant 0 : i32
            %get3A_386 = arith.constant 0 : i32
            %get3A_387 = tpu.memref_slice %arg16[%scan3A_150, %get3A_385, %get3A_386] : memref<2x64x128xf32, #tpu.memory_space<vmem>> -> memref<1x64x128xf32, #tpu.memory_space<vmem>>
            %get3A_388 = tpu.memref_squeeze %get3A_387 : memref<1x64x128xf32, #tpu.memory_space<vmem>> -> memref<64x128xf32, #tpu.memory_space<vmem>>
            %get3A_389 = arith.index_cast %add3A_384 : i32 to index
            %get3A_390 = arith.constant 112 : index
            %get3A_391 = tpu.vector_load %get3A_388[%get3A_389, %get3A_390] {strides = array<i32>} : memref<64x128xf32, #tpu.memory_space<vmem>>, vector<16xf32>,
            %mul3A_392 = arith.mulf %gather3A_165, %get3A_391 : vector<16xf32>
            %add3A_393 = arith.addf %mul3A_382, %mul3A_392 : vector<16xf32>
            %add3A_394 = arith.addf %get3A_374, %add3A_393 : vector<16xf32>
            %swap3A_395 = arith.index_cast %min3A : i32 to index
            %swap3A_396 = arith.constant 112 : index
            %swap3A_397 = tpu.vector_load %arg9[%swap3A_395, %swap3A_396] {strides = array<i32>} : memref<320x144xf32, #tpu.memory_space<vmem>>, vector<16xf32>,
            tpu.vector_store %arg9[%swap3A_395, %swap3A_396], %add3A_394 {strides = array<i32>} : memref<320x144xf32, #tpu.memory_space<vmem>>, vector<16xf32>,
            %get3A_398 = arith.index_cast %min3A : i32 to index
            %get3A_399 = arith.constant 128 : index
            %get3A_400 = tpu.vector_load %arg9[%get3A_398, %get3A_399] {strides = array<i32>} : memref<320x144xf32, #tpu.memory_space<vmem>>, vector<16xf32>,
            %eq3A_401 = arith.constant 0 : i32
            %eq3A_402 = vector.broadcast %eq3A_401 : i32 to vector<16xi32>
            %eq3A_403 = arith.cmpi eq, %iota3A, %eq3A_402 : vector<16xi32>
            %add3A_404 = arith.addf %gather3A, %gather3A_165 : vector<16xf32>
            %jit3A_405 = arith.constant 0.000000e+00 : f32
            %broadcast_in_dim3A_406 = vector.broadcast %jit3A_405 : f32 to vector<16xf32>
            %select_n3A_407 = arith.select %eq3A_403, %add3A_404, %broadcast_in_dim3A_406 : vector<16xi1>, vector<16xf32>
            %add3A_408 = arith.addf %get3A_400, %select_n3A_407 : vector<16xf32>
            %swap3A_409 = arith.index_cast %min3A : i32 to index
            %swap3A_410 = arith.constant 128 : index
            %swap3A_411 = tpu.vector_load %arg9[%swap3A_409, %swap3A_410] {strides = array<i32>} : memref<320x144xf32, #tpu.memory_space<vmem>>, vector<16xf32>,
            tpu.vector_store %arg9[%swap3A_409, %swap3A_410], %add3A_408 {strides = array<i32>} : memref<320x144xf32, #tpu.memory_space<vmem>>, vector<16xf32>,
          } else {
          }
        }
        %scan3A_155 = arith.constant 32 : i32
      } else {
      }
    }
    %scan3A_94 = arith.constant 0 : i32
    %scan3A_95 = arith.constant 320 : i32
    %scan3A_96 = arith.addi %scan3A_94, %scan3A_95 : i32
    %scan3A_97 = arith.constant 1 : i32
    scf.for %scan3A_99 = %scan3A_94 to %scan3A_96 step %scan3A_97  : i32 {
      %mul3A_100 = arith.constant 1 : i32
      %mul3A_101 = arith.muli %scan3A_99, %mul3A_100 : i32
      %add3A_102 = arith.constant 0 : i32
      %add3A_103 = arith.addi %add3A_102, %mul3A_101 : i32
      %broadcast_in_dim3A_104 = vector.broadcast %add3A_103 : i32 to vector<16xi32>
      %broadcast_in_dim3A_105 = arith.constant 128 : i32
      %broadcast_in_dim3A_106 = vector.broadcast %broadcast_in_dim3A_105 : i32 to vector<16xi32>
      %gather3A = tpu.vector_load_idx %arg9[%broadcast_in_dim3A_104, %broadcast_in_dim3A_106] : memref<320x144xf32, #tpu.memory_space<vmem>>[vector<16xi32>, vector<16xi32>], vector<16xf32>,
      %ne3A_107 = arith.constant 0.000000e+00 : f32
      %ne3A_108 = vector.broadcast %ne3A_107 : f32 to vector<16xf32>
      %ne3A_109 = arith.cmpf one, %gather3A, %ne3A_108 : vector<16xf32>
      %div3A_110 = arith.constant 1.000000e+00 : f32
      %div3A_111 = vector.broadcast %div3A_110 : f32 to vector<16xf32>
      %div3A_112 = arith.divf %div3A_111, %gather3A : vector<16xf32>
      %jit3A_113 = arith.constant 0.000000e+00 : f32
      %broadcast_in_dim3A_114 = vector.broadcast %jit3A_113 : f32 to vector<16xf32>
      %select_n3A_115 = arith.select %ne3A_109, %div3A_112, %broadcast_in_dim3A_114 : vector<16xi1>, vector<16xf32>
      %scan3A_116 = arith.constant 0 : i32
      %scan3A_117 = arith.constant 8 : i32
      %scan3A_118 = arith.addi %scan3A_116, %scan3A_117 : i32
      %scan3A_119 = arith.constant 1 : i32
      scf.for %scan3A_121 = %scan3A_116 to %scan3A_118 step %scan3A_119  : i32 {
        %mul3A_122 = arith.constant 1 : i32
        %mul3A_123 = arith.muli %scan3A_121, %mul3A_122 : i32
        %add3A_124 = arith.constant 0 : i32
        %add3A_125 = arith.addi %add3A_124, %mul3A_123 : i32
        %mul3A_126 = arith.constant 16 : i32
        %mul3A_127 = arith.muli %add3A_125, %mul3A_126 : i32
        %get3A = arith.index_cast %add3A_103 : i32 to index
        %get3A_128 = arith.index_cast %mul3A_127 : i32 to index
        %get3A_129 = tpu.vector_load %arg9[%get3A, %get3A_128] {strides = array<i32>} : memref<320x144xf32, #tpu.memory_space<vmem>>, vector<16xf32>,
        %mul3A_130 = arith.mulf %get3A_129, %select_n3A_115 : vector<16xf32>
        %mul3A_131 = arith.constant 16 : i32
        %mul3A_132 = arith.muli %add3A_125, %mul3A_131 : i32
        %swap3A = arith.index_cast %add3A_103 : i32 to index
        %swap3A_133 = arith.index_cast %mul3A_132 : i32 to index
        %swap3A_134 = tpu.vector_load %arg9[%swap3A, %swap3A_133] {strides = array<i32>} : memref<320x144xf32, #tpu.memory_space<vmem>>, vector<16xf32>,
        tpu.vector_store %arg9[%swap3A, %swap3A_133], %mul3A_130 {strides = array<i32>} : memref<320x144xf32, #tpu.memory_space<vmem>>, vector<16xf32>,
      }
      %scan3A_120 = arith.constant 8 : i32
    }
    %scan3A_98 = arith.constant 320 : i32
    "tpu.region"() ({
      %run_scoped3A = tpu.sem_alloc : memref<!tpu.dma_semaphore, #tpu.memory_space<semaphore_mem>>
      %dma_start3A = arith.constant 0 : i32
      %dma_start3A_99 = arith.constant 0 : i32
      %dma_start3A_100 = tpu.memref_slice %arg9[%dma_start3A, %dma_start3A_99] : memref<320x144xf32, #tpu.memory_space<vmem>> -> memref<320x128xf32, #tpu.memory_space<vmem>>
      %dma_start3A_101 = arith.constant 0 : i32
      %dma_start3A_102 = tpu.memref_slice %arg8[%mul3A_2, %dma_start3A_101] : memref<10240x128xf32, #tpu.memory_space<hbm>> -> memref<320x128xf32, #tpu.memory_space<hbm>>
      %dma_start3A_103 = arith.constant 0 : i32
      %dma_start3A_104 = tpu.memref_slice %arg8[%mul3A_2, %dma_start3A_103] : memref<10240x128xf32, #tpu.memory_space<hbm>> -> memref<320x128xf32, #tpu.memory_space<hbm>>
      %dma_start3A_105 = arith.constant 0 : i32
      %dma_start3A_106 = arith.constant 0 : i32
      %dma_start3A_107 = tpu.memref_slice %arg9[%dma_start3A_105, %dma_start3A_106] : memref<320x144xf32, #tpu.memory_space<vmem>> -> memref<320x128xf32, #tpu.memory_space<vmem>>
      tpu.enqueue_dma source(%dma_start3A_107 : memref<320x128xf32, #tpu.memory_space<vmem>>) target(%dma_start3A_104 : memref<320x128xf32, #tpu.memory_space<hbm>>) target_semaphore(%run_scoped3A : memref<!tpu.dma_semaphore, #tpu.memory_space<semaphore_mem>>)
      %dma_wait3A = arith.constant 0 : i32
      %dma_wait3A_108 = arith.constant 0 : i32
      %dma_wait3A_109 = tpu.memref_slice %arg9[%dma_wait3A, %dma_wait3A_108] : memref<320x144xf32, #tpu.memory_space<vmem>> -> memref<320x128xf32, #tpu.memory_space<vmem>>
      %dma_wait3A_110 = arith.constant 0 : i32
      %dma_wait3A_111 = tpu.memref_slice %arg8[%mul3A_2, %dma_wait3A_110] : memref<10240x128xf32, #tpu.memory_space<hbm>> -> memref<320x128xf32, #tpu.memory_space<hbm>>
      %dma_wait3A_112 = arith.constant 0 : i32
      %dma_wait3A_113 = tpu.memref_slice %arg8[%mul3A_2, %dma_wait3A_112] : memref<10240x128xf32, #tpu.memory_space<hbm>> -> memref<320x128xf32, #tpu.memory_space<hbm>>
      %dma_wait3A_114 = arith.constant 0 : i32
      %dma_wait3A_115 = arith.constant 0 : i32
      %dma_wait3A_116 = tpu.memref_slice %arg9[%dma_wait3A_114, %dma_wait3A_115] : memref<320x144xf32, #tpu.memory_space<vmem>> -> memref<320x128xf32, #tpu.memory_space<vmem>>
      tpu.wait_dma2 semaphore(%run_scoped3A : memref<!tpu.dma_semaphore, #tpu.memory_space<semaphore_mem>>) src(%dma_wait3A_116 : memref<320x128xf32, #tpu.memory_space<vmem>>) dst(%dma_wait3A_113 : memref<320x128xf32, #tpu.memory_space<hbm>>)
      tpu.yield
    }) : () -> ()
    return
  }
}

module attributes {stable_mosaic.version = 14 : i64} {
  func.func @body(%arg0: i32, %arg1: memref<2000x128xf32, #tpu.memory_space<vmem>>, %arg2: memref<128x128xf32, #tpu.memory_space<vmem>>, %arg3: memref<1x256xf32, #tpu.memory_space<vmem>>, %arg4: memref<2000x128xf32, #tpu.memory_space<vmem>>, %arg5: memref<2000x1xf32, #tpu.memory_space<vmem>>, %arg6: memref<2000x1xf32, #tpu.memory_space<vmem>>) attributes {dimension_semantics = [#tpu.dimension_semantics<arbitrary>], iteration_bounds = array<i64: 5>, scalar_prefetch = 0 : i64, scratch_operands = 0 : i64, tpu.core_type = #tpu.core_type<tc>, window_params = [{transform_indices = @transform_0, window_bounds = array<i64: 2000, 128>}, {pipeline_mode = #tpu.pipeline_mode<synchronous>, transform_indices = @transform_1, window_bounds = array<i64: 128, 128>}, {pipeline_mode = #tpu.pipeline_mode<synchronous>, transform_indices = @transform_2, window_bounds = array<i64: 1, 256>}, {transform_indices = @transform_3, window_bounds = array<i64: 2000, 128>}, {transform_indices = @transform_4, window_bounds = array<i64: 2000, 1>}, {transform_indices = @transform_5, window_bounds = array<i64: 2000, 1>}]} {
    %get3A = arith.constant 0 : index
    %get3A_0 = arith.constant 0 : index
    %get3A_1 = vector.load %arg1[%get3A, %get3A_0] : memref<2000x128xf32, #tpu.memory_space<vmem>>, vector<2000x128xf32>
    %get3A_2 = arith.constant 0 : index
    %get3A_3 = arith.constant 0 : index
    %get3A_4 = vector.load %arg2[%get3A_2, %get3A_3] : memref<128x128xf32, #tpu.memory_space<vmem>>, vector<128x128xf32>
    %dot_general3A = arith.constant dense<0.000000e+00> : vector<2000x128xf32>
    %dot_general3A_5 = tpu.matmul %get3A_1, %get3A_4, %dot_general3A {dimension_numbers = #tpu.dot_dimension_numbers<[1], [1], [0], [0], [0, 0, 1, 0], [], []>, transpose_lhs_hint = false} : vector<2000x128xf32>, vector<128x128xf32>, vector<2000x128xf32> -> vector<2000x128xf32>
    %swap3A = arith.constant 0 : index
    %swap3A_6 = arith.constant 0 : index
    %swap3A_7 = vector.load %arg4[%swap3A, %swap3A_6] : memref<2000x128xf32, #tpu.memory_space<vmem>>, vector<2000x128xf32>
    tpu.vector_store %arg4[%swap3A, %swap3A_6], %dot_general3A_5 {strides = array<i32>} : memref<2000x128xf32, #tpu.memory_space<vmem>>, vector<2000x128xf32>,
    %get3A_8 = arith.constant 0 : index
    %get3A_9 = arith.constant 0 : index
    %get3A_10 = vector.load %arg3[%get3A_8, %get3A_9] : memref<1x256xf32, #tpu.memory_space<vmem>>, vector<1x128xf32>
    %get3A_11 = vector.shape_cast %get3A_10 : vector<1x128xf32> to vector<128xf32>
    %get3A_12 = arith.constant 0 : index
    %get3A_13 = arith.constant 128 : index
    %get3A_14 = vector.load %arg3[%get3A_12, %get3A_13] : memref<1x256xf32, #tpu.memory_space<vmem>>, vector<1x128xf32>
    %get3A_15 = vector.shape_cast %get3A_14 : vector<1x128xf32> to vector<128xf32>
    %broadcast_in_dim3A = vector.shape_cast %get3A_11 : vector<128xf32> to vector<128x1xf32>
    %dot_general3A_16 = arith.constant dense<0.000000e+00> : vector<2000x1xf32>
    %dot_general3A_17 = tpu.matmul %dot_general3A_5, %broadcast_in_dim3A, %dot_general3A_16 {dimension_numbers = #tpu.dot_dimension_numbers<[1], [0], [0], [1], [0, 0, 1, 1], [], []>, transpose_lhs_hint = false} : vector<2000x128xf32>, vector<128x1xf32>, vector<2000x1xf32> -> vector<2000x1xf32>
    %swap3A_18 = arith.constant 0 : index
    %swap3A_19 = arith.constant 0 : index
    %swap3A_20 = vector.load %arg5[%swap3A_18, %swap3A_19] : memref<2000x1xf32, #tpu.memory_space<vmem>>, vector<2000x1xf32>
    tpu.vector_store %arg5[%swap3A_18, %swap3A_19], %dot_general3A_17 {strides = array<i32>} : memref<2000x1xf32, #tpu.memory_space<vmem>>, vector<2000x1xf32>,
    %broadcast_in_dim3A_21 = vector.shape_cast %get3A_15 : vector<128xf32> to vector<128x1xf32>
    %dot_general3A_22 = arith.constant dense<0.000000e+00> : vector<2000x1xf32>
    %dot_general3A_23 = tpu.matmul %dot_general3A_5, %broadcast_in_dim3A_21, %dot_general3A_22 {dimension_numbers = #tpu.dot_dimension_numbers<[1], [0], [0], [1], [0, 0, 1, 1], [], []>, transpose_lhs_hint = false} : vector<2000x128xf32>, vector<128x1xf32>, vector<2000x1xf32> -> vector<2000x1xf32>
    %swap3A_24 = arith.constant 0 : index
    %swap3A_25 = arith.constant 0 : index
    %swap3A_26 = vector.load %arg6[%swap3A_24, %swap3A_25] : memref<2000x1xf32, #tpu.memory_space<vmem>>, vector<2000x1xf32>
    tpu.vector_store %arg6[%swap3A_24, %swap3A_25], %dot_general3A_23 {strides = array<i32>} : memref<2000x1xf32, #tpu.memory_space<vmem>>, vector<2000x1xf32>,
    return
  }
  func.func @transform_0(%arg0: i32) -> (i32, i32) {
    %c0_i32 = arith.constant 0 : i32
    %c0_i32_0 = arith.constant 0 : i32
    return %arg0, %c0_i32 : i32, i32
  }
  func.func @transform_1(%arg0: i32) -> (i32, i32) {
    %c0_i32 = arith.constant 0 : i32
    %c0_i32_0 = arith.constant 0 : i32
    %c0_i32_1 = arith.constant 0 : i32
    return %c0_i32, %c0_i32_0 : i32, i32
  }
  func.func @transform_2(%arg0: i32) -> (i32, i32) {
    %c0_i32 = arith.constant 0 : i32
    %c0_i32_0 = arith.constant 0 : i32
    %c0_i32_1 = arith.constant 0 : i32
    return %c0_i32, %c0_i32_0 : i32, i32
  }
  func.func @transform_3(%arg0: i32) -> (i32, i32) {
    %c0_i32 = arith.constant 0 : i32
    %c0_i32_0 = arith.constant 0 : i32
    return %arg0, %c0_i32 : i32, i32
  }
  func.func @transform_4(%arg0: i32) -> (i32, i32) {
    %c0_i32 = arith.constant 0 : i32
    %c0_i32_0 = arith.constant 0 : i32
    return %arg0, %c0_i32 : i32, i32
  }
  func.func @transform_5(%arg0: i32) -> (i32, i32) {
    %c0_i32 = arith.constant 0 : i32
    %c0_i32_0 = arith.constant 0 : i32
    return %arg0, %c0_i32 : i32, i32
  }
}

</mosaic_0001>

<sc_bundles>
// kernel: kernel.5.cloned.1.call-start
scs
__scs_entry_jumppad:
0x0: {  	(pc) =	sbr.rel $0x88, $3  }
0x1: {  	(tag) =	ssettag $0x0;
	lr =	simm.s32 $0x1  }
0x2: {  	[smem:$0x3F9D] =	sst lr;
	_ =	strace $0xD0000000  }
0x3: {  	_ = 	snop  }
0x4: {  	_ = 	snop  }
0x5: {  	_ = 	snop  }
0x6: {  	_ = 	snop  }
0x7: {  	_ = 	snop  }
__scs_overlays_trampoline_lowered:
0x8: {  	[smem:$0x3FAC] =	sst s0  }
0x9: {  	[smem:$0x3FAD] =	sst s1  }
0xa: {  	[smem:$0x3FAE] =	sst s2  }
0xb: {  	[smem:$0x3FAF] =	sst s3  }
0xc: {  	[smem:$0x3FB0] =	sst s4  }
0xd: {  	[smem:$0x3FB1] =	sst s5  }
0xe: {  	[smem:$0x3FB2] =	sst s6  }
0xf: {  	[smem:$0x3FB3] =	sst s7  }
0x10: {  	[smem:$0x3FB4] =	sst s8  }
0x11: {  	[smem:$0x3FB5] =	sst s9;
	s0 =	simm.s32 @!p0 $0x0  }
0x12: {  	s1 =	sld [smem:$0x3F9B];
	s0 =	simm.s32 @p0 $0x1  }
0x13: {  	[smem:$0x3FB6] =	sst s0;
	s0 =	simm.s32 @!p1 $0x0  }
0x14: {  	s2 =	sld [smem:$0x3F9A];
	s0 =	simm.s32 @p1 $0x1  }
0x15: {  	[smem:$0x3FB7] =	sst s0;
	s0 =	simm.s32 @!p2 $0x0  }
0x16: {  	s3 =	sld [smem:$0x3FDB];
	s0 =	simm.s32 @p2 $0x1  }
0x17: {  	s4 =	simm.s32 $0x1BF5;
	[smem:$0x3FB9] =	sst s0  }
0x18: {  	s0 =	sld [smem:$0x3F9C];
	_ =	swait.ge [sflag:s4], $0x0  }
0x19: {  	s7 =	sld [smem:$0x3F9D]  }
0x1a: {  	s8 =	sadd.s32 $0xFFFFE003, lr  }
0x1b: {  	s9 =	sadd.s32 $0xFFFFFEF7, lr;
	s5 =	simm.s32 $0xFFFFFFFF;
	p2 =	slt.u32 s8, $0xFFFFF086  }
0x1c: {  	p1 =	slt.u32 s9, $0xF7A;
	s5 =	simm.s32 @!p2 $0x0  }
0x1d: {  	s5 =	simm.s32 @p1 $0x1;
	p0 =	seq.s32 s7, s2  }
0x1e: {  	s7 =	smul.u32 @!p0 $0xF7A, s2;
	p2 =	seq.s32 @!p0 s5, $0x0  }
0x1f: {  	s9 =	smul.u32 $0xF7A, s1;
	s8 =	simm.s32 @!p0 $0x1BF5;
	p2 =	por !p2, p0  }
0x20: {  	[sflag:s8] =	ssyncset.s32 @!p0 $0xFFFFF086;
	s6 =	sadd.s32 @!p0 s3, s7;
	s7 =	simm.s32 @!p0 $0x108  }
0x21: {  	s3 =	sadd.s32 s3, s9;
	s6 =	sadd.s32 @!p0 $0x88, s6;
	s7 =	simm.s32 @p2 $0x1082  }
0x22: {  	[simem:s7], [sflag:s8] =	dma.local @!p0 [hbm:s6], $0xF7A  }
0x23: {  	s9 =	sor.u32 $0xD0000000, s2;
	s6 =	simm.s32 $0x108;
	_ =	swait.ge @!p0 [sflag:s8], $0x0  }
0x24: {  	s3 =	sadd.s32 $0x88, s3;
	s6 =	simm.s32 @!p1 $0x1082;
	[sflag:s4] =	ssyncset.s32 $0xFFFFF086  }
0x25: {  	[simem:s6], [sflag:s4] =	dma.local [hbm:s3], $0xF7A  }
0x26: {  	[smem:$0x3F9D] =	sst s1;
	(tag) =	ssettag s2;
	_ =	strace s9  }
0x27: {  	s1 =	sld [smem:$0x3FAD]  }
0x28: {  	s2 =	sld [smem:$0x3FAE]  }
0x29: {  	s4 =	sld [smem:$0x3FB0]  }
0x2a: {  	p0 =	seq.s32 s5, $0x0;
	s5 =	sld [smem:$0x3FB1]  }
0x2b: {  	s6 =	sld [smem:$0x3FB2]  }
0x2c: {  	s7 =	sld [smem:$0x3FB3]  }
0x2d: {  	s3 =	simm.s32 $0x108;
	s8 =	sld [smem:$0x3FB4]  }
0x2e: {  	s3 =	simm.s32 @!p0 $0x1082;
	s9 =	sld [smem:$0x3FB5]  }
0x2f: {  	lr =	sadd.s32 s0, s3;
	s0 =	sld [smem:$0x3FAC]  }
0x30: {  	s3 =	sld [smem:$0x3FAF]  }
0x31: {  	[smem:$0x3FB8] =	sst s10  }
0x32: {  	s10 =	sld [smem:$0x3FB6];
	_ =	sdelay $0x3  }
0x33: {  	p0 =	seq.s32 s10, $0x1;
	s10 =	sld [smem:$0x3FB8];
	_ =	sdelay $0x3  }
0x34: {  	[smem:$0x3FB8] =	sst s10  }
0x35: {  	s10 =	sld [smem:$0x3FB7];
	_ =	sdelay $0x3  }
0x36: {  	p1 =	seq.s32 s10, $0x1;
	s10 =	sld [smem:$0x3FB8];
	_ =	sdelay $0x3  }
0x37: {  	[smem:$0x3FB8] =	sst s10  }
0x38: {  	s10 =	sld [smem:$0x3FB9]  }
0x39: {  	_ = 	snop;
	(pc) =	sbr.ind lr, $3  }
0x3a: {  	_ = 	snop  }
0x3b: {  	_ = 	snop  }
0x3c: {  	p2 =	seq.s32 s10, $0x1;
	s10 =	sld [smem:$0x3FB8]  }
0x3d: {  	_ =	shalt  }
0x3e: {  	_ =	shalt  }
0x3f: {  	_ =	shalt  }
0x40: {  	_ =	shalt  }
0x41: {  	_ =	shalt  }
0x42: {  	_ =	shalt  }
0x43: {  	_ =	shalt  }
0x44: {  	_ =	shalt  }
0x45: {  	_ =	shalt  }
0x46: {  	_ =	shalt  }
0x47: {  	_ =	shalt  }
0x48: {  	_ =	shalt  }
0x49: {  	_ =	shalt  }
0x4a: {  	_ =	shalt  }
0x4b: {  	_ =	shalt  }
0x4c: {  	_ =	shalt  }
0x4d: {  	_ =	shalt  }
0x4e: {  	_ =	shalt  }
0x4f: {  	_ =	shalt  }
0x50: {  	_ =	shalt  }
0x51: {  	_ =	shalt  }
0x52: {  	_ =	shalt  }
0x53: {  	_ =	shalt  }
0x54: {  	_ =	shalt  }
0x55: {  	_ =	shalt  }
0x56: {  	_ =	shalt  }
0x57: {  	_ =	shalt  }
0x58: {  	_ =	shalt  }
0x59: {  	_ =	shalt  }
0x5a: {  	_ =	shalt  }
0x5b: {  	_ =	shalt  }
0x5c: {  	_ =	shalt  }
0x5d: {  	_ =	shalt  }
0x5e: {  	_ =	shalt  }
0x5f: {  	_ =	shalt  }
0x60: {  	_ =	shalt  }
0x61: {  	_ =	shalt  }
0x62: {  	_ =	shalt  }
0x63: {  	_ =	shalt  }
0x64: {  	_ =	shalt  }
0x65: {  	_ =	shalt  }
0x66: {  	_ =	shalt  }
0x67: {  	_ =	shalt  }
0x68: {  	_ =	shalt  }
0x69: {  	_ =	shalt  }
0x6a: {  	_ =	shalt  }
0x6b: {  	_ =	shalt  }
0x6c: {  	_ =	shalt  }
0x6d: {  	_ =	shalt  }
0x6e: {  	_ =	shalt  }
0x6f: {  	_ =	shalt  }
0x70: {  	_ =	shalt  }
0x71: {  	_ =	shalt  }
0x72: {  	_ =	shalt  }
0x73: {  	_ =	shalt  }
0x74: {  	_ =	shalt  }
0x75: {  	_ =	shalt  }
0x76: {  	_ =	shalt  }
0x77: {  	_ =	shalt  }
0x78: {  	_ =	shalt  }
0x79: {  	_ =	shalt  }
0x7a: {  	_ =	shalt  }
0x7b: {  	_ =	shalt  }
0x7c: {  	_ =	shalt  }
0x7d: {  	_ =	shalt  }
0x7e: {  	_ =	shalt  }
0x7f: {  	_ =	shalt  }
0x80: {  	_ =	shalt  }
0x81: {  	_ =	shalt  }
0x82: {  	_ =	shalt  }
0x83: {  	_ =	shalt  }
0x84: {  	_ =	shalt  }
0x85: {  	_ =	shalt  }
0x86: {  	_ =	shalt  }
0x87: {  	_ =	shalt  }
.Lfunc_end0:
.L_simem_size_0:
called_computation_lowered:
.L_overlay_start_0:
0x88: {  	s2 =	sld [smem:$0x3FD9]  }
0x89: {  	s3 =	sld [smem:$0x3FFE];
	_ =	sdelay $0x1  }
0x8a: {  	s1 =	srdreg.scid  }
0x8b: {  	s0 =	sand.u32 $0x1, s1  }
0x8c: {  	s17 =	sshll.u32 s0, $0xA;
	s2 =	sadd.s32 s3, s2  }
0x8d: {  	s2 =	sadd.s32 s2, s17  }
0x8e: {  	[smem:$0x3FC4] =	sst s2  }
0x8f: {  	_ = 	snop  }
0x90: {  	s2 =	sld [smem:$0x3FD0];
	(tm) =	ssettm $0x1  }
0x91: {  	s18 =	sld [smem:$0x3FFB];
	_ =	sdelay $0x3  }
0x92: {  	_ =	strace s18  }
0x93: {  	s3 =	sld [smem:$0x3FFC];
	_ =	sdelay $0x3  }
0x94: {  	_ =	strace s3  }
0x95: {  	s3 =	sld [smem:$0x3FFD];
	_ =	sdelay $0x3  }
0x96: {  	_ =	strace s3  }
0x97: {  	_ =	strace $0x8FFFFFFF  }
0x98: {  	s19 =	sld [smem:$0x3FDB];
	_ =	sdelay $0x1  }
0x99: {  	s4 =	simm.s32 $_scs_section_size  }
0x9a: {  	s5 =	simm.s32 $_size__tile_overlayer_lowered;
	s6 =	simm.s32 $_tile_overlayer_lowered  }
0x9b: {  	s22 =	simm.s32 $0x1BFF;
	s21 =	sshll.u32 s6, $0x1;
	s3 =	sadd.s32 s4, s19  }
0x9c: {  	s7 =	simm.s32 $0x0;
	s20 =	sshll.u32 s5, $0x1;
	s5 =	sadd.s32 s21, s3  }
0x9d: {  	[timem:s7], [sflag:s22] =	dma.local [hbm:s5], s20  }
0x9e: {  	_ =	swait.ge [sflag:s22], s20  }
0x9f: {  	s4 =	ssub.s32 $0x0, s20;
	[sflag:s22] =	ssyncset.done $0x0  }
0xa0: {  	[sflag:s22] =	ssyncadd.s32 s4;
	_ =	sdelay $0x1  }
0xa1: {  	s23 =	simm.s32 $0x1B8B  }
0xa2: {  	_ =	swait.ge [sflag:s23], $0x1  }
0xa3: {  	[sflag:s23] =	ssyncset.done $0x0  }
0xa4: {  	s25 =	simm.s32 $0x1B8E;
	s24 =	sld [smem:$0x3FFE];
	[sflag:s23] =	ssyncadd.s32 $0xFFFFFFFF  }
0xa5: {  	s26 =	simm.s32 $execute0_lowered;
	[smem:$0x3FD2] =	sst s25  }
0xa6: {  	s5 =	sshll.u32 s26, $0x1;
	_ =	strace $0x80000046;
	[dreg:$0x1] =	wrdreg $0xFFFFFFFF  }
0xa7: {  	s28 =	simm.s32 $_size_execute0_lowered;
	s3 =	sadd.s32 s3, s5;
	[dreg:$0x0] =	wrdreg $0x0  }
0xa8: {  	s5 =	sshll.u32 s28, $0x1;
	[dreg:$0x2] =	wrdreg s3  }
0xa9: {  	[dreg:$0x3] =	wrdreg s5  }
0xaa: {  	[dreg:$0x4] =	wrdreg $0xC0  }
0xab: {  	_ =	task [dreg:s7], $0x5FFFF  }
0xac: {  	[dreg:$0x1] =	wrdreg $0xFFFFFFFF  }
0xad: {  	[dreg:$0x0] =	wrdreg $0x60  }
0xae: {  	[dreg:$0x2] =	wrdreg s24  }
0xaf: {  	[dreg:$0x3] =	wrdreg s2  }
0xb0: {  	[dreg:$0x4] =	wrdreg $0x9  }
0xb1: {  	_ =	task.clear_ibuf [dreg:s7], $0x5FFFF;
	_ =	strace $0x90000046  }
0xb2: {  	s29 =	simm.s32 $0x9;
	_ =	strace $0x80000048  }
0xb3: {  	_ =	swait.ge [sflag:s29], $0x1  }
0xb4: {  	[sflag:s29] =	ssyncadd.s32 $0xFFFFFFFF  }
0xb5: {  	_ =	strace $0x90000048  }
0xb6: {  	_ =	sfence  }
0xb7: {  	s30 =	sld [smem:$0x0];
	_ =	sdelay $0x2  }
0xb8: {  	s31 =	sshll.u32 s1, $0xD;
	s1 =	sshrl.u32 s1, $0x2  }
0xb9: {  	s3 =	sand.u32 $0x4000, s31;
	s1 =	sadd.s32 s1, s30  }
0xba: {  	s0 =	sor.u32 s3, s0;
	s1 =	sshll.u32 s1, $0x11  }
0xbb: {  	s0 =	sor.u32 s1, s0  }
0xbc: {  	s0 =	sadd.s32 $0x8F2B, s0  }
0xbd: {  	[sflag:s0] =	ssyncadd.remote.s32 $0x1  }
0xbe: {  	_ =	sfence.sel $0xFFFF  }
0xbf: {  	[dreg:$0x0] =	wrdreg $0xFFFFFFFF;
	(pc) =	sbr.abs _section_cstart, $3  }
0xc0: {  	[dreg:$0x1] =	wrdreg $0xFFFFFFFF  }
0xc1: {  	_ =	task.clear_ibuf [dreg:s7], $0x2FFFF;
	_ =	strace $0x9FFFFFFF  }
0xc2: {  	(tm) =	ssettm $0x7FFFFFFF  }
0xc3: {  	_ =	shalt  }
tec
execute0_lowered:
.L_overlay_start_1:
0x0: {  	(tag) =	ssettag $0x1  }
0x1: {  	s3 =	rddreg [dreg:$0x0]  }
0x2: {  	s0 =	srdreg.scid;
	s5 =	rddreg [dreg:$0x1]  }
0x3: {  	s24 =	stileid.u32;
	s1 =	simm.s32 $0x0;
	s4 =	sand.u32 $0x1, s0  }
0x4: {  	s2 =	simm.s32 $0x1;
	s6 =	sshll.u32 s4, $0x4;
	s4 =	ssub.s32 $0x2, s4  }
0x5: {  	[smem:$0x7FF] =	sst s1;
	s6 =	sor.u32 s24, s6;
	s9 =	sshrl.u32 s4, $0x1  }
0x6: {  	v0 =	vimm.s32 $0xECA86420;
	_ =	strace $0x80000047;
	s8 =	smul.u32 $0x780, s6;
	s9 =	ssub.s32 s4, s9  }
0x7: {  	vm0 =	vcmask $0xB08;
	vm1 =	vcmask $0x1310;
	vm2 =	vcmask $0x1B18;
	s7 =	smul.u32 $0x4E2, s6;
	s6 =	sshll.u32 s6, $0x2;
	s31 =	smax.u32 s9, $0x1  }
0x8: {  	vm4 =	vcmask $0x300;
	vm5 =	vcmask $0x2320;
	vm6 =	vcmask $0x2B28;
	s11 =	sadd.s32 s6, s3;
	s28 =	sadd.s32 s5, s8;
	[dreg:$0xd] =	wrdreg s31  }
0x9: {  	vm7 =	vcmask $0x3330;
	vm8 =	vcmask $0x3B38;
	v2 =	vlaneseq.u32;
	s7 =	sadd.s32 s7, s3;
	s30 =	sadd.s32 $0x23200, s11;
	[dreg:$0xa] =	wrdreg s28  }
0xa: {  	vm3 =	vmmov $0xff;
	vm10 =	vcmask $0x704;
	vm12 =	vcmask $0xF0C;
	s12 =	simm.s32 $0x8A20;
	s25 =	sadd.s32 $0xA400, s7;
	[dreg:$0xc] =	wrdreg s30  }
0xb: {  	vm13 =	vcmask $0x1714;
	vm14 =	vcmask $0x1F1C;
	v1 =	vunpack.c.l.s4.s8 v0;
	s10 =	sadd.s32 s8, s3;
	s26 =	sadd.s32 $0x600, s7;
	[dreg:$0x8] =	wrdreg s25  }
0xc: {  	vm15 =	vcmask $0x2724;
	vm9 =	vcmask $0x2F2C;
	vm11 =	vcmask $0x3734;
	s1 =	simm.s32 $0x0;
	s29 =	sadd.s32 $0x14200, s10;
	[dreg:$0x9] =	wrdreg s26  }
0xd: {  	v0 =	vimm.s32 $0x0;
	v2 =	vmul.u32 $0x2, v2;
	v1 =	vunpack.c.0.s8.s32 v1;
	s9 =	simm.s32 $0xC620;
	s11 =	simm.s32 $0x4E20;
	[dreg:$0xb] =	wrdreg s29  }
.LBB2_1:
0xe: {  	[tilespmem:$0xC620] =	vst v0  }
0xf: {  	[dreg:$0xe] =	wrdreg s1;
	[tilespmem:$0xC630] =	vst v0;
	s15 =	simm.s32 $0x40;
	s16 =	simm.s32 $0x0  }
.LBB2_2:
0x10: {  	p0 =	sne.s32 s15, $0xEFC0;
	[tilespmem:s16+$0x4E20] =	vst v0;
	s17 =	smov.u32 s15;
	s15 =	sadd.s32 $0x40, s15  }
.Ltmp0:
0x11: {  	[tilespmem:s16+$0x8A20] =	vst v0;
	(pc) =	sbr.rel @p0 .LBB2_2-.Ltmp0, $2  }
0x12: {  	_ =	sdelay $0x2  }
0x13: {  	s16 =	sshra.s32 s17, $0x2  }
0x14: {  	[tilespmem:s16+$0x4E20] =	vst v0  }
0x15: {  	[tilespmem:s16+$0x8A20] =	vst v0;
	s15 =	simm.s32 $0x0;
	s0 =	rddreg [dreg:$0x8]  }
0x16: {  	[tilespmem:s15], [sflag:$0x1] =	stream.linear.gather [hbm4b:s0+s15], $0x2710, $0x38;
	[tilespmem:$0xC640] =	vst v63  }
0x17: {  	_ =	swait.ge [sflag:s2], $0x2710  }
0x18: {  	[sflag:s2] =	ssyncset.done $0x0  }
0x19: {  	s1 =	simm.s32 $0x2710;
	s31 =	rddreg [dreg:$0x9];
	[sflag:s2] =	ssyncadd.s32 $0xFFFFD8F0  }
0x1a: {  	[tilespmem:s1], [sflag:$0x1] =	stream.linear.gather [hbm4b:s31+s15], $0x2710, $0x38;
	[tilespmem:$0xC640] =	vst v63  }
0x1b: {  	_ =	swait.ge [sflag:s2], $0x2710  }
0x1c: {  	[sflag:s2] =	ssyncset.done $0x0  }
0x1d: {  	s13 =	simm.s32 $0x0;
	[sflag:s2] =	ssyncadd.s32 $0xFFFFD8F0  }
0x1e: {  	v3 =	vld [tilespmem:s13+$0x2710];
	_ =	sdelay $0x4  }
0x1f: {  	(v2sf) =	vpush v3, $0x0  }
0x20: {  	(v2sf) =	vpush v3, $0x7;
	_ =	sdelay $0x2  }
0x21: {  	(v2sf) =	vpush v3, $0x1  }
0x22: {  	(v2sf) =	vpush v3, $0x2;
	_ =	sdelay $0x1  }
0x23: {  	(v2sf) =	vpush v3, $0xF;
	_ =	sdelay $0x2  }
0x24: {  	(v2sf) =	vpush v3, $0x3;
	_ =	sdelay $0x1  }
0x25: {  	(v2sf) =	vpush v3, $0x4  }
0x26: {  	(v2sf) =	vpush v3, $0xC;
	_ =	sdelay $0x1  }
0x27: {  	(v2sf) =	vpush v3, $0x8;
	s0 =	spop (v2sf)  }
0x28: {  	(v2sf) =	vpush v3, $0x6;
	s17 =	spop (v2sf);
	s22 =	smulhi.u32 $0x66666667, s0  }
0x29: {  	s10 =	sshra.s32 s0, $0x1F;
	s18 =	sshra.s32 s17, $0x1F;
	s17 =	smulhi.u32 $0x66666667, s17  }
0x2a: {  	s10 =	smul.u32 $0x66666667, s10  }
0x2b: {  	(v2sf) =	vpush v3, $0x9;
	s20 =	spop (v2sf);
	s23 =	smul.u32 $0x66666667, s18  }
0x2c: {  	s21 =	spop (v2sf);
	s26 =	smulhi.u32 $0x66666667, s20  }
0x2d: {  	(v2sf) =	vpush v3, $0xB;
	s20 =	sshra.s32 s20, $0x1F;
	s28 =	smulhi.u32 $0x66666667, s21  }
0x2e: {  	(v2sf) =	vpush v3, $0xD;
	s19 =	spop (v2sf);
	s30 =	smul.u32 $0x66666667, s20  }
0x2f: {  	s21 =	sshra.s32 s21, $0x1F;
	s18 =	smulhi.u32 $0x66666667, s19  }
0x30: {  	s19 =	sshra.s32 s19, $0x1F;
	s2 =	smul.u32 $0x66666667, s21  }
0x31: {  	(v2sf) =	vpush v3, $0xE;
	s24 =	spop (v2sf);
	s19 =	smul.u32 $0x66666667, s19  }
0x32: {  	s8 =	sshra.s32 s24, $0x1F;
	s24 =	smulhi.u32 $0x66666667, s24  }
0x33: {  	s25 =	spop (v2sf);
	s0 =	smul.u32 $0x66666667, s8  }
0x34: {  	(v2sf) =	vpush v3, $0x5;
	s10 =	sadd.s32 s10, s22;
	s29 =	spop (v2sf);
	s22 =	smulhi.u32 $0x66666667, s25  }
0x35: {  	s16 =	sadd.s32 s23, s17;
	s3 =	sshra.s32 s25, $0x1F;
	s4 =	smulhi.u32 $0x66666667, s29  }
0x36: {  	s5 =	sshra.s32 s16, $0x1F;
	s31 =	spop (v2sf);
	s3 =	smul.u32 $0x66666667, s3  }
0x37: {  	s26 =	sadd.s32 s30, s26;
	v4 =	vmov s5;
	s7 =	spop (v2sf);
	s5 =	smulhi.u32 $0x66666667, s31  }
0x38: {  	(v2sf) =	vpush v3, $0xA;
	s28 =	sadd.s32 s2, s28;
	s6 =	sshra.s32 s31, $0x1F;
	s1 =	smulhi.u32 $0x66666667, s7  }
0x39: {  	s23 =	sshra.s32 s29, $0x1F;
	s14 =	sshra.s32 s7, $0x1F;
	s6 =	smul.u32 $0x66666667, s6  }
0x3a: {  	s30 =	sshrl.u32 s28, $0x1F;
	s15 =	spop (v2sf);
	s17 =	smul.u32 $0x66666667, s14  }
0x3b: {  	s18 =	sadd.s32 s19, s18;
	s8 =	sshra.s32 s15, $0x1F;
	s29 =	smulhi.u32 $0x66666667, s15  }
0x3c: {  	s0 =	sadd.s32 s0, s24;
	s8 =	smul.u32 $0x66666667, s8;
	s2 =	spop (v2sf)  }
0x3d: {  	s24 =	sshra.s32 s26, $0x1F;
	s20 =	smulhi.u32 $0x66666667, s2;
	s14 =	spop (v2sf)  }
0x3e: {  	s7 =	sshra.s32 s28, $0x1F;
	s21 =	sshra.s32 s2, $0x1F;
	s2 =	smulhi.u32 $0x66666667, s14  }
0x3f: {  	s28 =	sshra.s32 s28, $0x7;
	s15 =	sshra.s32 s14, $0x1F;
	s31 =	smul.u32 $0x66666667, s21  }
0x40: {  	s22 =	sadd.s32 s3, s22;
	s14 =	spop (v2sf);
	s25 =	smul.u32 $0x66666667, s15  }
0x41: {  	s5 =	sadd.s32 s6, s5;
	s17 =	sadd.s32 s17, s1;
	s1 =	smulhi.u32 $0x66666667, s14  }
0x42: {  	s15 =	sshra.s32 s14, $0x1F;
	s14 =	smul.u32 $0x66666667, s23;
	s23 =	sadd.s32 s8, s29  }
0x43: {  	s8 =	spop (v2sf);
	s29 =	sshra.s32 s10, $0x1F;
	s3 =	smul.u32 $0x66666667, s15  }
0x44: {  	s15 =	sshra.s32 s10, $0x7;
	s10 =	sshrl.u32 s10, $0x1F;
	s2 =	sadd.s32 s25, s2  }
0x45: {  	s25 =	sshrl.u32 s26, $0x1F;
	s26 =	sshra.s32 s26, $0x7;
	s4 =	sadd.s32 s14, s4;
	v4 =	vsel vm4, s15, v4  }
0x46: {  	s14 =	sshra.s32 s8, $0x1F;
	v5 =	vmov s10;
	s10 =	sshra.s32 s0, $0x7;
	s8 =	smulhi.u32 $0x66666667, s8;
	v4 =	vsel vm10, s29, v4  }
0x47: {  	s1 =	sadd.s32 s3, s1;
	s3 =	spop (v2sf);
	s29 =	sshra.s32 s0, $0x1F;
	v5 =	vnsel vm4, $0x0, v5;
	v4 =	vsel vm0, s26, v4  }
0x48: {  	s0 =	sshrl.u32 s0, $0x1F;
	s19 =	sshrl.u32 s2, $0x1F;
	s15 =	sshra.s32 s3, $0x1F;
	v5 =	vsel vm0, s25, v5;
	v4 =	vsel vm12, s24, v4  }
0x49: {  	s3 =	smulhi.u32 $0x66666667, s3;
	s26 =	sshra.s32 s22, $0x1F;
	s25 =	sshrl.u32 s1, $0x1F;
	v5 =	vsel vm1, s30, v5;
	v4 =	vsel vm1, s28, v4  }
0x4a: {  	s1 =	sshra.s32 s1, $0x7;
	s28 =	sshra.s32 s4, $0x7;
	v5 =	vsel vm2, s0, v5;
	v4 =	vsel vm13, s7, v4;
	s7 =	sshrl.u32 s4, $0x1F  }
0x4b: {  	s24 =	sshra.s32 s22, $0x7;
	s30 =	sshra.s32 s2, $0x7;
	v6 =	vmov s28;
	s28 =	smul.u32 $0x66666667, s14;
	v4 =	vsel vm2, s10, v4;
	v7 =	vmov s7  }
0x4c: {  	v6 =	vsel vm0, s30, v6;
	s30 =	sshra.s32 s18, $0x7;
	s10 =	sshrl.u32 s18, $0x1F;
	s18 =	sshrl.u32 s5, $0x1F;
	v4 =	vsel vm14, s29, v4;
	v7 =	vsel vm0, s19, v7  }
0x4d: {  	s15 =	smul.u32 $0x66666667, s15;
	v6 =	vsel vm1, s1, v6;
	s7 =	sadd.s32 s28, s8;
	s8 =	sshra.s32 s5, $0x7;
	v9 =	vmov s18;
	v4 =	vsel vm5, s24, v4  }
0x4e: {  	s14 =	sadd.s32 s31, s20;
	s20 =	sshrl.u32 s23, $0x1F;
	s19 =	sshrl.u32 s22, $0x1F;
	v7 =	vsel vm1, s25, v7;
	v6 =	vsel vm2, s30, v6;
	v8 =	vmov s8  }
0x4f: {  	s29 =	sadd.s32 s15, s3;
	s15 =	sshra.s32 s23, $0x7;
	v9 =	vsel vm0, s20, v9;
	v5 =	vsel vm5, s19, v5;
	s22 =	sshrl.u32 s7, $0x1F;
	v7 =	vsel vm2, s10, v7  }
0x50: {  	s21 =	sshra.s32 s7, $0x7;
	s23 =	sshra.s32 s29, $0x7;
	s0 =	sshrl.u32 s29, $0x1F;
	v8 =	vsel vm0, s15, v8;
	v4 =	vsel vm15, s26, v4;
	v5 =	vsel vm6, s22, v5  }
0x51: {  	s28 =	sshrl.u32 s14, $0x1F;
	s1 =	sshra.s32 s7, $0x1F;
	s24 =	sshrl.u32 s17, $0x1F;
	v9 =	vsel vm1, s0, v9;
	v4 =	vsel vm6, s21, v4;
	v8 =	vsel vm1, s23, v8  }
0x52: {  	s25 =	sshra.s32 s14, $0x7;
	s26 =	sshra.s32 s17, $0x7;
	v5 =	vsel vm7, s24, v5;
	v9 =	vsel vm2, s28, v9;
	v4 =	vsel vm9, s1, v4  }
0x53: {  	s29 =	sshra.s32 s17, $0x1F;
	s30 =	sshrl.u32 s16, $0x1F;
	v8 =	vsel vm2, s25, v8;
	v7 =	vcombine.low v9, v7;
	v4 =	vsel vm7, s26, v4  }
0x54: {  	s31 =	sshra.s32 s16, $0x7;
	v5 =	vsel vm8, s30, v5;
	v6 =	vcombine.low v8, v6;
	v4 =	vsel vm11, s29, v4  }
0x55: {  	v5 =	vperm.xlane v5, v2;
	v7 =	vperm.xlane v7, v1;
	v4 =	vsel vm8, s31, v4  }
0x56: {  	v6 =	vperm.xlane v6, v1;
	v4 =	vperm.xlane v4, v2;
	_ =	sdelay $0x1  }
0x57: {  	v5 =	vsel vm3, v5, v7;
	v4 =	vsel vm3, v4, v6  }
0x58: {  	v4 =	vadd.s32 v5, v4  }
0x59: {  	v5 =	vmul.u32 $0xFFFFFEC0, v4  }
0x5a: {  	v6 =	vsub.s32 $0x0, v3  }
0x5b: {  	vm10 =	vlt.s32 v3, $0x1;
	vm9 =	vne.s32 v5, v6  }
0x5c: {  	vm9 =	vmand vm10, vm9  }
0x5d: {  	v5 =	vsel vm9, $0xFFFFFFFF, v0  }
0x5e: {  	v4 =	vadd.s32 v5, v4  }
0x5f: {  	s23 =	simm.s32 $0x40;
	(xrf1) =	vunique.msk.u32 $0xffff, v4  }
.LBB2_4:
0x60: {  	_ =	sdelay $0x8  }
0x61: {  	v5 =	vld.idx.msk [tilespmem:v4+s9+$0x0], $0xffff;
	_ =	sdelay $0x3  }
0x62: {  	_, v6, vm9 =	vpop (xrf1)  }
0x63: {  	v5 =	vadd.s32 v6, v5  }
0x64: {  	v5 =	vadd.s32 $0xFFFFFFFF, v5  }
0x65: {  	v6 =	vmul.u32 $0x1E0, v4;
	vm10 =	vlt.s32 v5, $0x1DF  }
0x66: {  	v5 =	vnsel vm10, $0x1DF, v5  }
0x67: {  	v7 =	vld [tilespmem:s13+$0x0];
	v6 =	vadd.s32 v6, v5;
	_ =	sdelay $0x4  }
0x68: {  	[tilespmem:v6+s11+$0x0] =	vst.idx.msk $0xffff, v7  }
0x69: {  	s0 =	smov.u32 s23;
	[tilespmem:v6+s12+$0x0] =	vst.idx.msk $0xffff, v3;
	v3 =	vadd.s32 $0x1, v5  }
0x6a: {  	s0 =	sshra.s32 s0, $0x2;
	[tilespmem:v4+s9+$0x0] =	vst.idx.msk vm9, v3  }
0x6b: {  	v3 =	vld [tilespmem:s0+$0x2710];
	_ =	sdelay $0x4  }
0x6c: {  	(v2sf) =	vpush v3, $0x0  }
0x6d: {  	(v2sf) =	vpush v3, $0x7;
	_ =	sdelay $0x1  }
0x6e: {  	(v2sf) =	vpush v3, $0x1  }
0x6f: {  	(v2sf) =	vpush v3, $0x2;
	_ =	sdelay $0x1  }
0x70: {  	(v2sf) =	vpush v3, $0xF;
	_ =	sdelay $0x2  }
0x71: {  	(v2sf) =	vpush v3, $0x3  }
0x72: {  	(v2sf) =	vpush v3, $0x4;
	_ =	sdelay $0x1  }
0x73: {  	(v2sf) =	vpush v3, $0xC;
	_ =	sdelay $0x1  }
0x74: {  	(v2sf) =	vpush v3, $0x8  }
0x75: {  	(v2sf) =	vpush v3, $0x6;
	s10 =	spop (v2sf)  }
0x76: {  	s22 =	smulhi.u32 $0x66666667, s10;
	s1 =	spop (v2sf)  }
0x77: {  	[dreg:$0x3] =	wrdreg s0;
	s11 =	sshra.s32 s1, $0x1F;
	s1 =	smulhi.u32 $0x66666667, s1  }
0x78: {  	(v2sf) =	vpush v3, $0x9;
	s2 =	spop (v2sf);
	s0 =	smul.u32 $0x66666667, s11  }
0x79: {  	(v2sf) =	vpush v3, $0xB;
	s3 =	sshra.s32 s2, $0x1F;
	s4 =	spop (v2sf);
	s2 =	smulhi.u32 $0x66666667, s2  }
0x7a: {  	s15 =	smulhi.u32 $0x66666667, s4  }
0x7b: {  	s6 =	spop (v2sf);
	s3 =	smul.u32 $0x66666667, s3  }
0x7c: {  	s5 =	sshra.s32 s4, $0x1F;
	s7 =	smulhi.u32 $0x66666667, s6  }
0x7d: {  	(v2sf) =	vpush v3, $0xD;
	s28 =	sshra.s32 s10, $0x1F;
	s6 =	sshra.s32 s6, $0x1F;
	s5 =	smul.u32 $0x66666667, s5  }
0x7e: {  	s12 =	spop (v2sf);
	s21 =	sadd.s32 s0, s1;
	s6 =	smul.u32 $0x66666667, s6  }
0x7f: {  	s13 =	sshra.s32 s12, $0x1F;
	s8 =	spop (v2sf);
	s1 =	sshra.s32 s21, $0x1F  }
0x80: {  	[dreg:$0x4] =	wrdreg s7;
	s0 =	sadd.s32 s5, s15;
	s5 =	smul.u32 $0x66666667, s13  }
0x81: {  	s2 =	sadd.s32 s3, s2;
	s16 =	spop (v2sf);
	s7 =	smulhi.u32 $0x66666667, s12  }
0x82: {  	(v2sf) =	vpush v3, $0xE;
	s10 =	sshra.s32 s8, $0x1F;
	[dreg:$0x5] =	wrdreg s6;
	s25 =	smulhi.u32 $0x66666667, s16  }
0x83: {  	s14 =	spop (v2sf);
	s24 =	sshra.s32 s0, $0x1F;
	s10 =	smul.u32 $0x66666667, s10  }
0x84: {  	s17 =	sshra.s32 s14, $0x1F;
	s20 =	spop (v2sf);
	s14 =	smulhi.u32 $0x66666667, s14  }
0x85: {  	s9 =	sshrl.u32 s0, $0x1F;
	[dreg:$0x7] =	wrdreg s17;
	s29 =	smulhi.u32 $0x66666667, s20  }
0x86: {  	s18 =	sshra.s32 s20, $0x1F;
	s17 =	sshra.s32 s0, $0x7;
	s0 =	smul.u32 $0x66666667, s28  }
0x87: {  	(v2sf) =	vpush v3, $0x5;
	v4 =	vmov s1;
	s1 =	sshra.s32 s2, $0x1F;
	s30 =	spop (v2sf);
	s6 =	smul.u32 $0x66666667, s18  }
0x88: {  	s4 =	sshra.s32 s30, $0x1F;
	s19 =	spop (v2sf);
	s30 =	smulhi.u32 $0x66666667, s30  }
0x89: {  	(v2sf) =	vpush v3, $0xA;
	s15 =	sshrl.u32 s2, $0x1F;
	s2 =	sshra.s32 s2, $0x7;
	s20 =	smulhi.u32 $0x66666667, s19  }
0x8a: {  	s26 =	sshra.s32 s16, $0x1F;
	s3 =	sadd.s32 s0, s22;
	s0 =	smulhi.u32 $0x66666667, s8  }
0x8b: {  	s5 =	sadd.s32 s5, s7;
	s31 =	sshra.s32 s19, $0x1F;
	s4 =	smul.u32 $0x66666667, s4  }
0x8c: {  	s19 =	sshra.s32 s5, $0x7;
	[dreg:$0x6] =	wrdreg s31;
	s31 =	spop (v2sf)  }
0x8d: {  	s16 =	sshra.s32 s3, $0x1F;
	s22 =	sshrl.u32 s3, $0x1F;
	s3 =	sshra.s32 s3, $0x7  }
0x8e: {  	s12 =	sshra.s32 s31, $0x1F;
	s31 =	smulhi.u32 $0x66666667, s31;
	v5 =	vmov s22;
	s22 =	sadd.s32 s6, s29  }
0x8f: {  	vm9 =	vcmask $0x704;
	v4 =	vsel vm4, s3, v4;
	s3 =	sshra.s32 s5, $0x1F;
	s0 =	sadd.s32 s10, s0;
	s12 =	smul.u32 $0x66666667, s12  }
0x90: {  	s5 =	sshrl.u32 s5, $0x1F;
	v5 =	vnsel vm4, $0x0, v5;
	v4 =	vsel vm9, s16, v4;
	s16 =	smul.u32 $0x66666667, s26;
	s26 =	sshrl.u32 s0, $0x1F  }
0x91: {  	v5 =	vsel vm0, s15, v5;
	v4 =	vsel vm0, s2, v4;
	s2 =	sadd.s32 s4, s30;
	s13 =	spop (v2sf);
	s15 =	sadd.s32 s12, s31  }
0x92: {  	v4 =	vsel vm12, s1, v4;
	s1 =	sshra.s32 s0, $0x1F;
	s29 =	sadd.s32 s16, s25;
	s0 =	sshra.s32 s0, $0x7  }
0x93: {  	s16 =	rddreg [dreg:$0x7];
	s11 =	sshra.s32 s13, $0x1F;
	s6 =	smulhi.u32 $0x66666667, s13  }
0x94: {  	v5 =	vsel vm1, s9, v5;
	s31 =	sshrl.u32 s15, $0x1F;
	s12 =	sshra.s32 s29, $0x7;
	s10 =	sshra.s32 s15, $0x7  }
0x95: {  	v5 =	vsel vm2, s5, v5;
	v4 =	vsel vm1, s17, v4;
	s5 =	sshrl.u32 s29, $0x1F;
	s15 =	sshra.s32 s2, $0x7;
	s30 =	smul.u32 $0x66666667, s11  }
0x96: {  	s2 =	sshrl.u32 s2, $0x1F;
	v4 =	vsel vm13, s24, v4;
	s24 =	rddreg [dreg:$0x5];
	s28 =	spop (v2sf)  }
0x97: {  	s11 =	smul.u32 $0x66666667, s16;
	v4 =	vsel vm2, s19, v4;
	s19 =	rddreg [dreg:$0x4];
	s18 =	sshra.s32 s28, $0x1F  }
0x98: {  	s7 =	spop (v2sf);
	s6 =	sadd.s32 s30, s6;
	s17 =	smulhi.u32 $0x66666667, s28  }
0x99: {  	v6 =	vmov s12;
	s12 =	sadd.s32 s24, s19;
	s11 =	sadd.s32 s11, s14;
	s4 =	smulhi.u32 $0x66666667, s7  }
0x9a: {  	vm9 =	vcmask $0x2F2C;
	v7 =	vmov s5;
	s14 =	rddreg [dreg:$0x6];
	s8 =	sshra.s32 s7, $0x1F;
	s29 =	smul.u32 $0x66666667, s18  }
0x9b: {  	v5 =	vsel vm5, s26, v5;
	v6 =	vsel vm0, s10, v6;
	v4 =	vsel vm14, s3, v4;
	s25 =	sshrl.u32 s6, $0x1F;
	s6 =	sshra.s32 s6, $0x7;
	s9 =	smul.u32 $0x66666667, s14  }
0x9c: {  	v7 =	vsel vm0, s31, v7;
	v4 =	vsel vm5, s0, v4;
	s31 =	sshra.s32 s11, $0x7;
	s16 =	sshrl.u32 s11, $0x1F;
	s28 =	smul.u32 $0x66666667, s8;
	v6 =	vsel vm1, s6, v6  }
0x9d: {  	s30 =	sshra.s32 s12, $0x7;
	s10 =	sshrl.u32 s12, $0x1F;
	v7 =	vsel vm1, s25, v7;
	v8 =	vmov s31;
	v9 =	vmov s16;
	s0 =	sadd.s32 s29, s17  }
0x9e: {  	v4 =	vsel vm15, s1, v4;
	v6 =	vsel vm2, s30, v6;
	v7 =	vsel vm2, s10, v7;
	s17 =	sadd.s32 s9, s20;
	s4 =	sadd.s32 s28, s4;
	s18 =	sshra.s32 s0, $0x7  }
0x9f: {  	v8 =	vsel vm0, s15, v8;
	v9 =	vsel vm0, s2, v9;
	s19 =	sshrl.u32 s0, $0x1F;
	s0 =	sshra.s32 s0, $0x1F;
	s5 =	sshra.s32 s4, $0x7;
	v4 =	vsel vm6, s18, v4  }
0xa0: {  	s24 =	sshrl.u32 s22, $0x1F;
	s28 =	sshra.s32 s17, $0x7;
	s20 =	sshrl.u32 s4, $0x1F;
	v5 =	vsel vm6, s19, v5;
	v8 =	vsel vm1, s5, v8;
	v4 =	vsel vm9, s0, v4  }
0xa1: {  	s25 =	sshra.s32 s22, $0x7;
	s26 =	sshrl.u32 s17, $0x1F;
	v9 =	vsel vm1, s20, v9;
	v5 =	vsel vm7, s24, v5;
	v8 =	vsel vm2, s28, v8  }
0xa2: {  	s31 =	sshrl.u32 s21, $0x1F;
	s29 =	sshra.s32 s22, $0x1F;
	v4 =	vsel vm7, s25, v4;
	v9 =	vsel vm2, s26, v9;
	v6 =	vcombine.low v8, v6  }
0xa3: {  	s30 =	sshra.s32 s21, $0x7;
	v5 =	vsel vm8, s31, v5;
	v4 =	vsel vm11, s29, v4;
	v7 =	vcombine.low v9, v7  }
0xa4: {  	v5 =	vperm.xlane v5, v2;
	v4 =	vsel vm8, s30, v4;
	v6 =	vperm.xlane v6, v1  }
0xa5: {  	v7 =	vperm.xlane v7, v1;
	v4 =	vperm.xlane v4, v2;
	_ =	sdelay $0x1  }
0xa6: {  	v5 =	vsel vm3, v5, v7;
	v4 =	vsel vm3, v4, v6  }
0xa7: {  	v4 =	vadd.s32 v5, v4  }
0xa8: {  	v5 =	vmul.u32 $0xFFFFFEC0, v4  }
0xa9: {  	p0 =	sne.s32 s23, $0x9C00;
	v6 =	vsub.s32 $0x0, v3  }
.Ltmp1:
0xaa: {  	vm9 =	vlt.s32 v3, $0x1;
	vm10 =	vne.s32 v5, v6;
	(pc) =	sbr.rel @p0 .LBB2_4-.Ltmp1, $4  }
0xab: {  	vm9 =	vmand vm9, vm10  }
0xac: {  	v5 =	vsel vm9, $0xFFFFFFFF, v0  }
0xad: {  	s23 =	sadd.s32 $0x40, s23;
	s13 =	rddreg [dreg:$0x3];
	v4 =	vadd.s32 v5, v4  }
0xae: {  	s12 =	simm.s32 $0x8A20;
	s11 =	simm.s32 $0x4E20;
	s9 =	simm.s32 $0xC620;
	(xrf1) =	vunique.msk.u32 $0xffff, v4  }
0xaf: {  	_ =	sdelay $0x8  }
0xb0: {  	v5 =	vld.idx.msk [tilespmem:v4+s9+$0x0], $0xffff;
	_ =	sdelay $0x3  }
0xb1: {  	_, v6, vm9 =	vpop (xrf1)  }
0xb2: {  	v5 =	vadd.s32 v6, v5  }
0xb3: {  	v5 =	vadd.s32 $0xFFFFFFFF, v5  }
0xb4: {  	v63 =	vmul.u32 $0x1E0, v4;
	vm10 =	vlt.s32 v5, $0x1DF  }
0xb5: {  	v5 =	vnsel vm10, $0x1DF, v5  }
0xb6: {  	v7 =	vld [tilespmem:s13+$0x0];
	v6 =	vadd.s32 v63, v5;
	_ =	sdelay $0x4  }
0xb7: {  	[tilespmem:v6+s11+$0x0] =	vst.idx.msk $0xffff, v7  }
0xb8: {  	[tilespmem:v6+s12+$0x0] =	vst.idx.msk $0xffff, v3;
	v3 =	vadd.s32 $0x1, v5  }
0xb9: {  	s0 =	simm.s32 $0x0;
	s1 =	rddreg [dreg:$0xa];
	s2 =	simm.s32 $0x1;
	[tilespmem:v4+s9+$0x0] =	vst.idx.msk vm9, v3  }
0xba: {  	[hbm4b:s1+s0] =	stream.linear.scatter [tilespmem:s11], [sflag:$0x1], $0x3C00, $0x38;
	[tilespmem:$0xC640] =	vst v63  }
0xbb: {  	_ =	swait.ge [sflag:s2], $0x3C00  }
0xbc: {  	[sflag:s2] =	ssyncset.done $0x0  }
0xbd: {  	s28 =	rddreg [dreg:$0xb];
	[sflag:s2] =	ssyncadd.s32 $0xFFFFC400  }
0xbe: {  	[hbm4b:s28+s0] =	stream.linear.scatter [tilespmem:s12], [sflag:$0x1], $0x3C00, $0x38;
	[tilespmem:$0xC640] =	vst v63  }
0xbf: {  	_ =	swait.ge [sflag:s2], $0x3C00  }
0xc0: {  	[sflag:s2] =	ssyncset.done $0x0  }
0xc1: {  	s29 =	rddreg [dreg:$0xc];
	[sflag:s2] =	ssyncadd.s32 $0xFFFFC400  }
0xc2: {  	[hbm4b:s29+s0] =	stream.linear.scatter [tilespmem:s9], [sflag:$0x1], $0x20, $0x38;
	[tilespmem:$0xC640] =	vst v63  }
0xc3: {  	_ =	swait.ge [sflag:s2], $0x20  }
0xc4: {  	s30 =	rddreg [dreg:$0xe]  }
0xc5: {  	s31 =	rddreg [dreg:$0xd];
	s1 =	sadd.s32 $0x1, s30  }
0xc6: {  	p0 =	sne.s32 s1, s31  }
.Ltmp2:
0xc7: {  	_ = 	snop;
	(pc) =	sbr.rel @p0 .LBB2_1-.Ltmp2, $3  }
0xc8: {  	_ =	sdelay $0x1  }
0xc9: {  	[sflag:s2] =	ssyncset.done $0x0  }
0xca: {  	vm10 =	vcmask $0x704;
	vm9 =	vcmask $0x2F2C;
	[sflag:s2] =	ssyncadd.s32 $0xFFFFFFE0  }
0xcb: {  	_ =	sfence.sel $0x180000  }
0xcc: {  	[bflag:$0x0] =	sbarrier.arrive $0xFFFF  }
0xcd: {  	_ =	strace $0x90000047  }
0xce: {  	s0 =	stileid.u32;
	[bflag:$0x2] =	sbarrier.arrive $0xFFFF  }
0xcf: {  	p0 =	sne.s32 s0, $0x0;
	s0 =	rddreg [dreg:$0x2]  }
0xd0: {  	s0 =	sadd.s32 @!p0 $0x100000, s0  }
0xd1: {  	[sflag:s0] =	ssyncadd.tile.s32 @!p0 $0x1;
	_ =	shalt  }
.Lfunc_end2:
_tile_overlayer_lowered:
.L_overlay_start_2:
0xd2: {  	(tag) =	ssettag $0x2  }
0xd3: {  	s0 =	rddreg [dreg:$0x0];
	s2 =	stileid.u32  }
0xd4: {  	s1 =	rddreg [dreg:$0x1];
	p0 =	sne.s32 s2, $0x0  }
0xd5: {  	s3 =	rddreg [dreg:$0x2];
	[bflag:$0x3] =	sbarrier.arrive $0xFFFF;
	s2 =	simm.s32 @!p0 $0x1C01  }
0xd6: {  	[timem:s3], [sflag:s2] =	dma.local @!p0 [hbm:s0], s1  }
0xd7: {  	s0 =	simm.s32 @!p0 $0x1  }
0xd8: {  	_ =	swait.ge @!p0 [sflag:s0], s1  }
0xd9: {  	s1 =	ssub.s32 @!p0 $0x0, s1;
	[sflag:s0] =	ssyncset.done @!p0 $0x0  }
0xda: {  	[sflag:s0] =	ssyncadd.s32 @!p0 s1  }
0xdb: {  	[bflag:$0x3] =	sbarrier.arrive $0xFFFF  }
0xdc: {  	_ =	shalt  }

// kernel: kernel.8.cloned.1.call-start
scs
__scs_entry_jumppad:
0x0: {  	(pc) =	sbr.rel $0x88, $3  }
0x1: {  	(tag) =	ssettag $0x0;
	lr =	simm.s32 $0x1  }
0x2: {  	[smem:$0x3F9D] =	sst lr;
	_ =	strace $0xD0000000  }
0x3: {  	_ = 	snop  }
0x4: {  	_ = 	snop  }
0x5: {  	_ = 	snop  }
0x6: {  	_ = 	snop  }
0x7: {  	_ = 	snop  }
__scs_overlays_trampoline_lowered:
0x8: {  	[smem:$0x3FAC] =	sst s0  }
0x9: {  	[smem:$0x3FAD] =	sst s1  }
0xa: {  	[smem:$0x3FAE] =	sst s2  }
0xb: {  	[smem:$0x3FAF] =	sst s3  }
0xc: {  	[smem:$0x3FB0] =	sst s4  }
0xd: {  	[smem:$0x3FB1] =	sst s5  }
0xe: {  	[smem:$0x3FB2] =	sst s6  }
0xf: {  	[smem:$0x3FB3] =	sst s7  }
0x10: {  	[smem:$0x3FB4] =	sst s8  }
0x11: {  	[smem:$0x3FB5] =	sst s9;
	s0 =	simm.s32 @!p0 $0x0  }
0x12: {  	s1 =	sld [smem:$0x3F9B];
	s0 =	simm.s32 @p0 $0x1  }
0x13: {  	[smem:$0x3FB6] =	sst s0;
	s0 =	simm.s32 @!p1 $0x0  }
0x14: {  	s2 =	sld [smem:$0x3F9A];
	s0 =	simm.s32 @p1 $0x1  }
0x15: {  	[smem:$0x3FB7] =	sst s0;
	s0 =	simm.s32 @!p2 $0x0  }
0x16: {  	s3 =	sld [smem:$0x3FDB];
	s0 =	simm.s32 @p2 $0x1  }
0x17: {  	s4 =	simm.s32 $0x1BF5;
	[smem:$0x3FB9] =	sst s0  }
0x18: {  	s0 =	sld [smem:$0x3F9C];
	_ =	swait.ge [sflag:s4], $0x0  }
0x19: {  	s7 =	sld [smem:$0x3F9D]  }
0x1a: {  	s8 =	sadd.s32 $0xFFFFE003, lr  }
0x1b: {  	s9 =	sadd.s32 $0xFFFFFEF7, lr;
	s5 =	simm.s32 $0xFFFFFFFF;
	p2 =	slt.u32 s8, $0xFFFFF086  }
0x1c: {  	p1 =	slt.u32 s9, $0xF7A;
	s5 =	simm.s32 @!p2 $0x0  }
0x1d: {  	s5 =	simm.s32 @p1 $0x1;
	p0 =	seq.s32 s7, s2  }
0x1e: {  	s7 =	smul.u32 @!p0 $0xF7A, s2;
	p2 =	seq.s32 @!p0 s5, $0x0  }
0x1f: {  	s9 =	smul.u32 $0xF7A, s1;
	s8 =	simm.s32 @!p0 $0x1BF5;
	p2 =	por !p2, p0  }
0x20: {  	[sflag:s8] =	ssyncset.s32 @!p0 $0xFFFFF086;
	s6 =	sadd.s32 @!p0 s3, s7;
	s7 =	simm.s32 @!p0 $0x108  }
0x21: {  	s3 =	sadd.s32 s3, s9;
	s6 =	sadd.s32 @!p0 $0x88, s6;
	s7 =	simm.s32 @p2 $0x1082  }
0x22: {  	[simem:s7], [sflag:s8] =	dma.local @!p0 [hbm:s6], $0xF7A  }
0x23: {  	s9 =	sor.u32 $0xD0000000, s2;
	s6 =	simm.s32 $0x108;
	_ =	swait.ge @!p0 [sflag:s8], $0x0  }
0x24: {  	s3 =	sadd.s32 $0x88, s3;
	s6 =	simm.s32 @!p1 $0x1082;
	[sflag:s4] =	ssyncset.s32 $0xFFFFF086  }
0x25: {  	[simem:s6], [sflag:s4] =	dma.local [hbm:s3], $0xF7A  }
0x26: {  	[smem:$0x3F9D] =	sst s1;
	(tag) =	ssettag s2;
	_ =	strace s9  }
0x27: {  	s1 =	sld [smem:$0x3FAD]  }
0x28: {  	s2 =	sld [smem:$0x3FAE]  }
0x29: {  	s4 =	sld [smem:$0x3FB0]  }
0x2a: {  	p0 =	seq.s32 s5, $0x0;
	s5 =	sld [smem:$0x3FB1]  }
0x2b: {  	s6 =	sld [smem:$0x3FB2]  }
0x2c: {  	s7 =	sld [smem:$0x3FB3]  }
0x2d: {  	s3 =	simm.s32 $0x108;
	s8 =	sld [smem:$0x3FB4]  }
0x2e: {  	s3 =	simm.s32 @!p0 $0x1082;
	s9 =	sld [smem:$0x3FB5]  }
0x2f: {  	lr =	sadd.s32 s0, s3;
	s0 =	sld [smem:$0x3FAC]  }
0x30: {  	s3 =	sld [smem:$0x3FAF]  }
0x31: {  	[smem:$0x3FB8] =	sst s10  }
0x32: {  	s10 =	sld [smem:$0x3FB6];
	_ =	sdelay $0x3  }
0x33: {  	p0 =	seq.s32 s10, $0x1;
	s10 =	sld [smem:$0x3FB8];
	_ =	sdelay $0x3  }
0x34: {  	[smem:$0x3FB8] =	sst s10  }
0x35: {  	s10 =	sld [smem:$0x3FB7];
	_ =	sdelay $0x3  }
0x36: {  	p1 =	seq.s32 s10, $0x1;
	s10 =	sld [smem:$0x3FB8];
	_ =	sdelay $0x3  }
0x37: {  	[smem:$0x3FB8] =	sst s10  }
0x38: {  	s10 =	sld [smem:$0x3FB9]  }
0x39: {  	_ = 	snop;
	(pc) =	sbr.ind lr, $3  }
0x3a: {  	_ = 	snop  }
0x3b: {  	_ = 	snop  }
0x3c: {  	p2 =	seq.s32 s10, $0x1;
	s10 =	sld [smem:$0x3FB8]  }
0x3d: {  	_ =	shalt  }
0x3e: {  	_ =	shalt  }
0x3f: {  	_ =	shalt  }
0x40: {  	_ =	shalt  }
0x41: {  	_ =	shalt  }
0x42: {  	_ =	shalt  }
0x43: {  	_ =	shalt  }
0x44: {  	_ =	shalt  }
0x45: {  	_ =	shalt  }
0x46: {  	_ =	shalt  }
0x47: {  	_ =	shalt  }
0x48: {  	_ =	shalt  }
0x49: {  	_ =	shalt  }
0x4a: {  	_ =	shalt  }
0x4b: {  	_ =	shalt  }
0x4c: {  	_ =	shalt  }
0x4d: {  	_ =	shalt  }
0x4e: {  	_ =	shalt  }
0x4f: {  	_ =	shalt  }
0x50: {  	_ =	shalt  }
0x51: {  	_ =	shalt  }
0x52: {  	_ =	shalt  }
0x53: {  	_ =	shalt  }
0x54: {  	_ =	shalt  }
0x55: {  	_ =	shalt  }
0x56: {  	_ =	shalt  }
0x57: {  	_ =	shalt  }
0x58: {  	_ =	shalt  }
0x59: {  	_ =	shalt  }
0x5a: {  	_ =	shalt  }
0x5b: {  	_ =	shalt  }
0x5c: {  	_ =	shalt  }
0x5d: {  	_ =	shalt  }
0x5e: {  	_ =	shalt  }
0x5f: {  	_ =	shalt  }
0x60: {  	_ =	shalt  }
0x61: {  	_ =	shalt  }
0x62: {  	_ =	shalt  }
0x63: {  	_ =	shalt  }
0x64: {  	_ =	shalt  }
0x65: {  	_ =	shalt  }
0x66: {  	_ =	shalt  }
0x67: {  	_ =	shalt  }
0x68: {  	_ =	shalt  }
0x69: {  	_ =	shalt  }
0x6a: {  	_ =	shalt  }
0x6b: {  	_ =	shalt  }
0x6c: {  	_ =	shalt  }
0x6d: {  	_ =	shalt  }
0x6e: {  	_ =	shalt  }
0x6f: {  	_ =	shalt  }
0x70: {  	_ =	shalt  }
0x71: {  	_ =	shalt  }
0x72: {  	_ =	shalt  }
0x73: {  	_ =	shalt  }
0x74: {  	_ =	shalt  }
0x75: {  	_ =	shalt  }
0x76: {  	_ =	shalt  }
0x77: {  	_ =	shalt  }
0x78: {  	_ =	shalt  }
0x79: {  	_ =	shalt  }
0x7a: {  	_ =	shalt  }
0x7b: {  	_ =	shalt  }
0x7c: {  	_ =	shalt  }
0x7d: {  	_ =	shalt  }
0x7e: {  	_ =	shalt  }
0x7f: {  	_ =	shalt  }
0x80: {  	_ =	shalt  }
0x81: {  	_ =	shalt  }
0x82: {  	_ =	shalt  }
0x83: {  	_ =	shalt  }
0x84: {  	_ =	shalt  }
0x85: {  	_ =	shalt  }
0x86: {  	_ =	shalt  }
0x87: {  	_ =	shalt  }
.Lfunc_end0:
.L_simem_size_0:
called_computation.1_lowered:
.L_overlay_start_0:
0x88: {  	s2 =	sld [smem:$0x3FD9]  }
0x89: {  	s3 =	sld [smem:$0x3FFE];
	_ =	sdelay $0x1  }
0x8a: {  	s1 =	srdreg.scid  }
0x8b: {  	s0 =	sand.u32 $0x1, s1  }
0x8c: {  	s17 =	sshll.u32 s0, $0xA;
	s2 =	sadd.s32 s3, s2  }
0x8d: {  	s2 =	sadd.s32 s2, s17  }
0x8e: {  	[smem:$0x3FC4] =	sst s2  }
0x8f: {  	_ = 	snop  }
0x90: {  	s2 =	sld [smem:$0x3FD0];
	(tm) =	ssettm $0x1  }
0x91: {  	s18 =	sld [smem:$0x3FFB];
	_ =	sdelay $0x3  }
0x92: {  	_ =	strace s18  }
0x93: {  	s3 =	sld [smem:$0x3FFC];
	_ =	sdelay $0x3  }
0x94: {  	_ =	strace s3  }
0x95: {  	s3 =	sld [smem:$0x3FFD];
	_ =	sdelay $0x3  }
0x96: {  	_ =	strace s3  }
0x97: {  	_ =	strace $0x8FFFFFFF  }
0x98: {  	s19 =	sld [smem:$0x3FDB];
	_ =	sdelay $0x1  }
0x99: {  	s4 =	simm.s32 $_scs_section_size  }
0x9a: {  	s5 =	simm.s32 $_size__tile_overlayer_lowered;
	s6 =	simm.s32 $_tile_overlayer_lowered  }
0x9b: {  	s22 =	simm.s32 $0x1BFF;
	s21 =	sshll.u32 s6, $0x1;
	s3 =	sadd.s32 s4, s19  }
0x9c: {  	s7 =	simm.s32 $0x0;
	s20 =	sshll.u32 s5, $0x1;
	s5 =	sadd.s32 s21, s3  }
0x9d: {  	[timem:s7], [sflag:s22] =	dma.local [hbm:s5], s20  }
0x9e: {  	_ =	swait.ge [sflag:s22], s20  }
0x9f: {  	s4 =	ssub.s32 $0x0, s20;
	[sflag:s22] =	ssyncset.done $0x0  }
0xa0: {  	[sflag:s22] =	ssyncadd.s32 s4;
	_ =	sdelay $0x1  }
0xa1: {  	s23 =	simm.s32 $0x1B8B  }
0xa2: {  	_ =	swait.ge [sflag:s23], $0x1  }
0xa3: {  	[sflag:s23] =	ssyncset.done $0x0  }
0xa4: {  	s25 =	simm.s32 $0x1B8E;
	s24 =	sld [smem:$0x3FFE];
	[sflag:s23] =	ssyncadd.s32 $0xFFFFFFFF  }
0xa5: {  	s26 =	simm.s32 $execute0_lowered;
	[smem:$0x3FD2] =	sst s25  }
0xa6: {  	s5 =	sshll.u32 s26, $0x1;
	_ =	strace $0x80000049;
	[dreg:$0x1] =	wrdreg $0xFFFFFFFF  }
0xa7: {  	s28 =	simm.s32 $_size_execute0_lowered;
	s3 =	sadd.s32 s3, s5;
	[dreg:$0x0] =	wrdreg $0x0  }
0xa8: {  	s5 =	sshll.u32 s28, $0x1;
	[dreg:$0x2] =	wrdreg s3  }
0xa9: {  	[dreg:$0x3] =	wrdreg s5  }
0xaa: {  	[dreg:$0x4] =	wrdreg $0xC0  }
0xab: {  	_ =	task [dreg:s7], $0x5FFFF  }
0xac: {  	[dreg:$0x1] =	wrdreg $0xFFFFFFFF  }
0xad: {  	[dreg:$0x0] =	wrdreg $0x60  }
0xae: {  	[dreg:$0x2] =	wrdreg s24  }
0xaf: {  	[dreg:$0x3] =	wrdreg s2  }
0xb0: {  	[dreg:$0x4] =	wrdreg $0x9  }
0xb1: {  	_ =	task.clear_ibuf [dreg:s7], $0x5FFFF;
	_ =	strace $0x90000049  }
0xb2: {  	s29 =	simm.s32 $0x9;
	_ =	strace $0x8000004B  }
0xb3: {  	_ =	swait.ge [sflag:s29], $0x1  }
0xb4: {  	[sflag:s29] =	ssyncadd.s32 $0xFFFFFFFF  }
0xb5: {  	_ =	strace $0x9000004B  }
0xb6: {  	_ =	sfence  }
0xb7: {  	s30 =	sld [smem:$0x0];
	_ =	sdelay $0x2  }
0xb8: {  	s31 =	sshll.u32 s1, $0xD;
	s1 =	sshrl.u32 s1, $0x2  }
0xb9: {  	s3 =	sand.u32 $0x4000, s31;
	s1 =	sadd.s32 s1, s30  }
0xba: {  	s0 =	sor.u32 s3, s0;
	s1 =	sshll.u32 s1, $0x11  }
0xbb: {  	s0 =	sor.u32 s1, s0  }
0xbc: {  	s0 =	sadd.s32 $0x8F2B, s0  }
0xbd: {  	[sflag:s0] =	ssyncadd.remote.s32 $0x1  }
0xbe: {  	_ =	sfence.sel $0xFFFF  }
0xbf: {  	[dreg:$0x0] =	wrdreg $0xFFFFFFFF;
	(pc) =	sbr.abs _section_cstart, $3  }
0xc0: {  	[dreg:$0x1] =	wrdreg $0xFFFFFFFF  }
0xc1: {  	_ =	task.clear_ibuf [dreg:s7], $0x2FFFF;
	_ =	strace $0x9FFFFFFF  }
0xc2: {  	(tm) =	ssettm $0x7FFFFFFF  }
0xc3: {  	_ =	shalt  }
tec
execute0_lowered:
.L_overlay_start_1:
0x0: {  	(tag) =	ssettag $0x1  }
0x1: {  	s0 =	srdreg.scid;
	s1 =	rddreg [dreg:$0x0]  }
0x2: {  	s9 =	rddreg [dreg:$0x1];
	s4 =	stileid.u32  }
0x3: {  	s2 =	simm.s32 $0x0;
	s13 =	simm.s32 $0xB540;
	s14 =	simm.s32 $0x3  }
0x4: {  	s15 =	simm.s32 $0xB400;
	s20 =	simm.s32 $0x1;
	s21 =	simm.s32 $0x1EDC0  }
0x5: {  	s22 =	simm.s32 $0x16F40;
	s23 =	simm.s32 $0x2;
	s0 =	sand.u32 $0x1, s0  }
0x6: {  	s24 =	simm.s32 $0x0;
	[smem:$0x7FF] =	sst s2;
	s3 =	sshll.u32 s0, $0x4  }
0x7: {  	s5 =	sadd.s32 $0x23400, s1;
	s6 =	sadd.s32 $0x4AC00, s1;
	s3 =	sor.u32 s4, s3  }
0x8: {  	s30 =	sadd.s32 $0x23200, s1;
	s0 =	ssub.s32 $0x2, s0;
	s4 =	smul.u32 $0x140, s3  }
0x9: {  	_ =	strace $0x8000004A;
	s31 =	sshrl.u32 s0, $0x1;
	s10 =	smul.u32 $0x3C, s3  }
0xa: {  	[dreg:$0x3] =	wrdreg s30;
	s8 =	smul.u32 $0x1400, s3;
	s0 =	ssub.s32 s0, s31  }
0xb: {  	s7 =	sshrl.u32 s4, $0x3;
	s12 =	sadd.s32 s10, s1;
	s9 =	sadd.s32 s9, s10  }
0xc: {  	v1 =	vimm.f32 $0.0e+00;
	v2 =	vimm.s32 $0x271F;
	v3 =	vimm.s32 $0x0;
	s11 =	sadd.s32 s7, s1;
	s1 =	sadd.s32 s8, s1;
	s10 =	sadd.s32 $0x14200, s12  }
0xd: {  	v4 =	vlaneseq.u32;
	vm0 =	vmmov $0x1;
	v0 =	vmov s4;
	s12 =	smax.u32 s0, $0x1;
	s8 =	sadd.s32 $0x4A600, s11;
	s11 =	sadd.s32 $0x4B200, s1  }
.LBB2_1:
0xe: {  	s0 =	rddreg [dreg:$0x3]  }
0xf: {  	[tilespmem:s13], [sflag:$0x3] =	stream.linear.gather [hbm4b:s0+s2], $0x400, $0x38;
	[tilespmem:$0x1EE00] =	vst v63  }
0x10: {  	_ =	swait.ge [sflag:s14], $0x400  }
0x11: {  	[sflag:s14] =	ssyncset.done $0x0  }
0x12: {  	[sflag:s14] =	ssyncadd.s32 $0xFFFFFC00  }
0x13: {  	[tilespmem:s15], [sflag:$0x3] =	stream.linear.gather [hbm4b:s8+s2], $0x140, $0x38;
	[tilespmem:$0x1EE00] =	vst v63  }
0x14: {  	_ =	swait.ge [sflag:s14], $0x140  }
0x15: {  	s30 =	simm.s32 $0x1E0;
	[sflag:s14] =	ssyncset.done $0x0  }
0x16: {  	s1 =	simm.s32 $0x3C00;
	s7 =	simm.s32 $0xB940;
	[sflag:s14] =	ssyncadd.s32 $0xFFFFFEC0  }
0x17: {  	[tilespmem:s7], [sflag:$0x3] =	stream.strided.gather [hbm4b:s9+s30], $0x3C00, s1, s30, $0x38;
	[tilespmem:$0x1EE00] =	vst v63  }
0x18: {  	_ =	swait.ge [sflag:s14], $0x3C00  }
0x19: {  	[sflag:s14] =	ssyncset.done $0x0  }
0x1a: {  	s31 =	simm.s32 $0xF540;
	[sflag:s14] =	ssyncadd.s32 $0xFFFFC400  }
0x1b: {  	[tilespmem:s31], [sflag:$0x3] =	stream.strided.gather [hbm4b:s10+s30], $0x3C00, s1, s30, $0x38;
	[tilespmem:$0x1EE00] =	vst v63  }
0x1c: {  	_ =	swait.ge [sflag:s14], $0x3C00  }
0x1d: {  	[sflag:s14] =	ssyncset.done $0x0  }
0x1e: {  	s0 =	simm.s32 $0x440;
	s1 =	simm.s32 $0x80;
	[sflag:s14] =	ssyncadd.s32 $0xFFFFC400  }
.LBB2_2:
0x1f: {  	p0 =	sne.s32 s0, $0x2CFC0;
	[tilespmem:s1+$0x0] =	vst v1  }
0x20: {  	[tilespmem:s1+$0xFFFFFF80] =	vst v1  }
0x21: {  	[tilespmem:s1+$0xFFFFFF90] =	vst v1  }
0x22: {  	[tilespmem:s1+$0xFFFFFFA0] =	vst v1  }
.Ltmp0:
0x23: {  	[tilespmem:s1+$0xFFFFFFB0] =	vst v1;
	(pc) =	sbr.rel @p0 .LBB2_2-.Ltmp0, $4  }
0x24: {  	[tilespmem:s1+$0xFFFFFFC0] =	vst v1  }
0x25: {  	[tilespmem:s1+$0xFFFFFFD0] =	vst v1  }
0x26: {  	[tilespmem:s1+$0xFFFFFFE0] =	vst v1  }
0x27: {  	[tilespmem:s1+$0xFFFFFFF0] =	vst v1;
	s1 =	sshra.s32 s0, $0x2;
	s0 =	sadd.s32 $0x240, s0  }
0x28: {  	[tilespmem:s1+$0x0] =	vst v1  }
0x29: {  	[tilespmem:s1+$0xFFFFFF80] =	vst v1  }
0x2a: {  	[tilespmem:s1+$0xFFFFFF90] =	vst v1  }
0x2b: {  	[tilespmem:s1+$0xFFFFFFA0] =	vst v1  }
0x2c: {  	[tilespmem:s1+$0xFFFFFFB0] =	vst v1  }
0x2d: {  	[tilespmem:s1+$0xFFFFFFC0] =	vst v1  }
0x2e: {  	[tilespmem:s1+$0xFFFFFFD0] =	vst v1  }
0x2f: {  	[tilespmem:s1+$0xFFFFFFE0] =	vst v1  }
0x30: {  	s0 =	simm.s32 $0x0;
	[tilespmem:s1+$0xFFFFFFF0] =	vst v1;
	s1 =	simm.s32 $0x0  }
.LBB2_4:
0x31: {  	p0 =	sne.s32 s1, $0xF7C0  }
.Ltmp1:
0x32: {  	_ = 	snop;
	(pc) =	sbr.rel @p0 .LBB2_4-.Ltmp1, $4  }
0x33: {  	_ = 	snop  }
0x34: {  	s16 =	sshra.s32 s1, $0x2  }
0x35: {  	[tilespmem:s16+$0x13140] =	vst v2  }
0x36: {  	s1 =	sadd.s32 $0x40, s1;
	[tilespmem:s16+$0x16F40] =	vst v3  }
.Ltmp2:
0x37: {  	(pc) =	sbr.rel .LBB2_6-.Ltmp2, $2  }
0x38: {  	_ =	sdelay $0x2  }
0x39: {  	s1 =	simm.s32 $0xB940;
	s17 =	simm.s32 $0xF540;
	s19 =	simm.s32 $0x0  }
.LBB2_9:
0x3a: {  	[tilespmem:s31+$0x0] =	vst v6  }
.LBB2_10:
0x3b: {  	s19 =	sadd.s32 $0x1, s19  }
0x3c: {  	p0 =	sne.s32 s19, $0x20  }
.Ltmp3:
0x3d: {  	_ = 	snop;
	(pc) =	sbr.rel @!p0 .LBB2_11-.Ltmp3, $3  }
0x3e: {  	_ =	sdelay $0x1  }
0x3f: {  	s16 =	sshll.u32 s16, $0x4  }
0x40: {  	s1 =	sadd.s32 $0x1E0, s1;
	s17 =	sadd.s32 $0x1E0, s17;
	s0 =	sadd.s32 s0, s16  }
.LBB2_6:
0x41: {  	s16 =	sshll.u32 s19, $0x5  }
0x42: {  	s16 =	sor.u32 s3, s16  }
0x43: {  	v5 =	vmov s16;
	_ =	sdelay $0x4  }
0x44: {  	v5 =	vld.idx.msk [tilespmem:v5+s13+$0x0], $0xffff;
	_ =	sdelay $0x4  }
0x45: {  	(v2sf) =	vpush v5, $0x0;
	_ =	sdelay $0xe  }
0x46: {  	s30 =	spop (v2sf)  }
0x47: {  	s16 =	sadd.s32 $0xF, s30  }
0x48: {  	s18 =	sand.u32 $0xF, s16  }
0x49: {  	s31 =	sshra.s32 s16, $0x1F;
	p1 =	slt.s32 s16, $0x1;
	p0 =	sne.s32 s18, $0x0  }
0x4a: {  	s18 =	sshrl.u32 s31, $0x1C;
	p0 =	por !p1, !p0  }
0x4b: {  	s16 =	sadd.s32 s18, s16;
	s18 =	simm.s32 $0x1;
	p0 =	por !p0, !p0  }
0x4c: {  	s16 =	sshra.s32 s16, $0x4;
	s18 =	simm.s32 @!p0 $0x0  }
0x4d: {  	s16 =	ssub.s32 s16, s18  }
0x4e: {  	p0 =	slt.s32 s16, $0x1  }
.Ltmp4:
0x4f: {  	_ = 	snop;
	(pc) =	sbr.rel @p0 .LBB2_10-.Ltmp4, $1  }
0x50: {  	_ =	sdelay $0x3  }
0x51: {  	v6 =	vld [tilespmem:s1+$0x0];
	_ =	sdelay $0x1  }
0x52: {  	v5 =	vbroadcast v5, $0x0;
	s25 =	simm.s32 $0x0  }
0x53: {  	s18 =	sshll.u32 s0, $0x2;
	v7 =	vor.u32 s25, v4  }
0x54: {  	s18 =	sshra.s32 s18, $0x2;
	vm1 =	vlt.s32 v7, v5  }
0x55: {  	s28 =	sadd.s32 $0x13140, s18;
	v6 =	vnsel vm1, $0x271F, v6  }
0x56: {  	[tilespmem:s28+$0x0] =	vst v6  }
0x57: {  	p0 =	sne.s32 s16, $0x1;
	v6 =	vld [tilespmem:s17+$0x0]  }
.Ltmp5:
0x58: {  	_ = 	snop;
	(pc) =	sbr.rel @!p0 .LBB2_9-.Ltmp5, $3  }
0x59: {  	_ =	sdelay $0x1  }
0x5a: {  	s26 =	sadd.s32 $0xFFFFFFFF, s16;
	s30 =	smov.u32 s1;
	s31 =	sadd.s32 $0x16F40, s18  }
0x5b: {  	s18 =	smov.u32 s17;
	s29 =	sadd.s32 $0x10, s31;
	s28 =	sadd.s32 $0x10, s28;
	v6 =	vnsel vm1, $0x0, v6  }
.LBB2_8:
0x5c: {  	[tilespmem:s31+$0x0] =	vst v6;
	s30 =	sadd.s32 $0x10, s30;
	s18 =	sadd.s32 $0x10, s18;
	s25 =	sadd.s32 $0x10, s25  }
0x5d: {  	p0 =	sne.s32 s26, $0x1;
	s26 =	sadd.s32 $0xFFFFFFFF, s26;
	s31 =	smov.u32 s29;
	v6 =	vld [tilespmem:s30+$0x0]  }
0x5e: {  	_ =	sdelay $0x1  }
0x5f: {  	v7 =	vor.u32 s25, v4  }
0x60: {  	vm1 =	vlt.s32 v7, v5  }
0x61: {  	v6 =	vnsel vm1, $0x271F, v6  }
0x62: {  	[tilespmem:s28+$0x0] =	vst v6  }
0x63: {  	v6 =	vld [tilespmem:s18+$0x0]  }
.Ltmp6:
0x64: {  	(pc) =	sbr.rel @p0 .LBB2_8-.Ltmp6, $2  }
0x65: {  	_ =	sdelay $0x2  }
0x66: {  	s29 =	sadd.s32 $0x10, s29;
	s28 =	sadd.s32 $0x10, s28;
	v6 =	vnsel vm1, $0x0, v6  }
.Ltmp7:
0x67: {  	_ = 	snop;
	(pc) =	sbr.rel .LBB2_9-.Ltmp7, $1  }
0x68: {  	_ =	sdelay $0x3  }
.LBB2_11:
0x69: {  	s0 =	sadd.s32 $0x3F, s0  }
0x6a: {  	s1 =	sshra.s32 s0, $0x1F  }
0x6b: {  	s16 =	sshrl.u32 s1, $0x1A  }
0x6c: {  	s0 =	sadd.s32 s16, s0  }
0x6d: {  	s0 =	sshra.s32 s0, $0x6  }
0x6e: {  	s25 =	sadd.s32 s1, s0  }
0x6f: {  	p0 =	slt.s32 s25, $0x1  }
0x70: {  	s29 =	sadd.s32 $0x1, s25;
	s0 =	simm.s32 @!p0 $0x40  }
0x71: {  	s1 =	simm.s32 @!p0 $0x13140;
	s16 =	simm.s32 @!p0 $0x1AD40;
	s30 =	sand.u32 $0x1, s29  }
0x72: {  	[tilespmem:s16], [sflag:$0x1] =	stream.indirect.gather @!p0 [hbm4b:s5+s0], $0x80, s1, s0, $0xb8;
	[tilespmem:$0x1EE00] =	vst v63  }
0x73: {  	p6 =	slt.s32 s25, $0x0;
	s16 =	simm.s32 @!p0 $0x1ED40;
	p1 =	seq.s32 s30, $0x1  }
0x74: {  	[tilespmem:s16], [sflag:$0x1] =	stream.indirect.gather @!p0 [hbm4b:s6+s0], $0x1, s1, s0, $0xb8;
	[tilespmem:$0x1EE00] =	vst v63  }
0x75: {  	s31 =	sshrl.u32 s29, $0x1F;
	p0 =	por !p6, !p1  }
0x76: {  	s0 =	sadd.s32 s31, s29;
	s1 =	simm.s32 $0x1;
	p0 =	por !p0, !p0  }
0x77: {  	s0 =	sshra.s32 s0, $0x1;
	s1 =	simm.s32 @!p0 $0x0  }
0x78: {  	s26 =	ssub.s32 s0, s1  }
0x79: {  	p0 =	slt.s32 s26, $0x1  }
.Ltmp8:
0x7a: {  	_ = 	snop;
	(pc) =	sbr.rel @p0 .LBB2_26-.Ltmp8, $1  }
0x7b: {  	_ =	sdelay $0x3  }
.Ltmp9:
0x7c: {  	(pc) =	sbr.rel .LBB2_13-.Ltmp9, $2  }
0x7d: {  	_ =	sdelay $0x2  }
0x7e: {  	s28 =	simm.s32 $0x0;
	s29 =	simm.s32 $0x40;
	s30 =	simm.s32 $0x0  }
.LBB2_25:
0x7f: {  	s30 =	sadd.s32 $0x1, s30  }
0x80: {  	p0 =	sne.s32 s30, s26  }
.Ltmp10:
0x81: {  	_ = 	snop;
	(pc) =	sbr.rel @!p0 .LBB2_26-.Ltmp10, $2  }
0x82: {  	_ =	sdelay $0x2  }
0x83: {  	s28 =	sadd.s32 $0x80, s28;
	s29 =	sadd.s32 $0x80, s29  }
.LBB2_13:
0x84: {  	s31 =	sshllo.u32 s30, $0x1  }
0x85: {  	p0 =	sge.s32 s31, s25  }
0x86: {  	s0 =	sshll.u32 @!p0 s31, $0x8  }
0x87: {  	s0 =	sshra.s32 @!p0 s0, $0x2  }
0x88: {  	s16 =	simm.s32 @!p0 $0x40;
	s1 =	sadd.s32 @!p0 $0x13140, s0;
	s0 =	simm.s32 @!p0 $0x1CD40  }
0x89: {  	[tilespmem:s0], [sflag:$0x2] =	stream.indirect.gather @!p0 [hbm4b:s5+s16], $0x80, s1, s16, $0xb8;
	[tilespmem:$0x1EE00] =	vst v63  }
0x8a: {  	s0 =	sshll.u32 s30, $0x1  }
0x8b: {  	p1 =	sge.s32 s0, s25  }
.Ltmp11:
0x8c: {  	_ = 	snop;
	(pc) =	sbr.rel @p1 .LBB2_19-.Ltmp11, $3  }
0x8d: {  	_ =	sdelay $0x1  }
0x8e: {  	s17 =	simm.s32 @!p0 $0x1ED80  }
0x8f: {  	[tilespmem:s17], [sflag:$0x2] =	stream.indirect.gather @!p0 [hbm4b:s6+s16], $0x1, s1, s16, $0xb8;
	[tilespmem:$0x1EE00] =	vst v63  }
0x90: {  	_ =	swait.ge [sflag:s20], $0x2000  }
0x91: {  	[sflag:s20] =	ssyncset.done $0x0  }
0x92: {  	[sflag:s20] =	ssyncadd.s32 $0xFFFFE000  }
0x93: {  	_ =	swait.ge [sflag:s20], $0x40  }
0x94: {  	s1 =	sshll.u32 s30, $0x9;
	[sflag:s20] =	ssyncset.done $0x0  }
0x95: {  	s1 =	sshra.s32 s1, $0x2;
	[sflag:s20] =	ssyncadd.s32 $0xFFFFFFC0  }
0x96: {  	v5 =	vld [tilespmem:s1+$0x16F40];
	_ =	sdelay $0x4  }
0x97: {  	v5 =	vsub.s32 v5, v0  }
0x98: {  	vm1 =	vgt.s32 v5, $0x0  }
0x99: {  	v5 =	vnsel vm1, $0x0, v5  }
0x9a: {  	v5 =	vmin.u32 v5, $0x13F;
	_ =	sdelay $0x3  }
0x9b: {  	v6 =	vld [tilespmem:$0x1ED40]  }
0x9c: {  	v5 =	vld.idx.msk [tilespmem:v5+s15+$0x0], $0xffff;
	_ =	sdelay $0x4  }
0x9d: {  	v5 =	vadd.f32 v5, v6;
	_ =	sdelay $0x1  }
0x9e: {  	v6 =	vmul.f32 $9.999999770e-03, v5  }
0x9f: {  	vm1 =	vlt.f32 v5, $0.0e+00  }
0xa0: {  	v5 =	vsel vm1, v6, v5  }
0xa1: {  	v5 =	vmul.f32 $1.442695020e+00, v5;
	_ =	sdelay $0x1  }
0xa2: {  	(erf) = vpow2.f32 v5;
	_ =	sdelay $0x8  }
0xa3: {  	v5 =	vpop (erf)  }
0xa4: {  	[tilespmem:$0x1EDC0] =	vst v5  }
0xa5: {  	v5 =	vld [tilespmem:s1+$0x16F50];
	_ =	sdelay $0x4  }
0xa6: {  	v5 =	vsub.s32 v5, v0  }
0xa7: {  	vm1 =	vgt.s32 v5, $0x0  }
0xa8: {  	v5 =	vnsel vm1, $0x0, v5  }
0xa9: {  	v5 =	vmin.u32 v5, $0x13F;
	_ =	sdelay $0x3  }
0xaa: {  	v6 =	vld [tilespmem:$0x1ED50]  }
0xab: {  	v5 =	vld.idx.msk [tilespmem:v5+s15+$0x0], $0xffff;
	_ =	sdelay $0x4  }
0xac: {  	v5 =	vadd.f32 v5, v6;
	_ =	sdelay $0x1  }
0xad: {  	v6 =	vmul.f32 $9.999999770e-03, v5  }
0xae: {  	vm1 =	vlt.f32 v5, $0.0e+00  }
0xaf: {  	v5 =	vsel vm1, v6, v5  }
0xb0: {  	v5 =	vmul.f32 $1.442695020e+00, v5;
	_ =	sdelay $0x1  }
0xb1: {  	(erf) = vpow2.f32 v5;
	_ =	sdelay $0x8  }
0xb2: {  	v5 =	vpop (erf)  }
0xb3: {  	[tilespmem:$0x1EDD0] =	vst v5  }
0xb4: {  	v5 =	vld [tilespmem:s1+$0x16F60];
	_ =	sdelay $0x4  }
0xb5: {  	v5 =	vsub.s32 v5, v0  }
0xb6: {  	vm1 =	vgt.s32 v5, $0x0  }
0xb7: {  	v5 =	vnsel vm1, $0x0, v5  }
0xb8: {  	v5 =	vmin.u32 v5, $0x13F;
	_ =	sdelay $0x3  }
0xb9: {  	v6 =	vld [tilespmem:$0x1ED60]  }
0xba: {  	v5 =	vld.idx.msk [tilespmem:v5+s15+$0x0], $0xffff;
	_ =	sdelay $0x4  }
0xbb: {  	v5 =	vadd.f32 v5, v6;
	_ =	sdelay $0x1  }
0xbc: {  	v6 =	vmul.f32 $9.999999770e-03, v5  }
0xbd: {  	vm1 =	vlt.f32 v5, $0.0e+00  }
0xbe: {  	v5 =	vsel vm1, v6, v5  }
0xbf: {  	v5 =	vmul.f32 $1.442695020e+00, v5;
	_ =	sdelay $0x1  }
0xc0: {  	(erf) = vpow2.f32 v5;
	_ =	sdelay $0x8  }
0xc1: {  	v5 =	vpop (erf)  }
0xc2: {  	[tilespmem:$0x1EDE0] =	vst v5  }
0xc3: {  	v5 =	vld [tilespmem:s1+$0x16F70];
	_ =	sdelay $0x4  }
0xc4: {  	v5 =	vsub.s32 v5, v0  }
0xc5: {  	vm1 =	vgt.s32 v5, $0x0  }
0xc6: {  	v5 =	vnsel vm1, $0x0, v5  }
0xc7: {  	v5 =	vmin.u32 v5, $0x13F;
	_ =	sdelay $0x3  }
0xc8: {  	v6 =	vld [tilespmem:$0x1ED70]  }
0xc9: {  	v5 =	vld.idx.msk [tilespmem:v5+s15+$0x0], $0xffff;
	_ =	sdelay $0x4  }
0xca: {  	v5 =	vadd.f32 v5, v6;
	_ =	sdelay $0x1  }
0xcb: {  	v6 =	vmul.f32 $9.999999770e-03, v5  }
0xcc: {  	vm1 =	vlt.f32 v5, $0.0e+00  }
0xcd: {  	v5 =	vsel vm1, v6, v5  }
0xce: {  	v5 =	vmul.f32 $1.442695020e+00, v5;
	_ =	sdelay $0x1  }
0xcf: {  	(erf) = vpow2.f32 v5;
	_ =	sdelay $0x5  }
.Ltmp12:
0xd0: {  	_ = 	snop;
	(pc) =	sbr.rel .LBB2_15-.Ltmp12, $3  }
0xd1: {  	_ =	sdelay $0x1  }
0xd2: {  	v5 =	vpop (erf)  }
0xd3: {  	s18 =	simm.s32 $0x1ADC0;
	s1 =	simm.s32 $0x0;
	[tilespmem:$0x1EDF0] =	vst v5  }
.LBB2_17:
0xd4: {  	v9 =	vld [tilespmem:s18+$0x0];
	_ =	sdelay $0x4  }
0xd5: {  	v9 =	vmul.f32 v9, v6;
	_ =	sdelay $0x1  }
0xd6: {  	v8 =	vadd.f32 v9, v8;
	_ =	sdelay $0x1  }
0xd7: {  	v7 =	vadd.f32 v8, v7;
	_ =	sdelay $0x1  }
0xd8: {  	[tilespmem:s19+$0x0] =	vst v7  }
0xd9: {  	v7 =	vld [tilespmem:s18+$0xFFFFFF90]  }
0xda: {  	v50 =	vld [tilespmem:s18+$0x10];
	_ =	sdelay $0x3  }
0xdb: {  	v51 =	vld [tilespmem:s19+$0x10]  }
0xdc: {  	v7 =	vmul.f32 v7, v5;
	v8 =	vmul.f32 v50, v6;
	_ =	sdelay $0x1  }
0xdd: {  	v7 =	vadd.f32 v8, v7;
	_ =	sdelay $0x1  }
0xde: {  	v7 =	vadd.f32 v7, v51;
	_ =	sdelay $0x1  }
0xdf: {  	[tilespmem:s19+$0x10] =	vst v7  }
0xe0: {  	v7 =	vld [tilespmem:s18+$0xFFFFFFA0]  }
0xe1: {  	v52 =	vld [tilespmem:s18+$0x20];
	_ =	sdelay $0x3  }
0xe2: {  	v53 =	vld [tilespmem:s19+$0x20]  }
0xe3: {  	v7 =	vmul.f32 v7, v5;
	v8 =	vmul.f32 v52, v6;
	_ =	sdelay $0x1  }
0xe4: {  	v7 =	vadd.f32 v8, v7;
	_ =	sdelay $0x1  }
0xe5: {  	v7 =	vadd.f32 v7, v53;
	_ =	sdelay $0x1  }
0xe6: {  	[tilespmem:s19+$0x20] =	vst v7  }
0xe7: {  	v7 =	vld [tilespmem:s18+$0xFFFFFFB0]  }
0xe8: {  	v54 =	vld [tilespmem:s18+$0x30];
	_ =	sdelay $0x3  }
0xe9: {  	v55 =	vld [tilespmem:s19+$0x30]  }
0xea: {  	v7 =	vmul.f32 v7, v5;
	v8 =	vmul.f32 v54, v6;
	_ =	sdelay $0x1  }
0xeb: {  	v7 =	vadd.f32 v8, v7;
	_ =	sdelay $0x1  }
0xec: {  	v7 =	vadd.f32 v7, v55;
	_ =	sdelay $0x1  }
0xed: {  	[tilespmem:s19+$0x30] =	vst v7  }
0xee: {  	v7 =	vld [tilespmem:s18+$0xFFFFFFC0]  }
0xef: {  	v56 =	vld [tilespmem:s18+$0x40];
	_ =	sdelay $0x3  }
0xf0: {  	v57 =	vld [tilespmem:s19+$0x40]  }
0xf1: {  	v7 =	vmul.f32 v7, v5;
	v8 =	vmul.f32 v56, v6;
	_ =	sdelay $0x1  }
0xf2: {  	v7 =	vadd.f32 v8, v7;
	_ =	sdelay $0x1  }
0xf3: {  	v7 =	vadd.f32 v7, v57;
	_ =	sdelay $0x1  }
0xf4: {  	[tilespmem:s19+$0x40] =	vst v7  }
0xf5: {  	v7 =	vld [tilespmem:s18+$0xFFFFFFD0]  }
0xf6: {  	v58 =	vld [tilespmem:s18+$0x50];
	_ =	sdelay $0x3  }
0xf7: {  	v59 =	vld [tilespmem:s19+$0x50]  }
0xf8: {  	v7 =	vmul.f32 v7, v5;
	v8 =	vmul.f32 v58, v6;
	_ =	sdelay $0x1  }
0xf9: {  	v7 =	vadd.f32 v8, v7;
	_ =	sdelay $0x1  }
0xfa: {  	v7 =	vadd.f32 v7, v59;
	_ =	sdelay $0x1  }
0xfb: {  	[tilespmem:s19+$0x50] =	vst v7  }
0xfc: {  	v7 =	vld [tilespmem:s18+$0xFFFFFFE0]  }
0xfd: {  	v60 =	vld [tilespmem:s18+$0x60];
	_ =	sdelay $0x3  }
0xfe: {  	v61 =	vld [tilespmem:s19+$0x60]  }
0xff: {  	v7 =	vmul.f32 v7, v5;
	v8 =	vmul.f32 v60, v6;
	_ =	sdelay $0x1  }
0x100: {  	v7 =	vadd.f32 v8, v7;
	_ =	sdelay $0x1  }
0x101: {  	v7 =	vadd.f32 v7, v61;
	_ =	sdelay $0x1  }
0x102: {  	[tilespmem:s19+$0x60] =	vst v7  }
0x103: {  	v7 =	vld [tilespmem:s18+$0xFFFFFFF0]  }
0x104: {  	v62 =	vld [tilespmem:s18+$0x70];
	_ =	sdelay $0x2  }
0x105: {  	v10 =	vld [tilespmem:s19+$0x80]  }
0x106: {  	v63 =	vld [tilespmem:s19+$0x70]  }
0x107: {  	v7 =	vmul.f32 v7, v5;
	v8 =	vmul.f32 v62, v6;
	v5 =	vadd.f32 v6, v5;
	_ =	sdelay $0x1  }
0x108: {  	v7 =	vadd.f32 v8, v7;
	v5 =	vnsel vm0, $0x0, v5  }
0x109: {  	v5 =	vadd.f32 v10, v5  }
0x10a: {  	v6 =	vadd.f32 v7, v63  }
0x10b: {  	[tilespmem:s19+$0x80] =	vst v5  }
0x10c: {  	[tilespmem:s19+$0x70] =	vst v6  }
.LBB2_18:
0x10d: {  	s1 =	sadd.s32 $0x2, s1  }
0x10e: {  	p1 =	sne.s32 s1, $0x40  }
.Ltmp13:
0x10f: {  	_ = 	snop;
	(pc) =	sbr.rel @!p1 .LBB2_19-.Ltmp13, $2  }
0x110: {  	_ =	sdelay $0x2  }
0x111: {  	s18 =	sadd.s32 $0x100, s18  }
.LBB2_15:
0x112: {  	s16 =	sadd.s32 s1, s28  }
0x113: {  	v5 =	vmov s16  }
0x114: {  	v6 =	vor.u32 $0x1, v5;
	_ =	sdelay $0x3  }
0x115: {  	v5 =	vld.idx.msk [tilespmem:v5+s22+$0x0], $0xffff  }
0x116: {  	v6 =	vld.idx.msk [tilespmem:v6+s22+$0x0], $0xffff;
	_ =	sdelay $0x3  }
0x117: {  	(v2sf) =	vpush v5, $0x0  }
0x118: {  	(v2sf) =	vpush v6, $0x0;
	_ =	sdelay $0xd  }
0x119: {  	v6 =	vmov s1;
	s19 =	spop (v2sf)  }
0x11a: {  	s16 =	ssub.s32 s19, s4;
	s17 =	spop (v2sf)  }
0x11b: {  	p1 =	sgt.s32 s16, $0x0;
	s17 =	ssub.s32 s17, s4  }
0x11c: {  	s16 =	simm.s32 @!p1 $0x0;
	p1 =	sgt.s32 s17, $0x0  }
0x11d: {  	s17 =	simm.s32 @!p1 $0x0  }
0x11e: {  	v5 =	vld.idx.msk [tilespmem:v6+s21+$0x0], $0xffff;
	v6 =	vor.u32 $0x1, v6;
	s19 =	smin.u32 s16, $0x13F;
	s16 =	smin.u32 s17, $0x13F  }
0x11f: {  	v8 =	vld [tilespmem:s18+$0xFFFFFF80];
	p1 =	seq.s32 s19, s16  }
.Ltmp14:
0x120: {  	_ = 	snop;
	(pc) =	sbr.rel @p1 .LBB2_17-.Ltmp14, $3  }
0x121: {  	s7 =	smul.u32 $0x240, s19;
	_ =	sdelay $0x1  }
0x122: {  	v6 =	vld.idx.msk [tilespmem:v6+s21+$0x0], $0xffff;
	s19 =	sshrl.u32 s7, $0x2  }
0x123: {  	v8 =	vmul.f32 v8, v5;
	v7 =	vld [tilespmem:s19+$0x0]  }
0x124: {  	_ =	sdelay $0x3  }
0x125: {  	v7 =	vadd.f32 v8, v7;
	_ =	sdelay $0x1  }
0x126: {  	s7 =	smul.u32 $0x240, s16;
	[tilespmem:s19+$0x0] =	vst v7  }
0x127: {  	v7 =	vld [tilespmem:s18+$0x0]  }
0x128: {  	s16 =	sshrl.u32 s7, $0x2  }
0x129: {  	v49 =	vld [tilespmem:s16+$0x0];
	_ =	sdelay $0x2  }
0x12a: {  	v7 =	vmul.f32 v7, v6;
	_ =	sdelay $0x1  }
0x12b: {  	v7 =	vadd.f32 v7, v49;
	_ =	sdelay $0x1  }
0x12c: {  	[tilespmem:s16+$0x0] =	vst v7  }
0x12d: {  	v7 =	vld [tilespmem:s18+$0xFFFFFF90];
	_ =	sdelay $0x1  }
0x12e: {  	v50 =	vld [tilespmem:s19+$0x10];
	_ =	sdelay $0x2  }
0x12f: {  	v7 =	vmul.f32 v7, v5;
	_ =	sdelay $0x1  }
0x130: {  	v7 =	vadd.f32 v7, v50;
	_ =	sdelay $0x1  }
0x131: {  	[tilespmem:s19+$0x10] =	vst v7  }
0x132: {  	v7 =	vld [tilespmem:s18+$0x10];
	_ =	sdelay $0x1  }
0x133: {  	v51 =	vld [tilespmem:s16+$0x10];
	_ =	sdelay $0x2  }
0x134: {  	v7 =	vmul.f32 v7, v6;
	_ =	sdelay $0x1  }
0x135: {  	v7 =	vadd.f32 v7, v51;
	_ =	sdelay $0x1  }
0x136: {  	[tilespmem:s16+$0x10] =	vst v7  }
0x137: {  	v7 =	vld [tilespmem:s18+$0xFFFFFFA0];
	_ =	sdelay $0x1  }
0x138: {  	v52 =	vld [tilespmem:s19+$0x20];
	_ =	sdelay $0x2  }
0x139: {  	v7 =	vmul.f32 v7, v5;
	_ =	sdelay $0x1  }
0x13a: {  	v7 =	vadd.f32 v7, v52;
	_ =	sdelay $0x1  }
0x13b: {  	[tilespmem:s19+$0x20] =	vst v7  }
0x13c: {  	v7 =	vld [tilespmem:s18+$0x20];
	_ =	sdelay $0x1  }
0x13d: {  	v53 =	vld [tilespmem:s16+$0x20];
	_ =	sdelay $0x2  }
0x13e: {  	v7 =	vmul.f32 v7, v6;
	_ =	sdelay $0x1  }
0x13f: {  	v7 =	vadd.f32 v7, v53;
	_ =	sdelay $0x1  }
0x140: {  	[tilespmem:s16+$0x20] =	vst v7  }
0x141: {  	v7 =	vld [tilespmem:s18+$0xFFFFFFB0];
	_ =	sdelay $0x1  }
0x142: {  	v54 =	vld [tilespmem:s19+$0x30];
	_ =	sdelay $0x2  }
0x143: {  	v7 =	vmul.f32 v7, v5;
	_ =	sdelay $0x1  }
0x144: {  	v7 =	vadd.f32 v7, v54;
	_ =	sdelay $0x1  }
0x145: {  	[tilespmem:s19+$0x30] =	vst v7  }
0x146: {  	v7 =	vld [tilespmem:s18+$0x30];
	_ =	sdelay $0x1  }
0x147: {  	v55 =	vld [tilespmem:s16+$0x30];
	_ =	sdelay $0x2  }
0x148: {  	v7 =	vmul.f32 v7, v6;
	_ =	sdelay $0x1  }
0x149: {  	v7 =	vadd.f32 v7, v55;
	_ =	sdelay $0x1  }
0x14a: {  	[tilespmem:s16+$0x30] =	vst v7  }
0x14b: {  	v7 =	vld [tilespmem:s18+$0xFFFFFFC0];
	_ =	sdelay $0x1  }
0x14c: {  	v56 =	vld [tilespmem:s19+$0x40];
	_ =	sdelay $0x2  }
0x14d: {  	v7 =	vmul.f32 v7, v5;
	_ =	sdelay $0x1  }
0x14e: {  	v7 =	vadd.f32 v7, v56;
	_ =	sdelay $0x1  }
0x14f: {  	[tilespmem:s19+$0x40] =	vst v7  }
0x150: {  	v7 =	vld [tilespmem:s18+$0x40];
	_ =	sdelay $0x1  }
0x151: {  	v57 =	vld [tilespmem:s16+$0x40];
	_ =	sdelay $0x2  }
0x152: {  	v7 =	vmul.f32 v7, v6;
	_ =	sdelay $0x1  }
0x153: {  	v7 =	vadd.f32 v7, v57;
	_ =	sdelay $0x1  }
0x154: {  	[tilespmem:s16+$0x40] =	vst v7  }
0x155: {  	v7 =	vld [tilespmem:s18+$0xFFFFFFD0];
	_ =	sdelay $0x1  }
0x156: {  	v58 =	vld [tilespmem:s19+$0x50];
	_ =	sdelay $0x2  }
0x157: {  	v7 =	vmul.f32 v7, v5;
	_ =	sdelay $0x1  }
0x158: {  	v7 =	vadd.f32 v7, v58;
	_ =	sdelay $0x1  }
0x159: {  	[tilespmem:s19+$0x50] =	vst v7  }
0x15a: {  	v7 =	vld [tilespmem:s18+$0x50];
	_ =	sdelay $0x1  }
0x15b: {  	v59 =	vld [tilespmem:s16+$0x50];
	_ =	sdelay $0x2  }
0x15c: {  	v7 =	vmul.f32 v7, v6;
	_ =	sdelay $0x1  }
0x15d: {  	v7 =	vadd.f32 v7, v59;
	_ =	sdelay $0x1  }
0x15e: {  	[tilespmem:s16+$0x50] =	vst v7  }
0x15f: {  	v7 =	vld [tilespmem:s18+$0xFFFFFFE0];
	_ =	sdelay $0x1  }
0x160: {  	v60 =	vld [tilespmem:s19+$0x60];
	_ =	sdelay $0x2  }
0x161: {  	v7 =	vmul.f32 v7, v5;
	_ =	sdelay $0x1  }
0x162: {  	v7 =	vadd.f32 v7, v60;
	_ =	sdelay $0x1  }
0x163: {  	[tilespmem:s19+$0x60] =	vst v7  }
0x164: {  	v7 =	vld [tilespmem:s18+$0x60];
	_ =	sdelay $0x1  }
0x165: {  	v61 =	vld [tilespmem:s16+$0x60];
	_ =	sdelay $0x2  }
0x166: {  	v7 =	vmul.f32 v7, v6;
	_ =	sdelay $0x1  }
0x167: {  	v7 =	vadd.f32 v7, v61;
	_ =	sdelay $0x1  }
0x168: {  	[tilespmem:s16+$0x60] =	vst v7  }
0x169: {  	v7 =	vld [tilespmem:s18+$0xFFFFFFF0];
	_ =	sdelay $0x1  }
0x16a: {  	v62 =	vld [tilespmem:s19+$0x70];
	_ =	sdelay $0x2  }
0x16b: {  	v7 =	vmul.f32 v7, v5;
	_ =	sdelay $0x1  }
0x16c: {  	v7 =	vadd.f32 v7, v62;
	_ =	sdelay $0x1  }
0x16d: {  	[tilespmem:s19+$0x70] =	vst v7  }
0x16e: {  	v7 =	vld [tilespmem:s18+$0x70];
	_ =	sdelay $0x1  }
0x16f: {  	v63 =	vld [tilespmem:s16+$0x70];
	_ =	sdelay $0x2  }
0x170: {  	v7 =	vmul.f32 v7, v6;
	_ =	sdelay $0x1  }
0x171: {  	v7 =	vadd.f32 v7, v63;
	_ =	sdelay $0x1  }
0x172: {  	[tilespmem:s16+$0x70] =	vst v7  }
0x173: {  	v7 =	vld [tilespmem:s19+$0x80];
	_ =	sdelay $0x3  }
0x174: {  	v5 =	vnsel vm0, $0x0, v5  }
0x175: {  	v5 =	vadd.f32 v7, v5;
	_ =	sdelay $0x1  }
0x176: {  	[tilespmem:s19+$0x80] =	vst v5  }
0x177: {  	v5 =	vld [tilespmem:s16+$0x80];
	_ =	sdelay $0x2  }
.Ltmp15:
0x178: {  	_ = 	snop;
	(pc) =	sbr.rel .LBB2_18-.Ltmp15, $3  }
0x179: {  	v6 =	vnsel vm0, $0x0, v6  }
0x17a: {  	v5 =	vadd.f32 v5, v6;
	_ =	sdelay $0x1  }
0x17b: {  	[tilespmem:s16+$0x80] =	vst v5  }
.LBB2_19:
0x17c: {  	s0 =	sadd.s32 $0x2, s0  }
0x17d: {  	p1 =	sge.s32 s0, s25  }
0x17e: {  	s0 =	sshll.u32 @!p1 s0, $0x8  }
.Ltmp16:
0x17f: {  	s0 =	sshra.s32 @!p1 s0, $0x2;
	(pc) =	sbr.rel @p0 .LBB2_25-.Ltmp16, $4  }
0x180: {  	s1 =	simm.s32 @!p1 $0x40;
	s7 =	simm.s32 @!p1 $0x1AD40;
	s0 =	sadd.s32 @!p1 $0x13140, s0  }
0x181: {  	[tilespmem:s7], [sflag:$0x1] =	stream.indirect.gather @!p1 [hbm4b:s5+s1], $0x80, s0, s1, $0xb8;
	[tilespmem:$0x1EE00] =	vst v63  }
0x182: {  	s7 =	simm.s32 @!p1 $0x1ED40  }
0x183: {  	[tilespmem:s7], [sflag:$0x1] =	stream.indirect.gather @!p1 [hbm4b:s6+s1], $0x1, s0, s1, $0xb8;
	[tilespmem:$0x1EE00] =	vst v63  }
0x184: {  	_ =	swait.ge [sflag:s23], $0x2000  }
0x185: {  	[sflag:s23] =	ssyncset.done $0x0  }
0x186: {  	[sflag:s23] =	ssyncadd.s32 $0xFFFFE000  }
0x187: {  	_ =	swait.ge [sflag:s23], $0x40  }
0x188: {  	s0 =	sshll.u32 s31, $0x8;
	[sflag:s23] =	ssyncset.done $0x0  }
0x189: {  	s0 =	sshra.s32 s0, $0x2;
	[sflag:s23] =	ssyncadd.s32 $0xFFFFFFC0  }
0x18a: {  	v5 =	vld [tilespmem:s0+$0x16F40];
	_ =	sdelay $0x4  }
0x18b: {  	v5 =	vsub.s32 v5, v0  }
0x18c: {  	vm1 =	vgt.s32 v5, $0x0  }
0x18d: {  	v5 =	vnsel vm1, $0x0, v5  }
0x18e: {  	v5 =	vmin.u32 v5, $0x13F;
	_ =	sdelay $0x3  }
0x18f: {  	v6 =	vld [tilespmem:$0x1ED80]  }
0x190: {  	v5 =	vld.idx.msk [tilespmem:v5+s15+$0x0], $0xffff;
	_ =	sdelay $0x4  }
0x191: {  	v5 =	vadd.f32 v5, v6;
	_ =	sdelay $0x1  }
0x192: {  	v6 =	vmul.f32 $9.999999770e-03, v5  }
0x193: {  	vm1 =	vlt.f32 v5, $0.0e+00  }
0x194: {  	v5 =	vsel vm1, v6, v5  }
0x195: {  	v5 =	vmul.f32 $1.442695020e+00, v5;
	_ =	sdelay $0x1  }
0x196: {  	(erf) = vpow2.f32 v5;
	_ =	sdelay $0x8  }
0x197: {  	v5 =	vpop (erf)  }
0x198: {  	[tilespmem:$0x1EDC0] =	vst v5  }
0x199: {  	v5 =	vld [tilespmem:s0+$0x16F50];
	_ =	sdelay $0x4  }
0x19a: {  	v5 =	vsub.s32 v5, v0  }
0x19b: {  	vm1 =	vgt.s32 v5, $0x0  }
0x19c: {  	v5 =	vnsel vm1, $0x0, v5  }
0x19d: {  	v5 =	vmin.u32 v5, $0x13F;
	_ =	sdelay $0x3  }
0x19e: {  	v6 =	vld [tilespmem:$0x1ED90]  }
0x19f: {  	v5 =	vld.idx.msk [tilespmem:v5+s15+$0x0], $0xffff;
	_ =	sdelay $0x4  }
0x1a0: {  	v5 =	vadd.f32 v5, v6;
	_ =	sdelay $0x1  }
0x1a1: {  	v6 =	vmul.f32 $9.999999770e-03, v5  }
0x1a2: {  	vm1 =	vlt.f32 v5, $0.0e+00  }
0x1a3: {  	v5 =	vsel vm1, v6, v5  }
0x1a4: {  	v5 =	vmul.f32 $1.442695020e+00, v5;
	_ =	sdelay $0x1  }
0x1a5: {  	(erf) = vpow2.f32 v5;
	_ =	sdelay $0x8  }
0x1a6: {  	v5 =	vpop (erf)  }
0x1a7: {  	[tilespmem:$0x1EDD0] =	vst v5  }
0x1a8: {  	v5 =	vld [tilespmem:s0+$0x16F60];
	_ =	sdelay $0x4  }
0x1a9: {  	v5 =	vsub.s32 v5, v0  }
0x1aa: {  	vm1 =	vgt.s32 v5, $0x0  }
0x1ab: {  	v5 =	vnsel vm1, $0x0, v5  }
0x1ac: {  	v5 =	vmin.u32 v5, $0x13F;
	_ =	sdelay $0x3  }
0x1ad: {  	v6 =	vld [tilespmem:$0x1EDA0]  }
0x1ae: {  	v5 =	vld.idx.msk [tilespmem:v5+s15+$0x0], $0xffff;
	_ =	sdelay $0x4  }
0x1af: {  	v5 =	vadd.f32 v5, v6;
	_ =	sdelay $0x1  }
0x1b0: {  	v6 =	vmul.f32 $9.999999770e-03, v5  }
0x1b1: {  	vm1 =	vlt.f32 v5, $0.0e+00  }
0x1b2: {  	v5 =	vsel vm1, v6, v5  }
0x1b3: {  	v5 =	vmul.f32 $1.442695020e+00, v5;
	_ =	sdelay $0x1  }
0x1b4: {  	(erf) = vpow2.f32 v5;
	_ =	sdelay $0x8  }
0x1b5: {  	v5 =	vpop (erf)  }
0x1b6: {  	[tilespmem:$0x1EDE0] =	vst v5  }
0x1b7: {  	v5 =	vld [tilespmem:s0+$0x16F70];
	_ =	sdelay $0x4  }
0x1b8: {  	v5 =	vsub.s32 v5, v0  }
0x1b9: {  	vm1 =	vgt.s32 v5, $0x0  }
0x1ba: {  	v5 =	vnsel vm1, $0x0, v5  }
0x1bb: {  	v5 =	vmin.u32 v5, $0x13F;
	_ =	sdelay $0x3  }
0x1bc: {  	v6 =	vld [tilespmem:$0x1EDB0]  }
0x1bd: {  	v5 =	vld.idx.msk [tilespmem:v5+s15+$0x0], $0xffff;
	_ =	sdelay $0x4  }
0x1be: {  	v5 =	vadd.f32 v5, v6;
	_ =	sdelay $0x1  }
0x1bf: {  	v6 =	vmul.f32 $9.999999770e-03, v5  }
0x1c0: {  	vm1 =	vlt.f32 v5, $0.0e+00  }
0x1c1: {  	v5 =	vsel vm1, v6, v5  }
0x1c2: {  	v5 =	vmul.f32 $1.442695020e+00, v5;
	_ =	sdelay $0x1  }
0x1c3: {  	(erf) = vpow2.f32 v5;
	_ =	sdelay $0x5  }
.Ltmp17:
0x1c4: {  	_ = 	snop;
	(pc) =	sbr.rel .LBB2_21-.Ltmp17, $3  }
0x1c5: {  	_ =	sdelay $0x1  }
0x1c6: {  	v5 =	vpop (erf)  }
0x1c7: {  	s1 =	simm.s32 $0x1CE30;
	s0 =	simm.s32 $0x0;
	[tilespmem:$0x1EDF0] =	vst v5  }
.LBB2_23:
0x1c8: {  	v9 =	vld [tilespmem:s1+$0xFFFFFF90];
	_ =	sdelay $0x4  }
0x1c9: {  	v9 =	vmul.f32 v9, v6;
	_ =	sdelay $0x1  }
0x1ca: {  	v8 =	vadd.f32 v9, v8;
	_ =	sdelay $0x1  }
0x1cb: {  	v7 =	vadd.f32 v8, v7;
	_ =	sdelay $0x1  }
0x1cc: {  	[tilespmem:s18+$0x0] =	vst v7  }
0x1cd: {  	v7 =	vld [tilespmem:s1+$0xFFFFFF20]  }
0x1ce: {  	v50 =	vld [tilespmem:s1+$0xFFFFFFA0];
	_ =	sdelay $0x3  }
0x1cf: {  	v51 =	vld [tilespmem:s18+$0x10]  }
0x1d0: {  	v7 =	vmul.f32 v7, v5;
	v8 =	vmul.f32 v50, v6;
	_ =	sdelay $0x1  }
0x1d1: {  	v7 =	vadd.f32 v8, v7;
	_ =	sdelay $0x1  }
0x1d2: {  	v7 =	vadd.f32 v7, v51;
	_ =	sdelay $0x1  }
0x1d3: {  	[tilespmem:s18+$0x10] =	vst v7  }
0x1d4: {  	v7 =	vld [tilespmem:s1+$0xFFFFFF30]  }
0x1d5: {  	v52 =	vld [tilespmem:s1+$0xFFFFFFB0];
	_ =	sdelay $0x3  }
0x1d6: {  	v53 =	vld [tilespmem:s18+$0x20]  }
0x1d7: {  	v7 =	vmul.f32 v7, v5;
	v8 =	vmul.f32 v52, v6;
	_ =	sdelay $0x1  }
0x1d8: {  	v7 =	vadd.f32 v8, v7;
	_ =	sdelay $0x1  }
0x1d9: {  	v7 =	vadd.f32 v7, v53;
	_ =	sdelay $0x1  }
0x1da: {  	[tilespmem:s18+$0x20] =	vst v7  }
0x1db: {  	v7 =	vld [tilespmem:s1+$0xFFFFFF40]  }
0x1dc: {  	v54 =	vld [tilespmem:s1+$0xFFFFFFC0];
	_ =	sdelay $0x3  }
0x1dd: {  	v55 =	vld [tilespmem:s18+$0x30]  }
0x1de: {  	v7 =	vmul.f32 v7, v5;
	v8 =	vmul.f32 v54, v6;
	_ =	sdelay $0x1  }
0x1df: {  	v7 =	vadd.f32 v8, v7;
	_ =	sdelay $0x1  }
0x1e0: {  	v7 =	vadd.f32 v7, v55;
	_ =	sdelay $0x1  }
0x1e1: {  	[tilespmem:s18+$0x30] =	vst v7  }
0x1e2: {  	v7 =	vld [tilespmem:s1+$0xFFFFFF50]  }
0x1e3: {  	v56 =	vld [tilespmem:s1+$0xFFFFFFD0];
	_ =	sdelay $0x3  }
0x1e4: {  	v57 =	vld [tilespmem:s18+$0x40]  }
0x1e5: {  	v7 =	vmul.f32 v7, v5;
	v8 =	vmul.f32 v56, v6;
	_ =	sdelay $0x1  }
0x1e6: {  	v7 =	vadd.f32 v8, v7;
	_ =	sdelay $0x1  }
0x1e7: {  	v7 =	vadd.f32 v7, v57;
	_ =	sdelay $0x1  }
0x1e8: {  	[tilespmem:s18+$0x40] =	vst v7  }
0x1e9: {  	v7 =	vld [tilespmem:s1+$0xFFFFFF60]  }
0x1ea: {  	v58 =	vld [tilespmem:s1+$0xFFFFFFE0];
	_ =	sdelay $0x3  }
0x1eb: {  	v59 =	vld [tilespmem:s18+$0x50]  }
0x1ec: {  	v7 =	vmul.f32 v7, v5;
	v8 =	vmul.f32 v58, v6;
	_ =	sdelay $0x1  }
0x1ed: {  	v7 =	vadd.f32 v8, v7;
	_ =	sdelay $0x1  }
0x1ee: {  	v7 =	vadd.f32 v7, v59;
	_ =	sdelay $0x1  }
0x1ef: {  	[tilespmem:s18+$0x50] =	vst v7  }
0x1f0: {  	v7 =	vld [tilespmem:s1+$0xFFFFFF70]  }
0x1f1: {  	v60 =	vld [tilespmem:s1+$0xFFFFFFF0];
	_ =	sdelay $0x3  }
0x1f2: {  	v61 =	vld [tilespmem:s18+$0x60]  }
0x1f3: {  	v7 =	vmul.f32 v7, v5;
	v8 =	vmul.f32 v60, v6;
	_ =	sdelay $0x1  }
0x1f4: {  	v7 =	vadd.f32 v8, v7;
	_ =	sdelay $0x1  }
0x1f5: {  	v7 =	vadd.f32 v7, v61;
	_ =	sdelay $0x1  }
0x1f6: {  	[tilespmem:s18+$0x60] =	vst v7  }
0x1f7: {  	v7 =	vld [tilespmem:s1+$0xFFFFFF80]  }
0x1f8: {  	v62 =	vld [tilespmem:s1+$0x0];
	_ =	sdelay $0x2  }
0x1f9: {  	v10 =	vld [tilespmem:s18+$0x80]  }
0x1fa: {  	v63 =	vld [tilespmem:s18+$0x70]  }
0x1fb: {  	v7 =	vmul.f32 v7, v5;
	v8 =	vmul.f32 v62, v6;
	v5 =	vadd.f32 v6, v5;
	_ =	sdelay $0x1  }
0x1fc: {  	v7 =	vadd.f32 v8, v7;
	v5 =	vnsel vm0, $0x0, v5  }
0x1fd: {  	v5 =	vadd.f32 v10, v5  }
0x1fe: {  	v6 =	vadd.f32 v7, v63  }
0x1ff: {  	[tilespmem:s18+$0x80] =	vst v5  }
0x200: {  	[tilespmem:s18+$0x70] =	vst v6  }
.LBB2_24:
0x201: {  	s0 =	sadd.s32 $0x2, s0  }
0x202: {  	p0 =	sne.s32 s0, $0x40  }
.Ltmp18:
0x203: {  	_ = 	snop;
	(pc) =	sbr.rel @!p0 .LBB2_25-.Ltmp18, $2  }
0x204: {  	_ =	sdelay $0x2  }
0x205: {  	s1 =	sadd.s32 $0x100, s1  }
.LBB2_21:
0x206: {  	s7 =	sadd.s32 s0, s29  }
0x207: {  	v5 =	vmov s7  }
0x208: {  	v6 =	vor.u32 $0x1, v5;
	_ =	sdelay $0x3  }
0x209: {  	v5 =	vld.idx.msk [tilespmem:v5+s22+$0x0], $0xffff  }
0x20a: {  	v6 =	vld.idx.msk [tilespmem:v6+s22+$0x0], $0xffff;
	_ =	sdelay $0x3  }
0x20b: {  	(v2sf) =	vpush v5, $0x0  }
0x20c: {  	(v2sf) =	vpush v6, $0x0;
	_ =	sdelay $0xd  }
0x20d: {  	v6 =	vmov s0;
	s31 =	spop (v2sf)  }
0x20e: {  	s7 =	ssub.s32 s31, s4;
	s16 =	spop (v2sf)  }
0x20f: {  	p0 =	sgt.s32 s7, $0x0;
	s16 =	ssub.s32 s16, s4  }
0x210: {  	s7 =	simm.s32 @!p0 $0x0;
	p0 =	sgt.s32 s16, $0x0  }
0x211: {  	s16 =	simm.s32 @!p0 $0x0  }
0x212: {  	v5 =	vld.idx.msk [tilespmem:v6+s21+$0x0], $0xffff;
	v6 =	vor.u32 $0x1, v6;
	s7 =	smin.u32 s7, $0x13F;
	s16 =	smin.u32 s16, $0x13F  }
0x213: {  	v8 =	vld [tilespmem:s1+$0xFFFFFF10];
	p0 =	seq.s32 s7, s16  }
.Ltmp19:
0x214: {  	_ = 	snop;
	(pc) =	sbr.rel @p0 .LBB2_23-.Ltmp19, $3  }
0x215: {  	s17 =	smul.u32 $0x240, s7;
	_ =	sdelay $0x1  }
0x216: {  	v6 =	vld.idx.msk [tilespmem:v6+s21+$0x0], $0xffff;
	s18 =	sshrl.u32 s17, $0x2  }
0x217: {  	v8 =	vmul.f32 v8, v5;
	v7 =	vld [tilespmem:s18+$0x0]  }
0x218: {  	_ =	sdelay $0x3  }
0x219: {  	v7 =	vadd.f32 v8, v7;
	_ =	sdelay $0x1  }
0x21a: {  	s7 =	smul.u32 $0x240, s16;
	[tilespmem:s18+$0x0] =	vst v7  }
0x21b: {  	v7 =	vld [tilespmem:s1+$0xFFFFFF90]  }
0x21c: {  	s16 =	sshrl.u32 s7, $0x2  }
0x21d: {  	v49 =	vld [tilespmem:s16+$0x0];
	_ =	sdelay $0x2  }
0x21e: {  	v7 =	vmul.f32 v7, v6;
	_ =	sdelay $0x1  }
0x21f: {  	v7 =	vadd.f32 v7, v49;
	_ =	sdelay $0x1  }
0x220: {  	[tilespmem:s16+$0x0] =	vst v7  }
0x221: {  	v7 =	vld [tilespmem:s1+$0xFFFFFF20];
	_ =	sdelay $0x1  }
0x222: {  	v50 =	vld [tilespmem:s18+$0x10];
	_ =	sdelay $0x2  }
0x223: {  	v7 =	vmul.f32 v7, v5;
	_ =	sdelay $0x1  }
0x224: {  	v7 =	vadd.f32 v7, v50;
	_ =	sdelay $0x1  }
0x225: {  	[tilespmem:s18+$0x10] =	vst v7  }
0x226: {  	v7 =	vld [tilespmem:s1+$0xFFFFFFA0];
	_ =	sdelay $0x1  }
0x227: {  	v51 =	vld [tilespmem:s16+$0x10];
	_ =	sdelay $0x2  }
0x228: {  	v7 =	vmul.f32 v7, v6;
	_ =	sdelay $0x1  }
0x229: {  	v7 =	vadd.f32 v7, v51;
	_ =	sdelay $0x1  }
0x22a: {  	[tilespmem:s16+$0x10] =	vst v7  }
0x22b: {  	v7 =	vld [tilespmem:s1+$0xFFFFFF30];
	_ =	sdelay $0x1  }
0x22c: {  	v52 =	vld [tilespmem:s18+$0x20];
	_ =	sdelay $0x2  }
0x22d: {  	v7 =	vmul.f32 v7, v5;
	_ =	sdelay $0x1  }
0x22e: {  	v7 =	vadd.f32 v7, v52;
	_ =	sdelay $0x1  }
0x22f: {  	[tilespmem:s18+$0x20] =	vst v7  }
0x230: {  	v7 =	vld [tilespmem:s1+$0xFFFFFFB0];
	_ =	sdelay $0x1  }
0x231: {  	v53 =	vld [tilespmem:s16+$0x20];
	_ =	sdelay $0x2  }
0x232: {  	v7 =	vmul.f32 v7, v6;
	_ =	sdelay $0x1  }
0x233: {  	v7 =	vadd.f32 v7, v53;
	_ =	sdelay $0x1  }
0x234: {  	[tilespmem:s16+$0x20] =	vst v7  }
0x235: {  	v7 =	vld [tilespmem:s1+$0xFFFFFF40];
	_ =	sdelay $0x1  }
0x236: {  	v54 =	vld [tilespmem:s18+$0x30];
	_ =	sdelay $0x2  }
0x237: {  	v7 =	vmul.f32 v7, v5;
	_ =	sdelay $0x1  }
0x238: {  	v7 =	vadd.f32 v7, v54;
	_ =	sdelay $0x1  }
0x239: {  	[tilespmem:s18+$0x30] =	vst v7  }
0x23a: {  	v7 =	vld [tilespmem:s1+$0xFFFFFFC0];
	_ =	sdelay $0x1  }
0x23b: {  	v55 =	vld [tilespmem:s16+$0x30];
	_ =	sdelay $0x2  }
0x23c: {  	v7 =	vmul.f32 v7, v6;
	_ =	sdelay $0x1  }
0x23d: {  	v7 =	vadd.f32 v7, v55;
	_ =	sdelay $0x1  }
0x23e: {  	[tilespmem:s16+$0x30] =	vst v7  }
0x23f: {  	v7 =	vld [tilespmem:s1+$0xFFFFFF50];
	_ =	sdelay $0x1  }
0x240: {  	v56 =	vld [tilespmem:s18+$0x40];
	_ =	sdelay $0x2  }
0x241: {  	v7 =	vmul.f32 v7, v5;
	_ =	sdelay $0x1  }
0x242: {  	v7 =	vadd.f32 v7, v56;
	_ =	sdelay $0x1  }
0x243: {  	[tilespmem:s18+$0x40] =	vst v7  }
0x244: {  	v7 =	vld [tilespmem:s1+$0xFFFFFFD0];
	_ =	sdelay $0x1  }
0x245: {  	v57 =	vld [tilespmem:s16+$0x40];
	_ =	sdelay $0x2  }
0x246: {  	v7 =	vmul.f32 v7, v6;
	_ =	sdelay $0x1  }
0x247: {  	v7 =	vadd.f32 v7, v57;
	_ =	sdelay $0x1  }
0x248: {  	[tilespmem:s16+$0x40] =	vst v7  }
0x249: {  	v7 =	vld [tilespmem:s1+$0xFFFFFF60];
	_ =	sdelay $0x1  }
0x24a: {  	v58 =	vld [tilespmem:s18+$0x50];
	_ =	sdelay $0x2  }
0x24b: {  	v7 =	vmul.f32 v7, v5;
	_ =	sdelay $0x1  }
0x24c: {  	v7 =	vadd.f32 v7, v58;
	_ =	sdelay $0x1  }
0x24d: {  	[tilespmem:s18+$0x50] =	vst v7  }
0x24e: {  	v7 =	vld [tilespmem:s1+$0xFFFFFFE0];
	_ =	sdelay $0x1  }
0x24f: {  	v59 =	vld [tilespmem:s16+$0x50];
	_ =	sdelay $0x2  }
0x250: {  	v7 =	vmul.f32 v7, v6;
	_ =	sdelay $0x1  }
0x251: {  	v7 =	vadd.f32 v7, v59;
	_ =	sdelay $0x1  }
0x252: {  	[tilespmem:s16+$0x50] =	vst v7  }
0x253: {  	v7 =	vld [tilespmem:s1+$0xFFFFFF70];
	_ =	sdelay $0x1  }
0x254: {  	v60 =	vld [tilespmem:s18+$0x60];
	_ =	sdelay $0x2  }
0x255: {  	v7 =	vmul.f32 v7, v5;
	_ =	sdelay $0x1  }
0x256: {  	v7 =	vadd.f32 v7, v60;
	_ =	sdelay $0x1  }
0x257: {  	[tilespmem:s18+$0x60] =	vst v7  }
0x258: {  	v7 =	vld [tilespmem:s1+$0xFFFFFFF0];
	_ =	sdelay $0x1  }
0x259: {  	v61 =	vld [tilespmem:s16+$0x60];
	_ =	sdelay $0x2  }
0x25a: {  	v7 =	vmul.f32 v7, v6;
	_ =	sdelay $0x1  }
0x25b: {  	v7 =	vadd.f32 v7, v61;
	_ =	sdelay $0x1  }
0x25c: {  	[tilespmem:s16+$0x60] =	vst v7  }
0x25d: {  	v7 =	vld [tilespmem:s1+$0xFFFFFF80];
	_ =	sdelay $0x1  }
0x25e: {  	v62 =	vld [tilespmem:s18+$0x70];
	_ =	sdelay $0x2  }
0x25f: {  	v7 =	vmul.f32 v7, v5;
	_ =	sdelay $0x1  }
0x260: {  	v7 =	vadd.f32 v7, v62;
	_ =	sdelay $0x1  }
0x261: {  	[tilespmem:s18+$0x70] =	vst v7  }
0x262: {  	v7 =	vld [tilespmem:s1+$0x0];
	_ =	sdelay $0x1  }
0x263: {  	v63 =	vld [tilespmem:s16+$0x70];
	_ =	sdelay $0x2  }
0x264: {  	v7 =	vmul.f32 v7, v6;
	_ =	sdelay $0x1  }
0x265: {  	v7 =	vadd.f32 v7, v63;
	_ =	sdelay $0x1  }
0x266: {  	[tilespmem:s16+$0x70] =	vst v7  }
0x267: {  	v7 =	vld [tilespmem:s18+$0x80];
	_ =	sdelay $0x3  }
0x268: {  	v5 =	vnsel vm0, $0x0, v5  }
0x269: {  	v5 =	vadd.f32 v7, v5;
	_ =	sdelay $0x1  }
0x26a: {  	[tilespmem:s18+$0x80] =	vst v5  }
0x26b: {  	v5 =	vld [tilespmem:s16+$0x80];
	_ =	sdelay $0x2  }
.Ltmp20:
0x26c: {  	_ = 	snop;
	(pc) =	sbr.rel .LBB2_24-.Ltmp20, $3  }
0x26d: {  	v6 =	vnsel vm0, $0x0, v6  }
0x26e: {  	v5 =	vadd.f32 v5, v6;
	_ =	sdelay $0x1  }
0x26f: {  	[tilespmem:s16+$0x80] =	vst v5  }
.LBB2_26:
0x270: {  	s0 =	simm.s32 $0x0  }
0x271: {  	v5 =	vmov s0  }
0x272: {  	v5 =	vmul.u32 $0x90, v5;
	_ =	sdelay $0x1  }
0x273: {  	v5 =	vadd.s32 $0x80, v5  }
0x274: {  	v5 =	vbroadcast v5, $0x0;
	_ =	sdelay $0x5  }
0x275: {  	v8 =	vld.idx.msk [tilespmem:v5+s2+$0x0], $0xffff;
	_ =	sdelay $0x4  }
0x276: {  	(erf) = vrcp.f32 v8  }
0x277: {  	s0 =	simm.s32 $0x40  }
0x278: {  	v7 =	vld [tilespmem:s0+$0xFFFFFFF0]  }
0x279: {  	v12 =	vld [tilespmem:s0+$0xFFFFFFD0]  }
0x27a: {  	v13 =	vld [tilespmem:s0+$0xFFFFFFC0]  }
0x27b: {  	v6 =	vld [tilespmem:s0+$0x10]  }
0x27c: {  	v11 =	vld [tilespmem:s0+$0xFFFFFFE0]  }
0x27d: {  	v10 =	vld [tilespmem:s0+$0x0]  }
0x27e: {  	v9 =	vld [tilespmem:s0+$0x20];
	vm1 =	vlt.f32 v8, $0.0e+00;
	vm2 =	vgt.f32 v8, $0.0e+00  }
0x27f: {  	v5 =	vld [tilespmem:s0+$0x30];
	vm1 =	vmor vm2, vm1;
	v8 =	vpop (erf)  }
0x280: {  	s1 =	simm.s32 $0x1;
	v8 =	vnsel vm1, $0x0, v8  }
0x281: {  	v14 =	vmov s1;
	s1 =	simm.s32 $0x2;
	v13 =	vmul.f32 v13, v8;
	v12 =	vmul.f32 v12, v8  }
.LBB2_27:
0x282: {  	p0 =	sne.s32 s1, $0x13F;
	v14 =	vmul.u32 $0x90, v14;
	v11 =	vmul.f32 v11, v8;
	v7 =	vmul.f32 v7, v8  }
0x283: {  	v6 =	vmul.f32 v6, v8;
	[tilespmem:s0+$0xFFFFFFC0] =	vst v13;
	v10 =	vmul.f32 v10, v8  }
0x284: {  	v5 =	vmul.f32 v5, v8;
	v13 =	vadd.s32 $0x80, v14;
	[tilespmem:s0+$0xFFFFFFD0] =	vst v12;
	v9 =	vmul.f32 v9, v8  }
0x285: {  	v8 =	vbroadcast v13, $0x0;
	[tilespmem:s0+$0xFFFFFFE0] =	vst v11  }
0x286: {  	[tilespmem:s0+$0xFFFFFFF0] =	vst v7  }
0x287: {  	[tilespmem:s0+$0x0] =	vst v10  }
0x288: {  	[tilespmem:s0+$0x10] =	vst v6  }
0x289: {  	[tilespmem:s0+$0x20] =	vst v9  }
0x28a: {  	[tilespmem:s0+$0x30] =	vst v5  }
0x28b: {  	v8 =	vld.idx.msk [tilespmem:v8+s2+$0x0], $0xffff;
	_ =	sdelay $0x5  }
0x28c: {  	(erf) = vrcp.f32 v8  }
0x28d: {  	s0 =	sadd.s32 $0x90, s0  }
0x28e: {  	v7 =	vld [tilespmem:s0+$0xFFFFFFF0]  }
0x28f: {  	v5 =	vld [tilespmem:s0+$0x30]  }
0x290: {  	v6 =	vld [tilespmem:s0+$0x10]  }
0x291: {  	v12 =	vld [tilespmem:s0+$0xFFFFFFD0]  }
0x292: {  	v13 =	vld [tilespmem:s0+$0xFFFFFFC0]  }
.Ltmp21:
0x293: {  	v11 =	vld [tilespmem:s0+$0xFFFFFFE0];
	(pc) =	sbr.rel @p0 .LBB2_27-.Ltmp21, $4  }
0x294: {  	vm1 =	vlt.f32 v8, $0.0e+00;
	vm2 =	vgt.f32 v8, $0.0e+00;
	v10 =	vld [tilespmem:s0+$0x0]  }
0x295: {  	vm1 =	vmor vm2, vm1;
	v9 =	vld [tilespmem:s0+$0x20];
	v8 =	vpop (erf)  }
0x296: {  	v8 =	vnsel vm1, $0x0, v8  }
0x297: {  	v14 =	vmov s1;
	s1 =	sadd.s32 $0x1, s1;
	v13 =	vmul.f32 v13, v8;
	v12 =	vmul.f32 v12, v8  }
0x298: {  	v14 =	vmul.u32 $0x90, v14  }
0x299: {  	v11 =	vmul.f32 v11, v8;
	[tilespmem:s0+$0xFFFFFFC0] =	vst v13  }
0x29a: {  	v7 =	vmul.f32 v7, v8;
	[tilespmem:s0+$0xFFFFFFD0] =	vst v12;
	v58 =	vadd.s32 $0x80, v14  }
0x29b: {  	v6 =	vmul.f32 v6, v8;
	[tilespmem:s0+$0xFFFFFFE0] =	vst v11;
	v59 =	vbroadcast v58, $0x0  }
0x29c: {  	v5 =	vmul.f32 v5, v8;
	[tilespmem:s0+$0xFFFFFFF0] =	vst v7  }
0x29d: {  	v10 =	vmul.f32 v10, v8;
	[tilespmem:s0+$0x10] =	vst v6  }
0x29e: {  	v7 =	vmul.f32 v9, v8;
	[tilespmem:s0+$0x30] =	vst v5  }
0x29f: {  	[tilespmem:s0+$0x0] =	vst v10  }
0x2a0: {  	[tilespmem:s0+$0x20] =	vst v7  }
0x2a1: {  	v5 =	vld.idx.msk [tilespmem:v59+s2+$0x0], $0xffff;
	_ =	sdelay $0x4  }
0x2a2: {  	(erf) = vrcp.f32 v5;
	_ =	sdelay $0x4  }
0x2a3: {  	s1 =	sadd.s32 $0x90, s0  }
0x2a4: {  	v6 =	vld [tilespmem:s1+$0xFFFFFFC0]  }
0x2a5: {  	v7 =	vld [tilespmem:s1+$0xFFFFFFD0]  }
0x2a6: {  	v60 =	vld [tilespmem:s1+$0xFFFFFFE0];
	vm1 =	vlt.f32 v5, $0.0e+00;
	vm2 =	vgt.f32 v5, $0.0e+00  }
0x2a7: {  	v5 =	vld [tilespmem:s1+$0xFFFFFFF0];
	vm1 =	vmor vm2, vm1;
	v61 =	vpop (erf)  }
0x2a8: {  	v10 =	vld [tilespmem:s1+$0x0];
	v9 =	vnsel vm1, $0x0, v61  }
0x2a9: {  	v11 =	vld [tilespmem:s1+$0x10];
	v6 =	vmul.f32 v6, v9  }
0x2aa: {  	v62 =	vld [tilespmem:s1+$0x20];
	v7 =	vmul.f32 v7, v9  }
0x2ab: {  	v63 =	vld [tilespmem:s1+$0x30];
	v8 =	vmul.f32 v60, v9;
	[tilespmem:s1+$0xFFFFFFC0] =	vst v6  }
0x2ac: {  	v5 =	vmul.f32 v5, v9;
	[tilespmem:s1+$0xFFFFFFD0] =	vst v7  }
0x2ad: {  	v6 =	vmul.f32 v10, v9;
	[tilespmem:s1+$0xFFFFFFE0] =	vst v8  }
0x2ae: {  	v7 =	vmul.f32 v11, v9;
	[tilespmem:s1+$0xFFFFFFF0] =	vst v5  }
0x2af: {  	v5 =	vmul.f32 v62, v9;
	[tilespmem:s1+$0x0] =	vst v6  }
0x2b0: {  	v6 =	vmul.f32 v63, v9;
	[tilespmem:s1+$0x10] =	vst v7  }
0x2b1: {  	s17 =	sadd.s32 $0x0, s11;
	[tilespmem:s1+$0x20] =	vst v5  }
0x2b2: {  	s16 =	simm.s32 $0x90;
	s0 =	simm.s32 $0x0;
	[tilespmem:s1+$0x30] =	vst v6;
	s1 =	simm.s32 $0x10  }
.LBB2_29:
0x2b3: {  	[hbm4b:s17+s2] =	stream.linear.scatter [tilespmem:s0], [sflag:$0x3], $0x80, $0x38;
	[tilespmem:$0x1EE00] =	vst v63  }
0x2b4: {  	s7 =	smov.u32 s1;
	s0 =	smov.u32 s16;
	p0 =	sne.s32 s1, $0x13F0  }
.Ltmp22:
0x2b5: {  	s1 =	sadd.s32 $0x10, s1;
	(pc) =	sbr.rel @p0 .LBB2_29-.Ltmp22, $2  }
0x2b6: {  	_ =	sdelay $0x2  }
0x2b7: {  	s16 =	sadd.s32 $0x90, s16;
	s17 =	sadd.s32 s7, s11  }
0x2b8: {  	s24 =	sadd.s32 $0x1, s24  }
0x2b9: {  	p0 =	sne.s32 s24, s12  }
.Ltmp23:
0x2ba: {  	_ = 	snop;
	(pc) =	sbr.rel @p0 .LBB2_1-.Ltmp23, $4  }
0x2bb: {  	[hbm4b:s17+s2] =	stream.linear.scatter [tilespmem:s0], [sflag:$0x3], $0x80, $0x38;
	[tilespmem:$0x1EE00] =	vst v63  }
0x2bc: {  	_ =	swait.ge [sflag:s14], $0xA000  }
0x2bd: {  	[sflag:s14] =	ssyncset.done $0x0  }
0x2be: {  	[sflag:s14] =	ssyncadd.s32 $0xFFFF6000  }
0x2bf: {  	_ =	sfence.sel $0x180000  }
0x2c0: {  	[bflag:$0x0] =	sbarrier.arrive $0xFFFF  }
0x2c1: {  	_ =	strace $0x9000004A  }
0x2c2: {  	s0 =	stileid.u32;
	[bflag:$0x2] =	sbarrier.arrive $0xFFFF  }
0x2c3: {  	p0 =	sne.s32 s0, $0x0;
	s0 =	rddreg [dreg:$0x2]  }
0x2c4: {  	s0 =	sadd.s32 @!p0 $0x100000, s0  }
0x2c5: {  	[sflag:s0] =	ssyncadd.tile.s32 @!p0 $0x1;
	_ =	shalt  }
.Lfunc_end2:
_tile_overlayer_lowered:
.L_overlay_start_2:
0x2c6: {  	(tag) =	ssettag $0x2  }
0x2c7: {  	s0 =	rddreg [dreg:$0x0];
	s2 =	stileid.u32  }
0x2c8: {  	s1 =	rddreg [dreg:$0x1];
	p0 =	sne.s32 s2, $0x0  }
0x2c9: {  	s3 =	rddreg [dreg:$0x2];
	[bflag:$0x3] =	sbarrier.arrive $0xFFFF;
	s2 =	simm.s32 @!p0 $0x1C03  }
0x2ca: {  	[timem:s3], [sflag:s2] =	dma.local @!p0 [hbm:s0], s1  }
0x2cb: {  	s0 =	simm.s32 @!p0 $0x3  }
0x2cc: {  	_ =	swait.ge @!p0 [sflag:s0], s1  }
0x2cd: {  	s1 =	ssub.s32 @!p0 $0x0, s1;
	[sflag:s0] =	ssyncset.done @!p0 $0x0  }
0x2ce: {  	[sflag:s0] =	ssyncadd.s32 @!p0 s1  }
0x2cf: {  	[bflag:$0x3] =	sbarrier.arrive $0xFFFF  }
0x2d0: {  	_ =	shalt  }

</sc_bundles>
